<compile_context>
chip_gen: v7x
topology: tpu7x:2x2x1
jax: 0.10.2.dev20260603
libtpu: 0.0.44.dev20260713+nightly
codegen_flags: <defaults>
</compile_context>

<pallas_src>
import functools

import jax
import jax.numpy as jnp
from jax import lax
from jax.experimental import pallas as pl
from jax.experimental.pallas import tpu as pltpu
from jax.experimental.pallas import tpu_sc as plsc

N_NODES = 10000
N_EDGES = 320000
D_FEAT = 128
F = 4

NP = 10240
NP4 = NP * F
N_TILES = 32
EP = 327680
ET = EP // N_TILES
NV = ET // 16
SL1 = NP // 16
ROUNDS = 2
RW = NP4 // ROUNDS
SLR = RW // 16

_SC_PARAMS = pltpu.CompilerParams(
    use_tc_tiling_on_sc=False, needs_layout_passes=False
)


def _sc_mesh():
    return plsc.VectorSubcoreMesh(core_axis_name="c", subcore_axis_name="s")


@functools.lru_cache(maxsize=None)
def _make_deg_kernel():
    @functools.partial(
        pl.kernel,
        out_type=jax.ShapeDtypeStruct((2, NP), jnp.float32),
        mesh=_sc_mesh(),
        scratch_types=[
            pltpu.VMEM((ET,), jnp.int32),
            pltpu.VMEM((NP,), jnp.float32),
            pltpu.VMEM_SHARED((16, NP), jnp.float32),
            pltpu.SemaphoreType.DMA,
        ],
        compiler_params=_SC_PARAMS,
    )
    def deg_kernel(dst_hbm, zeros_hbm, out_hbm, dst_v, acc_v, sp_sh, sem):
        c = lax.axis_index("c")
        s = lax.axis_index("s")
        w = c * 16 + s
        cps = [
            pltpu.async_copy(dst_hbm.at[pl.ds(w * ET, ET)], dst_v, sem),
            pltpu.async_copy(zeros_hbm, acc_v, sem),
        ]
        for cp in cps:
            cp.wait()
        ones16 = jnp.ones((16,), jnp.float32)

        def count(i, carry):
            for u in range(4):
                off = pl.multiple_of(i * 64 + u * 16, 16)
                d16 = dst_v[pl.ds(off, 16)]
                plsc.addupdate_scatter(acc_v, [d16], ones16)
            return carry

        lax.fori_loop(0, NV // 4, count, 0)
        pltpu.sync_copy(acc_v, sp_sh.at[s])
        plsc.subcore_barrier()
        for r in range(16):
            pltpu.sync_copy(sp_sh.at[r, pl.ds(s * SL1, SL1)],
                            acc_v.at[pl.ds(r * SL1, SL1)])

        def reduce(v, carry):
            off = pl.multiple_of(v * 16, 16)
            tot = acc_v[pl.ds(off, 16)]
            for r in range(1, 16):
                tot = tot + acc_v[pl.ds(r * SL1 + off, 16)]
            acc_v[pl.ds(off, 16)] = tot
            return carry

        lax.fori_loop(0, SL1 // 16, reduce, 0)
        pltpu.sync_copy(acc_v.at[pl.ds(0, SL1)],
                        out_hbm.at[c, pl.ds(s * SL1, SL1)])

    return deg_kernel


@functools.lru_cache(maxsize=None)
def _make_prop_kernel():
    @functools.partial(
        pl.kernel,
        out_type=jax.ShapeDtypeStruct((2, NP4), jnp.float32),
        mesh=_sc_mesh(),
        scratch_types=[
            pltpu.VMEM((ET,), jnp.int32),
            pltpu.VMEM((ET,), jnp.int32),
            pltpu.VMEM((NP4,), jnp.float32),
            pltpu.VMEM((NP4,), jnp.float32),
            pltpu.VMEM_SHARED((16, RW), jnp.float32),
            pltpu.SemaphoreType.DMA,
        ],
        compiler_params=_SC_PARAMS,
    )
    def prop_kernel(g_hbm, src_hbm, dst_hbm, zeros_hbm, out_hbm,
                    src_v, dst_v, g_v, acc_v, sp_sh, sem):
        c = lax.axis_index("c")
        s = lax.axis_index("s")
        w = c * 16 + s
        cps = [
            pltpu.async_copy(src_hbm.at[pl.ds(w * ET, ET)], src_v, sem),
            pltpu.async_copy(dst_hbm.at[pl.ds(w * ET, ET)], dst_v, sem),
            pltpu.async_copy(g_hbm, g_v, sem),
            pltpu.async_copy(zeros_hbm, acc_v, sem),
        ]
        for cp in cps:
            cp.wait()

        def accumulate(i, carry):
            for u in range(4):
                off = pl.multiple_of(i * 64 + u * 16, 16)
                sb = src_v[pl.ds(off, 16)] * 4
                db = dst_v[pl.ds(off, 16)] * 4
                for k in range(F):
                    vals = plsc.load_gather(g_v, [sb + k])
                    plsc.addupdate_scatter(acc_v, [db + k], vals)
            return carry

        lax.fori_loop(0, NV // 4, accumulate, 0)
        for q in range(ROUNDS):
            pltpu.sync_copy(acc_v.at[pl.ds(q * RW, RW)], sp_sh.at[s])
            plsc.subcore_barrier()
            for r in range(16):
                pltpu.sync_copy(sp_sh.at[r, pl.ds(s * SLR, SLR)],
                                g_v.at[pl.ds(r * SLR, SLR)])

            def reduce(v, carry):
                off = pl.multiple_of(v * 16, 16)
                tot = g_v[pl.ds(off, 16)]
                for r in range(1, 16):
                    tot = tot + g_v[pl.ds(r * SLR + off, 16)]
                g_v[pl.ds(16 * SLR + off, 16)] = tot
                return carry

            lax.fori_loop(0, SLR // 16, reduce, 0)
            pltpu.sync_copy(g_v.at[pl.ds(16 * SLR, SLR)],
                            out_hbm.at[c, pl.ds(q * RW + s * SLR, SLR)])
            plsc.subcore_barrier()

    return prop_kernel


def _tc_project_norm(xp, wcat, degp):
    def body(x_ref, w_ref, p_ref, g_ref, dinv_ref):
        h = jnp.dot(x_ref[...], w_ref[...], preferred_element_type=jnp.float32)
        deg = p_ref[0] + p_ref[1] + 1.0
        dinv = lax.rsqrt(deg)
        dinv_ref[...] = dinv
        g_ref[...] = dinv * h

    return pl.pallas_call(
        body,
        out_shape=(
            jax.ShapeDtypeStruct((NP, F), jnp.float32),
            jax.ShapeDtypeStruct((NP, 1), jnp.float32),
        ),
    )(xp, wcat, degp)


def _tc_mid(p1, g0, dinv, wblk, b1):
    def body(p_ref, g_ref, d_ref, w_ref, b_ref, g1_ref):
        dinv = d_ref[...]
        out1 = dinv * (p_ref[0] + p_ref[1] + g_ref[...]) + b_ref[...]
        h1 = jnp.dot(out1, w_ref[...], preferred_element_type=jnp.float32)
        g1_ref[...] = dinv * h1

    return pl.pallas_call(
        body,
        out_shape=jax.ShapeDtypeStruct((NP, F), jnp.float32),
    )(p1, g0, dinv, wblk, b1)


def _tc_final(p2, g1, dinv, b2):
    def body(p_ref, g_ref, d_ref, b_ref, o_ref):
        o_ref[...] = d_ref[...] * (p_ref[0] + p_ref[1] + g_ref[...]) + b_ref[...]

    return pl.pallas_call(
        body,
        out_shape=jax.ShapeDtypeStruct((NP, F), jnp.float32),
    )(p2, g1, dinv, b2)


def kernel(x, edge_index, W_m1, b_m1, W_m2, b_m2, W_l1, b_l1, W_l2, b_l2):
    src = edge_index[0]
    dst = edge_index[1]
    pad = jnp.full((EP - N_EDGES,), N_NODES, dtype=jnp.int32)
    srcp = jnp.concatenate([src, pad])
    dstp = jnp.concatenate([dst, pad])
    xp = jnp.pad(x, ((0, NP - N_NODES), (0, 0)))

    wcat = jnp.concatenate([W_m1, W_l1], axis=1)
    wblk = jnp.zeros((F, F), jnp.float32)
    wblk = wblk.at[:2, :2].set(W_m2).at[2:, 2:].set(W_l2)
    b1 = jnp.concatenate([b_m1, b_l1]).reshape(1, F)
    b2 = jnp.concatenate([b_m2, b_l2]).reshape(1, F)
    zeros1 = jnp.zeros((NP,), jnp.float32)
    zeros4 = jnp.zeros((NP4,), jnp.float32)

    deg_k = _make_deg_kernel()
    prop_k = _make_prop_kernel()

    degp = deg_k(dstp, zeros1).reshape(2, NP, 1)
    g0, dinv = _tc_project_norm(xp, wcat, degp)
    p1 = prop_k(g0.reshape(-1), srcp, dstp, zeros4).reshape(2, NP, F)
    g1 = _tc_mid(p1, g0, dinv, wblk, b1)
    p2 = prop_k(g1.reshape(-1), srcp, dstp, zeros4).reshape(2, NP, F)
    out = _tc_final(p2, g1, dinv, b2)
    return out[:N_NODES]

# --- scband reference (transcript-rebuilt; emitter-appended) ---
"""Pipeline reference for scband-two-gnndirect-scout-policy-54631984005471 (READ-ONLY COPY).

The authoritative reference and input builder live on the scoring server;
editing this copy changes nothing except your own understanding.
"""

import jax, jax.numpy as jnp
import numpy as np

N_NODES = 10000
N_EDGES = 320000
D_FEAT = 128
HIDDEN = 2  # HIDDEN_DIM * N_HEADS for conv_type='gcn' (N_HEADS=1)


def gcn_layer(x, W, b, src, dst, n):
    # GCNConv with self-loops and symmetric normalization (PyG default)
    h = x @ W
    loop = jnp.arange(n, dtype=src.dtype)
    src2 = jnp.concatenate([src, loop])
    dst2 = jnp.concatenate([dst, loop])
    deg = jax.ops.segment_sum(jnp.ones_like(dst2, dtype=x.dtype), dst2, num_segments=n)
    dinv = jnp.where(deg > 0, 1.0 / jnp.sqrt(deg), 0.0)
    norm = dinv[src2] * dinv[dst2]
    msgs = h[src2] * norm[:, None]
    out = jax.ops.segment_sum(msgs, dst2, num_segments=n)
    return out + b


def setup_inputs(seed: int = 0) -> dict:
    key = jax.random.key(seed)
    ks = jax.random.split(key, 12)
    x = jax.random.normal(ks[0], (N_NODES, D_FEAT), dtype=jnp.float32)
    edge_index = jax.random.randint(ks[1], (2, N_EDGES), 0, N_NODES, dtype=jnp.int32)
    s1 = 1.0 / np.sqrt(D_FEAT)
    s2 = 1.0 / np.sqrt(HIDDEN)
    W_m1 = jax.random.normal(ks[2], (D_FEAT, HIDDEN), dtype=jnp.float32) * s1
    b_m1 = jnp.zeros((HIDDEN,), dtype=jnp.float32)
    W_m2 = jax.random.normal(ks[3], (HIDDEN, HIDDEN), dtype=jnp.float32) * s2
    b_m2 = jnp.zeros((HIDDEN,), dtype=jnp.float32)
    W_l1 = jax.random.normal(ks[4], (D_FEAT, HIDDEN), dtype=jnp.float32) * s1
    b_l1 = jnp.zeros((HIDDEN,), dtype=jnp.float32)
    W_l2 = jax.random.normal(ks[5], (HIDDEN, HIDDEN), dtype=jnp.float32) * s2
    b_l2 = jnp.zeros((HIDDEN,), dtype=jnp.float32)
    return {"x": x, "edge_index": edge_index,
            "W_m1": W_m1, "b_m1": b_m1, "W_m2": W_m2, "b_m2": b_m2,
            "W_l1": W_l1, "b_l1": b_l1, "W_l2": W_l2, "b_l2": b_l2}


def reference(x, edge_index, W_m1, b_m1, W_m2, b_m2, W_l1, b_l1, W_l2, b_l2):
    src = edge_index[0]
    dst = edge_index[1]
    n = x.shape[0]
    # move branch: 2-layer GCN stack
    x_move = gcn_layer(x, W_m1, b_m1, src, dst, n)
    x_move = gcn_layer(x_move, W_m2, b_m2, src, dst, n)
    # look branch: 2-layer GCN stack
    x_look = gcn_layer(x, W_l1, b_l1, src, dst, n)
    x_look = gcn_layer(x_look, W_l2, b_l2, src, dst, n)
    # concatenated per-node features (move features stored as self._features)
    out = jnp.concatenate([x_move, x_look], axis=-1)
    return out

if __name__ == "__main__":
    import jax
    _d = setup_inputs()
    print(jax.jit(kernel)(*tuple(_d.values())))

</pallas_src>

<mosaic_0001>
#map = affine_map<(d0, d1) -> (0)>
#map1 = affine_map<(d0, d1) -> (0, 0)>
module attributes {stable_mosaic.version = 14 : i64} {
  func.func @prop_kernel(%arg0: i32, %arg1: i32, %arg2: memref<40960xf32, #tpu.memory_space<hbm>>, %arg3: memref<327680xi32, #tpu.memory_space<hbm>>, %arg4: memref<327680xi32, #tpu.memory_space<hbm>>, %arg5: memref<40960xf32, #tpu.memory_space<hbm>>, %arg6: memref<2x40960xf32, #tpu.memory_space<hbm>>, %arg7: memref<10240xi32, #tpu.memory_space<vmem>>, %arg8: memref<10240xi32, #tpu.memory_space<vmem>>, %arg9: memref<40960xf32, #tpu.memory_space<vmem>>, %arg10: memref<40960xf32, #tpu.memory_space<vmem>>, %arg11: memref<16x20480xf32, #tpu.memory_space<vmem_shared>>, %arg12: memref<!tpu.dma_semaphore, #tpu.memory_space<semaphore_mem>>) attributes {dimension_semantics = [#tpu.dimension_semantics<core_parallel>, #tpu.dimension_semantics<subcore_parallel>], iteration_bounds = array<i64: 2, 16>, scalar_prefetch = 0 : i64, scratch_operands = 6 : i64, tpu.core_type = #tpu.core_type<sc_vector_subcore>, window_params = [{transform_indices = #map}, {transform_indices = #map}, {transform_indices = #map}, {transform_indices = #map}, {transform_indices = #map1}]} {
    %mul3A = arith.constant 16 : i32
    %mul3A_0 = arith.muli %arg0, %mul3A : i32
    %add3A = arith.addi %mul3A_0, %arg1 : i32
    %mul3A_1 = arith.constant 10240 : i32
    %mul3A_2 = arith.muli %add3A, %mul3A_1 : i32
    %dma_start3A = tpu.memref_slice %arg3[%mul3A_2] : memref<327680xi32, #tpu.memory_space<hbm>> -> memref<10240xi32, #tpu.memory_space<hbm>>
    %dma_start3A_3 = tpu.memref_slice %arg3[%mul3A_2] : memref<327680xi32, #tpu.memory_space<hbm>> -> memref<10240xi32, #tpu.memory_space<hbm>>
    tpu.enqueue_dma source(%dma_start3A_3 : memref<10240xi32, #tpu.memory_space<hbm>>) target(%arg7 : memref<10240xi32, #tpu.memory_space<vmem>>) target_semaphore(%arg12 : memref<!tpu.dma_semaphore, #tpu.memory_space<semaphore_mem>>)
    %mul3A_4 = arith.constant 10240 : i32
    %mul3A_5 = arith.muli %add3A, %mul3A_4 : i32
    %dma_start3A_6 = tpu.memref_slice %arg4[%mul3A_5] : memref<327680xi32, #tpu.memory_space<hbm>> -> memref<10240xi32, #tpu.memory_space<hbm>>
    %dma_start3A_7 = tpu.memref_slice %arg4[%mul3A_5] : memref<327680xi32, #tpu.memory_space<hbm>> -> memref<10240xi32, #tpu.memory_space<hbm>>
    tpu.enqueue_dma source(%dma_start3A_7 : memref<10240xi32, #tpu.memory_space<hbm>>) target(%arg8 : memref<10240xi32, #tpu.memory_space<vmem>>) target_semaphore(%arg12 : memref<!tpu.dma_semaphore, #tpu.memory_space<semaphore_mem>>)
    tpu.enqueue_dma source(%arg2 : memref<40960xf32, #tpu.memory_space<hbm>>) target(%arg9 : memref<40960xf32, #tpu.memory_space<vmem>>) target_semaphore(%arg12 : memref<!tpu.dma_semaphore, #tpu.memory_space<semaphore_mem>>)
    tpu.enqueue_dma source(%arg5 : memref<40960xf32, #tpu.memory_space<hbm>>) target(%arg10 : memref<40960xf32, #tpu.memory_space<vmem>>) target_semaphore(%arg12 : memref<!tpu.dma_semaphore, #tpu.memory_space<semaphore_mem>>)
    %dma_wait3A = tpu.memref_slice %arg3[%mul3A_2] : memref<327680xi32, #tpu.memory_space<hbm>> -> memref<10240xi32, #tpu.memory_space<hbm>>
    %dma_wait3A_8 = tpu.memref_slice %arg3[%mul3A_2] : memref<327680xi32, #tpu.memory_space<hbm>> -> memref<10240xi32, #tpu.memory_space<hbm>>
    tpu.wait_dma2 semaphore(%arg12 : memref<!tpu.dma_semaphore, #tpu.memory_space<semaphore_mem>>) src(%dma_wait3A_8 : memref<10240xi32, #tpu.memory_space<hbm>>) dst(%arg7 : memref<10240xi32, #tpu.memory_space<vmem>>)
    %dma_wait3A_9 = tpu.memref_slice %arg4[%mul3A_5] : memref<327680xi32, #tpu.memory_space<hbm>> -> memref<10240xi32, #tpu.memory_space<hbm>>
    %dma_wait3A_10 = tpu.memref_slice %arg4[%mul3A_5] : memref<327680xi32, #tpu.memory_space<hbm>> -> memref<10240xi32, #tpu.memory_space<hbm>>
    tpu.wait_dma2 semaphore(%arg12 : memref<!tpu.dma_semaphore, #tpu.memory_space<semaphore_mem>>) src(%dma_wait3A_10 : memref<10240xi32, #tpu.memory_space<hbm>>) dst(%arg8 : memref<10240xi32, #tpu.memory_space<vmem>>)
    tpu.wait_dma2 semaphore(%arg12 : memref<!tpu.dma_semaphore, #tpu.memory_space<semaphore_mem>>) src(%arg2 : memref<40960xf32, #tpu.memory_space<hbm>>) dst(%arg9 : memref<40960xf32, #tpu.memory_space<vmem>>)
    tpu.wait_dma2 semaphore(%arg12 : memref<!tpu.dma_semaphore, #tpu.memory_space<semaphore_mem>>) src(%arg5 : memref<40960xf32, #tpu.memory_space<hbm>>) dst(%arg10 : memref<40960xf32, #tpu.memory_space<vmem>>)
    %scan3A = arith.constant 0 : i32
    %scan3A_11 = arith.constant 0 : i32
    %scan3A_12 = arith.constant 160 : i32
    %scan3A_13 = arith.addi %scan3A_11, %scan3A_12 : i32
    %scan3A_14 = arith.constant 1 : i32
    scf.for %scan3A_134 = %scan3A_11 to %scan3A_13 step %scan3A_14  : i32 {
      %mul3A_135 = arith.constant 64 : i32
      %mul3A_136 = arith.muli %scan3A_134, %mul3A_135 : i32
      %add3A_137 = arith.constant 0 : i32
      %add3A_138 = arith.addi %mul3A_136, %add3A_137 : i32
      %multiple_of3A = tpu.assume_multiple %add3A_138, 16 : i32
      %get3A = arith.index_cast %multiple_of3A : i32 to index
      %get3A_139 = tpu.vector_load %arg7[%get3A] {strides = array<i32>} : memref<10240xi32, #tpu.memory_space<vmem>>, vector<16xi32>,
      %mul3A_140 = arith.constant 4 : i32
      %mul3A_141 = vector.broadcast %mul3A_140 : i32 to vector<16xi32>
      %mul3A_142 = arith.muli %get3A_139, %mul3A_141 : vector<16xi32>
      %get3A_143 = arith.index_cast %multiple_of3A : i32 to index
      %get3A_144 = tpu.vector_load %arg8[%get3A_143] {strides = array<i32>} : memref<10240xi32, #tpu.memory_space<vmem>>, vector<16xi32>,
      %mul3A_145 = arith.constant 4 : i32
      %mul3A_146 = vector.broadcast %mul3A_145 : i32 to vector<16xi32>
      %mul3A_147 = arith.muli %get3A_144, %mul3A_146 : vector<16xi32>
      %add3A_148 = arith.constant 0 : i32
      %add3A_149 = vector.broadcast %add3A_148 : i32 to vector<16xi32>
      %add3A_150 = arith.addi %mul3A_142, %add3A_149 : vector<16xi32>
      %gather3A = tpu.vector_load_idx %arg9[%add3A_150] : memref<40960xf32, #tpu.memory_space<vmem>>[vector<16xi32>], vector<16xf32>,
      %add3A_151 = arith.constant 0 : i32
      %add3A_152 = vector.broadcast %add3A_151 : i32 to vector<16xi32>
      %add3A_153 = arith.addi %mul3A_147, %add3A_152 : vector<16xi32>
      tpu.vector_store_idx %arg10[%add3A_153], %gather3A {add = true} : memref<40960xf32, #tpu.memory_space<vmem>>[vector<16xi32>], vector<16xf32>,
      %add3A_154 = arith.constant 1 : i32
      %add3A_155 = vector.broadcast %add3A_154 : i32 to vector<16xi32>
      %add3A_156 = arith.addi %mul3A_142, %add3A_155 : vector<16xi32>
      %gather3A_157 = tpu.vector_load_idx %arg9[%add3A_156] : memref<40960xf32, #tpu.memory_space<vmem>>[vector<16xi32>], vector<16xf32>,
      %add3A_158 = arith.constant 1 : i32
      %add3A_159 = vector.broadcast %add3A_158 : i32 to vector<16xi32>
      %add3A_160 = arith.addi %mul3A_147, %add3A_159 : vector<16xi32>
      tpu.vector_store_idx %arg10[%add3A_160], %gather3A_157 {add = true} : memref<40960xf32, #tpu.memory_space<vmem>>[vector<16xi32>], vector<16xf32>,
      %add3A_161 = arith.constant 2 : i32
      %add3A_162 = vector.broadcast %add3A_161 : i32 to vector<16xi32>
      %add3A_163 = arith.addi %mul3A_142, %add3A_162 : vector<16xi32>
      %gather3A_164 = tpu.vector_load_idx %arg9[%add3A_163] : memref<40960xf32, #tpu.memory_space<vmem>>[vector<16xi32>], vector<16xf32>,
      %add3A_165 = arith.constant 2 : i32
      %add3A_166 = vector.broadcast %add3A_165 : i32 to vector<16xi32>
      %add3A_167 = arith.addi %mul3A_147, %add3A_166 : vector<16xi32>
      tpu.vector_store_idx %arg10[%add3A_167], %gather3A_164 {add = true} : memref<40960xf32, #tpu.memory_space<vmem>>[vector<16xi32>], vector<16xf32>,
      %add3A_168 = arith.constant 3 : i32
      %add3A_169 = vector.broadcast %add3A_168 : i32 to vector<16xi32>
      %add3A_170 = arith.addi %mul3A_142, %add3A_169 : vector<16xi32>
      %gather3A_171 = tpu.vector_load_idx %arg9[%add3A_170] : memref<40960xf32, #tpu.memory_space<vmem>>[vector<16xi32>], vector<16xf32>,
      %add3A_172 = arith.constant 3 : i32
      %add3A_173 = vector.broadcast %add3A_172 : i32 to vector<16xi32>
      %add3A_174 = arith.addi %mul3A_147, %add3A_173 : vector<16xi32>
      tpu.vector_store_idx %arg10[%add3A_174], %gather3A_171 {add = true} : memref<40960xf32, #tpu.memory_space<vmem>>[vector<16xi32>], vector<16xf32>,
      %mul3A_175 = arith.constant 64 : i32
      %mul3A_176 = arith.muli %scan3A_134, %mul3A_175 : i32
      %add3A_177 = arith.constant 16 : i32
      %add3A_178 = arith.addi %mul3A_176, %add3A_177 : i32
      %multiple_of3A_179 = tpu.assume_multiple %add3A_178, 16 : i32
      %get3A_180 = arith.index_cast %multiple_of3A_179 : i32 to index
      %get3A_181 = tpu.vector_load %arg7[%get3A_180] {strides = array<i32>} : memref<10240xi32, #tpu.memory_space<vmem>>, vector<16xi32>,
      %mul3A_182 = arith.constant 4 : i32
      %mul3A_183 = vector.broadcast %mul3A_182 : i32 to vector<16xi32>
      %mul3A_184 = arith.muli %get3A_181, %mul3A_183 : vector<16xi32>
      %get3A_185 = arith.index_cast %multiple_of3A_179 : i32 to index
      %get3A_186 = tpu.vector_load %arg8[%get3A_185] {strides = array<i32>} : memref<10240xi32, #tpu.memory_space<vmem>>, vector<16xi32>,
      %mul3A_187 = arith.constant 4 : i32
      %mul3A_188 = vector.broadcast %mul3A_187 : i32 to vector<16xi32>
      %mul3A_189 = arith.muli %get3A_186, %mul3A_188 : vector<16xi32>
      %add3A_190 = arith.constant 0 : i32
      %add3A_191 = vector.broadcast %add3A_190 : i32 to vector<16xi32>
      %add3A_192 = arith.addi %mul3A_184, %add3A_191 : vector<16xi32>
      %gather3A_193 = tpu.vector_load_idx %arg9[%add3A_192] : memref<40960xf32, #tpu.memory_space<vmem>>[vector<16xi32>], vector<16xf32>,
      %add3A_194 = arith.constant 0 : i32
      %add3A_195 = vector.broadcast %add3A_194 : i32 to vector<16xi32>
      %add3A_196 = arith.addi %mul3A_189, %add3A_195 : vector<16xi32>
      tpu.vector_store_idx %arg10[%add3A_196], %gather3A_193 {add = true} : memref<40960xf32, #tpu.memory_space<vmem>>[vector<16xi32>], vector<16xf32>,
      %add3A_197 = arith.constant 1 : i32
      %add3A_198 = vector.broadcast %add3A_197 : i32 to vector<16xi32>
      %add3A_199 = arith.addi %mul3A_184, %add3A_198 : vector<16xi32>
      %gather3A_200 = tpu.vector_load_idx %arg9[%add3A_199] : memref<40960xf32, #tpu.memory_space<vmem>>[vector<16xi32>], vector<16xf32>,
      %add3A_201 = arith.constant 1 : i32
      %add3A_202 = vector.broadcast %add3A_201 : i32 to vector<16xi32>
      %add3A_203 = arith.addi %mul3A_189, %add3A_202 : vector<16xi32>
      tpu.vector_store_idx %arg10[%add3A_203], %gather3A_200 {add = true} : memref<40960xf32, #tpu.memory_space<vmem>>[vector<16xi32>], vector<16xf32>,
      %add3A_204 = arith.constant 2 : i32
      %add3A_205 = vector.broadcast %add3A_204 : i32 to vector<16xi32>
      %add3A_206 = arith.addi %mul3A_184, %add3A_205 : vector<16xi32>
      %gather3A_207 = tpu.vector_load_idx %arg9[%add3A_206] : memref<40960xf32, #tpu.memory_space<vmem>>[vector<16xi32>], vector<16xf32>,
      %add3A_208 = arith.constant 2 : i32
      %add3A_209 = vector.broadcast %add3A_208 : i32 to vector<16xi32>
      %add3A_210 = arith.addi %mul3A_189, %add3A_209 : vector<16xi32>
      tpu.vector_store_idx %arg10[%add3A_210], %gather3A_207 {add = true} : memref<40960xf32, #tpu.memory_space<vmem>>[vector<16xi32>], vector<16xf32>,
      %add3A_211 = arith.constant 3 : i32
      %add3A_212 = vector.broadcast %add3A_211 : i32 to vector<16xi32>
      %add3A_213 = arith.addi %mul3A_184, %add3A_212 : vector<16xi32>
      %gather3A_214 = tpu.vector_load_idx %arg9[%add3A_213] : memref<40960xf32, #tpu.memory_space<vmem>>[vector<16xi32>], vector<16xf32>,
      %add3A_215 = arith.constant 3 : i32
      %add3A_216 = vector.broadcast %add3A_215 : i32 to vector<16xi32>
      %add3A_217 = arith.addi %mul3A_189, %add3A_216 : vector<16xi32>
      tpu.vector_store_idx %arg10[%add3A_217], %gather3A_214 {add = true} : memref<40960xf32, #tpu.memory_space<vmem>>[vector<16xi32>], vector<16xf32>,
      %mul3A_218 = arith.constant 64 : i32
      %mul3A_219 = arith.muli %scan3A_134, %mul3A_218 : i32
      %add3A_220 = arith.constant 32 : i32
      %add3A_221 = arith.addi %mul3A_219, %add3A_220 : i32
      %multiple_of3A_222 = tpu.assume_multiple %add3A_221, 16 : i32
      %get3A_223 = arith.index_cast %multiple_of3A_222 : i32 to index
      %get3A_224 = tpu.vector_load %arg7[%get3A_223] {strides = array<i32>} : memref<10240xi32, #tpu.memory_space<vmem>>, vector<16xi32>,
      %mul3A_225 = arith.constant 4 : i32
      %mul3A_226 = vector.broadcast %mul3A_225 : i32 to vector<16xi32>
      %mul3A_227 = arith.muli %get3A_224, %mul3A_226 : vector<16xi32>
      %get3A_228 = arith.index_cast %multiple_of3A_222 : i32 to index
      %get3A_229 = tpu.vector_load %arg8[%get3A_228] {strides = array<i32>} : memref<10240xi32, #tpu.memory_space<vmem>>, vector<16xi32>,
      %mul3A_230 = arith.constant 4 : i32
      %mul3A_231 = vector.broadcast %mul3A_230 : i32 to vector<16xi32>
      %mul3A_232 = arith.muli %get3A_229, %mul3A_231 : vector<16xi32>
      %add3A_233 = arith.constant 0 : i32
      %add3A_234 = vector.broadcast %add3A_233 : i32 to vector<16xi32>
      %add3A_235 = arith.addi %mul3A_227, %add3A_234 : vector<16xi32>
      %gather3A_236 = tpu.vector_load_idx %arg9[%add3A_235] : memref<40960xf32, #tpu.memory_space<vmem>>[vector<16xi32>], vector<16xf32>,
      %add3A_237 = arith.constant 0 : i32
      %add3A_238 = vector.broadcast %add3A_237 : i32 to vector<16xi32>
      %add3A_239 = arith.addi %mul3A_232, %add3A_238 : vector<16xi32>
      tpu.vector_store_idx %arg10[%add3A_239], %gather3A_236 {add = true} : memref<40960xf32, #tpu.memory_space<vmem>>[vector<16xi32>], vector<16xf32>,
      %add3A_240 = arith.constant 1 : i32
      %add3A_241 = vector.broadcast %add3A_240 : i32 to vector<16xi32>
      %add3A_242 = arith.addi %mul3A_227, %add3A_241 : vector<16xi32>
      %gather3A_243 = tpu.vector_load_idx %arg9[%add3A_242] : memref<40960xf32, #tpu.memory_space<vmem>>[vector<16xi32>], vector<16xf32>,
      %add3A_244 = arith.constant 1 : i32
      %add3A_245 = vector.broadcast %add3A_244 : i32 to vector<16xi32>
      %add3A_246 = arith.addi %mul3A_232, %add3A_245 : vector<16xi32>
      tpu.vector_store_idx %arg10[%add3A_246], %gather3A_243 {add = true} : memref<40960xf32, #tpu.memory_space<vmem>>[vector<16xi32>], vector<16xf32>,
      %add3A_247 = arith.constant 2 : i32
      %add3A_248 = vector.broadcast %add3A_247 : i32 to vector<16xi32>
      %add3A_249 = arith.addi %mul3A_227, %add3A_248 : vector<16xi32>
      %gather3A_250 = tpu.vector_load_idx %arg9[%add3A_249] : memref<40960xf32, #tpu.memory_space<vmem>>[vector<16xi32>], vector<16xf32>,
      %add3A_251 = arith.constant 2 : i32
      %add3A_252 = vector.broadcast %add3A_251 : i32 to vector<16xi32>
      %add3A_253 = arith.addi %mul3A_232, %add3A_252 : vector<16xi32>
      tpu.vector_store_idx %arg10[%add3A_253], %gather3A_250 {add = true} : memref<40960xf32, #tpu.memory_space<vmem>>[vector<16xi32>], vector<16xf32>,
      %add3A_254 = arith.constant 3 : i32
      %add3A_255 = vector.broadcast %add3A_254 : i32 to vector<16xi32>
      %add3A_256 = arith.addi %mul3A_227, %add3A_255 : vector<16xi32>
      %gather3A_257 = tpu.vector_load_idx %arg9[%add3A_256] : memref<40960xf32, #tpu.memory_space<vmem>>[vector<16xi32>], vector<16xf32>,
      %add3A_258 = arith.constant 3 : i32
      %add3A_259 = vector.broadcast %add3A_258 : i32 to vector<16xi32>
      %add3A_260 = arith.addi %mul3A_232, %add3A_259 : vector<16xi32>
      tpu.vector_store_idx %arg10[%add3A_260], %gather3A_257 {add = true} : memref<40960xf32, #tpu.memory_space<vmem>>[vector<16xi32>], vector<16xf32>,
      %mul3A_261 = arith.constant 64 : i32
      %mul3A_262 = arith.muli %scan3A_134, %mul3A_261 : i32
      %add3A_263 = arith.constant 48 : i32
      %add3A_264 = arith.addi %mul3A_262, %add3A_263 : i32
      %multiple_of3A_265 = tpu.assume_multiple %add3A_264, 16 : i32
      %get3A_266 = arith.index_cast %multiple_of3A_265 : i32 to index
      %get3A_267 = tpu.vector_load %arg7[%get3A_266] {strides = array<i32>} : memref<10240xi32, #tpu.memory_space<vmem>>, vector<16xi32>,
      %mul3A_268 = arith.constant 4 : i32
      %mul3A_269 = vector.broadcast %mul3A_268 : i32 to vector<16xi32>
      %mul3A_270 = arith.muli %get3A_267, %mul3A_269 : vector<16xi32>
      %get3A_271 = arith.index_cast %multiple_of3A_265 : i32 to index
      %get3A_272 = tpu.vector_load %arg8[%get3A_271] {strides = array<i32>} : memref<10240xi32, #tpu.memory_space<vmem>>, vector<16xi32>,
      %mul3A_273 = arith.constant 4 : i32
      %mul3A_274 = vector.broadcast %mul3A_273 : i32 to vector<16xi32>
      %mul3A_275 = arith.muli %get3A_272, %mul3A_274 : vector<16xi32>
      %add3A_276 = arith.constant 0 : i32
      %add3A_277 = vector.broadcast %add3A_276 : i32 to vector<16xi32>
      %add3A_278 = arith.addi %mul3A_270, %add3A_277 : vector<16xi32>
      %gather3A_279 = tpu.vector_load_idx %arg9[%add3A_278] : memref<40960xf32, #tpu.memory_space<vmem>>[vector<16xi32>], vector<16xf32>,
      %add3A_280 = arith.constant 0 : i32
      %add3A_281 = vector.broadcast %add3A_280 : i32 to vector<16xi32>
      %add3A_282 = arith.addi %mul3A_275, %add3A_281 : vector<16xi32>
      tpu.vector_store_idx %arg10[%add3A_282], %gather3A_279 {add = true} : memref<40960xf32, #tpu.memory_space<vmem>>[vector<16xi32>], vector<16xf32>,
      %add3A_283 = arith.constant 1 : i32
      %add3A_284 = vector.broadcast %add3A_283 : i32 to vector<16xi32>
      %add3A_285 = arith.addi %mul3A_270, %add3A_284 : vector<16xi32>
      %gather3A_286 = tpu.vector_load_idx %arg9[%add3A_285] : memref<40960xf32, #tpu.memory_space<vmem>>[vector<16xi32>], vector<16xf32>,
      %add3A_287 = arith.constant 1 : i32
      %add3A_288 = vector.broadcast %add3A_287 : i32 to vector<16xi32>
      %add3A_289 = arith.addi %mul3A_275, %add3A_288 : vector<16xi32>
      tpu.vector_store_idx %arg10[%add3A_289], %gather3A_286 {add = true} : memref<40960xf32, #tpu.memory_space<vmem>>[vector<16xi32>], vector<16xf32>,
      %add3A_290 = arith.constant 2 : i32
      %add3A_291 = vector.broadcast %add3A_290 : i32 to vector<16xi32>
      %add3A_292 = arith.addi %mul3A_270, %add3A_291 : vector<16xi32>
      %gather3A_293 = tpu.vector_load_idx %arg9[%add3A_292] : memref<40960xf32, #tpu.memory_space<vmem>>[vector<16xi32>], vector<16xf32>,
      %add3A_294 = arith.constant 2 : i32
      %add3A_295 = vector.broadcast %add3A_294 : i32 to vector<16xi32>
      %add3A_296 = arith.addi %mul3A_275, %add3A_295 : vector<16xi32>
      tpu.vector_store_idx %arg10[%add3A_296], %gather3A_293 {add = true} : memref<40960xf32, #tpu.memory_space<vmem>>[vector<16xi32>], vector<16xf32>,
      %add3A_297 = arith.constant 3 : i32
      %add3A_298 = vector.broadcast %add3A_297 : i32 to vector<16xi32>
      %add3A_299 = arith.addi %mul3A_270, %add3A_298 : vector<16xi32>
      %gather3A_300 = tpu.vector_load_idx %arg9[%add3A_299] : memref<40960xf32, #tpu.memory_space<vmem>>[vector<16xi32>], vector<16xf32>,
      %add3A_301 = arith.constant 3 : i32
      %add3A_302 = vector.broadcast %add3A_301 : i32 to vector<16xi32>
      %add3A_303 = arith.addi %mul3A_275, %add3A_302 : vector<16xi32>
      tpu.vector_store_idx %arg10[%add3A_303], %gather3A_300 {add = true} : memref<40960xf32, #tpu.memory_space<vmem>>[vector<16xi32>], vector<16xf32>,
    }
    %scan3A_15 = arith.constant 160 : i32
    "tpu.region"() ({
      %run_scoped3A_134 = tpu.sem_alloc : memref<!tpu.dma_semaphore, #tpu.memory_space<semaphore_mem>>
      %dma_start3A_135 = arith.constant 0 : i32
      %dma_start3A_136 = tpu.memref_slice %arg10[%dma_start3A_135] : memref<40960xf32, #tpu.memory_space<vmem>> -> memref<20480xf32, #tpu.memory_space<vmem>>
      %dma_start3A_137 = arith.constant 0 : i32
      %dma_start3A_138 = tpu.memref_slice %arg11[%arg1, %dma_start3A_137] : memref<16x20480xf32, #tpu.memory_space<vmem_shared>> -> memref<1x20480xf32, #tpu.memory_space<vmem_shared>>
      %dma_start3A_139 = tpu.memref_squeeze %dma_start3A_138 : memref<1x20480xf32, #tpu.memory_space<vmem_shared>> -> memref<20480xf32, #tpu.memory_space<vmem_shared>>
      %dma_start3A_140 = arith.constant 0 : i32
      %dma_start3A_141 = tpu.memref_slice %arg11[%arg1, %dma_start3A_140] : memref<16x20480xf32, #tpu.memory_space<vmem_shared>> -> memref<1x20480xf32, #tpu.memory_space<vmem_shared>>
      %dma_start3A_142 = tpu.memref_squeeze %dma_start3A_141 : memref<1x20480xf32, #tpu.memory_space<vmem_shared>> -> memref<20480xf32, #tpu.memory_space<vmem_shared>>
      %dma_start3A_143 = arith.constant 0 : i32
      %dma_start3A_144 = tpu.memref_slice %arg10[%dma_start3A_143] : memref<40960xf32, #tpu.memory_space<vmem>> -> memref<20480xf32, #tpu.memory_space<vmem>>
      tpu.enqueue_dma source(%dma_start3A_144 : memref<20480xf32, #tpu.memory_space<vmem>>) target(%dma_start3A_142 : memref<20480xf32, #tpu.memory_space<vmem_shared>>) target_semaphore(%run_scoped3A_134 : memref<!tpu.dma_semaphore, #tpu.memory_space<semaphore_mem>>)
      %dma_wait3A_145 = arith.constant 0 : i32
      %dma_wait3A_146 = tpu.memref_slice %arg10[%dma_wait3A_145] : memref<40960xf32, #tpu.memory_space<vmem>> -> memref<20480xf32, #tpu.memory_space<vmem>>
      %dma_wait3A_147 = arith.constant 0 : i32
      %dma_wait3A_148 = tpu.memref_slice %arg11[%arg1, %dma_wait3A_147] : memref<16x20480xf32, #tpu.memory_space<vmem_shared>> -> memref<1x20480xf32, #tpu.memory_space<vmem_shared>>
      %dma_wait3A_149 = tpu.memref_squeeze %dma_wait3A_148 : memref<1x20480xf32, #tpu.memory_space<vmem_shared>> -> memref<20480xf32, #tpu.memory_space<vmem_shared>>
      %dma_wait3A_150 = arith.constant 0 : i32
      %dma_wait3A_151 = tpu.memref_slice %arg11[%arg1, %dma_wait3A_150] : memref<16x20480xf32, #tpu.memory_space<vmem_shared>> -> memref<1x20480xf32, #tpu.memory_space<vmem_shared>>
      %dma_wait3A_152 = tpu.memref_squeeze %dma_wait3A_151 : memref<1x20480xf32, #tpu.memory_space<vmem_shared>> -> memref<20480xf32, #tpu.memory_space<vmem_shared>>
      %dma_wait3A_153 = arith.constant 0 : i32
      %dma_wait3A_154 = tpu.memref_slice %arg10[%dma_wait3A_153] : memref<40960xf32, #tpu.memory_space<vmem>> -> memref<20480xf32, #tpu.memory_space<vmem>>
      tpu.wait_dma2 semaphore(%run_scoped3A_134 : memref<!tpu.dma_semaphore, #tpu.memory_space<semaphore_mem>>) src(%dma_wait3A_154 : memref<20480xf32, #tpu.memory_space<vmem>>) dst(%dma_wait3A_152 : memref<20480xf32, #tpu.memory_space<vmem_shared>>)
      tpu.yield
    }) : () -> ()
    %barrier3A = arith.constant 0 : index
    tpu.barrier barrier_id(%barrier3A)
    %mul3A_16 = arith.constant 1280 : i32
    %mul3A_17 = arith.muli %arg1, %mul3A_16 : i32
    %run_scoped3A = arith.constant 0 : i32
    "tpu.region"() ({
      %run_scoped3A_134 = tpu.sem_alloc : memref<!tpu.dma_semaphore, #tpu.memory_space<semaphore_mem>>
      %dma_start3A_135 = arith.constant 0 : i32
      %dma_start3A_136 = tpu.memref_slice %arg9[%dma_start3A_135] : memref<40960xf32, #tpu.memory_space<vmem>> -> memref<1280xf32, #tpu.memory_space<vmem>>
      %dma_start3A_137 = tpu.memref_slice %arg11[%run_scoped3A, %mul3A_17] : memref<16x20480xf32, #tpu.memory_space<vmem_shared>> -> memref<1x1280xf32, #tpu.memory_space<vmem_shared>>
      %dma_start3A_138 = tpu.memref_squeeze %dma_start3A_137 : memref<1x1280xf32, #tpu.memory_space<vmem_shared>> -> memref<1280xf32, #tpu.memory_space<vmem_shared>>
      %dma_start3A_139 = arith.constant 0 : i32
      %dma_start3A_140 = tpu.memref_slice %arg9[%dma_start3A_139] : memref<40960xf32, #tpu.memory_space<vmem>> -> memref<1280xf32, #tpu.memory_space<vmem>>
      %dma_start3A_141 = tpu.memref_slice %arg11[%run_scoped3A, %mul3A_17] : memref<16x20480xf32, #tpu.memory_space<vmem_shared>> -> memref<1x1280xf32, #tpu.memory_space<vmem_shared>>
      %dma_start3A_142 = tpu.memref_squeeze %dma_start3A_141 : memref<1x1280xf32, #tpu.memory_space<vmem_shared>> -> memref<1280xf32, #tpu.memory_space<vmem_shared>>
      tpu.enqueue_dma source(%dma_start3A_142 : memref<1280xf32, #tpu.memory_space<vmem_shared>>) target(%dma_start3A_140 : memref<1280xf32, #tpu.memory_space<vmem>>) target_semaphore(%run_scoped3A_134 : memref<!tpu.dma_semaphore, #tpu.memory_space<semaphore_mem>>)
      %dma_wait3A_143 = arith.constant 0 : i32
      %dma_wait3A_144 = tpu.memref_slice %arg9[%dma_wait3A_143] : memref<40960xf32, #tpu.memory_space<vmem>> -> memref<1280xf32, #tpu.memory_space<vmem>>
      %dma_wait3A_145 = tpu.memref_slice %arg11[%run_scoped3A, %mul3A_17] : memref<16x20480xf32, #tpu.memory_space<vmem_shared>> -> memref<1x1280xf32, #tpu.memory_space<vmem_shared>>
      %dma_wait3A_146 = tpu.memref_squeeze %dma_wait3A_145 : memref<1x1280xf32, #tpu.memory_space<vmem_shared>> -> memref<1280xf32, #tpu.memory_space<vmem_shared>>
      %dma_wait3A_147 = arith.constant 0 : i32
      %dma_wait3A_148 = tpu.memref_slice %arg9[%dma_wait3A_147] : memref<40960xf32, #tpu.memory_space<vmem>> -> memref<1280xf32, #tpu.memory_space<vmem>>
      %dma_wait3A_149 = tpu.memref_slice %arg11[%run_scoped3A, %mul3A_17] : memref<16x20480xf32, #tpu.memory_space<vmem_shared>> -> memref<1x1280xf32, #tpu.memory_space<vmem_shared>>
      %dma_wait3A_150 = tpu.memref_squeeze %dma_wait3A_149 : memref<1x1280xf32, #tpu.memory_space<vmem_shared>> -> memref<1280xf32, #tpu.memory_space<vmem_shared>>
      tpu.wait_dma2 semaphore(%run_scoped3A_134 : memref<!tpu.dma_semaphore, #tpu.memory_space<semaphore_mem>>) src(%dma_wait3A_150 : memref<1280xf32, #tpu.memory_space<vmem_shared>>) dst(%dma_wait3A_148 : memref<1280xf32, #tpu.memory_space<vmem>>)
      tpu.yield
    }) : () -> ()
    %mul3A_18 = arith.constant 1280 : i32
    %mul3A_19 = arith.muli %arg1, %mul3A_18 : i32
    %run_scoped3A_20 = arith.constant 1 : i32
    "tpu.region"() ({
      %run_scoped3A_134 = tpu.sem_alloc : memref<!tpu.dma_semaphore, #tpu.memory_space<semaphore_mem>>
      %dma_start3A_135 = arith.constant 1280 : i32
      %dma_start3A_136 = tpu.memref_slice %arg9[%dma_start3A_135] : memref<40960xf32, #tpu.memory_space<vmem>> -> memref<1280xf32, #tpu.memory_space<vmem>>
      %dma_start3A_137 = tpu.memref_slice %arg11[%run_scoped3A_20, %mul3A_19] : memref<16x20480xf32, #tpu.memory_space<vmem_shared>> -> memref<1x1280xf32, #tpu.memory_space<vmem_shared>>
      %dma_start3A_138 = tpu.memref_squeeze %dma_start3A_137 : memref<1x1280xf32, #tpu.memory_space<vmem_shared>> -> memref<1280xf32, #tpu.memory_space<vmem_shared>>
      %dma_start3A_139 = arith.constant 1280 : i32
      %dma_start3A_140 = tpu.memref_slice %arg9[%dma_start3A_139] : memref<40960xf32, #tpu.memory_space<vmem>> -> memref<1280xf32, #tpu.memory_space<vmem>>
      %dma_start3A_141 = tpu.memref_slice %arg11[%run_scoped3A_20, %mul3A_19] : memref<16x20480xf32, #tpu.memory_space<vmem_shared>> -> memref<1x1280xf32, #tpu.memory_space<vmem_shared>>
      %dma_start3A_142 = tpu.memref_squeeze %dma_start3A_141 : memref<1x1280xf32, #tpu.memory_space<vmem_shared>> -> memref<1280xf32, #tpu.memory_space<vmem_shared>>
      tpu.enqueue_dma source(%dma_start3A_142 : memref<1280xf32, #tpu.memory_space<vmem_shared>>) target(%dma_start3A_140 : memref<1280xf32, #tpu.memory_space<vmem>>) target_semaphore(%run_scoped3A_134 : memref<!tpu.dma_semaphore, #tpu.memory_space<semaphore_mem>>)
      %dma_wait3A_143 = arith.constant 1280 : i32
      %dma_wait3A_144 = tpu.memref_slice %arg9[%dma_wait3A_143] : memref<40960xf32, #tpu.memory_space<vmem>> -> memref<1280xf32, #tpu.memory_space<vmem>>
      %dma_wait3A_145 = tpu.memref_slice %arg11[%run_scoped3A_20, %mul3A_19] : memref<16x20480xf32, #tpu.memory_space<vmem_shared>> -> memref<1x1280xf32, #tpu.memory_space<vmem_shared>>
      %dma_wait3A_146 = tpu.memref_squeeze %dma_wait3A_145 : memref<1x1280xf32, #tpu.memory_space<vmem_shared>> -> memref<1280xf32, #tpu.memory_space<vmem_shared>>
      %dma_wait3A_147 = arith.constant 1280 : i32
      %dma_wait3A_148 = tpu.memref_slice %arg9[%dma_wait3A_147] : memref<40960xf32, #tpu.memory_space<vmem>> -> memref<1280xf32, #tpu.memory_space<vmem>>
      %dma_wait3A_149 = tpu.memref_slice %arg11[%run_scoped3A_20, %mul3A_19] : memref<16x20480xf32, #tpu.memory_space<vmem_shared>> -> memref<1x1280xf32, #tpu.memory_space<vmem_shared>>
      %dma_wait3A_150 = tpu.memref_squeeze %dma_wait3A_149 : memref<1x1280xf32, #tpu.memory_space<vmem_shared>> -> memref<1280xf32, #tpu.memory_space<vmem_shared>>
      tpu.wait_dma2 semaphore(%run_scoped3A_134 : memref<!tpu.dma_semaphore, #tpu.memory_space<semaphore_mem>>) src(%dma_wait3A_150 : memref<1280xf32, #tpu.memory_space<vmem_shared>>) dst(%dma_wait3A_148 : memref<1280xf32, #tpu.memory_space<vmem>>)
      tpu.yield
    }) : () -> ()
    %mul3A_21 = arith.constant 1280 : i32
    %mul3A_22 = arith.muli %arg1, %mul3A_21 : i32
    %run_scoped3A_23 = arith.constant 2 : i32
    "tpu.region"() ({
      %run_scoped3A_134 = tpu.sem_alloc : memref<!tpu.dma_semaphore, #tpu.memory_space<semaphore_mem>>
      %dma_start3A_135 = arith.constant 2560 : i32
      %dma_start3A_136 = tpu.memref_slice %arg9[%dma_start3A_135] : memref<40960xf32, #tpu.memory_space<vmem>> -> memref<1280xf32, #tpu.memory_space<vmem>>
      %dma_start3A_137 = tpu.memref_slice %arg11[%run_scoped3A_23, %mul3A_22] : memref<16x20480xf32, #tpu.memory_space<vmem_shared>> -> memref<1x1280xf32, #tpu.memory_space<vmem_shared>>
      %dma_start3A_138 = tpu.memref_squeeze %dma_start3A_137 : memref<1x1280xf32, #tpu.memory_space<vmem_shared>> -> memref<1280xf32, #tpu.memory_space<vmem_shared>>
      %dma_start3A_139 = arith.constant 2560 : i32
      %dma_start3A_140 = tpu.memref_slice %arg9[%dma_start3A_139] : memref<40960xf32, #tpu.memory_space<vmem>> -> memref<1280xf32, #tpu.memory_space<vmem>>
      %dma_start3A_141 = tpu.memref_slice %arg11[%run_scoped3A_23, %mul3A_22] : memref<16x20480xf32, #tpu.memory_space<vmem_shared>> -> memref<1x1280xf32, #tpu.memory_space<vmem_shared>>
      %dma_start3A_142 = tpu.memref_squeeze %dma_start3A_141 : memref<1x1280xf32, #tpu.memory_space<vmem_shared>> -> memref<1280xf32, #tpu.memory_space<vmem_shared>>
      tpu.enqueue_dma source(%dma_start3A_142 : memref<1280xf32, #tpu.memory_space<vmem_shared>>) target(%dma_start3A_140 : memref<1280xf32, #tpu.memory_space<vmem>>) target_semaphore(%run_scoped3A_134 : memref<!tpu.dma_semaphore, #tpu.memory_space<semaphore_mem>>)
      %dma_wait3A_143 = arith.constant 2560 : i32
      %dma_wait3A_144 = tpu.memref_slice %arg9[%dma_wait3A_143] : memref<40960xf32, #tpu.memory_space<vmem>> -> memref<1280xf32, #tpu.memory_space<vmem>>
      %dma_wait3A_145 = tpu.memref_slice %arg11[%run_scoped3A_23, %mul3A_22] : memref<16x20480xf32, #tpu.memory_space<vmem_shared>> -> memref<1x1280xf32, #tpu.memory_space<vmem_shared>>
      %dma_wait3A_146 = tpu.memref_squeeze %dma_wait3A_145 : memref<1x1280xf32, #tpu.memory_space<vmem_shared>> -> memref<1280xf32, #tpu.memory_space<vmem_shared>>
      %dma_wait3A_147 = arith.constant 2560 : i32
      %dma_wait3A_148 = tpu.memref_slice %arg9[%dma_wait3A_147] : memref<40960xf32, #tpu.memory_space<vmem>> -> memref<1280xf32, #tpu.memory_space<vmem>>
      %dma_wait3A_149 = tpu.memref_slice %arg11[%run_scoped3A_23, %mul3A_22] : memref<16x20480xf32, #tpu.memory_space<vmem_shared>> -> memref<1x1280xf32, #tpu.memory_space<vmem_shared>>
      %dma_wait3A_150 = tpu.memref_squeeze %dma_wait3A_149 : memref<1x1280xf32, #tpu.memory_space<vmem_shared>> -> memref<1280xf32, #tpu.memory_space<vmem_shared>>
      tpu.wait_dma2 semaphore(%run_scoped3A_134 : memref<!tpu.dma_semaphore, #tpu.memory_space<semaphore_mem>>) src(%dma_wait3A_150 : memref<1280xf32, #tpu.memory_space<vmem_shared>>) dst(%dma_wait3A_148 : memref<1280xf32, #tpu.memory_space<vmem>>)
      tpu.yield
    }) : () -> ()
    %mul3A_24 = arith.constant 1280 : i32
    %mul3A_25 = arith.muli %arg1, %mul3A_24 : i32
    %run_scoped3A_26 = arith.constant 3 : i32
    "tpu.region"() ({
      %run_scoped3A_134 = tpu.sem_alloc : memref<!tpu.dma_semaphore, #tpu.memory_space<semaphore_mem>>
      %dma_start3A_135 = arith.constant 3840 : i32
      %dma_start3A_136 = tpu.memref_slice %arg9[%dma_start3A_135] : memref<40960xf32, #tpu.memory_space<vmem>> -> memref<1280xf32, #tpu.memory_space<vmem>>
      %dma_start3A_137 = tpu.memref_slice %arg11[%run_scoped3A_26, %mul3A_25] : memref<16x20480xf32, #tpu.memory_space<vmem_shared>> -> memref<1x1280xf32, #tpu.memory_space<vmem_shared>>
      %dma_start3A_138 = tpu.memref_squeeze %dma_start3A_137 : memref<1x1280xf32, #tpu.memory_space<vmem_shared>> -> memref<1280xf32, #tpu.memory_space<vmem_shared>>
      %dma_start3A_139 = arith.constant 3840 : i32
      %dma_start3A_140 = tpu.memref_slice %arg9[%dma_start3A_139] : memref<40960xf32, #tpu.memory_space<vmem>> -> memref<1280xf32, #tpu.memory_space<vmem>>
      %dma_start3A_141 = tpu.memref_slice %arg11[%run_scoped3A_26, %mul3A_25] : memref<16x20480xf32, #tpu.memory_space<vmem_shared>> -> memref<1x1280xf32, #tpu.memory_space<vmem_shared>>
      %dma_start3A_142 = tpu.memref_squeeze %dma_start3A_141 : memref<1x1280xf32, #tpu.memory_space<vmem_shared>> -> memref<1280xf32, #tpu.memory_space<vmem_shared>>
      tpu.enqueue_dma source(%dma_start3A_142 : memref<1280xf32, #tpu.memory_space<vmem_shared>>) target(%dma_start3A_140 : memref<1280xf32, #tpu.memory_space<vmem>>) target_semaphore(%run_scoped3A_134 : memref<!tpu.dma_semaphore, #tpu.memory_space<semaphore_mem>>)
      %dma_wait3A_143 = arith.constant 3840 : i32
      %dma_wait3A_144 = tpu.memref_slice %arg9[%dma_wait3A_143] : memref<40960xf32, #tpu.memory_space<vmem>> -> memref<1280xf32, #tpu.memory_space<vmem>>
      %dma_wait3A_145 = tpu.memref_slice %arg11[%run_scoped3A_26, %mul3A_25] : memref<16x20480xf32, #tpu.memory_space<vmem_shared>> -> memref<1x1280xf32, #tpu.memory_space<vmem_shared>>
      %dma_wait3A_146 = tpu.memref_squeeze %dma_wait3A_145 : memref<1x1280xf32, #tpu.memory_space<vmem_shared>> -> memref<1280xf32, #tpu.memory_space<vmem_shared>>
      %dma_wait3A_147 = arith.constant 3840 : i32
      %dma_wait3A_148 = tpu.memref_slice %arg9[%dma_wait3A_147] : memref<40960xf32, #tpu.memory_space<vmem>> -> memref<1280xf32, #tpu.memory_space<vmem>>
      %dma_wait3A_149 = tpu.memref_slice %arg11[%run_scoped3A_26, %mul3A_25] : memref<16x20480xf32, #tpu.memory_space<vmem_shared>> -> memref<1x1280xf32, #tpu.memory_space<vmem_shared>>
      %dma_wait3A_150 = tpu.memref_squeeze %dma_wait3A_149 : memref<1x1280xf32, #tpu.memory_space<vmem_shared>> -> memref<1280xf32, #tpu.memory_space<vmem_shared>>
      tpu.wait_dma2 semaphore(%run_scoped3A_134 : memref<!tpu.dma_semaphore, #tpu.memory_space<semaphore_mem>>) src(%dma_wait3A_150 : memref<1280xf32, #tpu.memory_space<vmem_shared>>) dst(%dma_wait3A_148 : memref<1280xf32, #tpu.memory_space<vmem>>)
      tpu.yield
    }) : () -> ()
    %mul3A_27 = arith.constant 1280 : i32
    %mul3A_28 = arith.muli %arg1, %mul3A_27 : i32
    %run_scoped3A_29 = arith.constant 4 : i32
    "tpu.region"() ({
      %run_scoped3A_134 = tpu.sem_alloc : memref<!tpu.dma_semaphore, #tpu.memory_space<semaphore_mem>>
      %dma_start3A_135 = arith.constant 5120 : i32
      %dma_start3A_136 = tpu.memref_slice %arg9[%dma_start3A_135] : memref<40960xf32, #tpu.memory_space<vmem>> -> memref<1280xf32, #tpu.memory_space<vmem>>
      %dma_start3A_137 = tpu.memref_slice %arg11[%run_scoped3A_29, %mul3A_28] : memref<16x20480xf32, #tpu.memory_space<vmem_shared>> -> memref<1x1280xf32, #tpu.memory_space<vmem_shared>>
      %dma_start3A_138 = tpu.memref_squeeze %dma_start3A_137 : memref<1x1280xf32, #tpu.memory_space<vmem_shared>> -> memref<1280xf32, #tpu.memory_space<vmem_shared>>
      %dma_start3A_139 = arith.constant 5120 : i32
      %dma_start3A_140 = tpu.memref_slice %arg9[%dma_start3A_139] : memref<40960xf32, #tpu.memory_space<vmem>> -> memref<1280xf32, #tpu.memory_space<vmem>>
      %dma_start3A_141 = tpu.memref_slice %arg11[%run_scoped3A_29, %mul3A_28] : memref<16x20480xf32, #tpu.memory_space<vmem_shared>> -> memref<1x1280xf32, #tpu.memory_space<vmem_shared>>
      %dma_start3A_142 = tpu.memref_squeeze %dma_start3A_141 : memref<1x1280xf32, #tpu.memory_space<vmem_shared>> -> memref<1280xf32, #tpu.memory_space<vmem_shared>>
      tpu.enqueue_dma source(%dma_start3A_142 : memref<1280xf32, #tpu.memory_space<vmem_shared>>) target(%dma_start3A_140 : memref<1280xf32, #tpu.memory_space<vmem>>) target_semaphore(%run_scoped3A_134 : memref<!tpu.dma_semaphore, #tpu.memory_space<semaphore_mem>>)
      %dma_wait3A_143 = arith.constant 5120 : i32
      %dma_wait3A_144 = tpu.memref_slice %arg9[%dma_wait3A_143] : memref<40960xf32, #tpu.memory_space<vmem>> -> memref<1280xf32, #tpu.memory_space<vmem>>
      %dma_wait3A_145 = tpu.memref_slice %arg11[%run_scoped3A_29, %mul3A_28] : memref<16x20480xf32, #tpu.memory_space<vmem_shared>> -> memref<1x1280xf32, #tpu.memory_space<vmem_shared>>
      %dma_wait3A_146 = tpu.memref_squeeze %dma_wait3A_145 : memref<1x1280xf32, #tpu.memory_space<vmem_shared>> -> memref<1280xf32, #tpu.memory_space<vmem_shared>>
      %dma_wait3A_147 = arith.constant 5120 : i32
      %dma_wait3A_148 = tpu.memref_slice %arg9[%dma_wait3A_147] : memref<40960xf32, #tpu.memory_space<vmem>> -> memref<1280xf32, #tpu.memory_space<vmem>>
      %dma_wait3A_149 = tpu.memref_slice %arg11[%run_scoped3A_29, %mul3A_28] : memref<16x20480xf32, #tpu.memory_space<vmem_shared>> -> memref<1x1280xf32, #tpu.memory_space<vmem_shared>>
      %dma_wait3A_150 = tpu.memref_squeeze %dma_wait3A_149 : memref<1x1280xf32, #tpu.memory_space<vmem_shared>> -> memref<1280xf32, #tpu.memory_space<vmem_shared>>
      tpu.wait_dma2 semaphore(%run_scoped3A_134 : memref<!tpu.dma_semaphore, #tpu.memory_space<semaphore_mem>>) src(%dma_wait3A_150 : memref<1280xf32, #tpu.memory_space<vmem_shared>>) dst(%dma_wait3A_148 : memref<1280xf32, #tpu.memory_space<vmem>>)
      tpu.yield
    }) : () -> ()
    %mul3A_30 = arith.constant 1280 : i32
    %mul3A_31 = arith.muli %arg1, %mul3A_30 : i32
    %run_scoped3A_32 = arith.constant 5 : i32
    "tpu.region"() ({
      %run_scoped3A_134 = tpu.sem_alloc : memref<!tpu.dma_semaphore, #tpu.memory_space<semaphore_mem>>
      %dma_start3A_135 = arith.constant 6400 : i32
      %dma_start3A_136 = tpu.memref_slice %arg9[%dma_start3A_135] : memref<40960xf32, #tpu.memory_space<vmem>> -> memref<1280xf32, #tpu.memory_space<vmem>>
      %dma_start3A_137 = tpu.memref_slice %arg11[%run_scoped3A_32, %mul3A_31] : memref<16x20480xf32, #tpu.memory_space<vmem_shared>> -> memref<1x1280xf32, #tpu.memory_space<vmem_shared>>
      %dma_start3A_138 = tpu.memref_squeeze %dma_start3A_137 : memref<1x1280xf32, #tpu.memory_space<vmem_shared>> -> memref<1280xf32, #tpu.memory_space<vmem_shared>>
      %dma_start3A_139 = arith.constant 6400 : i32
      %dma_start3A_140 = tpu.memref_slice %arg9[%dma_start3A_139] : memref<40960xf32, #tpu.memory_space<vmem>> -> memref<1280xf32, #tpu.memory_space<vmem>>
      %dma_start3A_141 = tpu.memref_slice %arg11[%run_scoped3A_32, %mul3A_31] : memref<16x20480xf32, #tpu.memory_space<vmem_shared>> -> memref<1x1280xf32, #tpu.memory_space<vmem_shared>>
      %dma_start3A_142 = tpu.memref_squeeze %dma_start3A_141 : memref<1x1280xf32, #tpu.memory_space<vmem_shared>> -> memref<1280xf32, #tpu.memory_space<vmem_shared>>
      tpu.enqueue_dma source(%dma_start3A_142 : memref<1280xf32, #tpu.memory_space<vmem_shared>>) target(%dma_start3A_140 : memref<1280xf32, #tpu.memory_space<vmem>>) target_semaphore(%run_scoped3A_134 : memref<!tpu.dma_semaphore, #tpu.memory_space<semaphore_mem>>)
      %dma_wait3A_143 = arith.constant 6400 : i32
      %dma_wait3A_144 = tpu.memref_slice %arg9[%dma_wait3A_143] : memref<40960xf32, #tpu.memory_space<vmem>> -> memref<1280xf32, #tpu.memory_space<vmem>>
      %dma_wait3A_145 = tpu.memref_slice %arg11[%run_scoped3A_32, %mul3A_31] : memref<16x20480xf32, #tpu.memory_space<vmem_shared>> -> memref<1x1280xf32, #tpu.memory_space<vmem_shared>>
      %dma_wait3A_146 = tpu.memref_squeeze %dma_wait3A_145 : memref<1x1280xf32, #tpu.memory_space<vmem_shared>> -> memref<1280xf32, #tpu.memory_space<vmem_shared>>
      %dma_wait3A_147 = arith.constant 6400 : i32
      %dma_wait3A_148 = tpu.memref_slice %arg9[%dma_wait3A_147] : memref<40960xf32, #tpu.memory_space<vmem>> -> memref<1280xf32, #tpu.memory_space<vmem>>
      %dma_wait3A_149 = tpu.memref_slice %arg11[%run_scoped3A_32, %mul3A_31] : memref<16x20480xf32, #tpu.memory_space<vmem_shared>> -> memref<1x1280xf32, #tpu.memory_space<vmem_shared>>
      %dma_wait3A_150 = tpu.memref_squeeze %dma_wait3A_149 : memref<1x1280xf32, #tpu.memory_space<vmem_shared>> -> memref<1280xf32, #tpu.memory_space<vmem_shared>>
      tpu.wait_dma2 semaphore(%run_scoped3A_134 : memref<!tpu.dma_semaphore, #tpu.memory_space<semaphore_mem>>) src(%dma_wait3A_150 : memref<1280xf32, #tpu.memory_space<vmem_shared>>) dst(%dma_wait3A_148 : memref<1280xf32, #tpu.memory_space<vmem>>)
      tpu.yield
    }) : () -> ()
    %mul3A_33 = arith.constant 1280 : i32
    %mul3A_34 = arith.muli %arg1, %mul3A_33 : i32
    %run_scoped3A_35 = arith.constant 6 : i32
    "tpu.region"() ({
      %run_scoped3A_134 = tpu.sem_alloc : memref<!tpu.dma_semaphore, #tpu.memory_space<semaphore_mem>>
      %dma_start3A_135 = arith.constant 7680 : i32
      %dma_start3A_136 = tpu.memref_slice %arg9[%dma_start3A_135] : memref<40960xf32, #tpu.memory_space<vmem>> -> memref<1280xf32, #tpu.memory_space<vmem>>
      %dma_start3A_137 = tpu.memref_slice %arg11[%run_scoped3A_35, %mul3A_34] : memref<16x20480xf32, #tpu.memory_space<vmem_shared>> -> memref<1x1280xf32, #tpu.memory_space<vmem_shared>>
      %dma_start3A_138 = tpu.memref_squeeze %dma_start3A_137 : memref<1x1280xf32, #tpu.memory_space<vmem_shared>> -> memref<1280xf32, #tpu.memory_space<vmem_shared>>
      %dma_start3A_139 = arith.constant 7680 : i32
      %dma_start3A_140 = tpu.memref_slice %arg9[%dma_start3A_139] : memref<40960xf32, #tpu.memory_space<vmem>> -> memref<1280xf32, #tpu.memory_space<vmem>>
      %dma_start3A_141 = tpu.memref_slice %arg11[%run_scoped3A_35, %mul3A_34] : memref<16x20480xf32, #tpu.memory_space<vmem_shared>> -> memref<1x1280xf32, #tpu.memory_space<vmem_shared>>
      %dma_start3A_142 = tpu.memref_squeeze %dma_start3A_141 : memref<1x1280xf32, #tpu.memory_space<vmem_shared>> -> memref<1280xf32, #tpu.memory_space<vmem_shared>>
      tpu.enqueue_dma source(%dma_start3A_142 : memref<1280xf32, #tpu.memory_space<vmem_shared>>) target(%dma_start3A_140 : memref<1280xf32, #tpu.memory_space<vmem>>) target_semaphore(%run_scoped3A_134 : memref<!tpu.dma_semaphore, #tpu.memory_space<semaphore_mem>>)
      %dma_wait3A_143 = arith.constant 7680 : i32
      %dma_wait3A_144 = tpu.memref_slice %arg9[%dma_wait3A_143] : memref<40960xf32, #tpu.memory_space<vmem>> -> memref<1280xf32, #tpu.memory_space<vmem>>
      %dma_wait3A_145 = tpu.memref_slice %arg11[%run_scoped3A_35, %mul3A_34] : memref<16x20480xf32, #tpu.memory_space<vmem_shared>> -> memref<1x1280xf32, #tpu.memory_space<vmem_shared>>
      %dma_wait3A_146 = tpu.memref_squeeze %dma_wait3A_145 : memref<1x1280xf32, #tpu.memory_space<vmem_shared>> -> memref<1280xf32, #tpu.memory_space<vmem_shared>>
      %dma_wait3A_147 = arith.constant 7680 : i32
      %dma_wait3A_148 = tpu.memref_slice %arg9[%dma_wait3A_147] : memref<40960xf32, #tpu.memory_space<vmem>> -> memref<1280xf32, #tpu.memory_space<vmem>>
      %dma_wait3A_149 = tpu.memref_slice %arg11[%run_scoped3A_35, %mul3A_34] : memref<16x20480xf32, #tpu.memory_space<vmem_shared>> -> memref<1x1280xf32, #tpu.memory_space<vmem_shared>>
      %dma_wait3A_150 = tpu.memref_squeeze %dma_wait3A_149 : memref<1x1280xf32, #tpu.memory_space<vmem_shared>> -> memref<1280xf32, #tpu.memory_space<vmem_shared>>
      tpu.wait_dma2 semaphore(%run_scoped3A_134 : memref<!tpu.dma_semaphore, #tpu.memory_space<semaphore_mem>>) src(%dma_wait3A_150 : memref<1280xf32, #tpu.memory_space<vmem_shared>>) dst(%dma_wait3A_148 : memref<1280xf32, #tpu.memory_space<vmem>>)
      tpu.yield
    }) : () -> ()
    %mul3A_36 = arith.constant 1280 : i32
    %mul3A_37 = arith.muli %arg1, %mul3A_36 : i32
    %run_scoped3A_38 = arith.constant 7 : i32
    "tpu.region"() ({
      %run_scoped3A_134 = tpu.sem_alloc : memref<!tpu.dma_semaphore, #tpu.memory_space<semaphore_mem>>
      %dma_start3A_135 = arith.constant 8960 : i32
      %dma_start3A_136 = tpu.memref_slice %arg9[%dma_start3A_135] : memref<40960xf32, #tpu.memory_space<vmem>> -> memref<1280xf32, #tpu.memory_space<vmem>>
      %dma_start3A_137 = tpu.memref_slice %arg11[%run_scoped3A_38, %mul3A_37] : memref<16x20480xf32, #tpu.memory_space<vmem_shared>> -> memref<1x1280xf32, #tpu.memory_space<vmem_shared>>
      %dma_start3A_138 = tpu.memref_squeeze %dma_start3A_137 : memref<1x1280xf32, #tpu.memory_space<vmem_shared>> -> memref<1280xf32, #tpu.memory_space<vmem_shared>>
      %dma_start3A_139 = arith.constant 8960 : i32
      %dma_start3A_140 = tpu.memref_slice %arg9[%dma_start3A_139] : memref<40960xf32, #tpu.memory_space<vmem>> -> memref<1280xf32, #tpu.memory_space<vmem>>
      %dma_start3A_141 = tpu.memref_slice %arg11[%run_scoped3A_38, %mul3A_37] : memref<16x20480xf32, #tpu.memory_space<vmem_shared>> -> memref<1x1280xf32, #tpu.memory_space<vmem_shared>>
      %dma_start3A_142 = tpu.memref_squeeze %dma_start3A_141 : memref<1x1280xf32, #tpu.memory_space<vmem_shared>> -> memref<1280xf32, #tpu.memory_space<vmem_shared>>
      tpu.enqueue_dma source(%dma_start3A_142 : memref<1280xf32, #tpu.memory_space<vmem_shared>>) target(%dma_start3A_140 : memref<1280xf32, #tpu.memory_space<vmem>>) target_semaphore(%run_scoped3A_134 : memref<!tpu.dma_semaphore, #tpu.memory_space<semaphore_mem>>)
      %dma_wait3A_143 = arith.constant 8960 : i32
      %dma_wait3A_144 = tpu.memref_slice %arg9[%dma_wait3A_143] : memref<40960xf32, #tpu.memory_space<vmem>> -> memref<1280xf32, #tpu.memory_space<vmem>>
      %dma_wait3A_145 = tpu.memref_slice %arg11[%run_scoped3A_38, %mul3A_37] : memref<16x20480xf32, #tpu.memory_space<vmem_shared>> -> memref<1x1280xf32, #tpu.memory_space<vmem_shared>>
      %dma_wait3A_146 = tpu.memref_squeeze %dma_wait3A_145 : memref<1x1280xf32, #tpu.memory_space<vmem_shared>> -> memref<1280xf32, #tpu.memory_space<vmem_shared>>
      %dma_wait3A_147 = arith.constant 8960 : i32
      %dma_wait3A_148 = tpu.memref_slice %arg9[%dma_wait3A_147] : memref<40960xf32, #tpu.memory_space<vmem>> -> memref<1280xf32, #tpu.memory_space<vmem>>
      %dma_wait3A_149 = tpu.memref_slice %arg11[%run_scoped3A_38, %mul3A_37] : memref<16x20480xf32, #tpu.memory_space<vmem_shared>> -> memref<1x1280xf32, #tpu.memory_space<vmem_shared>>
      %dma_wait3A_150 = tpu.memref_squeeze %dma_wait3A_149 : memref<1x1280xf32, #tpu.memory_space<vmem_shared>> -> memref<1280xf32, #tpu.memory_space<vmem_shared>>
      tpu.wait_dma2 semaphore(%run_scoped3A_134 : memref<!tpu.dma_semaphore, #tpu.memory_space<semaphore_mem>>) src(%dma_wait3A_150 : memref<1280xf32, #tpu.memory_space<vmem_shared>>) dst(%dma_wait3A_148 : memref<1280xf32, #tpu.memory_space<vmem>>)
      tpu.yield
    }) : () -> ()
    %mul3A_39 = arith.constant 1280 : i32
    %mul3A_40 = arith.muli %arg1, %mul3A_39 : i32
    %run_scoped3A_41 = arith.constant 8 : i32
    "tpu.region"() ({
      %run_scoped3A_134 = tpu.sem_alloc : memref<!tpu.dma_semaphore, #tpu.memory_space<semaphore_mem>>
      %dma_start3A_135 = arith.constant 10240 : i32
      %dma_start3A_136 = tpu.memref_slice %arg9[%dma_start3A_135] : memref<40960xf32, #tpu.memory_space<vmem>> -> memref<1280xf32, #tpu.memory_space<vmem>>
      %dma_start3A_137 = tpu.memref_slice %arg11[%run_scoped3A_41, %mul3A_40] : memref<16x20480xf32, #tpu.memory_space<vmem_shared>> -> memref<1x1280xf32, #tpu.memory_space<vmem_shared>>
      %dma_start3A_138 = tpu.memref_squeeze %dma_start3A_137 : memref<1x1280xf32, #tpu.memory_space<vmem_shared>> -> memref<1280xf32, #tpu.memory_space<vmem_shared>>
      %dma_start3A_139 = arith.constant 10240 : i32
      %dma_start3A_140 = tpu.memref_slice %arg9[%dma_start3A_139] : memref<40960xf32, #tpu.memory_space<vmem>> -> memref<1280xf32, #tpu.memory_space<vmem>>
      %dma_start3A_141 = tpu.memref_slice %arg11[%run_scoped3A_41, %mul3A_40] : memref<16x20480xf32, #tpu.memory_space<vmem_shared>> -> memref<1x1280xf32, #tpu.memory_space<vmem_shared>>
      %dma_start3A_142 = tpu.memref_squeeze %dma_start3A_141 : memref<1x1280xf32, #tpu.memory_space<vmem_shared>> -> memref<1280xf32, #tpu.memory_space<vmem_shared>>
      tpu.enqueue_dma source(%dma_start3A_142 : memref<1280xf32, #tpu.memory_space<vmem_shared>>) target(%dma_start3A_140 : memref<1280xf32, #tpu.memory_space<vmem>>) target_semaphore(%run_scoped3A_134 : memref<!tpu.dma_semaphore, #tpu.memory_space<semaphore_mem>>)
      %dma_wait3A_143 = arith.constant 10240 : i32
      %dma_wait3A_144 = tpu.memref_slice %arg9[%dma_wait3A_143] : memref<40960xf32, #tpu.memory_space<vmem>> -> memref<1280xf32, #tpu.memory_space<vmem>>
      %dma_wait3A_145 = tpu.memref_slice %arg11[%run_scoped3A_41, %mul3A_40] : memref<16x20480xf32, #tpu.memory_space<vmem_shared>> -> memref<1x1280xf32, #tpu.memory_space<vmem_shared>>
      %dma_wait3A_146 = tpu.memref_squeeze %dma_wait3A_145 : memref<1x1280xf32, #tpu.memory_space<vmem_shared>> -> memref<1280xf32, #tpu.memory_space<vmem_shared>>
      %dma_wait3A_147 = arith.constant 10240 : i32
      %dma_wait3A_148 = tpu.memref_slice %arg9[%dma_wait3A_147] : memref<40960xf32, #tpu.memory_space<vmem>> -> memref<1280xf32, #tpu.memory_space<vmem>>
      %dma_wait3A_149 = tpu.memref_slice %arg11[%run_scoped3A_41, %mul3A_40] : memref<16x20480xf32, #tpu.memory_space<vmem_shared>> -> memref<1x1280xf32, #tpu.memory_space<vmem_shared>>
      %dma_wait3A_150 = tpu.memref_squeeze %dma_wait3A_149 : memref<1x1280xf32, #tpu.memory_space<vmem_shared>> -> memref<1280xf32, #tpu.memory_space<vmem_shared>>
      tpu.wait_dma2 semaphore(%run_scoped3A_134 : memref<!tpu.dma_semaphore, #tpu.memory_space<semaphore_mem>>) src(%dma_wait3A_150 : memref<1280xf32, #tpu.memory_space<vmem_shared>>) dst(%dma_wait3A_148 : memref<1280xf32, #tpu.memory_space<vmem>>)
      tpu.yield
    }) : () -> ()
    %mul3A_42 = arith.constant 1280 : i32
    %mul3A_43 = arith.muli %arg1, %mul3A_42 : i32
    %run_scoped3A_44 = arith.constant 9 : i32
    "tpu.region"() ({
      %run_scoped3A_134 = tpu.sem_alloc : memref<!tpu.dma_semaphore, #tpu.memory_space<semaphore_mem>>
      %dma_start3A_135 = arith.constant 11520 : i32
      %dma_start3A_136 = tpu.memref_slice %arg9[%dma_start3A_135] : memref<40960xf32, #tpu.memory_space<vmem>> -> memref<1280xf32, #tpu.memory_space<vmem>>
      %dma_start3A_137 = tpu.memref_slice %arg11[%run_scoped3A_44, %mul3A_43] : memref<16x20480xf32, #tpu.memory_space<vmem_shared>> -> memref<1x1280xf32, #tpu.memory_space<vmem_shared>>
      %dma_start3A_138 = tpu.memref_squeeze %dma_start3A_137 : memref<1x1280xf32, #tpu.memory_space<vmem_shared>> -> memref<1280xf32, #tpu.memory_space<vmem_shared>>
      %dma_start3A_139 = arith.constant 11520 : i32
      %dma_start3A_140 = tpu.memref_slice %arg9[%dma_start3A_139] : memref<40960xf32, #tpu.memory_space<vmem>> -> memref<1280xf32, #tpu.memory_space<vmem>>
      %dma_start3A_141 = tpu.memref_slice %arg11[%run_scoped3A_44, %mul3A_43] : memref<16x20480xf32, #tpu.memory_space<vmem_shared>> -> memref<1x1280xf32, #tpu.memory_space<vmem_shared>>
      %dma_start3A_142 = tpu.memref_squeeze %dma_start3A_141 : memref<1x1280xf32, #tpu.memory_space<vmem_shared>> -> memref<1280xf32, #tpu.memory_space<vmem_shared>>
      tpu.enqueue_dma source(%dma_start3A_142 : memref<1280xf32, #tpu.memory_space<vmem_shared>>) target(%dma_start3A_140 : memref<1280xf32, #tpu.memory_space<vmem>>) target_semaphore(%run_scoped3A_134 : memref<!tpu.dma_semaphore, #tpu.memory_space<semaphore_mem>>)
      %dma_wait3A_143 = arith.constant 11520 : i32
      %dma_wait3A_144 = tpu.memref_slice %arg9[%dma_wait3A_143] : memref<40960xf32, #tpu.memory_space<vmem>> -> memref<1280xf32, #tpu.memory_space<vmem>>
      %dma_wait3A_145 = tpu.memref_slice %arg11[%run_scoped3A_44, %mul3A_43] : memref<16x20480xf32, #tpu.memory_space<vmem_shared>> -> memref<1x1280xf32, #tpu.memory_space<vmem_shared>>
      %dma_wait3A_146 = tpu.memref_squeeze %dma_wait3A_145 : memref<1x1280xf32, #tpu.memory_space<vmem_shared>> -> memref<1280xf32, #tpu.memory_space<vmem_shared>>
      %dma_wait3A_147 = arith.constant 11520 : i32
      %dma_wait3A_148 = tpu.memref_slice %arg9[%dma_wait3A_147] : memref<40960xf32, #tpu.memory_space<vmem>> -> memref<1280xf32, #tpu.memory_space<vmem>>
      %dma_wait3A_149 = tpu.memref_slice %arg11[%run_scoped3A_44, %mul3A_43] : memref<16x20480xf32, #tpu.memory_space<vmem_shared>> -> memref<1x1280xf32, #tpu.memory_space<vmem_shared>>
      %dma_wait3A_150 = tpu.memref_squeeze %dma_wait3A_149 : memref<1x1280xf32, #tpu.memory_space<vmem_shared>> -> memref<1280xf32, #tpu.memory_space<vmem_shared>>
      tpu.wait_dma2 semaphore(%run_scoped3A_134 : memref<!tpu.dma_semaphore, #tpu.memory_space<semaphore_mem>>) src(%dma_wait3A_150 : memref<1280xf32, #tpu.memory_space<vmem_shared>>) dst(%dma_wait3A_148 : memref<1280xf32, #tpu.memory_space<vmem>>)
      tpu.yield
    }) : () -> ()
    %mul3A_45 = arith.constant 1280 : i32
    %mul3A_46 = arith.muli %arg1, %mul3A_45 : i32
    %run_scoped3A_47 = arith.constant 10 : i32
    "tpu.region"() ({
      %run_scoped3A_134 = tpu.sem_alloc : memref<!tpu.dma_semaphore, #tpu.memory_space<semaphore_mem>>
      %dma_start3A_135 = arith.constant 12800 : i32
      %dma_start3A_136 = tpu.memref_slice %arg9[%dma_start3A_135] : memref<40960xf32, #tpu.memory_space<vmem>> -> memref<1280xf32, #tpu.memory_space<vmem>>
      %dma_start3A_137 = tpu.memref_slice %arg11[%run_scoped3A_47, %mul3A_46] : memref<16x20480xf32, #tpu.memory_space<vmem_shared>> -> memref<1x1280xf32, #tpu.memory_space<vmem_shared>>
      %dma_start3A_138 = tpu.memref_squeeze %dma_start3A_137 : memref<1x1280xf32, #tpu.memory_space<vmem_shared>> -> memref<1280xf32, #tpu.memory_space<vmem_shared>>
      %dma_start3A_139 = arith.constant 12800 : i32
      %dma_start3A_140 = tpu.memref_slice %arg9[%dma_start3A_139] : memref<40960xf32, #tpu.memory_space<vmem>> -> memref<1280xf32, #tpu.memory_space<vmem>>
      %dma_start3A_141 = tpu.memref_slice %arg11[%run_scoped3A_47, %mul3A_46] : memref<16x20480xf32, #tpu.memory_space<vmem_shared>> -> memref<1x1280xf32, #tpu.memory_space<vmem_shared>>
      %dma_start3A_142 = tpu.memref_squeeze %dma_start3A_141 : memref<1x1280xf32, #tpu.memory_space<vmem_shared>> -> memref<1280xf32, #tpu.memory_space<vmem_shared>>
      tpu.enqueue_dma source(%dma_start3A_142 : memref<1280xf32, #tpu.memory_space<vmem_shared>>) target(%dma_start3A_140 : memref<1280xf32, #tpu.memory_space<vmem>>) target_semaphore(%run_scoped3A_134 : memref<!tpu.dma_semaphore, #tpu.memory_space<semaphore_mem>>)
      %dma_wait3A_143 = arith.constant 12800 : i32
      %dma_wait3A_144 = tpu.memref_slice %arg9[%dma_wait3A_143] : memref<40960xf32, #tpu.memory_space<vmem>> -> memref<1280xf32, #tpu.memory_space<vmem>>
      %dma_wait3A_145 = tpu.memref_slice %arg11[%run_scoped3A_47, %mul3A_46] : memref<16x20480xf32, #tpu.memory_space<vmem_shared>> -> memref<1x1280xf32, #tpu.memory_space<vmem_shared>>
      %dma_wait3A_146 = tpu.memref_squeeze %dma_wait3A_145 : memref<1x1280xf32, #tpu.memory_space<vmem_shared>> -> memref<1280xf32, #tpu.memory_space<vmem_shared>>
      %dma_wait3A_147 = arith.constant 12800 : i32
      %dma_wait3A_148 = tpu.memref_slice %arg9[%dma_wait3A_147] : memref<40960xf32, #tpu.memory_space<vmem>> -> memref<1280xf32, #tpu.memory_space<vmem>>
      %dma_wait3A_149 = tpu.memref_slice %arg11[%run_scoped3A_47, %mul3A_46] : memref<16x20480xf32, #tpu.memory_space<vmem_shared>> -> memref<1x1280xf32, #tpu.memory_space<vmem_shared>>
      %dma_wait3A_150 = tpu.memref_squeeze %dma_wait3A_149 : memref<1x1280xf32, #tpu.memory_space<vmem_shared>> -> memref<1280xf32, #tpu.memory_space<vmem_shared>>
      tpu.wait_dma2 semaphore(%run_scoped3A_134 : memref<!tpu.dma_semaphore, #tpu.memory_space<semaphore_mem>>) src(%dma_wait3A_150 : memref<1280xf32, #tpu.memory_space<vmem_shared>>) dst(%dma_wait3A_148 : memref<1280xf32, #tpu.memory_space<vmem>>)
      tpu.yield
    }) : () -> ()
    %mul3A_48 = arith.constant 1280 : i32
    %mul3A_49 = arith.muli %arg1, %mul3A_48 : i32
    %run_scoped3A_50 = arith.constant 11 : i32
    "tpu.region"() ({
      %run_scoped3A_134 = tpu.sem_alloc : memref<!tpu.dma_semaphore, #tpu.memory_space<semaphore_mem>>
      %dma_start3A_135 = arith.constant 14080 : i32
      %dma_start3A_136 = tpu.memref_slice %arg9[%dma_start3A_135] : memref<40960xf32, #tpu.memory_space<vmem>> -> memref<1280xf32, #tpu.memory_space<vmem>>
      %dma_start3A_137 = tpu.memref_slice %arg11[%run_scoped3A_50, %mul3A_49] : memref<16x20480xf32, #tpu.memory_space<vmem_shared>> -> memref<1x1280xf32, #tpu.memory_space<vmem_shared>>
      %dma_start3A_138 = tpu.memref_squeeze %dma_start3A_137 : memref<1x1280xf32, #tpu.memory_space<vmem_shared>> -> memref<1280xf32, #tpu.memory_space<vmem_shared>>
      %dma_start3A_139 = arith.constant 14080 : i32
      %dma_start3A_140 = tpu.memref_slice %arg9[%dma_start3A_139] : memref<40960xf32, #tpu.memory_space<vmem>> -> memref<1280xf32, #tpu.memory_space<vmem>>
      %dma_start3A_141 = tpu.memref_slice %arg11[%run_scoped3A_50, %mul3A_49] : memref<16x20480xf32, #tpu.memory_space<vmem_shared>> -> memref<1x1280xf32, #tpu.memory_space<vmem_shared>>
      %dma_start3A_142 = tpu.memref_squeeze %dma_start3A_141 : memref<1x1280xf32, #tpu.memory_space<vmem_shared>> -> memref<1280xf32, #tpu.memory_space<vmem_shared>>
      tpu.enqueue_dma source(%dma_start3A_142 : memref<1280xf32, #tpu.memory_space<vmem_shared>>) target(%dma_start3A_140 : memref<1280xf32, #tpu.memory_space<vmem>>) target_semaphore(%run_scoped3A_134 : memref<!tpu.dma_semaphore, #tpu.memory_space<semaphore_mem>>)
      %dma_wait3A_143 = arith.constant 14080 : i32
      %dma_wait3A_144 = tpu.memref_slice %arg9[%dma_wait3A_143] : memref<40960xf32, #tpu.memory_space<vmem>> -> memref<1280xf32, #tpu.memory_space<vmem>>
      %dma_wait3A_145 = tpu.memref_slice %arg11[%run_scoped3A_50, %mul3A_49] : memref<16x20480xf32, #tpu.memory_space<vmem_shared>> -> memref<1x1280xf32, #tpu.memory_space<vmem_shared>>
      %dma_wait3A_146 = tpu.memref_squeeze %dma_wait3A_145 : memref<1x1280xf32, #tpu.memory_space<vmem_shared>> -> memref<1280xf32, #tpu.memory_space<vmem_shared>>
      %dma_wait3A_147 = arith.constant 14080 : i32
      %dma_wait3A_148 = tpu.memref_slice %arg9[%dma_wait3A_147] : memref<40960xf32, #tpu.memory_space<vmem>> -> memref<1280xf32, #tpu.memory_space<vmem>>
      %dma_wait3A_149 = tpu.memref_slice %arg11[%run_scoped3A_50, %mul3A_49] : memref<16x20480xf32, #tpu.memory_space<vmem_shared>> -> memref<1x1280xf32, #tpu.memory_space<vmem_shared>>
      %dma_wait3A_150 = tpu.memref_squeeze %dma_wait3A_149 : memref<1x1280xf32, #tpu.memory_space<vmem_shared>> -> memref<1280xf32, #tpu.memory_space<vmem_shared>>
      tpu.wait_dma2 semaphore(%run_scoped3A_134 : memref<!tpu.dma_semaphore, #tpu.memory_space<semaphore_mem>>) src(%dma_wait3A_150 : memref<1280xf32, #tpu.memory_space<vmem_shared>>) dst(%dma_wait3A_148 : memref<1280xf32, #tpu.memory_space<vmem>>)
      tpu.yield
    }) : () -> ()
    %mul3A_51 = arith.constant 1280 : i32
    %mul3A_52 = arith.muli %arg1, %mul3A_51 : i32
    %run_scoped3A_53 = arith.constant 12 : i32
    "tpu.region"() ({
      %run_scoped3A_134 = tpu.sem_alloc : memref<!tpu.dma_semaphore, #tpu.memory_space<semaphore_mem>>
      %dma_start3A_135 = arith.constant 15360 : i32
      %dma_start3A_136 = tpu.memref_slice %arg9[%dma_start3A_135] : memref<40960xf32, #tpu.memory_space<vmem>> -> memref<1280xf32, #tpu.memory_space<vmem>>
      %dma_start3A_137 = tpu.memref_slice %arg11[%run_scoped3A_53, %mul3A_52] : memref<16x20480xf32, #tpu.memory_space<vmem_shared>> -> memref<1x1280xf32, #tpu.memory_space<vmem_shared>>
      %dma_start3A_138 = tpu.memref_squeeze %dma_start3A_137 : memref<1x1280xf32, #tpu.memory_space<vmem_shared>> -> memref<1280xf32, #tpu.memory_space<vmem_shared>>
      %dma_start3A_139 = arith.constant 15360 : i32
      %dma_start3A_140 = tpu.memref_slice %arg9[%dma_start3A_139] : memref<40960xf32, #tpu.memory_space<vmem>> -> memref<1280xf32, #tpu.memory_space<vmem>>
      %dma_start3A_141 = tpu.memref_slice %arg11[%run_scoped3A_53, %mul3A_52] : memref<16x20480xf32, #tpu.memory_space<vmem_shared>> -> memref<1x1280xf32, #tpu.memory_space<vmem_shared>>
      %dma_start3A_142 = tpu.memref_squeeze %dma_start3A_141 : memref<1x1280xf32, #tpu.memory_space<vmem_shared>> -> memref<1280xf32, #tpu.memory_space<vmem_shared>>
      tpu.enqueue_dma source(%dma_start3A_142 : memref<1280xf32, #tpu.memory_space<vmem_shared>>) target(%dma_start3A_140 : memref<1280xf32, #tpu.memory_space<vmem>>) target_semaphore(%run_scoped3A_134 : memref<!tpu.dma_semaphore, #tpu.memory_space<semaphore_mem>>)
      %dma_wait3A_143 = arith.constant 15360 : i32
      %dma_wait3A_144 = tpu.memref_slice %arg9[%dma_wait3A_143] : memref<40960xf32, #tpu.memory_space<vmem>> -> memref<1280xf32, #tpu.memory_space<vmem>>
      %dma_wait3A_145 = tpu.memref_slice %arg11[%run_scoped3A_53, %mul3A_52] : memref<16x20480xf32, #tpu.memory_space<vmem_shared>> -> memref<1x1280xf32, #tpu.memory_space<vmem_shared>>
      %dma_wait3A_146 = tpu.memref_squeeze %dma_wait3A_145 : memref<1x1280xf32, #tpu.memory_space<vmem_shared>> -> memref<1280xf32, #tpu.memory_space<vmem_shared>>
      %dma_wait3A_147 = arith.constant 15360 : i32
      %dma_wait3A_148 = tpu.memref_slice %arg9[%dma_wait3A_147] : memref<40960xf32, #tpu.memory_space<vmem>> -> memref<1280xf32, #tpu.memory_space<vmem>>
      %dma_wait3A_149 = tpu.memref_slice %arg11[%run_scoped3A_53, %mul3A_52] : memref<16x20480xf32, #tpu.memory_space<vmem_shared>> -> memref<1x1280xf32, #tpu.memory_space<vmem_shared>>
      %dma_wait3A_150 = tpu.memref_squeeze %dma_wait3A_149 : memref<1x1280xf32, #tpu.memory_space<vmem_shared>> -> memref<1280xf32, #tpu.memory_space<vmem_shared>>
      tpu.wait_dma2 semaphore(%run_scoped3A_134 : memref<!tpu.dma_semaphore, #tpu.memory_space<semaphore_mem>>) src(%dma_wait3A_150 : memref<1280xf32, #tpu.memory_space<vmem_shared>>) dst(%dma_wait3A_148 : memref<1280xf32, #tpu.memory_space<vmem>>)
      tpu.yield
    }) : () -> ()
    %mul3A_54 = arith.constant 1280 : i32
    %mul3A_55 = arith.muli %arg1, %mul3A_54 : i32
    %run_scoped3A_56 = arith.constant 13 : i32
    "tpu.region"() ({
      %run_scoped3A_134 = tpu.sem_alloc : memref<!tpu.dma_semaphore, #tpu.memory_space<semaphore_mem>>
      %dma_start3A_135 = arith.constant 16640 : i32
      %dma_start3A_136 = tpu.memref_slice %arg9[%dma_start3A_135] : memref<40960xf32, #tpu.memory_space<vmem>> -> memref<1280xf32, #tpu.memory_space<vmem>>
      %dma_start3A_137 = tpu.memref_slice %arg11[%run_scoped3A_56, %mul3A_55] : memref<16x20480xf32, #tpu.memory_space<vmem_shared>> -> memref<1x1280xf32, #tpu.memory_space<vmem_shared>>
      %dma_start3A_138 = tpu.memref_squeeze %dma_start3A_137 : memref<1x1280xf32, #tpu.memory_space<vmem_shared>> -> memref<1280xf32, #tpu.memory_space<vmem_shared>>
      %dma_start3A_139 = arith.constant 16640 : i32
      %dma_start3A_140 = tpu.memref_slice %arg9[%dma_start3A_139] : memref<40960xf32, #tpu.memory_space<vmem>> -> memref<1280xf32, #tpu.memory_space<vmem>>
      %dma_start3A_141 = tpu.memref_slice %arg11[%run_scoped3A_56, %mul3A_55] : memref<16x20480xf32, #tpu.memory_space<vmem_shared>> -> memref<1x1280xf32, #tpu.memory_space<vmem_shared>>
      %dma_start3A_142 = tpu.memref_squeeze %dma_start3A_141 : memref<1x1280xf32, #tpu.memory_space<vmem_shared>> -> memref<1280xf32, #tpu.memory_space<vmem_shared>>
      tpu.enqueue_dma source(%dma_start3A_142 : memref<1280xf32, #tpu.memory_space<vmem_shared>>) target(%dma_start3A_140 : memref<1280xf32, #tpu.memory_space<vmem>>) target_semaphore(%run_scoped3A_134 : memref<!tpu.dma_semaphore, #tpu.memory_space<semaphore_mem>>)
      %dma_wait3A_143 = arith.constant 16640 : i32
      %dma_wait3A_144 = tpu.memref_slice %arg9[%dma_wait3A_143] : memref<40960xf32, #tpu.memory_space<vmem>> -> memref<1280xf32, #tpu.memory_space<vmem>>
      %dma_wait3A_145 = tpu.memref_slice %arg11[%run_scoped3A_56, %mul3A_55] : memref<16x20480xf32, #tpu.memory_space<vmem_shared>> -> memref<1x1280xf32, #tpu.memory_space<vmem_shared>>
      %dma_wait3A_146 = tpu.memref_squeeze %dma_wait3A_145 : memref<1x1280xf32, #tpu.memory_space<vmem_shared>> -> memref<1280xf32, #tpu.memory_space<vmem_shared>>
      %dma_wait3A_147 = arith.constant 16640 : i32
      %dma_wait3A_148 = tpu.memref_slice %arg9[%dma_wait3A_147] : memref<40960xf32, #tpu.memory_space<vmem>> -> memref<1280xf32, #tpu.memory_space<vmem>>
      %dma_wait3A_149 = tpu.memref_slice %arg11[%run_scoped3A_56, %mul3A_55] : memref<16x20480xf32, #tpu.memory_space<vmem_shared>> -> memref<1x1280xf32, #tpu.memory_space<vmem_shared>>
      %dma_wait3A_150 = tpu.memref_squeeze %dma_wait3A_149 : memref<1x1280xf32, #tpu.memory_space<vmem_shared>> -> memref<1280xf32, #tpu.memory_space<vmem_shared>>
      tpu.wait_dma2 semaphore(%run_scoped3A_134 : memref<!tpu.dma_semaphore, #tpu.memory_space<semaphore_mem>>) src(%dma_wait3A_150 : memref<1280xf32, #tpu.memory_space<vmem_shared>>) dst(%dma_wait3A_148 : memref<1280xf32, #tpu.memory_space<vmem>>)
      tpu.yield
    }) : () -> ()
    %mul3A_57 = arith.constant 1280 : i32
    %mul3A_58 = arith.muli %arg1, %mul3A_57 : i32
    %run_scoped3A_59 = arith.constant 14 : i32
    "tpu.region"() ({
      %run_scoped3A_134 = tpu.sem_alloc : memref<!tpu.dma_semaphore, #tpu.memory_space<semaphore_mem>>
      %dma_start3A_135 = arith.constant 17920 : i32
      %dma_start3A_136 = tpu.memref_slice %arg9[%dma_start3A_135] : memref<40960xf32, #tpu.memory_space<vmem>> -> memref<1280xf32, #tpu.memory_space<vmem>>
      %dma_start3A_137 = tpu.memref_slice %arg11[%run_scoped3A_59, %mul3A_58] : memref<16x20480xf32, #tpu.memory_space<vmem_shared>> -> memref<1x1280xf32, #tpu.memory_space<vmem_shared>>
      %dma_start3A_138 = tpu.memref_squeeze %dma_start3A_137 : memref<1x1280xf32, #tpu.memory_space<vmem_shared>> -> memref<1280xf32, #tpu.memory_space<vmem_shared>>
      %dma_start3A_139 = arith.constant 17920 : i32
      %dma_start3A_140 = tpu.memref_slice %arg9[%dma_start3A_139] : memref<40960xf32, #tpu.memory_space<vmem>> -> memref<1280xf32, #tpu.memory_space<vmem>>
      %dma_start3A_141 = tpu.memref_slice %arg11[%run_scoped3A_59, %mul3A_58] : memref<16x20480xf32, #tpu.memory_space<vmem_shared>> -> memref<1x1280xf32, #tpu.memory_space<vmem_shared>>
      %dma_start3A_142 = tpu.memref_squeeze %dma_start3A_141 : memref<1x1280xf32, #tpu.memory_space<vmem_shared>> -> memref<1280xf32, #tpu.memory_space<vmem_shared>>
      tpu.enqueue_dma source(%dma_start3A_142 : memref<1280xf32, #tpu.memory_space<vmem_shared>>) target(%dma_start3A_140 : memref<1280xf32, #tpu.memory_space<vmem>>) target_semaphore(%run_scoped3A_134 : memref<!tpu.dma_semaphore, #tpu.memory_space<semaphore_mem>>)
      %dma_wait3A_143 = arith.constant 17920 : i32
      %dma_wait3A_144 = tpu.memref_slice %arg9[%dma_wait3A_143] : memref<40960xf32, #tpu.memory_space<vmem>> -> memref<1280xf32, #tpu.memory_space<vmem>>
      %dma_wait3A_145 = tpu.memref_slice %arg11[%run_scoped3A_59, %mul3A_58] : memref<16x20480xf32, #tpu.memory_space<vmem_shared>> -> memref<1x1280xf32, #tpu.memory_space<vmem_shared>>
      %dma_wait3A_146 = tpu.memref_squeeze %dma_wait3A_145 : memref<1x1280xf32, #tpu.memory_space<vmem_shared>> -> memref<1280xf32, #tpu.memory_space<vmem_shared>>
      %dma_wait3A_147 = arith.constant 17920 : i32
      %dma_wait3A_148 = tpu.memref_slice %arg9[%dma_wait3A_147] : memref<40960xf32, #tpu.memory_space<vmem>> -> memref<1280xf32, #tpu.memory_space<vmem>>
      %dma_wait3A_149 = tpu.memref_slice %arg11[%run_scoped3A_59, %mul3A_58] : memref<16x20480xf32, #tpu.memory_space<vmem_shared>> -> memref<1x1280xf32, #tpu.memory_space<vmem_shared>>
      %dma_wait3A_150 = tpu.memref_squeeze %dma_wait3A_149 : memref<1x1280xf32, #tpu.memory_space<vmem_shared>> -> memref<1280xf32, #tpu.memory_space<vmem_shared>>
      tpu.wait_dma2 semaphore(%run_scoped3A_134 : memref<!tpu.dma_semaphore, #tpu.memory_space<semaphore_mem>>) src(%dma_wait3A_150 : memref<1280xf32, #tpu.memory_space<vmem_shared>>) dst(%dma_wait3A_148 : memref<1280xf32, #tpu.memory_space<vmem>>)
      tpu.yield
    }) : () -> ()
    %mul3A_60 = arith.constant 1280 : i32
    %mul3A_61 = arith.muli %arg1, %mul3A_60 : i32
    %run_scoped3A_62 = arith.constant 15 : i32
    "tpu.region"() ({
      %run_scoped3A_134 = tpu.sem_alloc : memref<!tpu.dma_semaphore, #tpu.memory_space<semaphore_mem>>
      %dma_start3A_135 = arith.constant 19200 : i32
      %dma_start3A_136 = tpu.memref_slice %arg9[%dma_start3A_135] : memref<40960xf32, #tpu.memory_space<vmem>> -> memref<1280xf32, #tpu.memory_space<vmem>>
      %dma_start3A_137 = tpu.memref_slice %arg11[%run_scoped3A_62, %mul3A_61] : memref<16x20480xf32, #tpu.memory_space<vmem_shared>> -> memref<1x1280xf32, #tpu.memory_space<vmem_shared>>
      %dma_start3A_138 = tpu.memref_squeeze %dma_start3A_137 : memref<1x1280xf32, #tpu.memory_space<vmem_shared>> -> memref<1280xf32, #tpu.memory_space<vmem_shared>>
      %dma_start3A_139 = arith.constant 19200 : i32
      %dma_start3A_140 = tpu.memref_slice %arg9[%dma_start3A_139] : memref<40960xf32, #tpu.memory_space<vmem>> -> memref<1280xf32, #tpu.memory_space<vmem>>
      %dma_start3A_141 = tpu.memref_slice %arg11[%run_scoped3A_62, %mul3A_61] : memref<16x20480xf32, #tpu.memory_space<vmem_shared>> -> memref<1x1280xf32, #tpu.memory_space<vmem_shared>>
      %dma_start3A_142 = tpu.memref_squeeze %dma_start3A_141 : memref<1x1280xf32, #tpu.memory_space<vmem_shared>> -> memref<1280xf32, #tpu.memory_space<vmem_shared>>
      tpu.enqueue_dma source(%dma_start3A_142 : memref<1280xf32, #tpu.memory_space<vmem_shared>>) target(%dma_start3A_140 : memref<1280xf32, #tpu.memory_space<vmem>>) target_semaphore(%run_scoped3A_134 : memref<!tpu.dma_semaphore, #tpu.memory_space<semaphore_mem>>)
      %dma_wait3A_143 = arith.constant 19200 : i32
      %dma_wait3A_144 = tpu.memref_slice %arg9[%dma_wait3A_143] : memref<40960xf32, #tpu.memory_space<vmem>> -> memref<1280xf32, #tpu.memory_space<vmem>>
      %dma_wait3A_145 = tpu.memref_slice %arg11[%run_scoped3A_62, %mul3A_61] : memref<16x20480xf32, #tpu.memory_space<vmem_shared>> -> memref<1x1280xf32, #tpu.memory_space<vmem_shared>>
      %dma_wait3A_146 = tpu.memref_squeeze %dma_wait3A_145 : memref<1x1280xf32, #tpu.memory_space<vmem_shared>> -> memref<1280xf32, #tpu.memory_space<vmem_shared>>
      %dma_wait3A_147 = arith.constant 19200 : i32
      %dma_wait3A_148 = tpu.memref_slice %arg9[%dma_wait3A_147] : memref<40960xf32, #tpu.memory_space<vmem>> -> memref<1280xf32, #tpu.memory_space<vmem>>
      %dma_wait3A_149 = tpu.memref_slice %arg11[%run_scoped3A_62, %mul3A_61] : memref<16x20480xf32, #tpu.memory_space<vmem_shared>> -> memref<1x1280xf32, #tpu.memory_space<vmem_shared>>
      %dma_wait3A_150 = tpu.memref_squeeze %dma_wait3A_149 : memref<1x1280xf32, #tpu.memory_space<vmem_shared>> -> memref<1280xf32, #tpu.memory_space<vmem_shared>>
      tpu.wait_dma2 semaphore(%run_scoped3A_134 : memref<!tpu.dma_semaphore, #tpu.memory_space<semaphore_mem>>) src(%dma_wait3A_150 : memref<1280xf32, #tpu.memory_space<vmem_shared>>) dst(%dma_wait3A_148 : memref<1280xf32, #tpu.memory_space<vmem>>)
      tpu.yield
    }) : () -> ()
    %scan3A_63 = arith.constant 0 : i32
    %scan3A_64 = arith.constant 0 : i32
    %scan3A_65 = arith.constant 80 : i32
    %scan3A_66 = arith.addi %scan3A_64, %scan3A_65 : i32
    %scan3A_67 = arith.constant 1 : i32
    scf.for %scan3A_134 = %scan3A_64 to %scan3A_66 step %scan3A_67  : i32 {
      %mul3A_135 = arith.constant 16 : i32
      %mul3A_136 = arith.muli %scan3A_134, %mul3A_135 : i32
      %multiple_of3A = tpu.assume_multiple %mul3A_136, 16 : i32
      %get3A = arith.index_cast %multiple_of3A : i32 to index
      %get3A_137 = tpu.vector_load %arg9[%get3A] {strides = array<i32>} : memref<40960xf32, #tpu.memory_space<vmem>>, vector<16xf32>,
      %add3A_138 = arith.constant 1280 : i32
      %add3A_139 = arith.addi %add3A_138, %multiple_of3A : i32
      %get3A_140 = arith.index_cast %add3A_139 : i32 to index
      %get3A_141 = tpu.vector_load %arg9[%get3A_140] {strides = array<i32>} : memref<40960xf32, #tpu.memory_space<vmem>>, vector<16xf32>,
      %add3A_142 = arith.addf %get3A_137, %get3A_141 : vector<16xf32>
      %add3A_143 = arith.constant 2560 : i32
      %add3A_144 = arith.addi %add3A_143, %multiple_of3A : i32
      %get3A_145 = arith.index_cast %add3A_144 : i32 to index
      %get3A_146 = tpu.vector_load %arg9[%get3A_145] {strides = array<i32>} : memref<40960xf32, #tpu.memory_space<vmem>>, vector<16xf32>,
      %add3A_147 = arith.addf %add3A_142, %get3A_146 : vector<16xf32>
      %add3A_148 = arith.constant 3840 : i32
      %add3A_149 = arith.addi %add3A_148, %multiple_of3A : i32
      %get3A_150 = arith.index_cast %add3A_149 : i32 to index
      %get3A_151 = tpu.vector_load %arg9[%get3A_150] {strides = array<i32>} : memref<40960xf32, #tpu.memory_space<vmem>>, vector<16xf32>,
      %add3A_152 = arith.addf %add3A_147, %get3A_151 : vector<16xf32>
      %add3A_153 = arith.constant 5120 : i32
      %add3A_154 = arith.addi %add3A_153, %multiple_of3A : i32
      %get3A_155 = arith.index_cast %add3A_154 : i32 to index
      %get3A_156 = tpu.vector_load %arg9[%get3A_155] {strides = array<i32>} : memref<40960xf32, #tpu.memory_space<vmem>>, vector<16xf32>,
      %add3A_157 = arith.addf %add3A_152, %get3A_156 : vector<16xf32>
      %add3A_158 = arith.constant 6400 : i32
      %add3A_159 = arith.addi %add3A_158, %multiple_of3A : i32
      %get3A_160 = arith.index_cast %add3A_159 : i32 to index
      %get3A_161 = tpu.vector_load %arg9[%get3A_160] {strides = array<i32>} : memref<40960xf32, #tpu.memory_space<vmem>>, vector<16xf32>,
      %add3A_162 = arith.addf %add3A_157, %get3A_161 : vector<16xf32>
      %add3A_163 = arith.constant 7680 : i32
      %add3A_164 = arith.addi %add3A_163, %multiple_of3A : i32
      %get3A_165 = arith.index_cast %add3A_164 : i32 to index
      %get3A_166 = tpu.vector_load %arg9[%get3A_165] {strides = array<i32>} : memref<40960xf32, #tpu.memory_space<vmem>>, vector<16xf32>,
      %add3A_167 = arith.addf %add3A_162, %get3A_166 : vector<16xf32>
      %add3A_168 = arith.constant 8960 : i32
      %add3A_169 = arith.addi %add3A_168, %multiple_of3A : i32
      %get3A_170 = arith.index_cast %add3A_169 : i32 to index
      %get3A_171 = tpu.vector_load %arg9[%get3A_170] {strides = array<i32>} : memref<40960xf32, #tpu.memory_space<vmem>>, vector<16xf32>,
      %add3A_172 = arith.addf %add3A_167, %get3A_171 : vector<16xf32>
      %add3A_173 = arith.constant 10240 : i32
      %add3A_174 = arith.addi %add3A_173, %multiple_of3A : i32
      %get3A_175 = arith.index_cast %add3A_174 : i32 to index
      %get3A_176 = tpu.vector_load %arg9[%get3A_175] {strides = array<i32>} : memref<40960xf32, #tpu.memory_space<vmem>>, vector<16xf32>,
      %add3A_177 = arith.addf %add3A_172, %get3A_176 : vector<16xf32>
      %add3A_178 = arith.constant 11520 : i32
      %add3A_179 = arith.addi %add3A_178, %multiple_of3A : i32
      %get3A_180 = arith.index_cast %add3A_179 : i32 to index
      %get3A_181 = tpu.vector_load %arg9[%get3A_180] {strides = array<i32>} : memref<40960xf32, #tpu.memory_space<vmem>>, vector<16xf32>,
      %add3A_182 = arith.addf %add3A_177, %get3A_181 : vector<16xf32>
      %add3A_183 = arith.constant 12800 : i32
      %add3A_184 = arith.addi %add3A_183, %multiple_of3A : i32
      %get3A_185 = arith.index_cast %add3A_184 : i32 to index
      %get3A_186 = tpu.vector_load %arg9[%get3A_185] {strides = array<i32>} : memref<40960xf32, #tpu.memory_space<vmem>>, vector<16xf32>,
      %add3A_187 = arith.addf %add3A_182, %get3A_186 : vector<16xf32>
      %add3A_188 = arith.constant 14080 : i32
      %add3A_189 = arith.addi %add3A_188, %multiple_of3A : i32
      %get3A_190 = arith.index_cast %add3A_189 : i32 to index
      %get3A_191 = tpu.vector_load %arg9[%get3A_190] {strides = array<i32>} : memref<40960xf32, #tpu.memory_space<vmem>>, vector<16xf32>,
      %add3A_192 = arith.addf %add3A_187, %get3A_191 : vector<16xf32>
      %add3A_193 = arith.constant 15360 : i32
      %add3A_194 = arith.addi %add3A_193, %multiple_of3A : i32
      %get3A_195 = arith.index_cast %add3A_194 : i32 to index
      %get3A_196 = tpu.vector_load %arg9[%get3A_195] {strides = array<i32>} : memref<40960xf32, #tpu.memory_space<vmem>>, vector<16xf32>,
      %add3A_197 = arith.addf %add3A_192, %get3A_196 : vector<16xf32>
      %add3A_198 = arith.constant 16640 : i32
      %add3A_199 = arith.addi %add3A_198, %multiple_of3A : i32
      %get3A_200 = arith.index_cast %add3A_199 : i32 to index
      %get3A_201 = tpu.vector_load %arg9[%get3A_200] {strides = array<i32>} : memref<40960xf32, #tpu.memory_space<vmem>>, vector<16xf32>,
      %add3A_202 = arith.addf %add3A_197, %get3A_201 : vector<16xf32>
      %add3A_203 = arith.constant 17920 : i32
      %add3A_204 = arith.addi %add3A_203, %multiple_of3A : i32
      %get3A_205 = arith.index_cast %add3A_204 : i32 to index
      %get3A_206 = tpu.vector_load %arg9[%get3A_205] {strides = array<i32>} : memref<40960xf32, #tpu.memory_space<vmem>>, vector<16xf32>,
      %add3A_207 = arith.addf %add3A_202, %get3A_206 : vector<16xf32>
      %add3A_208 = arith.constant 19200 : i32
      %add3A_209 = arith.addi %add3A_208, %multiple_of3A : i32
      %get3A_210 = arith.index_cast %add3A_209 : i32 to index
      %get3A_211 = tpu.vector_load %arg9[%get3A_210] {strides = array<i32>} : memref<40960xf32, #tpu.memory_space<vmem>>, vector<16xf32>,
      %add3A_212 = arith.addf %add3A_207, %get3A_211 : vector<16xf32>
      %add3A_213 = arith.constant 20480 : i32
      %add3A_214 = arith.addi %add3A_213, %multiple_of3A : i32
      %swap3A = arith.index_cast %add3A_214 : i32 to index
      %swap3A_215 = tpu.vector_load %arg9[%swap3A] {strides = array<i32>} : memref<40960xf32, #tpu.memory_space<vmem>>, vector<16xf32>,
      tpu.vector_store %arg9[%swap3A], %add3A_212 {strides = array<i32>} : memref<40960xf32, #tpu.memory_space<vmem>>, vector<16xf32>,
    }
    %scan3A_68 = arith.constant 80 : i32
    %mul3A_69 = arith.constant 1280 : i32
    %mul3A_70 = arith.muli %arg1, %mul3A_69 : i32
    %add3A_71 = arith.constant 0 : i32
    %add3A_72 = arith.addi %add3A_71, %mul3A_70 : i32
    "tpu.region"() ({
      %run_scoped3A_134 = tpu.sem_alloc : memref<!tpu.dma_semaphore, #tpu.memory_space<semaphore_mem>>
      %dma_start3A_135 = arith.constant 20480 : i32
      %dma_start3A_136 = tpu.memref_slice %arg9[%dma_start3A_135] : memref<40960xf32, #tpu.memory_space<vmem>> -> memref<1280xf32, #tpu.memory_space<vmem>>
      %dma_start3A_137 = tpu.memref_slice %arg6[%arg0, %add3A_72] : memref<2x40960xf32, #tpu.memory_space<hbm>> -> memref<1x1280xf32, #tpu.memory_space<hbm>>
      %dma_start3A_138 = tpu.memref_squeeze %dma_start3A_137 : memref<1x1280xf32, #tpu.memory_space<hbm>> -> memref<1280xf32, #tpu.memory_space<hbm>>
      %dma_start3A_139 = tpu.memref_slice %arg6[%arg0, %add3A_72] : memref<2x40960xf32, #tpu.memory_space<hbm>> -> memref<1x1280xf32, #tpu.memory_space<hbm>>
      %dma_start3A_140 = tpu.memref_squeeze %dma_start3A_139 : memref<1x1280xf32, #tpu.memory_space<hbm>> -> memref<1280xf32, #tpu.memory_space<hbm>>
      %dma_start3A_141 = arith.constant 20480 : i32
      %dma_start3A_142 = tpu.memref_slice %arg9[%dma_start3A_141] : memref<40960xf32, #tpu.memory_space<vmem>> -> memref<1280xf32, #tpu.memory_space<vmem>>
      tpu.enqueue_dma source(%dma_start3A_142 : memref<1280xf32, #tpu.memory_space<vmem>>) target(%dma_start3A_140 : memref<1280xf32, #tpu.memory_space<hbm>>) target_semaphore(%run_scoped3A_134 : memref<!tpu.dma_semaphore, #tpu.memory_space<semaphore_mem>>)
      %dma_wait3A_143 = arith.constant 20480 : i32
      %dma_wait3A_144 = tpu.memref_slice %arg9[%dma_wait3A_143] : memref<40960xf32, #tpu.memory_space<vmem>> -> memref<1280xf32, #tpu.memory_space<vmem>>
      %dma_wait3A_145 = tpu.memref_slice %arg6[%arg0, %add3A_72] : memref<2x40960xf32, #tpu.memory_space<hbm>> -> memref<1x1280xf32, #tpu.memory_space<hbm>>
      %dma_wait3A_146 = tpu.memref_squeeze %dma_wait3A_145 : memref<1x1280xf32, #tpu.memory_space<hbm>> -> memref<1280xf32, #tpu.memory_space<hbm>>
      %dma_wait3A_147 = tpu.memref_slice %arg6[%arg0, %add3A_72] : memref<2x40960xf32, #tpu.memory_space<hbm>> -> memref<1x1280xf32, #tpu.memory_space<hbm>>
      %dma_wait3A_148 = tpu.memref_squeeze %dma_wait3A_147 : memref<1x1280xf32, #tpu.memory_space<hbm>> -> memref<1280xf32, #tpu.memory_space<hbm>>
      %dma_wait3A_149 = arith.constant 20480 : i32
      %dma_wait3A_150 = tpu.memref_slice %arg9[%dma_wait3A_149] : memref<40960xf32, #tpu.memory_space<vmem>> -> memref<1280xf32, #tpu.memory_space<vmem>>
      tpu.wait_dma2 semaphore(%run_scoped3A_134 : memref<!tpu.dma_semaphore, #tpu.memory_space<semaphore_mem>>) src(%dma_wait3A_150 : memref<1280xf32, #tpu.memory_space<vmem>>) dst(%dma_wait3A_148 : memref<1280xf32, #tpu.memory_space<hbm>>)
      tpu.yield
    }) : () -> ()
    %barrier3A_73 = arith.constant 0 : index
    tpu.barrier barrier_id(%barrier3A_73)
    "tpu.region"() ({
      %run_scoped3A_134 = tpu.sem_alloc : memref<!tpu.dma_semaphore, #tpu.memory_space<semaphore_mem>>
      %dma_start3A_135 = arith.constant 20480 : i32
      %dma_start3A_136 = tpu.memref_slice %arg10[%dma_start3A_135] : memref<40960xf32, #tpu.memory_space<vmem>> -> memref<20480xf32, #tpu.memory_space<vmem>>
      %dma_start3A_137 = arith.constant 0 : i32
      %dma_start3A_138 = tpu.memref_slice %arg11[%arg1, %dma_start3A_137] : memref<16x20480xf32, #tpu.memory_space<vmem_shared>> -> memref<1x20480xf32, #tpu.memory_space<vmem_shared>>
      %dma_start3A_139 = tpu.memref_squeeze %dma_start3A_138 : memref<1x20480xf32, #tpu.memory_space<vmem_shared>> -> memref<20480xf32, #tpu.memory_space<vmem_shared>>
      %dma_start3A_140 = arith.constant 0 : i32
      %dma_start3A_141 = tpu.memref_slice %arg11[%arg1, %dma_start3A_140] : memref<16x20480xf32, #tpu.memory_space<vmem_shared>> -> memref<1x20480xf32, #tpu.memory_space<vmem_shared>>
      %dma_start3A_142 = tpu.memref_squeeze %dma_start3A_141 : memref<1x20480xf32, #tpu.memory_space<vmem_shared>> -> memref<20480xf32, #tpu.memory_space<vmem_shared>>
      %dma_start3A_143 = arith.constant 20480 : i32
      %dma_start3A_144 = tpu.memref_slice %arg10[%dma_start3A_143] : memref<40960xf32, #tpu.memory_space<vmem>> -> memref<20480xf32, #tpu.memory_space<vmem>>
      tpu.enqueue_dma source(%dma_start3A_144 : memref<20480xf32, #tpu.memory_space<vmem>>) target(%dma_start3A_142 : memref<20480xf32, #tpu.memory_space<vmem_shared>>) target_semaphore(%run_scoped3A_134 : memref<!tpu.dma_semaphore, #tpu.memory_space<semaphore_mem>>)
      %dma_wait3A_145 = arith.constant 20480 : i32
      %dma_wait3A_146 = tpu.memref_slice %arg10[%dma_wait3A_145] : memref<40960xf32, #tpu.memory_space<vmem>> -> memref<20480xf32, #tpu.memory_space<vmem>>
      %dma_wait3A_147 = arith.constant 0 : i32
      %dma_wait3A_148 = tpu.memref_slice %arg11[%arg1, %dma_wait3A_147] : memref<16x20480xf32, #tpu.memory_space<vmem_shared>> -> memref<1x20480xf32, #tpu.memory_space<vmem_shared>>
      %dma_wait3A_149 = tpu.memref_squeeze %dma_wait3A_148 : memref<1x20480xf32, #tpu.memory_space<vmem_shared>> -> memref<20480xf32, #tpu.memory_space<vmem_shared>>
      %dma_wait3A_150 = arith.constant 0 : i32
      %dma_wait3A_151 = tpu.memref_slice %arg11[%arg1, %dma_wait3A_150] : memref<16x20480xf32, #tpu.memory_space<vmem_shared>> -> memref<1x20480xf32, #tpu.memory_space<vmem_shared>>
      %dma_wait3A_152 = tpu.memref_squeeze %dma_wait3A_151 : memref<1x20480xf32, #tpu.memory_space<vmem_shared>> -> memref<20480xf32, #tpu.memory_space<vmem_shared>>
      %dma_wait3A_153 = arith.constant 20480 : i32
      %dma_wait3A_154 = tpu.memref_slice %arg10[%dma_wait3A_153] : memref<40960xf32, #tpu.memory_space<vmem>> -> memref<20480xf32, #tpu.memory_space<vmem>>
      tpu.wait_dma2 semaphore(%run_scoped3A_134 : memref<!tpu.dma_semaphore, #tpu.memory_space<semaphore_mem>>) src(%dma_wait3A_154 : memref<20480xf32, #tpu.memory_space<vmem>>) dst(%dma_wait3A_152 : memref<20480xf32, #tpu.memory_space<vmem_shared>>)
      tpu.yield
    }) : () -> ()
    %barrier3A_74 = arith.constant 0 : index
    tpu.barrier barrier_id(%barrier3A_74)
    %mul3A_75 = arith.constant 1280 : i32
    %mul3A_76 = arith.muli %arg1, %mul3A_75 : i32
    %run_scoped3A_77 = arith.constant 0 : i32
    "tpu.region"() ({
      %run_scoped3A_134 = tpu.sem_alloc : memref<!tpu.dma_semaphore, #tpu.memory_space<semaphore_mem>>
      %dma_start3A_135 = arith.constant 0 : i32
      %dma_start3A_136 = tpu.memref_slice %arg9[%dma_start3A_135] : memref<40960xf32, #tpu.memory_space<vmem>> -> memref<1280xf32, #tpu.memory_space<vmem>>
      %dma_start3A_137 = tpu.memref_slice %arg11[%run_scoped3A_77, %mul3A_76] : memref<16x20480xf32, #tpu.memory_space<vmem_shared>> -> memref<1x1280xf32, #tpu.memory_space<vmem_shared>>
      %dma_start3A_138 = tpu.memref_squeeze %dma_start3A_137 : memref<1x1280xf32, #tpu.memory_space<vmem_shared>> -> memref<1280xf32, #tpu.memory_space<vmem_shared>>
      %dma_start3A_139 = arith.constant 0 : i32
      %dma_start3A_140 = tpu.memref_slice %arg9[%dma_start3A_139] : memref<40960xf32, #tpu.memory_space<vmem>> -> memref<1280xf32, #tpu.memory_space<vmem>>
      %dma_start3A_141 = tpu.memref_slice %arg11[%run_scoped3A_77, %mul3A_76] : memref<16x20480xf32, #tpu.memory_space<vmem_shared>> -> memref<1x1280xf32, #tpu.memory_space<vmem_shared>>
      %dma_start3A_142 = tpu.memref_squeeze %dma_start3A_141 : memref<1x1280xf32, #tpu.memory_space<vmem_shared>> -> memref<1280xf32, #tpu.memory_space<vmem_shared>>
      tpu.enqueue_dma source(%dma_start3A_142 : memref<1280xf32, #tpu.memory_space<vmem_shared>>) target(%dma_start3A_140 : memref<1280xf32, #tpu.memory_space<vmem>>) target_semaphore(%run_scoped3A_134 : memref<!tpu.dma_semaphore, #tpu.memory_space<semaphore_mem>>)
      %dma_wait3A_143 = arith.constant 0 : i32
      %dma_wait3A_144 = tpu.memref_slice %arg9[%dma_wait3A_143] : memref<40960xf32, #tpu.memory_space<vmem>> -> memref<1280xf32, #tpu.memory_space<vmem>>
      %dma_wait3A_145 = tpu.memref_slice %arg11[%run_scoped3A_77, %mul3A_76] : memref<16x20480xf32, #tpu.memory_space<vmem_shared>> -> memref<1x1280xf32, #tpu.memory_space<vmem_shared>>
      %dma_wait3A_146 = tpu.memref_squeeze %dma_wait3A_145 : memref<1x1280xf32, #tpu.memory_space<vmem_shared>> -> memref<1280xf32, #tpu.memory_space<vmem_shared>>
      %dma_wait3A_147 = arith.constant 0 : i32
      %dma_wait3A_148 = tpu.memref_slice %arg9[%dma_wait3A_147] : memref<40960xf32, #tpu.memory_space<vmem>> -> memref<1280xf32, #tpu.memory_space<vmem>>
      %dma_wait3A_149 = tpu.memref_slice %arg11[%run_scoped3A_77, %mul3A_76] : memref<16x20480xf32, #tpu.memory_space<vmem_shared>> -> memref<1x1280xf32, #tpu.memory_space<vmem_shared>>
      %dma_wait3A_150 = tpu.memref_squeeze %dma_wait3A_149 : memref<1x1280xf32, #tpu.memory_space<vmem_shared>> -> memref<1280xf32, #tpu.memory_space<vmem_shared>>
      tpu.wait_dma2 semaphore(%run_scoped3A_134 : memref<!tpu.dma_semaphore, #tpu.memory_space<semaphore_mem>>) src(%dma_wait3A_150 : memref<1280xf32, #tpu.memory_space<vmem_shared>>) dst(%dma_wait3A_148 : memref<1280xf32, #tpu.memory_space<vmem>>)
      tpu.yield
    }) : () -> ()
    %mul3A_78 = arith.constant 1280 : i32
    %mul3A_79 = arith.muli %arg1, %mul3A_78 : i32
    %run_scoped3A_80 = arith.constant 1 : i32
    "tpu.region"() ({
      %run_scoped3A_134 = tpu.sem_alloc : memref<!tpu.dma_semaphore, #tpu.memory_space<semaphore_mem>>
      %dma_start3A_135 = arith.constant 1280 : i32
      %dma_start3A_136 = tpu.memref_slice %arg9[%dma_start3A_135] : memref<40960xf32, #tpu.memory_space<vmem>> -> memref<1280xf32, #tpu.memory_space<vmem>>
      %dma_start3A_137 = tpu.memref_slice %arg11[%run_scoped3A_80, %mul3A_79] : memref<16x20480xf32, #tpu.memory_space<vmem_shared>> -> memref<1x1280xf32, #tpu.memory_space<vmem_shared>>
      %dma_start3A_138 = tpu.memref_squeeze %dma_start3A_137 : memref<1x1280xf32, #tpu.memory_space<vmem_shared>> -> memref<1280xf32, #tpu.memory_space<vmem_shared>>
      %dma_start3A_139 = arith.constant 1280 : i32
      %dma_start3A_140 = tpu.memref_slice %arg9[%dma_start3A_139] : memref<40960xf32, #tpu.memory_space<vmem>> -> memref<1280xf32, #tpu.memory_space<vmem>>
      %dma_start3A_141 = tpu.memref_slice %arg11[%run_scoped3A_80, %mul3A_79] : memref<16x20480xf32, #tpu.memory_space<vmem_shared>> -> memref<1x1280xf32, #tpu.memory_space<vmem_shared>>
      %dma_start3A_142 = tpu.memref_squeeze %dma_start3A_141 : memref<1x1280xf32, #tpu.memory_space<vmem_shared>> -> memref<1280xf32, #tpu.memory_space<vmem_shared>>
      tpu.enqueue_dma source(%dma_start3A_142 : memref<1280xf32, #tpu.memory_space<vmem_shared>>) target(%dma_start3A_140 : memref<1280xf32, #tpu.memory_space<vmem>>) target_semaphore(%run_scoped3A_134 : memref<!tpu.dma_semaphore, #tpu.memory_space<semaphore_mem>>)
      %dma_wait3A_143 = arith.constant 1280 : i32
      %dma_wait3A_144 = tpu.memref_slice %arg9[%dma_wait3A_143] : memref<40960xf32, #tpu.memory_space<vmem>> -> memref<1280xf32, #tpu.memory_space<vmem>>
      %dma_wait3A_145 = tpu.memref_slice %arg11[%run_scoped3A_80, %mul3A_79] : memref<16x20480xf32, #tpu.memory_space<vmem_shared>> -> memref<1x1280xf32, #tpu.memory_space<vmem_shared>>
      %dma_wait3A_146 = tpu.memref_squeeze %dma_wait3A_145 : memref<1x1280xf32, #tpu.memory_space<vmem_shared>> -> memref<1280xf32, #tpu.memory_space<vmem_shared>>
      %dma_wait3A_147 = arith.constant 1280 : i32
      %dma_wait3A_148 = tpu.memref_slice %arg9[%dma_wait3A_147] : memref<40960xf32, #tpu.memory_space<vmem>> -> memref<1280xf32, #tpu.memory_space<vmem>>
      %dma_wait3A_149 = tpu.memref_slice %arg11[%run_scoped3A_80, %mul3A_79] : memref<16x20480xf32, #tpu.memory_space<vmem_shared>> -> memref<1x1280xf32, #tpu.memory_space<vmem_shared>>
      %dma_wait3A_150 = tpu.memref_squeeze %dma_wait3A_149 : memref<1x1280xf32, #tpu.memory_space<vmem_shared>> -> memref<1280xf32, #tpu.memory_space<vmem_shared>>
      tpu.wait_dma2 semaphore(%run_scoped3A_134 : memref<!tpu.dma_semaphore, #tpu.memory_space<semaphore_mem>>) src(%dma_wait3A_150 : memref<1280xf32, #tpu.memory_space<vmem_shared>>) dst(%dma_wait3A_148 : memref<1280xf32, #tpu.memory_space<vmem>>)
      tpu.yield
    }) : () -> ()
    %mul3A_81 = arith.constant 1280 : i32
    %mul3A_82 = arith.muli %arg1, %mul3A_81 : i32
    %run_scoped3A_83 = arith.constant 2 : i32
    "tpu.region"() ({
      %run_scoped3A_134 = tpu.sem_alloc : memref<!tpu.dma_semaphore, #tpu.memory_space<semaphore_mem>>
      %dma_start3A_135 = arith.constant 2560 : i32
      %dma_start3A_136 = tpu.memref_slice %arg9[%dma_start3A_135] : memref<40960xf32, #tpu.memory_space<vmem>> -> memref<1280xf32, #tpu.memory_space<vmem>>
      %dma_start3A_137 = tpu.memref_slice %arg11[%run_scoped3A_83, %mul3A_82] : memref<16x20480xf32, #tpu.memory_space<vmem_shared>> -> memref<1x1280xf32, #tpu.memory_space<vmem_shared>>
      %dma_start3A_138 = tpu.memref_squeeze %dma_start3A_137 : memref<1x1280xf32, #tpu.memory_space<vmem_shared>> -> memref<1280xf32, #tpu.memory_space<vmem_shared>>
      %dma_start3A_139 = arith.constant 2560 : i32
      %dma_start3A_140 = tpu.memref_slice %arg9[%dma_start3A_139] : memref<40960xf32, #tpu.memory_space<vmem>> -> memref<1280xf32, #tpu.memory_space<vmem>>
      %dma_start3A_141 = tpu.memref_slice %arg11[%run_scoped3A_83, %mul3A_82] : memref<16x20480xf32, #tpu.memory_space<vmem_shared>> -> memref<1x1280xf32, #tpu.memory_space<vmem_shared>>
      %dma_start3A_142 = tpu.memref_squeeze %dma_start3A_141 : memref<1x1280xf32, #tpu.memory_space<vmem_shared>> -> memref<1280xf32, #tpu.memory_space<vmem_shared>>
      tpu.enqueue_dma source(%dma_start3A_142 : memref<1280xf32, #tpu.memory_space<vmem_shared>>) target(%dma_start3A_140 : memref<1280xf32, #tpu.memory_space<vmem>>) target_semaphore(%run_scoped3A_134 : memref<!tpu.dma_semaphore, #tpu.memory_space<semaphore_mem>>)
      %dma_wait3A_143 = arith.constant 2560 : i32
      %dma_wait3A_144 = tpu.memref_slice %arg9[%dma_wait3A_143] : memref<40960xf32, #tpu.memory_space<vmem>> -> memref<1280xf32, #tpu.memory_space<vmem>>
      %dma_wait3A_145 = tpu.memref_slice %arg11[%run_scoped3A_83, %mul3A_82] : memref<16x20480xf32, #tpu.memory_space<vmem_shared>> -> memref<1x1280xf32, #tpu.memory_space<vmem_shared>>
      %dma_wait3A_146 = tpu.memref_squeeze %dma_wait3A_145 : memref<1x1280xf32, #tpu.memory_space<vmem_shared>> -> memref<1280xf32, #tpu.memory_space<vmem_shared>>
      %dma_wait3A_147 = arith.constant 2560 : i32
      %dma_wait3A_148 = tpu.memref_slice %arg9[%dma_wait3A_147] : memref<40960xf32, #tpu.memory_space<vmem>> -> memref<1280xf32, #tpu.memory_space<vmem>>
      %dma_wait3A_149 = tpu.memref_slice %arg11[%run_scoped3A_83, %mul3A_82] : memref<16x20480xf32, #tpu.memory_space<vmem_shared>> -> memref<1x1280xf32, #tpu.memory_space<vmem_shared>>
      %dma_wait3A_150 = tpu.memref_squeeze %dma_wait3A_149 : memref<1x1280xf32, #tpu.memory_space<vmem_shared>> -> memref<1280xf32, #tpu.memory_space<vmem_shared>>
      tpu.wait_dma2 semaphore(%run_scoped3A_134 : memref<!tpu.dma_semaphore, #tpu.memory_space<semaphore_mem>>) src(%dma_wait3A_150 : memref<1280xf32, #tpu.memory_space<vmem_shared>>) dst(%dma_wait3A_148 : memref<1280xf32, #tpu.memory_space<vmem>>)
      tpu.yield
    }) : () -> ()
    %mul3A_84 = arith.constant 1280 : i32
    %mul3A_85 = arith.muli %arg1, %mul3A_84 : i32
    %run_scoped3A_86 = arith.constant 3 : i32
    "tpu.region"() ({
      %run_scoped3A_134 = tpu.sem_alloc : memref<!tpu.dma_semaphore, #tpu.memory_space<semaphore_mem>>
      %dma_start3A_135 = arith.constant 3840 : i32
      %dma_start3A_136 = tpu.memref_slice %arg9[%dma_start3A_135] : memref<40960xf32, #tpu.memory_space<vmem>> -> memref<1280xf32, #tpu.memory_space<vmem>>
      %dma_start3A_137 = tpu.memref_slice %arg11[%run_scoped3A_86, %mul3A_85] : memref<16x20480xf32, #tpu.memory_space<vmem_shared>> -> memref<1x1280xf32, #tpu.memory_space<vmem_shared>>
      %dma_start3A_138 = tpu.memref_squeeze %dma_start3A_137 : memref<1x1280xf32, #tpu.memory_space<vmem_shared>> -> memref<1280xf32, #tpu.memory_space<vmem_shared>>
      %dma_start3A_139 = arith.constant 3840 : i32
      %dma_start3A_140 = tpu.memref_slice %arg9[%dma_start3A_139] : memref<40960xf32, #tpu.memory_space<vmem>> -> memref<1280xf32, #tpu.memory_space<vmem>>
      %dma_start3A_141 = tpu.memref_slice %arg11[%run_scoped3A_86, %mul3A_85] : memref<16x20480xf32, #tpu.memory_space<vmem_shared>> -> memref<1x1280xf32, #tpu.memory_space<vmem_shared>>
      %dma_start3A_142 = tpu.memref_squeeze %dma_start3A_141 : memref<1x1280xf32, #tpu.memory_space<vmem_shared>> -> memref<1280xf32, #tpu.memory_space<vmem_shared>>
      tpu.enqueue_dma source(%dma_start3A_142 : memref<1280xf32, #tpu.memory_space<vmem_shared>>) target(%dma_start3A_140 : memref<1280xf32, #tpu.memory_space<vmem>>) target_semaphore(%run_scoped3A_134 : memref<!tpu.dma_semaphore, #tpu.memory_space<semaphore_mem>>)
      %dma_wait3A_143 = arith.constant 3840 : i32
      %dma_wait3A_144 = tpu.memref_slice %arg9[%dma_wait3A_143] : memref<40960xf32, #tpu.memory_space<vmem>> -> memref<1280xf32, #tpu.memory_space<vmem>>
      %dma_wait3A_145 = tpu.memref_slice %arg11[%run_scoped3A_86, %mul3A_85] : memref<16x20480xf32, #tpu.memory_space<vmem_shared>> -> memref<1x1280xf32, #tpu.memory_space<vmem_shared>>
      %dma_wait3A_146 = tpu.memref_squeeze %dma_wait3A_145 : memref<1x1280xf32, #tpu.memory_space<vmem_shared>> -> memref<1280xf32, #tpu.memory_space<vmem_shared>>
      %dma_wait3A_147 = arith.constant 3840 : i32
      %dma_wait3A_148 = tpu.memref_slice %arg9[%dma_wait3A_147] : memref<40960xf32, #tpu.memory_space<vmem>> -> memref<1280xf32, #tpu.memory_space<vmem>>
      %dma_wait3A_149 = tpu.memref_slice %arg11[%run_scoped3A_86, %mul3A_85] : memref<16x20480xf32, #tpu.memory_space<vmem_shared>> -> memref<1x1280xf32, #tpu.memory_space<vmem_shared>>
      %dma_wait3A_150 = tpu.memref_squeeze %dma_wait3A_149 : memref<1x1280xf32, #tpu.memory_space<vmem_shared>> -> memref<1280xf32, #tpu.memory_space<vmem_shared>>
      tpu.wait_dma2 semaphore(%run_scoped3A_134 : memref<!tpu.dma_semaphore, #tpu.memory_space<semaphore_mem>>) src(%dma_wait3A_150 : memref<1280xf32, #tpu.memory_space<vmem_shared>>) dst(%dma_wait3A_148 : memref<1280xf32, #tpu.memory_space<vmem>>)
      tpu.yield
    }) : () -> ()
    %mul3A_87 = arith.constant 1280 : i32
    %mul3A_88 = arith.muli %arg1, %mul3A_87 : i32
    %run_scoped3A_89 = arith.constant 4 : i32
    "tpu.region"() ({
      %run_scoped3A_134 = tpu.sem_alloc : memref<!tpu.dma_semaphore, #tpu.memory_space<semaphore_mem>>
      %dma_start3A_135 = arith.constant 5120 : i32
      %dma_start3A_136 = tpu.memref_slice %arg9[%dma_start3A_135] : memref<40960xf32, #tpu.memory_space<vmem>> -> memref<1280xf32, #tpu.memory_space<vmem>>
      %dma_start3A_137 = tpu.memref_slice %arg11[%run_scoped3A_89, %mul3A_88] : memref<16x20480xf32, #tpu.memory_space<vmem_shared>> -> memref<1x1280xf32, #tpu.memory_space<vmem_shared>>
      %dma_start3A_138 = tpu.memref_squeeze %dma_start3A_137 : memref<1x1280xf32, #tpu.memory_space<vmem_shared>> -> memref<1280xf32, #tpu.memory_space<vmem_shared>>
      %dma_start3A_139 = arith.constant 5120 : i32
      %dma_start3A_140 = tpu.memref_slice %arg9[%dma_start3A_139] : memref<40960xf32, #tpu.memory_space<vmem>> -> memref<1280xf32, #tpu.memory_space<vmem>>
      %dma_start3A_141 = tpu.memref_slice %arg11[%run_scoped3A_89, %mul3A_88] : memref<16x20480xf32, #tpu.memory_space<vmem_shared>> -> memref<1x1280xf32, #tpu.memory_space<vmem_shared>>
      %dma_start3A_142 = tpu.memref_squeeze %dma_start3A_141 : memref<1x1280xf32, #tpu.memory_space<vmem_shared>> -> memref<1280xf32, #tpu.memory_space<vmem_shared>>
      tpu.enqueue_dma source(%dma_start3A_142 : memref<1280xf32, #tpu.memory_space<vmem_shared>>) target(%dma_start3A_140 : memref<1280xf32, #tpu.memory_space<vmem>>) target_semaphore(%run_scoped3A_134 : memref<!tpu.dma_semaphore, #tpu.memory_space<semaphore_mem>>)
      %dma_wait3A_143 = arith.constant 5120 : i32
      %dma_wait3A_144 = tpu.memref_slice %arg9[%dma_wait3A_143] : memref<40960xf32, #tpu.memory_space<vmem>> -> memref<1280xf32, #tpu.memory_space<vmem>>
      %dma_wait3A_145 = tpu.memref_slice %arg11[%run_scoped3A_89, %mul3A_88] : memref<16x20480xf32, #tpu.memory_space<vmem_shared>> -> memref<1x1280xf32, #tpu.memory_space<vmem_shared>>
      %dma_wait3A_146 = tpu.memref_squeeze %dma_wait3A_145 : memref<1x1280xf32, #tpu.memory_space<vmem_shared>> -> memref<1280xf32, #tpu.memory_space<vmem_shared>>
      %dma_wait3A_147 = arith.constant 5120 : i32
      %dma_wait3A_148 = tpu.memref_slice %arg9[%dma_wait3A_147] : memref<40960xf32, #tpu.memory_space<vmem>> -> memref<1280xf32, #tpu.memory_space<vmem>>
      %dma_wait3A_149 = tpu.memref_slice %arg11[%run_scoped3A_89, %mul3A_88] : memref<16x20480xf32, #tpu.memory_space<vmem_shared>> -> memref<1x1280xf32, #tpu.memory_space<vmem_shared>>
      %dma_wait3A_150 = tpu.memref_squeeze %dma_wait3A_149 : memref<1x1280xf32, #tpu.memory_space<vmem_shared>> -> memref<1280xf32, #tpu.memory_space<vmem_shared>>
      tpu.wait_dma2 semaphore(%run_scoped3A_134 : memref<!tpu.dma_semaphore, #tpu.memory_space<semaphore_mem>>) src(%dma_wait3A_150 : memref<1280xf32, #tpu.memory_space<vmem_shared>>) dst(%dma_wait3A_148 : memref<1280xf32, #tpu.memory_space<vmem>>)
      tpu.yield
    }) : () -> ()
    %mul3A_90 = arith.constant 1280 : i32
    %mul3A_91 = arith.muli %arg1, %mul3A_90 : i32
    %run_scoped3A_92 = arith.constant 5 : i32
    "tpu.region"() ({
      %run_scoped3A_134 = tpu.sem_alloc : memref<!tpu.dma_semaphore, #tpu.memory_space<semaphore_mem>>
      %dma_start3A_135 = arith.constant 6400 : i32
      %dma_start3A_136 = tpu.memref_slice %arg9[%dma_start3A_135] : memref<40960xf32, #tpu.memory_space<vmem>> -> memref<1280xf32, #tpu.memory_space<vmem>>
      %dma_start3A_137 = tpu.memref_slice %arg11[%run_scoped3A_92, %mul3A_91] : memref<16x20480xf32, #tpu.memory_space<vmem_shared>> -> memref<1x1280xf32, #tpu.memory_space<vmem_shared>>
      %dma_start3A_138 = tpu.memref_squeeze %dma_start3A_137 : memref<1x1280xf32, #tpu.memory_space<vmem_shared>> -> memref<1280xf32, #tpu.memory_space<vmem_shared>>
      %dma_start3A_139 = arith.constant 6400 : i32
      %dma_start3A_140 = tpu.memref_slice %arg9[%dma_start3A_139] : memref<40960xf32, #tpu.memory_space<vmem>> -> memref<1280xf32, #tpu.memory_space<vmem>>
      %dma_start3A_141 = tpu.memref_slice %arg11[%run_scoped3A_92, %mul3A_91] : memref<16x20480xf32, #tpu.memory_space<vmem_shared>> -> memref<1x1280xf32, #tpu.memory_space<vmem_shared>>
      %dma_start3A_142 = tpu.memref_squeeze %dma_start3A_141 : memref<1x1280xf32, #tpu.memory_space<vmem_shared>> -> memref<1280xf32, #tpu.memory_space<vmem_shared>>
      tpu.enqueue_dma source(%dma_start3A_142 : memref<1280xf32, #tpu.memory_space<vmem_shared>>) target(%dma_start3A_140 : memref<1280xf32, #tpu.memory_space<vmem>>) target_semaphore(%run_scoped3A_134 : memref<!tpu.dma_semaphore, #tpu.memory_space<semaphore_mem>>)
      %dma_wait3A_143 = arith.constant 6400 : i32
      %dma_wait3A_144 = tpu.memref_slice %arg9[%dma_wait3A_143] : memref<40960xf32, #tpu.memory_space<vmem>> -> memref<1280xf32, #tpu.memory_space<vmem>>
      %dma_wait3A_145 = tpu.memref_slice %arg11[%run_scoped3A_92, %mul3A_91] : memref<16x20480xf32, #tpu.memory_space<vmem_shared>> -> memref<1x1280xf32, #tpu.memory_space<vmem_shared>>
      %dma_wait3A_146 = tpu.memref_squeeze %dma_wait3A_145 : memref<1x1280xf32, #tpu.memory_space<vmem_shared>> -> memref<1280xf32, #tpu.memory_space<vmem_shared>>
      %dma_wait3A_147 = arith.constant 6400 : i32
      %dma_wait3A_148 = tpu.memref_slice %arg9[%dma_wait3A_147] : memref<40960xf32, #tpu.memory_space<vmem>> -> memref<1280xf32, #tpu.memory_space<vmem>>
      %dma_wait3A_149 = tpu.memref_slice %arg11[%run_scoped3A_92, %mul3A_91] : memref<16x20480xf32, #tpu.memory_space<vmem_shared>> -> memref<1x1280xf32, #tpu.memory_space<vmem_shared>>
      %dma_wait3A_150 = tpu.memref_squeeze %dma_wait3A_149 : memref<1x1280xf32, #tpu.memory_space<vmem_shared>> -> memref<1280xf32, #tpu.memory_space<vmem_shared>>
      tpu.wait_dma2 semaphore(%run_scoped3A_134 : memref<!tpu.dma_semaphore, #tpu.memory_space<semaphore_mem>>) src(%dma_wait3A_150 : memref<1280xf32, #tpu.memory_space<vmem_shared>>) dst(%dma_wait3A_148 : memref<1280xf32, #tpu.memory_space<vmem>>)
      tpu.yield
    }) : () -> ()
    %mul3A_93 = arith.constant 1280 : i32
    %mul3A_94 = arith.muli %arg1, %mul3A_93 : i32
    %run_scoped3A_95 = arith.constant 6 : i32
    "tpu.region"() ({
      %run_scoped3A_134 = tpu.sem_alloc : memref<!tpu.dma_semaphore, #tpu.memory_space<semaphore_mem>>
      %dma_start3A_135 = arith.constant 7680 : i32
      %dma_start3A_136 = tpu.memref_slice %arg9[%dma_start3A_135] : memref<40960xf32, #tpu.memory_space<vmem>> -> memref<1280xf32, #tpu.memory_space<vmem>>
      %dma_start3A_137 = tpu.memref_slice %arg11[%run_scoped3A_95, %mul3A_94] : memref<16x20480xf32, #tpu.memory_space<vmem_shared>> -> memref<1x1280xf32, #tpu.memory_space<vmem_shared>>
      %dma_start3A_138 = tpu.memref_squeeze %dma_start3A_137 : memref<1x1280xf32, #tpu.memory_space<vmem_shared>> -> memref<1280xf32, #tpu.memory_space<vmem_shared>>
      %dma_start3A_139 = arith.constant 7680 : i32
      %dma_start3A_140 = tpu.memref_slice %arg9[%dma_start3A_139] : memref<40960xf32, #tpu.memory_space<vmem>> -> memref<1280xf32, #tpu.memory_space<vmem>>
      %dma_start3A_141 = tpu.memref_slice %arg11[%run_scoped3A_95, %mul3A_94] : memref<16x20480xf32, #tpu.memory_space<vmem_shared>> -> memref<1x1280xf32, #tpu.memory_space<vmem_shared>>
      %dma_start3A_142 = tpu.memref_squeeze %dma_start3A_141 : memref<1x1280xf32, #tpu.memory_space<vmem_shared>> -> memref<1280xf32, #tpu.memory_space<vmem_shared>>
      tpu.enqueue_dma source(%dma_start3A_142 : memref<1280xf32, #tpu.memory_space<vmem_shared>>) target(%dma_start3A_140 : memref<1280xf32, #tpu.memory_space<vmem>>) target_semaphore(%run_scoped3A_134 : memref<!tpu.dma_semaphore, #tpu.memory_space<semaphore_mem>>)
      %dma_wait3A_143 = arith.constant 7680 : i32
      %dma_wait3A_144 = tpu.memref_slice %arg9[%dma_wait3A_143] : memref<40960xf32, #tpu.memory_space<vmem>> -> memref<1280xf32, #tpu.memory_space<vmem>>
      %dma_wait3A_145 = tpu.memref_slice %arg11[%run_scoped3A_95, %mul3A_94] : memref<16x20480xf32, #tpu.memory_space<vmem_shared>> -> memref<1x1280xf32, #tpu.memory_space<vmem_shared>>
      %dma_wait3A_146 = tpu.memref_squeeze %dma_wait3A_145 : memref<1x1280xf32, #tpu.memory_space<vmem_shared>> -> memref<1280xf32, #tpu.memory_space<vmem_shared>>
      %dma_wait3A_147 = arith.constant 7680 : i32
      %dma_wait3A_148 = tpu.memref_slice %arg9[%dma_wait3A_147] : memref<40960xf32, #tpu.memory_space<vmem>> -> memref<1280xf32, #tpu.memory_space<vmem>>
      %dma_wait3A_149 = tpu.memref_slice %arg11[%run_scoped3A_95, %mul3A_94] : memref<16x20480xf32, #tpu.memory_space<vmem_shared>> -> memref<1x1280xf32, #tpu.memory_space<vmem_shared>>
      %dma_wait3A_150 = tpu.memref_squeeze %dma_wait3A_149 : memref<1x1280xf32, #tpu.memory_space<vmem_shared>> -> memref<1280xf32, #tpu.memory_space<vmem_shared>>
      tpu.wait_dma2 semaphore(%run_scoped3A_134 : memref<!tpu.dma_semaphore, #tpu.memory_space<semaphore_mem>>) src(%dma_wait3A_150 : memref<1280xf32, #tpu.memory_space<vmem_shared>>) dst(%dma_wait3A_148 : memref<1280xf32, #tpu.memory_space<vmem>>)
      tpu.yield
    }) : () -> ()
    %mul3A_96 = arith.constant 1280 : i32
    %mul3A_97 = arith.muli %arg1, %mul3A_96 : i32
    %run_scoped3A_98 = arith.constant 7 : i32
    "tpu.region"() ({
      %run_scoped3A_134 = tpu.sem_alloc : memref<!tpu.dma_semaphore, #tpu.memory_space<semaphore_mem>>
      %dma_start3A_135 = arith.constant 8960 : i32
      %dma_start3A_136 = tpu.memref_slice %arg9[%dma_start3A_135] : memref<40960xf32, #tpu.memory_space<vmem>> -> memref<1280xf32, #tpu.memory_space<vmem>>
      %dma_start3A_137 = tpu.memref_slice %arg11[%run_scoped3A_98, %mul3A_97] : memref<16x20480xf32, #tpu.memory_space<vmem_shared>> -> memref<1x1280xf32, #tpu.memory_space<vmem_shared>>
      %dma_start3A_138 = tpu.memref_squeeze %dma_start3A_137 : memref<1x1280xf32, #tpu.memory_space<vmem_shared>> -> memref<1280xf32, #tpu.memory_space<vmem_shared>>
      %dma_start3A_139 = arith.constant 8960 : i32
      %dma_start3A_140 = tpu.memref_slice %arg9[%dma_start3A_139] : memref<40960xf32, #tpu.memory_space<vmem>> -> memref<1280xf32, #tpu.memory_space<vmem>>
      %dma_start3A_141 = tpu.memref_slice %arg11[%run_scoped3A_98, %mul3A_97] : memref<16x20480xf32, #tpu.memory_space<vmem_shared>> -> memref<1x1280xf32, #tpu.memory_space<vmem_shared>>
      %dma_start3A_142 = tpu.memref_squeeze %dma_start3A_141 : memref<1x1280xf32, #tpu.memory_space<vmem_shared>> -> memref<1280xf32, #tpu.memory_space<vmem_shared>>
      tpu.enqueue_dma source(%dma_start3A_142 : memref<1280xf32, #tpu.memory_space<vmem_shared>>) target(%dma_start3A_140 : memref<1280xf32, #tpu.memory_space<vmem>>) target_semaphore(%run_scoped3A_134 : memref<!tpu.dma_semaphore, #tpu.memory_space<semaphore_mem>>)
      %dma_wait3A_143 = arith.constant 8960 : i32
      %dma_wait3A_144 = tpu.memref_slice %arg9[%dma_wait3A_143] : memref<40960xf32, #tpu.memory_space<vmem>> -> memref<1280xf32, #tpu.memory_space<vmem>>
      %dma_wait3A_145 = tpu.memref_slice %arg11[%run_scoped3A_98, %mul3A_97] : memref<16x20480xf32, #tpu.memory_space<vmem_shared>> -> memref<1x1280xf32, #tpu.memory_space<vmem_shared>>
      %dma_wait3A_146 = tpu.memref_squeeze %dma_wait3A_145 : memref<1x1280xf32, #tpu.memory_space<vmem_shared>> -> memref<1280xf32, #tpu.memory_space<vmem_shared>>
      %dma_wait3A_147 = arith.constant 8960 : i32
      %dma_wait3A_148 = tpu.memref_slice %arg9[%dma_wait3A_147] : memref<40960xf32, #tpu.memory_space<vmem>> -> memref<1280xf32, #tpu.memory_space<vmem>>
      %dma_wait3A_149 = tpu.memref_slice %arg11[%run_scoped3A_98, %mul3A_97] : memref<16x20480xf32, #tpu.memory_space<vmem_shared>> -> memref<1x1280xf32, #tpu.memory_space<vmem_shared>>
      %dma_wait3A_150 = tpu.memref_squeeze %dma_wait3A_149 : memref<1x1280xf32, #tpu.memory_space<vmem_shared>> -> memref<1280xf32, #tpu.memory_space<vmem_shared>>
      tpu.wait_dma2 semaphore(%run_scoped3A_134 : memref<!tpu.dma_semaphore, #tpu.memory_space<semaphore_mem>>) src(%dma_wait3A_150 : memref<1280xf32, #tpu.memory_space<vmem_shared>>) dst(%dma_wait3A_148 : memref<1280xf32, #tpu.memory_space<vmem>>)
      tpu.yield
    }) : () -> ()
    %mul3A_99 = arith.constant 1280 : i32
    %mul3A_100 = arith.muli %arg1, %mul3A_99 : i32
    %run_scoped3A_101 = arith.constant 8 : i32
    "tpu.region"() ({
      %run_scoped3A_134 = tpu.sem_alloc : memref<!tpu.dma_semaphore, #tpu.memory_space<semaphore_mem>>
      %dma_start3A_135 = arith.constant 10240 : i32
      %dma_start3A_136 = tpu.memref_slice %arg9[%dma_start3A_135] : memref<40960xf32, #tpu.memory_space<vmem>> -> memref<1280xf32, #tpu.memory_space<vmem>>
      %dma_start3A_137 = tpu.memref_slice %arg11[%run_scoped3A_101, %mul3A_100] : memref<16x20480xf32, #tpu.memory_space<vmem_shared>> -> memref<1x1280xf32, #tpu.memory_space<vmem_shared>>
      %dma_start3A_138 = tpu.memref_squeeze %dma_start3A_137 : memref<1x1280xf32, #tpu.memory_space<vmem_shared>> -> memref<1280xf32, #tpu.memory_space<vmem_shared>>
      %dma_start3A_139 = arith.constant 10240 : i32
      %dma_start3A_140 = tpu.memref_slice %arg9[%dma_start3A_139] : memref<40960xf32, #tpu.memory_space<vmem>> -> memref<1280xf32, #tpu.memory_space<vmem>>
      %dma_start3A_141 = tpu.memref_slice %arg11[%run_scoped3A_101, %mul3A_100] : memref<16x20480xf32, #tpu.memory_space<vmem_shared>> -> memref<1x1280xf32, #tpu.memory_space<vmem_shared>>
      %dma_start3A_142 = tpu.memref_squeeze %dma_start3A_141 : memref<1x1280xf32, #tpu.memory_space<vmem_shared>> -> memref<1280xf32, #tpu.memory_space<vmem_shared>>
      tpu.enqueue_dma source(%dma_start3A_142 : memref<1280xf32, #tpu.memory_space<vmem_shared>>) target(%dma_start3A_140 : memref<1280xf32, #tpu.memory_space<vmem>>) target_semaphore(%run_scoped3A_134 : memref<!tpu.dma_semaphore, #tpu.memory_space<semaphore_mem>>)
      %dma_wait3A_143 = arith.constant 10240 : i32
      %dma_wait3A_144 = tpu.memref_slice %arg9[%dma_wait3A_143] : memref<40960xf32, #tpu.memory_space<vmem>> -> memref<1280xf32, #tpu.memory_space<vmem>>
      %dma_wait3A_145 = tpu.memref_slice %arg11[%run_scoped3A_101, %mul3A_100] : memref<16x20480xf32, #tpu.memory_space<vmem_shared>> -> memref<1x1280xf32, #tpu.memory_space<vmem_shared>>
      %dma_wait3A_146 = tpu.memref_squeeze %dma_wait3A_145 : memref<1x1280xf32, #tpu.memory_space<vmem_shared>> -> memref<1280xf32, #tpu.memory_space<vmem_shared>>
      %dma_wait3A_147 = arith.constant 10240 : i32
      %dma_wait3A_148 = tpu.memref_slice %arg9[%dma_wait3A_147] : memref<40960xf32, #tpu.memory_space<vmem>> -> memref<1280xf32, #tpu.memory_space<vmem>>
      %dma_wait3A_149 = tpu.memref_slice %arg11[%run_scoped3A_101, %mul3A_100] : memref<16x20480xf32, #tpu.memory_space<vmem_shared>> -> memref<1x1280xf32, #tpu.memory_space<vmem_shared>>
      %dma_wait3A_150 = tpu.memref_squeeze %dma_wait3A_149 : memref<1x1280xf32, #tpu.memory_space<vmem_shared>> -> memref<1280xf32, #tpu.memory_space<vmem_shared>>
      tpu.wait_dma2 semaphore(%run_scoped3A_134 : memref<!tpu.dma_semaphore, #tpu.memory_space<semaphore_mem>>) src(%dma_wait3A_150 : memref<1280xf32, #tpu.memory_space<vmem_shared>>) dst(%dma_wait3A_148 : memref<1280xf32, #tpu.memory_space<vmem>>)
      tpu.yield
    }) : () -> ()
    %mul3A_102 = arith.constant 1280 : i32
    %mul3A_103 = arith.muli %arg1, %mul3A_102 : i32
    %run_scoped3A_104 = arith.constant 9 : i32
    "tpu.region"() ({
      %run_scoped3A_134 = tpu.sem_alloc : memref<!tpu.dma_semaphore, #tpu.memory_space<semaphore_mem>>
      %dma_start3A_135 = arith.constant 11520 : i32
      %dma_start3A_136 = tpu.memref_slice %arg9[%dma_start3A_135] : memref<40960xf32, #tpu.memory_space<vmem>> -> memref<1280xf32, #tpu.memory_space<vmem>>
      %dma_start3A_137 = tpu.memref_slice %arg11[%run_scoped3A_104, %mul3A_103] : memref<16x20480xf32, #tpu.memory_space<vmem_shared>> -> memref<1x1280xf32, #tpu.memory_space<vmem_shared>>
      %dma_start3A_138 = tpu.memref_squeeze %dma_start3A_137 : memref<1x1280xf32, #tpu.memory_space<vmem_shared>> -> memref<1280xf32, #tpu.memory_space<vmem_shared>>
      %dma_start3A_139 = arith.constant 11520 : i32
      %dma_start3A_140 = tpu.memref_slice %arg9[%dma_start3A_139] : memref<40960xf32, #tpu.memory_space<vmem>> -> memref<1280xf32, #tpu.memory_space<vmem>>
      %dma_start3A_141 = tpu.memref_slice %arg11[%run_scoped3A_104, %mul3A_103] : memref<16x20480xf32, #tpu.memory_space<vmem_shared>> -> memref<1x1280xf32, #tpu.memory_space<vmem_shared>>
      %dma_start3A_142 = tpu.memref_squeeze %dma_start3A_141 : memref<1x1280xf32, #tpu.memory_space<vmem_shared>> -> memref<1280xf32, #tpu.memory_space<vmem_shared>>
      tpu.enqueue_dma source(%dma_start3A_142 : memref<1280xf32, #tpu.memory_space<vmem_shared>>) target(%dma_start3A_140 : memref<1280xf32, #tpu.memory_space<vmem>>) target_semaphore(%run_scoped3A_134 : memref<!tpu.dma_semaphore, #tpu.memory_space<semaphore_mem>>)
      %dma_wait3A_143 = arith.constant 11520 : i32
      %dma_wait3A_144 = tpu.memref_slice %arg9[%dma_wait3A_143] : memref<40960xf32, #tpu.memory_space<vmem>> -> memref<1280xf32, #tpu.memory_space<vmem>>
      %dma_wait3A_145 = tpu.memref_slice %arg11[%run_scoped3A_104, %mul3A_103] : memref<16x20480xf32, #tpu.memory_space<vmem_shared>> -> memref<1x1280xf32, #tpu.memory_space<vmem_shared>>
      %dma_wait3A_146 = tpu.memref_squeeze %dma_wait3A_145 : memref<1x1280xf32, #tpu.memory_space<vmem_shared>> -> memref<1280xf32, #tpu.memory_space<vmem_shared>>
      %dma_wait3A_147 = arith.constant 11520 : i32
      %dma_wait3A_148 = tpu.memref_slice %arg9[%dma_wait3A_147] : memref<40960xf32, #tpu.memory_space<vmem>> -> memref<1280xf32, #tpu.memory_space<vmem>>
      %dma_wait3A_149 = tpu.memref_slice %arg11[%run_scoped3A_104, %mul3A_103] : memref<16x20480xf32, #tpu.memory_space<vmem_shared>> -> memref<1x1280xf32, #tpu.memory_space<vmem_shared>>
      %dma_wait3A_150 = tpu.memref_squeeze %dma_wait3A_149 : memref<1x1280xf32, #tpu.memory_space<vmem_shared>> -> memref<1280xf32, #tpu.memory_space<vmem_shared>>
      tpu.wait_dma2 semaphore(%run_scoped3A_134 : memref<!tpu.dma_semaphore, #tpu.memory_space<semaphore_mem>>) src(%dma_wait3A_150 : memref<1280xf32, #tpu.memory_space<vmem_shared>>) dst(%dma_wait3A_148 : memref<1280xf32, #tpu.memory_space<vmem>>)
      tpu.yield
    }) : () -> ()
    %mul3A_105 = arith.constant 1280 : i32
    %mul3A_106 = arith.muli %arg1, %mul3A_105 : i32
    %run_scoped3A_107 = arith.constant 10 : i32
    "tpu.region"() ({
      %run_scoped3A_134 = tpu.sem_alloc : memref<!tpu.dma_semaphore, #tpu.memory_space<semaphore_mem>>
      %dma_start3A_135 = arith.constant 12800 : i32
      %dma_start3A_136 = tpu.memref_slice %arg9[%dma_start3A_135] : memref<40960xf32, #tpu.memory_space<vmem>> -> memref<1280xf32, #tpu.memory_space<vmem>>
      %dma_start3A_137 = tpu.memref_slice %arg11[%run_scoped3A_107, %mul3A_106] : memref<16x20480xf32, #tpu.memory_space<vmem_shared>> -> memref<1x1280xf32, #tpu.memory_space<vmem_shared>>
      %dma_start3A_138 = tpu.memref_squeeze %dma_start3A_137 : memref<1x1280xf32, #tpu.memory_space<vmem_shared>> -> memref<1280xf32, #tpu.memory_space<vmem_shared>>
      %dma_start3A_139 = arith.constant 12800 : i32
      %dma_start3A_140 = tpu.memref_slice %arg9[%dma_start3A_139] : memref<40960xf32, #tpu.memory_space<vmem>> -> memref<1280xf32, #tpu.memory_space<vmem>>
      %dma_start3A_141 = tpu.memref_slice %arg11[%run_scoped3A_107, %mul3A_106] : memref<16x20480xf32, #tpu.memory_space<vmem_shared>> -> memref<1x1280xf32, #tpu.memory_space<vmem_shared>>
      %dma_start3A_142 = tpu.memref_squeeze %dma_start3A_141 : memref<1x1280xf32, #tpu.memory_space<vmem_shared>> -> memref<1280xf32, #tpu.memory_space<vmem_shared>>
      tpu.enqueue_dma source(%dma_start3A_142 : memref<1280xf32, #tpu.memory_space<vmem_shared>>) target(%dma_start3A_140 : memref<1280xf32, #tpu.memory_space<vmem>>) target_semaphore(%run_scoped3A_134 : memref<!tpu.dma_semaphore, #tpu.memory_space<semaphore_mem>>)
      %dma_wait3A_143 = arith.constant 12800 : i32
      %dma_wait3A_144 = tpu.memref_slice %arg9[%dma_wait3A_143] : memref<40960xf32, #tpu.memory_space<vmem>> -> memref<1280xf32, #tpu.memory_space<vmem>>
      %dma_wait3A_145 = tpu.memref_slice %arg11[%run_scoped3A_107, %mul3A_106] : memref<16x20480xf32, #tpu.memory_space<vmem_shared>> -> memref<1x1280xf32, #tpu.memory_space<vmem_shared>>
      %dma_wait3A_146 = tpu.memref_squeeze %dma_wait3A_145 : memref<1x1280xf32, #tpu.memory_space<vmem_shared>> -> memref<1280xf32, #tpu.memory_space<vmem_shared>>
      %dma_wait3A_147 = arith.constant 12800 : i32
      %dma_wait3A_148 = tpu.memref_slice %arg9[%dma_wait3A_147] : memref<40960xf32, #tpu.memory_space<vmem>> -> memref<1280xf32, #tpu.memory_space<vmem>>
      %dma_wait3A_149 = tpu.memref_slice %arg11[%run_scoped3A_107, %mul3A_106] : memref<16x20480xf32, #tpu.memory_space<vmem_shared>> -> memref<1x1280xf32, #tpu.memory_space<vmem_shared>>
      %dma_wait3A_150 = tpu.memref_squeeze %dma_wait3A_149 : memref<1x1280xf32, #tpu.memory_space<vmem_shared>> -> memref<1280xf32, #tpu.memory_space<vmem_shared>>
      tpu.wait_dma2 semaphore(%run_scoped3A_134 : memref<!tpu.dma_semaphore, #tpu.memory_space<semaphore_mem>>) src(%dma_wait3A_150 : memref<1280xf32, #tpu.memory_space<vmem_shared>>) dst(%dma_wait3A_148 : memref<1280xf32, #tpu.memory_space<vmem>>)
      tpu.yield
    }) : () -> ()
    %mul3A_108 = arith.constant 1280 : i32
    %mul3A_109 = arith.muli %arg1, %mul3A_108 : i32
    %run_scoped3A_110 = arith.constant 11 : i32
    "tpu.region"() ({
      %run_scoped3A_134 = tpu.sem_alloc : memref<!tpu.dma_semaphore, #tpu.memory_space<semaphore_mem>>
      %dma_start3A_135 = arith.constant 14080 : i32
      %dma_start3A_136 = tpu.memref_slice %arg9[%dma_start3A_135] : memref<40960xf32, #tpu.memory_space<vmem>> -> memref<1280xf32, #tpu.memory_space<vmem>>
      %dma_start3A_137 = tpu.memref_slice %arg11[%run_scoped3A_110, %mul3A_109] : memref<16x20480xf32, #tpu.memory_space<vmem_shared>> -> memref<1x1280xf32, #tpu.memory_space<vmem_shared>>
      %dma_start3A_138 = tpu.memref_squeeze %dma_start3A_137 : memref<1x1280xf32, #tpu.memory_space<vmem_shared>> -> memref<1280xf32, #tpu.memory_space<vmem_shared>>
      %dma_start3A_139 = arith.constant 14080 : i32
      %dma_start3A_140 = tpu.memref_slice %arg9[%dma_start3A_139] : memref<40960xf32, #tpu.memory_space<vmem>> -> memref<1280xf32, #tpu.memory_space<vmem>>
      %dma_start3A_141 = tpu.memref_slice %arg11[%run_scoped3A_110, %mul3A_109] : memref<16x20480xf32, #tpu.memory_space<vmem_shared>> -> memref<1x1280xf32, #tpu.memory_space<vmem_shared>>
      %dma_start3A_142 = tpu.memref_squeeze %dma_start3A_141 : memref<1x1280xf32, #tpu.memory_space<vmem_shared>> -> memref<1280xf32, #tpu.memory_space<vmem_shared>>
      tpu.enqueue_dma source(%dma_start3A_142 : memref<1280xf32, #tpu.memory_space<vmem_shared>>) target(%dma_start3A_140 : memref<1280xf32, #tpu.memory_space<vmem>>) target_semaphore(%run_scoped3A_134 : memref<!tpu.dma_semaphore, #tpu.memory_space<semaphore_mem>>)
      %dma_wait3A_143 = arith.constant 14080 : i32
      %dma_wait3A_144 = tpu.memref_slice %arg9[%dma_wait3A_143] : memref<40960xf32, #tpu.memory_space<vmem>> -> memref<1280xf32, #tpu.memory_space<vmem>>
      %dma_wait3A_145 = tpu.memref_slice %arg11[%run_scoped3A_110, %mul3A_109] : memref<16x20480xf32, #tpu.memory_space<vmem_shared>> -> memref<1x1280xf32, #tpu.memory_space<vmem_shared>>
      %dma_wait3A_146 = tpu.memref_squeeze %dma_wait3A_145 : memref<1x1280xf32, #tpu.memory_space<vmem_shared>> -> memref<1280xf32, #tpu.memory_space<vmem_shared>>
      %dma_wait3A_147 = arith.constant 14080 : i32
      %dma_wait3A_148 = tpu.memref_slice %arg9[%dma_wait3A_147] : memref<40960xf32, #tpu.memory_space<vmem>> -> memref<1280xf32, #tpu.memory_space<vmem>>
      %dma_wait3A_149 = tpu.memref_slice %arg11[%run_scoped3A_110, %mul3A_109] : memref<16x20480xf32, #tpu.memory_space<vmem_shared>> -> memref<1x1280xf32, #tpu.memory_space<vmem_shared>>
      %dma_wait3A_150 = tpu.memref_squeeze %dma_wait3A_149 : memref<1x1280xf32, #tpu.memory_space<vmem_shared>> -> memref<1280xf32, #tpu.memory_space<vmem_shared>>
      tpu.wait_dma2 semaphore(%run_scoped3A_134 : memref<!tpu.dma_semaphore, #tpu.memory_space<semaphore_mem>>) src(%dma_wait3A_150 : memref<1280xf32, #tpu.memory_space<vmem_shared>>) dst(%dma_wait3A_148 : memref<1280xf32, #tpu.memory_space<vmem>>)
      tpu.yield
    }) : () -> ()
    %mul3A_111 = arith.constant 1280 : i32
    %mul3A_112 = arith.muli %arg1, %mul3A_111 : i32
    %run_scoped3A_113 = arith.constant 12 : i32
    "tpu.region"() ({
      %run_scoped3A_134 = tpu.sem_alloc : memref<!tpu.dma_semaphore, #tpu.memory_space<semaphore_mem>>
      %dma_start3A_135 = arith.constant 15360 : i32
      %dma_start3A_136 = tpu.memref_slice %arg9[%dma_start3A_135] : memref<40960xf32, #tpu.memory_space<vmem>> -> memref<1280xf32, #tpu.memory_space<vmem>>
      %dma_start3A_137 = tpu.memref_slice %arg11[%run_scoped3A_113, %mul3A_112] : memref<16x20480xf32, #tpu.memory_space<vmem_shared>> -> memref<1x1280xf32, #tpu.memory_space<vmem_shared>>
      %dma_start3A_138 = tpu.memref_squeeze %dma_start3A_137 : memref<1x1280xf32, #tpu.memory_space<vmem_shared>> -> memref<1280xf32, #tpu.memory_space<vmem_shared>>
      %dma_start3A_139 = arith.constant 15360 : i32
      %dma_start3A_140 = tpu.memref_slice %arg9[%dma_start3A_139] : memref<40960xf32, #tpu.memory_space<vmem>> -> memref<1280xf32, #tpu.memory_space<vmem>>
      %dma_start3A_141 = tpu.memref_slice %arg11[%run_scoped3A_113, %mul3A_112] : memref<16x20480xf32, #tpu.memory_space<vmem_shared>> -> memref<1x1280xf32, #tpu.memory_space<vmem_shared>>
      %dma_start3A_142 = tpu.memref_squeeze %dma_start3A_141 : memref<1x1280xf32, #tpu.memory_space<vmem_shared>> -> memref<1280xf32, #tpu.memory_space<vmem_shared>>
      tpu.enqueue_dma source(%dma_start3A_142 : memref<1280xf32, #tpu.memory_space<vmem_shared>>) target(%dma_start3A_140 : memref<1280xf32, #tpu.memory_space<vmem>>) target_semaphore(%run_scoped3A_134 : memref<!tpu.dma_semaphore, #tpu.memory_space<semaphore_mem>>)
      %dma_wait3A_143 = arith.constant 15360 : i32
      %dma_wait3A_144 = tpu.memref_slice %arg9[%dma_wait3A_143] : memref<40960xf32, #tpu.memory_space<vmem>> -> memref<1280xf32, #tpu.memory_space<vmem>>
      %dma_wait3A_145 = tpu.memref_slice %arg11[%run_scoped3A_113, %mul3A_112] : memref<16x20480xf32, #tpu.memory_space<vmem_shared>> -> memref<1x1280xf32, #tpu.memory_space<vmem_shared>>
      %dma_wait3A_146 = tpu.memref_squeeze %dma_wait3A_145 : memref<1x1280xf32, #tpu.memory_space<vmem_shared>> -> memref<1280xf32, #tpu.memory_space<vmem_shared>>
      %dma_wait3A_147 = arith.constant 15360 : i32
      %dma_wait3A_148 = tpu.memref_slice %arg9[%dma_wait3A_147] : memref<40960xf32, #tpu.memory_space<vmem>> -> memref<1280xf32, #tpu.memory_space<vmem>>
      %dma_wait3A_149 = tpu.memref_slice %arg11[%run_scoped3A_113, %mul3A_112] : memref<16x20480xf32, #tpu.memory_space<vmem_shared>> -> memref<1x1280xf32, #tpu.memory_space<vmem_shared>>
      %dma_wait3A_150 = tpu.memref_squeeze %dma_wait3A_149 : memref<1x1280xf32, #tpu.memory_space<vmem_shared>> -> memref<1280xf32, #tpu.memory_space<vmem_shared>>
      tpu.wait_dma2 semaphore(%run_scoped3A_134 : memref<!tpu.dma_semaphore, #tpu.memory_space<semaphore_mem>>) src(%dma_wait3A_150 : memref<1280xf32, #tpu.memory_space<vmem_shared>>) dst(%dma_wait3A_148 : memref<1280xf32, #tpu.memory_space<vmem>>)
      tpu.yield
    }) : () -> ()
    %mul3A_114 = arith.constant 1280 : i32
    %mul3A_115 = arith.muli %arg1, %mul3A_114 : i32
    %run_scoped3A_116 = arith.constant 13 : i32
    "tpu.region"() ({
      %run_scoped3A_134 = tpu.sem_alloc : memref<!tpu.dma_semaphore, #tpu.memory_space<semaphore_mem>>
      %dma_start3A_135 = arith.constant 16640 : i32
      %dma_start3A_136 = tpu.memref_slice %arg9[%dma_start3A_135] : memref<40960xf32, #tpu.memory_space<vmem>> -> memref<1280xf32, #tpu.memory_space<vmem>>
      %dma_start3A_137 = tpu.memref_slice %arg11[%run_scoped3A_116, %mul3A_115] : memref<16x20480xf32, #tpu.memory_space<vmem_shared>> -> memref<1x1280xf32, #tpu.memory_space<vmem_shared>>
      %dma_start3A_138 = tpu.memref_squeeze %dma_start3A_137 : memref<1x1280xf32, #tpu.memory_space<vmem_shared>> -> memref<1280xf32, #tpu.memory_space<vmem_shared>>
      %dma_start3A_139 = arith.constant 16640 : i32
      %dma_start3A_140 = tpu.memref_slice %arg9[%dma_start3A_139] : memref<40960xf32, #tpu.memory_space<vmem>> -> memref<1280xf32, #tpu.memory_space<vmem>>
      %dma_start3A_141 = tpu.memref_slice %arg11[%run_scoped3A_116, %mul3A_115] : memref<16x20480xf32, #tpu.memory_space<vmem_shared>> -> memref<1x1280xf32, #tpu.memory_space<vmem_shared>>
      %dma_start3A_142 = tpu.memref_squeeze %dma_start3A_141 : memref<1x1280xf32, #tpu.memory_space<vmem_shared>> -> memref<1280xf32, #tpu.memory_space<vmem_shared>>
      tpu.enqueue_dma source(%dma_start3A_142 : memref<1280xf32, #tpu.memory_space<vmem_shared>>) target(%dma_start3A_140 : memref<1280xf32, #tpu.memory_space<vmem>>) target_semaphore(%run_scoped3A_134 : memref<!tpu.dma_semaphore, #tpu.memory_space<semaphore_mem>>)
      %dma_wait3A_143 = arith.constant 16640 : i32
      %dma_wait3A_144 = tpu.memref_slice %arg9[%dma_wait3A_143] : memref<40960xf32, #tpu.memory_space<vmem>> -> memref<1280xf32, #tpu.memory_space<vmem>>
      %dma_wait3A_145 = tpu.memref_slice %arg11[%run_scoped3A_116, %mul3A_115] : memref<16x20480xf32, #tpu.memory_space<vmem_shared>> -> memref<1x1280xf32, #tpu.memory_space<vmem_shared>>
      %dma_wait3A_146 = tpu.memref_squeeze %dma_wait3A_145 : memref<1x1280xf32, #tpu.memory_space<vmem_shared>> -> memref<1280xf32, #tpu.memory_space<vmem_shared>>
      %dma_wait3A_147 = arith.constant 16640 : i32
      %dma_wait3A_148 = tpu.memref_slice %arg9[%dma_wait3A_147] : memref<40960xf32, #tpu.memory_space<vmem>> -> memref<1280xf32, #tpu.memory_space<vmem>>
      %dma_wait3A_149 = tpu.memref_slice %arg11[%run_scoped3A_116, %mul3A_115] : memref<16x20480xf32, #tpu.memory_space<vmem_shared>> -> memref<1x1280xf32, #tpu.memory_space<vmem_shared>>
      %dma_wait3A_150 = tpu.memref_squeeze %dma_wait3A_149 : memref<1x1280xf32, #tpu.memory_space<vmem_shared>> -> memref<1280xf32, #tpu.memory_space<vmem_shared>>
      tpu.wait_dma2 semaphore(%run_scoped3A_134 : memref<!tpu.dma_semaphore, #tpu.memory_space<semaphore_mem>>) src(%dma_wait3A_150 : memref<1280xf32, #tpu.memory_space<vmem_shared>>) dst(%dma_wait3A_148 : memref<1280xf32, #tpu.memory_space<vmem>>)
      tpu.yield
    }) : () -> ()
    %mul3A_117 = arith.constant 1280 : i32
    %mul3A_118 = arith.muli %arg1, %mul3A_117 : i32
    %run_scoped3A_119 = arith.constant 14 : i32
    "tpu.region"() ({
      %run_scoped3A_134 = tpu.sem_alloc : memref<!tpu.dma_semaphore, #tpu.memory_space<semaphore_mem>>
      %dma_start3A_135 = arith.constant 17920 : i32
      %dma_start3A_136 = tpu.memref_slice %arg9[%dma_start3A_135] : memref<40960xf32, #tpu.memory_space<vmem>> -> memref<1280xf32, #tpu.memory_space<vmem>>
      %dma_start3A_137 = tpu.memref_slice %arg11[%run_scoped3A_119, %mul3A_118] : memref<16x20480xf32, #tpu.memory_space<vmem_shared>> -> memref<1x1280xf32, #tpu.memory_space<vmem_shared>>
      %dma_start3A_138 = tpu.memref_squeeze %dma_start3A_137 : memref<1x1280xf32, #tpu.memory_space<vmem_shared>> -> memref<1280xf32, #tpu.memory_space<vmem_shared>>
      %dma_start3A_139 = arith.constant 17920 : i32
      %dma_start3A_140 = tpu.memref_slice %arg9[%dma_start3A_139] : memref<40960xf32, #tpu.memory_space<vmem>> -> memref<1280xf32, #tpu.memory_space<vmem>>
      %dma_start3A_141 = tpu.memref_slice %arg11[%run_scoped3A_119, %mul3A_118] : memref<16x20480xf32, #tpu.memory_space<vmem_shared>> -> memref<1x1280xf32, #tpu.memory_space<vmem_shared>>
      %dma_start3A_142 = tpu.memref_squeeze %dma_start3A_141 : memref<1x1280xf32, #tpu.memory_space<vmem_shared>> -> memref<1280xf32, #tpu.memory_space<vmem_shared>>
      tpu.enqueue_dma source(%dma_start3A_142 : memref<1280xf32, #tpu.memory_space<vmem_shared>>) target(%dma_start3A_140 : memref<1280xf32, #tpu.memory_space<vmem>>) target_semaphore(%run_scoped3A_134 : memref<!tpu.dma_semaphore, #tpu.memory_space<semaphore_mem>>)
      %dma_wait3A_143 = arith.constant 17920 : i32
      %dma_wait3A_144 = tpu.memref_slice %arg9[%dma_wait3A_143] : memref<40960xf32, #tpu.memory_space<vmem>> -> memref<1280xf32, #tpu.memory_space<vmem>>
      %dma_wait3A_145 = tpu.memref_slice %arg11[%run_scoped3A_119, %mul3A_118] : memref<16x20480xf32, #tpu.memory_space<vmem_shared>> -> memref<1x1280xf32, #tpu.memory_space<vmem_shared>>
      %dma_wait3A_146 = tpu.memref_squeeze %dma_wait3A_145 : memref<1x1280xf32, #tpu.memory_space<vmem_shared>> -> memref<1280xf32, #tpu.memory_space<vmem_shared>>
      %dma_wait3A_147 = arith.constant 17920 : i32
      %dma_wait3A_148 = tpu.memref_slice %arg9[%dma_wait3A_147] : memref<40960xf32, #tpu.memory_space<vmem>> -> memref<1280xf32, #tpu.memory_space<vmem>>
      %dma_wait3A_149 = tpu.memref_slice %arg11[%run_scoped3A_119, %mul3A_118] : memref<16x20480xf32, #tpu.memory_space<vmem_shared>> -> memref<1x1280xf32, #tpu.memory_space<vmem_shared>>
      %dma_wait3A_150 = tpu.memref_squeeze %dma_wait3A_149 : memref<1x1280xf32, #tpu.memory_space<vmem_shared>> -> memref<1280xf32, #tpu.memory_space<vmem_shared>>
      tpu.wait_dma2 semaphore(%run_scoped3A_134 : memref<!tpu.dma_semaphore, #tpu.memory_space<semaphore_mem>>) src(%dma_wait3A_150 : memref<1280xf32, #tpu.memory_space<vmem_shared>>) dst(%dma_wait3A_148 : memref<1280xf32, #tpu.memory_space<vmem>>)
      tpu.yield
    }) : () -> ()
    %mul3A_120 = arith.constant 1280 : i32
    %mul3A_121 = arith.muli %arg1, %mul3A_120 : i32
    %run_scoped3A_122 = arith.constant 15 : i32
    "tpu.region"() ({
      %run_scoped3A_134 = tpu.sem_alloc : memref<!tpu.dma_semaphore, #tpu.memory_space<semaphore_mem>>
      %dma_start3A_135 = arith.constant 19200 : i32
      %dma_start3A_136 = tpu.memref_slice %arg9[%dma_start3A_135] : memref<40960xf32, #tpu.memory_space<vmem>> -> memref<1280xf32, #tpu.memory_space<vmem>>
      %dma_start3A_137 = tpu.memref_slice %arg11[%run_scoped3A_122, %mul3A_121] : memref<16x20480xf32, #tpu.memory_space<vmem_shared>> -> memref<1x1280xf32, #tpu.memory_space<vmem_shared>>
      %dma_start3A_138 = tpu.memref_squeeze %dma_start3A_137 : memref<1x1280xf32, #tpu.memory_space<vmem_shared>> -> memref<1280xf32, #tpu.memory_space<vmem_shared>>
      %dma_start3A_139 = arith.constant 19200 : i32
      %dma_start3A_140 = tpu.memref_slice %arg9[%dma_start3A_139] : memref<40960xf32, #tpu.memory_space<vmem>> -> memref<1280xf32, #tpu.memory_space<vmem>>
      %dma_start3A_141 = tpu.memref_slice %arg11[%run_scoped3A_122, %mul3A_121] : memref<16x20480xf32, #tpu.memory_space<vmem_shared>> -> memref<1x1280xf32, #tpu.memory_space<vmem_shared>>
      %dma_start3A_142 = tpu.memref_squeeze %dma_start3A_141 : memref<1x1280xf32, #tpu.memory_space<vmem_shared>> -> memref<1280xf32, #tpu.memory_space<vmem_shared>>
      tpu.enqueue_dma source(%dma_start3A_142 : memref<1280xf32, #tpu.memory_space<vmem_shared>>) target(%dma_start3A_140 : memref<1280xf32, #tpu.memory_space<vmem>>) target_semaphore(%run_scoped3A_134 : memref<!tpu.dma_semaphore, #tpu.memory_space<semaphore_mem>>)
      %dma_wait3A_143 = arith.constant 19200 : i32
      %dma_wait3A_144 = tpu.memref_slice %arg9[%dma_wait3A_143] : memref<40960xf32, #tpu.memory_space<vmem>> -> memref<1280xf32, #tpu.memory_space<vmem>>
      %dma_wait3A_145 = tpu.memref_slice %arg11[%run_scoped3A_122, %mul3A_121] : memref<16x20480xf32, #tpu.memory_space<vmem_shared>> -> memref<1x1280xf32, #tpu.memory_space<vmem_shared>>
      %dma_wait3A_146 = tpu.memref_squeeze %dma_wait3A_145 : memref<1x1280xf32, #tpu.memory_space<vmem_shared>> -> memref<1280xf32, #tpu.memory_space<vmem_shared>>
      %dma_wait3A_147 = arith.constant 19200 : i32
      %dma_wait3A_148 = tpu.memref_slice %arg9[%dma_wait3A_147] : memref<40960xf32, #tpu.memory_space<vmem>> -> memref<1280xf32, #tpu.memory_space<vmem>>
      %dma_wait3A_149 = tpu.memref_slice %arg11[%run_scoped3A_122, %mul3A_121] : memref<16x20480xf32, #tpu.memory_space<vmem_shared>> -> memref<1x1280xf32, #tpu.memory_space<vmem_shared>>
      %dma_wait3A_150 = tpu.memref_squeeze %dma_wait3A_149 : memref<1x1280xf32, #tpu.memory_space<vmem_shared>> -> memref<1280xf32, #tpu.memory_space<vmem_shared>>
      tpu.wait_dma2 semaphore(%run_scoped3A_134 : memref<!tpu.dma_semaphore, #tpu.memory_space<semaphore_mem>>) src(%dma_wait3A_150 : memref<1280xf32, #tpu.memory_space<vmem_shared>>) dst(%dma_wait3A_148 : memref<1280xf32, #tpu.memory_space<vmem>>)
      tpu.yield
    }) : () -> ()
    %scan3A_123 = arith.constant 0 : i32
    %scan3A_124 = arith.constant 0 : i32
    %scan3A_125 = arith.constant 80 : i32
    %scan3A_126 = arith.addi %scan3A_124, %scan3A_125 : i32
    %scan3A_127 = arith.constant 1 : i32
    scf.for %scan3A_134 = %scan3A_124 to %scan3A_126 step %scan3A_127  : i32 {
      %mul3A_135 = arith.constant 16 : i32
      %mul3A_136 = arith.muli %scan3A_134, %mul3A_135 : i32
      %multiple_of3A = tpu.assume_multiple %mul3A_136, 16 : i32
      %get3A = arith.index_cast %multiple_of3A : i32 to index
      %get3A_137 = tpu.vector_load %arg9[%get3A] {strides = array<i32>} : memref<40960xf32, #tpu.memory_space<vmem>>, vector<16xf32>,
      %add3A_138 = arith.constant 1280 : i32
      %add3A_139 = arith.addi %add3A_138, %multiple_of3A : i32
      %get3A_140 = arith.index_cast %add3A_139 : i32 to index
      %get3A_141 = tpu.vector_load %arg9[%get3A_140] {strides = array<i32>} : memref<40960xf32, #tpu.memory_space<vmem>>, vector<16xf32>,
      %add3A_142 = arith.addf %get3A_137, %get3A_141 : vector<16xf32>
      %add3A_143 = arith.constant 2560 : i32
      %add3A_144 = arith.addi %add3A_143, %multiple_of3A : i32
      %get3A_145 = arith.index_cast %add3A_144 : i32 to index
      %get3A_146 = tpu.vector_load %arg9[%get3A_145] {strides = array<i32>} : memref<40960xf32, #tpu.memory_space<vmem>>, vector<16xf32>,
      %add3A_147 = arith.addf %add3A_142, %get3A_146 : vector<16xf32>
      %add3A_148 = arith.constant 3840 : i32
      %add3A_149 = arith.addi %add3A_148, %multiple_of3A : i32
      %get3A_150 = arith.index_cast %add3A_149 : i32 to index
      %get3A_151 = tpu.vector_load %arg9[%get3A_150] {strides = array<i32>} : memref<40960xf32, #tpu.memory_space<vmem>>, vector<16xf32>,
      %add3A_152 = arith.addf %add3A_147, %get3A_151 : vector<16xf32>
      %add3A_153 = arith.constant 5120 : i32
      %add3A_154 = arith.addi %add3A_153, %multiple_of3A : i32
      %get3A_155 = arith.index_cast %add3A_154 : i32 to index
      %get3A_156 = tpu.vector_load %arg9[%get3A_155] {strides = array<i32>} : memref<40960xf32, #tpu.memory_space<vmem>>, vector<16xf32>,
      %add3A_157 = arith.addf %add3A_152, %get3A_156 : vector<16xf32>
      %add3A_158 = arith.constant 6400 : i32
      %add3A_159 = arith.addi %add3A_158, %multiple_of3A : i32
      %get3A_160 = arith.index_cast %add3A_159 : i32 to index
      %get3A_161 = tpu.vector_load %arg9[%get3A_160] {strides = array<i32>} : memref<40960xf32, #tpu.memory_space<vmem>>, vector<16xf32>,
      %add3A_162 = arith.addf %add3A_157, %get3A_161 : vector<16xf32>
      %add3A_163 = arith.constant 7680 : i32
      %add3A_164 = arith.addi %add3A_163, %multiple_of3A : i32
      %get3A_165 = arith.index_cast %add3A_164 : i32 to index
      %get3A_166 = tpu.vector_load %arg9[%get3A_165] {strides = array<i32>} : memref<40960xf32, #tpu.memory_space<vmem>>, vector<16xf32>,
      %add3A_167 = arith.addf %add3A_162, %get3A_166 : vector<16xf32>
      %add3A_168 = arith.constant 8960 : i32
      %add3A_169 = arith.addi %add3A_168, %multiple_of3A : i32
      %get3A_170 = arith.index_cast %add3A_169 : i32 to index
      %get3A_171 = tpu.vector_load %arg9[%get3A_170] {strides = array<i32>} : memref<40960xf32, #tpu.memory_space<vmem>>, vector<16xf32>,
      %add3A_172 = arith.addf %add3A_167, %get3A_171 : vector<16xf32>
      %add3A_173 = arith.constant 10240 : i32
      %add3A_174 = arith.addi %add3A_173, %multiple_of3A : i32
      %get3A_175 = arith.index_cast %add3A_174 : i32 to index
      %get3A_176 = tpu.vector_load %arg9[%get3A_175] {strides = array<i32>} : memref<40960xf32, #tpu.memory_space<vmem>>, vector<16xf32>,
      %add3A_177 = arith.addf %add3A_172, %get3A_176 : vector<16xf32>
      %add3A_178 = arith.constant 11520 : i32
      %add3A_179 = arith.addi %add3A_178, %multiple_of3A : i32
      %get3A_180 = arith.index_cast %add3A_179 : i32 to index
      %get3A_181 = tpu.vector_load %arg9[%get3A_180] {strides = array<i32>} : memref<40960xf32, #tpu.memory_space<vmem>>, vector<16xf32>,
      %add3A_182 = arith.addf %add3A_177, %get3A_181 : vector<16xf32>
      %add3A_183 = arith.constant 12800 : i32
      %add3A_184 = arith.addi %add3A_183, %multiple_of3A : i32
      %get3A_185 = arith.index_cast %add3A_184 : i32 to index
      %get3A_186 = tpu.vector_load %arg9[%get3A_185] {strides = array<i32>} : memref<40960xf32, #tpu.memory_space<vmem>>, vector<16xf32>,
      %add3A_187 = arith.addf %add3A_182, %get3A_186 : vector<16xf32>
      %add3A_188 = arith.constant 14080 : i32
      %add3A_189 = arith.addi %add3A_188, %multiple_of3A : i32
      %get3A_190 = arith.index_cast %add3A_189 : i32 to index
      %get3A_191 = tpu.vector_load %arg9[%get3A_190] {strides = array<i32>} : memref<40960xf32, #tpu.memory_space<vmem>>, vector<16xf32>,
      %add3A_192 = arith.addf %add3A_187, %get3A_191 : vector<16xf32>
      %add3A_193 = arith.constant 15360 : i32
      %add3A_194 = arith.addi %add3A_193, %multiple_of3A : i32
      %get3A_195 = arith.index_cast %add3A_194 : i32 to index
      %get3A_196 = tpu.vector_load %arg9[%get3A_195] {strides = array<i32>} : memref<40960xf32, #tpu.memory_space<vmem>>, vector<16xf32>,
      %add3A_197 = arith.addf %add3A_192, %get3A_196 : vector<16xf32>
      %add3A_198 = arith.constant 16640 : i32
      %add3A_199 = arith.addi %add3A_198, %multiple_of3A : i32
      %get3A_200 = arith.index_cast %add3A_199 : i32 to index
      %get3A_201 = tpu.vector_load %arg9[%get3A_200] {strides = array<i32>} : memref<40960xf32, #tpu.memory_space<vmem>>, vector<16xf32>,
      %add3A_202 = arith.addf %add3A_197, %get3A_201 : vector<16xf32>
      %add3A_203 = arith.constant 17920 : i32
      %add3A_204 = arith.addi %add3A_203, %multiple_of3A : i32
      %get3A_205 = arith.index_cast %add3A_204 : i32 to index
      %get3A_206 = tpu.vector_load %arg9[%get3A_205] {strides = array<i32>} : memref<40960xf32, #tpu.memory_space<vmem>>, vector<16xf32>,
      %add3A_207 = arith.addf %add3A_202, %get3A_206 : vector<16xf32>
      %add3A_208 = arith.constant 19200 : i32
      %add3A_209 = arith.addi %add3A_208, %multiple_of3A : i32
      %get3A_210 = arith.index_cast %add3A_209 : i32 to index
      %get3A_211 = tpu.vector_load %arg9[%get3A_210] {strides = array<i32>} : memref<40960xf32, #tpu.memory_space<vmem>>, vector<16xf32>,
      %add3A_212 = arith.addf %add3A_207, %get3A_211 : vector<16xf32>
      %add3A_213 = arith.constant 20480 : i32
      %add3A_214 = arith.addi %add3A_213, %multiple_of3A : i32
      %swap3A = arith.index_cast %add3A_214 : i32 to index
      %swap3A_215 = tpu.vector_load %arg9[%swap3A] {strides = array<i32>} : memref<40960xf32, #tpu.memory_space<vmem>>, vector<16xf32>,
      tpu.vector_store %arg9[%swap3A], %add3A_212 {strides = array<i32>} : memref<40960xf32, #tpu.memory_space<vmem>>, vector<16xf32>,
    }
    %scan3A_128 = arith.constant 80 : i32
    %mul3A_129 = arith.constant 1280 : i32
    %mul3A_130 = arith.muli %arg1, %mul3A_129 : i32
    %add3A_131 = arith.constant 20480 : i32
    %add3A_132 = arith.addi %add3A_131, %mul3A_130 : i32
    "tpu.region"() ({
      %run_scoped3A_134 = tpu.sem_alloc : memref<!tpu.dma_semaphore, #tpu.memory_space<semaphore_mem>>
      %dma_start3A_135 = arith.constant 20480 : i32
      %dma_start3A_136 = tpu.memref_slice %arg9[%dma_start3A_135] : memref<40960xf32, #tpu.memory_space<vmem>> -> memref<1280xf32, #tpu.memory_space<vmem>>
      %dma_start3A_137 = tpu.memref_slice %arg6[%arg0, %add3A_132] : memref<2x40960xf32, #tpu.memory_space<hbm>> -> memref<1x1280xf32, #tpu.memory_space<hbm>>
      %dma_start3A_138 = tpu.memref_squeeze %dma_start3A_137 : memref<1x1280xf32, #tpu.memory_space<hbm>> -> memref<1280xf32, #tpu.memory_space<hbm>>
      %dma_start3A_139 = tpu.memref_slice %arg6[%arg0, %add3A_132] : memref<2x40960xf32, #tpu.memory_space<hbm>> -> memref<1x1280xf32, #tpu.memory_space<hbm>>
      %dma_start3A_140 = tpu.memref_squeeze %dma_start3A_139 : memref<1x1280xf32, #tpu.memory_space<hbm>> -> memref<1280xf32, #tpu.memory_space<hbm>>
      %dma_start3A_141 = arith.constant 20480 : i32
      %dma_start3A_142 = tpu.memref_slice %arg9[%dma_start3A_141] : memref<40960xf32, #tpu.memory_space<vmem>> -> memref<1280xf32, #tpu.memory_space<vmem>>
      tpu.enqueue_dma source(%dma_start3A_142 : memref<1280xf32, #tpu.memory_space<vmem>>) target(%dma_start3A_140 : memref<1280xf32, #tpu.memory_space<hbm>>) target_semaphore(%run_scoped3A_134 : memref<!tpu.dma_semaphore, #tpu.memory_space<semaphore_mem>>)
      %dma_wait3A_143 = arith.constant 20480 : i32
      %dma_wait3A_144 = tpu.memref_slice %arg9[%dma_wait3A_143] : memref<40960xf32, #tpu.memory_space<vmem>> -> memref<1280xf32, #tpu.memory_space<vmem>>
      %dma_wait3A_145 = tpu.memref_slice %arg6[%arg0, %add3A_132] : memref<2x40960xf32, #tpu.memory_space<hbm>> -> memref<1x1280xf32, #tpu.memory_space<hbm>>
      %dma_wait3A_146 = tpu.memref_squeeze %dma_wait3A_145 : memref<1x1280xf32, #tpu.memory_space<hbm>> -> memref<1280xf32, #tpu.memory_space<hbm>>
      %dma_wait3A_147 = tpu.memref_slice %arg6[%arg0, %add3A_132] : memref<2x40960xf32, #tpu.memory_space<hbm>> -> memref<1x1280xf32, #tpu.memory_space<hbm>>
      %dma_wait3A_148 = tpu.memref_squeeze %dma_wait3A_147 : memref<1x1280xf32, #tpu.memory_space<hbm>> -> memref<1280xf32, #tpu.memory_space<hbm>>
      %dma_wait3A_149 = arith.constant 20480 : i32
      %dma_wait3A_150 = tpu.memref_slice %arg9[%dma_wait3A_149] : memref<40960xf32, #tpu.memory_space<vmem>> -> memref<1280xf32, #tpu.memory_space<vmem>>
      tpu.wait_dma2 semaphore(%run_scoped3A_134 : memref<!tpu.dma_semaphore, #tpu.memory_space<semaphore_mem>>) src(%dma_wait3A_150 : memref<1280xf32, #tpu.memory_space<vmem>>) dst(%dma_wait3A_148 : memref<1280xf32, #tpu.memory_space<hbm>>)
      tpu.yield
    }) : () -> ()
    %barrier3A_133 = arith.constant 0 : index
    tpu.barrier barrier_id(%barrier3A_133)
    return
  }
}

#map = affine_map<(d0, d1) -> (0)>
#map1 = affine_map<(d0, d1) -> (0, 0)>
module attributes {stable_mosaic.version = 14 : i64} {
  func.func @prop_kernel(%arg0: i32, %arg1: i32, %arg2: memref<40960xf32, #tpu.memory_space<hbm>>, %arg3: memref<327680xi32, #tpu.memory_space<hbm>>, %arg4: memref<327680xi32, #tpu.memory_space<hbm>>, %arg5: memref<40960xf32, #tpu.memory_space<hbm>>, %arg6: memref<2x40960xf32, #tpu.memory_space<hbm>>, %arg7: memref<10240xi32, #tpu.memory_space<vmem>>, %arg8: memref<10240xi32, #tpu.memory_space<vmem>>, %arg9: memref<40960xf32, #tpu.memory_space<vmem>>, %arg10: memref<40960xf32, #tpu.memory_space<vmem>>, %arg11: memref<16x20480xf32, #tpu.memory_space<vmem_shared>>, %arg12: memref<!tpu.dma_semaphore, #tpu.memory_space<semaphore_mem>>) attributes {dimension_semantics = [#tpu.dimension_semantics<core_parallel>, #tpu.dimension_semantics<subcore_parallel>], iteration_bounds = array<i64: 2, 16>, scalar_prefetch = 0 : i64, scratch_operands = 6 : i64, tpu.core_type = #tpu.core_type<sc_vector_subcore>, window_params = [{transform_indices = #map}, {transform_indices = #map}, {transform_indices = #map}, {transform_indices = #map}, {transform_indices = #map1}]} {
    %mul3A = arith.constant 16 : i32
    %mul3A_0 = arith.muli %arg0, %mul3A : i32
    %add3A = arith.addi %mul3A_0, %arg1 : i32
    %mul3A_1 = arith.constant 10240 : i32
    %mul3A_2 = arith.muli %add3A, %mul3A_1 : i32
    %dma_start3A = tpu.memref_slice %arg3[%mul3A_2] : memref<327680xi32, #tpu.memory_space<hbm>> -> memref<10240xi32, #tpu.memory_space<hbm>>
    %dma_start3A_3 = tpu.memref_slice %arg3[%mul3A_2] : memref<327680xi32, #tpu.memory_space<hbm>> -> memref<10240xi32, #tpu.memory_space<hbm>>
    tpu.enqueue_dma source(%dma_start3A_3 : memref<10240xi32, #tpu.memory_space<hbm>>) target(%arg7 : memref<10240xi32, #tpu.memory_space<vmem>>) target_semaphore(%arg12 : memref<!tpu.dma_semaphore, #tpu.memory_space<semaphore_mem>>)
    %mul3A_4 = arith.constant 10240 : i32
    %mul3A_5 = arith.muli %add3A, %mul3A_4 : i32
    %dma_start3A_6 = tpu.memref_slice %arg4[%mul3A_5] : memref<327680xi32, #tpu.memory_space<hbm>> -> memref<10240xi32, #tpu.memory_space<hbm>>
    %dma_start3A_7 = tpu.memref_slice %arg4[%mul3A_5] : memref<327680xi32, #tpu.memory_space<hbm>> -> memref<10240xi32, #tpu.memory_space<hbm>>
    tpu.enqueue_dma source(%dma_start3A_7 : memref<10240xi32, #tpu.memory_space<hbm>>) target(%arg8 : memref<10240xi32, #tpu.memory_space<vmem>>) target_semaphore(%arg12 : memref<!tpu.dma_semaphore, #tpu.memory_space<semaphore_mem>>)
    tpu.enqueue_dma source(%arg2 : memref<40960xf32, #tpu.memory_space<hbm>>) target(%arg9 : memref<40960xf32, #tpu.memory_space<vmem>>) target_semaphore(%arg12 : memref<!tpu.dma_semaphore, #tpu.memory_space<semaphore_mem>>)
    tpu.enqueue_dma source(%arg5 : memref<40960xf32, #tpu.memory_space<hbm>>) target(%arg10 : memref<40960xf32, #tpu.memory_space<vmem>>) target_semaphore(%arg12 : memref<!tpu.dma_semaphore, #tpu.memory_space<semaphore_mem>>)
    %dma_wait3A = tpu.memref_slice %arg3[%mul3A_2] : memref<327680xi32, #tpu.memory_space<hbm>> -> memref<10240xi32, #tpu.memory_space<hbm>>
    %dma_wait3A_8 = tpu.memref_slice %arg3[%mul3A_2] : memref<327680xi32, #tpu.memory_space<hbm>> -> memref<10240xi32, #tpu.memory_space<hbm>>
    tpu.wait_dma2 semaphore(%arg12 : memref<!tpu.dma_semaphore, #tpu.memory_space<semaphore_mem>>) src(%dma_wait3A_8 : memref<10240xi32, #tpu.memory_space<hbm>>) dst(%arg7 : memref<10240xi32, #tpu.memory_space<vmem>>)
    %dma_wait3A_9 = tpu.memref_slice %arg4[%mul3A_5] : memref<327680xi32, #tpu.memory_space<hbm>> -> memref<10240xi32, #tpu.memory_space<hbm>>
    %dma_wait3A_10 = tpu.memref_slice %arg4[%mul3A_5] : memref<327680xi32, #tpu.memory_space<hbm>> -> memref<10240xi32, #tpu.memory_space<hbm>>
    tpu.wait_dma2 semaphore(%arg12 : memref<!tpu.dma_semaphore, #tpu.memory_space<semaphore_mem>>) src(%dma_wait3A_10 : memref<10240xi32, #tpu.memory_space<hbm>>) dst(%arg8 : memref<10240xi32, #tpu.memory_space<vmem>>)
    tpu.wait_dma2 semaphore(%arg12 : memref<!tpu.dma_semaphore, #tpu.memory_space<semaphore_mem>>) src(%arg2 : memref<40960xf32, #tpu.memory_space<hbm>>) dst(%arg9 : memref<40960xf32, #tpu.memory_space<vmem>>)
    tpu.wait_dma2 semaphore(%arg12 : memref<!tpu.dma_semaphore, #tpu.memory_space<semaphore_mem>>) src(%arg5 : memref<40960xf32, #tpu.memory_space<hbm>>) dst(%arg10 : memref<40960xf32, #tpu.memory_space<vmem>>)
    %scan3A = arith.constant 0 : i32
    %scan3A_11 = arith.constant 0 : i32
    %scan3A_12 = arith.constant 160 : i32
    %scan3A_13 = arith.addi %scan3A_11, %scan3A_12 : i32
    %scan3A_14 = arith.constant 1 : i32
    scf.for %scan3A_134 = %scan3A_11 to %scan3A_13 step %scan3A_14  : i32 {
      %mul3A_135 = arith.constant 64 : i32
      %mul3A_136 = arith.muli %scan3A_134, %mul3A_135 : i32
      %add3A_137 = arith.constant 0 : i32
      %add3A_138 = arith.addi %mul3A_136, %add3A_137 : i32
      %multiple_of3A = tpu.assume_multiple %add3A_138, 16 : i32
      %get3A = arith.index_cast %multiple_of3A : i32 to index
      %get3A_139 = tpu.vector_load %arg7[%get3A] {strides = array<i32>} : memref<10240xi32, #tpu.memory_space<vmem>>, vector<16xi32>,
      %mul3A_140 = arith.constant 4 : i32
      %mul3A_141 = vector.broadcast %mul3A_140 : i32 to vector<16xi32>
      %mul3A_142 = arith.muli %get3A_139, %mul3A_141 : vector<16xi32>
      %get3A_143 = arith.index_cast %multiple_of3A : i32 to index
      %get3A_144 = tpu.vector_load %arg8[%get3A_143] {strides = array<i32>} : memref<10240xi32, #tpu.memory_space<vmem>>, vector<16xi32>,
      %mul3A_145 = arith.constant 4 : i32
      %mul3A_146 = vector.broadcast %mul3A_145 : i32 to vector<16xi32>
      %mul3A_147 = arith.muli %get3A_144, %mul3A_146 : vector<16xi32>
      %add3A_148 = arith.constant 0 : i32
      %add3A_149 = vector.broadcast %add3A_148 : i32 to vector<16xi32>
      %add3A_150 = arith.addi %mul3A_142, %add3A_149 : vector<16xi32>
      %gather3A = tpu.vector_load_idx %arg9[%add3A_150] : memref<40960xf32, #tpu.memory_space<vmem>>[vector<16xi32>], vector<16xf32>,
      %add3A_151 = arith.constant 0 : i32
      %add3A_152 = vector.broadcast %add3A_151 : i32 to vector<16xi32>
      %add3A_153 = arith.addi %mul3A_147, %add3A_152 : vector<16xi32>
      tpu.vector_store_idx %arg10[%add3A_153], %gather3A {add = true} : memref<40960xf32, #tpu.memory_space<vmem>>[vector<16xi32>], vector<16xf32>,
      %add3A_154 = arith.constant 1 : i32
      %add3A_155 = vector.broadcast %add3A_154 : i32 to vector<16xi32>
      %add3A_156 = arith.addi %mul3A_142, %add3A_155 : vector<16xi32>
      %gather3A_157 = tpu.vector_load_idx %arg9[%add3A_156] : memref<40960xf32, #tpu.memory_space<vmem>>[vector<16xi32>], vector<16xf32>,
      %add3A_158 = arith.constant 1 : i32
      %add3A_159 = vector.broadcast %add3A_158 : i32 to vector<16xi32>
      %add3A_160 = arith.addi %mul3A_147, %add3A_159 : vector<16xi32>
      tpu.vector_store_idx %arg10[%add3A_160], %gather3A_157 {add = true} : memref<40960xf32, #tpu.memory_space<vmem>>[vector<16xi32>], vector<16xf32>,
      %add3A_161 = arith.constant 2 : i32
      %add3A_162 = vector.broadcast %add3A_161 : i32 to vector<16xi32>
      %add3A_163 = arith.addi %mul3A_142, %add3A_162 : vector<16xi32>
      %gather3A_164 = tpu.vector_load_idx %arg9[%add3A_163] : memref<40960xf32, #tpu.memory_space<vmem>>[vector<16xi32>], vector<16xf32>,
      %add3A_165 = arith.constant 2 : i32
      %add3A_166 = vector.broadcast %add3A_165 : i32 to vector<16xi32>
      %add3A_167 = arith.addi %mul3A_147, %add3A_166 : vector<16xi32>
      tpu.vector_store_idx %arg10[%add3A_167], %gather3A_164 {add = true} : memref<40960xf32, #tpu.memory_space<vmem>>[vector<16xi32>], vector<16xf32>,
      %add3A_168 = arith.constant 3 : i32
      %add3A_169 = vector.broadcast %add3A_168 : i32 to vector<16xi32>
      %add3A_170 = arith.addi %mul3A_142, %add3A_169 : vector<16xi32>
      %gather3A_171 = tpu.vector_load_idx %arg9[%add3A_170] : memref<40960xf32, #tpu.memory_space<vmem>>[vector<16xi32>], vector<16xf32>,
      %add3A_172 = arith.constant 3 : i32
      %add3A_173 = vector.broadcast %add3A_172 : i32 to vector<16xi32>
      %add3A_174 = arith.addi %mul3A_147, %add3A_173 : vector<16xi32>
      tpu.vector_store_idx %arg10[%add3A_174], %gather3A_171 {add = true} : memref<40960xf32, #tpu.memory_space<vmem>>[vector<16xi32>], vector<16xf32>,
      %mul3A_175 = arith.constant 64 : i32
      %mul3A_176 = arith.muli %scan3A_134, %mul3A_175 : i32
      %add3A_177 = arith.constant 16 : i32
      %add3A_178 = arith.addi %mul3A_176, %add3A_177 : i32
      %multiple_of3A_179 = tpu.assume_multiple %add3A_178, 16 : i32
      %get3A_180 = arith.index_cast %multiple_of3A_179 : i32 to index
      %get3A_181 = tpu.vector_load %arg7[%get3A_180] {strides = array<i32>} : memref<10240xi32, #tpu.memory_space<vmem>>, vector<16xi32>,
      %mul3A_182 = arith.constant 4 : i32
      %mul3A_183 = vector.broadcast %mul3A_182 : i32 to vector<16xi32>
      %mul3A_184 = arith.muli %get3A_181, %mul3A_183 : vector<16xi32>
      %get3A_185 = arith.index_cast %multiple_of3A_179 : i32 to index
      %get3A_186 = tpu.vector_load %arg8[%get3A_185] {strides = array<i32>} : memref<10240xi32, #tpu.memory_space<vmem>>, vector<16xi32>,
      %mul3A_187 = arith.constant 4 : i32
      %mul3A_188 = vector.broadcast %mul3A_187 : i32 to vector<16xi32>
      %mul3A_189 = arith.muli %get3A_186, %mul3A_188 : vector<16xi32>
      %add3A_190 = arith.constant 0 : i32
      %add3A_191 = vector.broadcast %add3A_190 : i32 to vector<16xi32>
      %add3A_192 = arith.addi %mul3A_184, %add3A_191 : vector<16xi32>
      %gather3A_193 = tpu.vector_load_idx %arg9[%add3A_192] : memref<40960xf32, #tpu.memory_space<vmem>>[vector<16xi32>], vector<16xf32>,
      %add3A_194 = arith.constant 0 : i32
      %add3A_195 = vector.broadcast %add3A_194 : i32 to vector<16xi32>
      %add3A_196 = arith.addi %mul3A_189, %add3A_195 : vector<16xi32>
      tpu.vector_store_idx %arg10[%add3A_196], %gather3A_193 {add = true} : memref<40960xf32, #tpu.memory_space<vmem>>[vector<16xi32>], vector<16xf32>,
      %add3A_197 = arith.constant 1 : i32
      %add3A_198 = vector.broadcast %add3A_197 : i32 to vector<16xi32>
      %add3A_199 = arith.addi %mul3A_184, %add3A_198 : vector<16xi32>
      %gather3A_200 = tpu.vector_load_idx %arg9[%add3A_199] : memref<40960xf32, #tpu.memory_space<vmem>>[vector<16xi32>], vector<16xf32>,
      %add3A_201 = arith.constant 1 : i32
      %add3A_202 = vector.broadcast %add3A_201 : i32 to vector<16xi32>
      %add3A_203 = arith.addi %mul3A_189, %add3A_202 : vector<16xi32>
      tpu.vector_store_idx %arg10[%add3A_203], %gather3A_200 {add = true} : memref<40960xf32, #tpu.memory_space<vmem>>[vector<16xi32>], vector<16xf32>,
      %add3A_204 = arith.constant 2 : i32
      %add3A_205 = vector.broadcast %add3A_204 : i32 to vector<16xi32>
      %add3A_206 = arith.addi %mul3A_184, %add3A_205 : vector<16xi32>
      %gather3A_207 = tpu.vector_load_idx %arg9[%add3A_206] : memref<40960xf32, #tpu.memory_space<vmem>>[vector<16xi32>], vector<16xf32>,
      %add3A_208 = arith.constant 2 : i32
      %add3A_209 = vector.broadcast %add3A_208 : i32 to vector<16xi32>
      %add3A_210 = arith.addi %mul3A_189, %add3A_209 : vector<16xi32>
      tpu.vector_store_idx %arg10[%add3A_210], %gather3A_207 {add = true} : memref<40960xf32, #tpu.memory_space<vmem>>[vector<16xi32>], vector<16xf32>,
      %add3A_211 = arith.constant 3 : i32
      %add3A_212 = vector.broadcast %add3A_211 : i32 to vector<16xi32>
      %add3A_213 = arith.addi %mul3A_184, %add3A_212 : vector<16xi32>
      %gather3A_214 = tpu.vector_load_idx %arg9[%add3A_213] : memref<40960xf32, #tpu.memory_space<vmem>>[vector<16xi32>], vector<16xf32>,
      %add3A_215 = arith.constant 3 : i32
      %add3A_216 = vector.broadcast %add3A_215 : i32 to vector<16xi32>
      %add3A_217 = arith.addi %mul3A_189, %add3A_216 : vector<16xi32>
      tpu.vector_store_idx %arg10[%add3A_217], %gather3A_214 {add = true} : memref<40960xf32, #tpu.memory_space<vmem>>[vector<16xi32>], vector<16xf32>,
      %mul3A_218 = arith.constant 64 : i32
      %mul3A_219 = arith.muli %scan3A_134, %mul3A_218 : i32
      %add3A_220 = arith.constant 32 : i32
      %add3A_221 = arith.addi %mul3A_219, %add3A_220 : i32
      %multiple_of3A_222 = tpu.assume_multiple %add3A_221, 16 : i32
      %get3A_223 = arith.index_cast %multiple_of3A_222 : i32 to index
      %get3A_224 = tpu.vector_load %arg7[%get3A_223] {strides = array<i32>} : memref<10240xi32, #tpu.memory_space<vmem>>, vector<16xi32>,
      %mul3A_225 = arith.constant 4 : i32
      %mul3A_226 = vector.broadcast %mul3A_225 : i32 to vector<16xi32>
      %mul3A_227 = arith.muli %get3A_224, %mul3A_226 : vector<16xi32>
      %get3A_228 = arith.index_cast %multiple_of3A_222 : i32 to index
      %get3A_229 = tpu.vector_load %arg8[%get3A_228] {strides = array<i32>} : memref<10240xi32, #tpu.memory_space<vmem>>, vector<16xi32>,
      %mul3A_230 = arith.constant 4 : i32
      %mul3A_231 = vector.broadcast %mul3A_230 : i32 to vector<16xi32>
      %mul3A_232 = arith.muli %get3A_229, %mul3A_231 : vector<16xi32>
      %add3A_233 = arith.constant 0 : i32
      %add3A_234 = vector.broadcast %add3A_233 : i32 to vector<16xi32>
      %add3A_235 = arith.addi %mul3A_227, %add3A_234 : vector<16xi32>
      %gather3A_236 = tpu.vector_load_idx %arg9[%add3A_235] : memref<40960xf32, #tpu.memory_space<vmem>>[vector<16xi32>], vector<16xf32>,
      %add3A_237 = arith.constant 0 : i32
      %add3A_238 = vector.broadcast %add3A_237 : i32 to vector<16xi32>
      %add3A_239 = arith.addi %mul3A_232, %add3A_238 : vector<16xi32>
      tpu.vector_store_idx %arg10[%add3A_239], %gather3A_236 {add = true} : memref<40960xf32, #tpu.memory_space<vmem>>[vector<16xi32>], vector<16xf32>,
      %add3A_240 = arith.constant 1 : i32
      %add3A_241 = vector.broadcast %add3A_240 : i32 to vector<16xi32>
      %add3A_242 = arith.addi %mul3A_227, %add3A_241 : vector<16xi32>
      %gather3A_243 = tpu.vector_load_idx %arg9[%add3A_242] : memref<40960xf32, #tpu.memory_space<vmem>>[vector<16xi32>], vector<16xf32>,
      %add3A_244 = arith.constant 1 : i32
      %add3A_245 = vector.broadcast %add3A_244 : i32 to vector<16xi32>
      %add3A_246 = arith.addi %mul3A_232, %add3A_245 : vector<16xi32>
      tpu.vector_store_idx %arg10[%add3A_246], %gather3A_243 {add = true} : memref<40960xf32, #tpu.memory_space<vmem>>[vector<16xi32>], vector<16xf32>,
      %add3A_247 = arith.constant 2 : i32
      %add3A_248 = vector.broadcast %add3A_247 : i32 to vector<16xi32>
      %add3A_249 = arith.addi %mul3A_227, %add3A_248 : vector<16xi32>
      %gather3A_250 = tpu.vector_load_idx %arg9[%add3A_249] : memref<40960xf32, #tpu.memory_space<vmem>>[vector<16xi32>], vector<16xf32>,
      %add3A_251 = arith.constant 2 : i32
      %add3A_252 = vector.broadcast %add3A_251 : i32 to vector<16xi32>
      %add3A_253 = arith.addi %mul3A_232, %add3A_252 : vector<16xi32>
      tpu.vector_store_idx %arg10[%add3A_253], %gather3A_250 {add = true} : memref<40960xf32, #tpu.memory_space<vmem>>[vector<16xi32>], vector<16xf32>,
      %add3A_254 = arith.constant 3 : i32
      %add3A_255 = vector.broadcast %add3A_254 : i32 to vector<16xi32>
      %add3A_256 = arith.addi %mul3A_227, %add3A_255 : vector<16xi32>
      %gather3A_257 = tpu.vector_load_idx %arg9[%add3A_256] : memref<40960xf32, #tpu.memory_space<vmem>>[vector<16xi32>], vector<16xf32>,
      %add3A_258 = arith.constant 3 : i32
      %add3A_259 = vector.broadcast %add3A_258 : i32 to vector<16xi32>
      %add3A_260 = arith.addi %mul3A_232, %add3A_259 : vector<16xi32>
      tpu.vector_store_idx %arg10[%add3A_260], %gather3A_257 {add = true} : memref<40960xf32, #tpu.memory_space<vmem>>[vector<16xi32>], vector<16xf32>,
      %mul3A_261 = arith.constant 64 : i32
      %mul3A_262 = arith.muli %scan3A_134, %mul3A_261 : i32
      %add3A_263 = arith.constant 48 : i32
      %add3A_264 = arith.addi %mul3A_262, %add3A_263 : i32
      %multiple_of3A_265 = tpu.assume_multiple %add3A_264, 16 : i32
      %get3A_266 = arith.index_cast %multiple_of3A_265 : i32 to index
      %get3A_267 = tpu.vector_load %arg7[%get3A_266] {strides = array<i32>} : memref<10240xi32, #tpu.memory_space<vmem>>, vector<16xi32>,
      %mul3A_268 = arith.constant 4 : i32
      %mul3A_269 = vector.broadcast %mul3A_268 : i32 to vector<16xi32>
      %mul3A_270 = arith.muli %get3A_267, %mul3A_269 : vector<16xi32>
      %get3A_271 = arith.index_cast %multiple_of3A_265 : i32 to index
      %get3A_272 = tpu.vector_load %arg8[%get3A_271] {strides = array<i32>} : memref<10240xi32, #tpu.memory_space<vmem>>, vector<16xi32>,
      %mul3A_273 = arith.constant 4 : i32
      %mul3A_274 = vector.broadcast %mul3A_273 : i32 to vector<16xi32>
      %mul3A_275 = arith.muli %get3A_272, %mul3A_274 : vector<16xi32>
      %add3A_276 = arith.constant 0 : i32
      %add3A_277 = vector.broadcast %add3A_276 : i32 to vector<16xi32>
      %add3A_278 = arith.addi %mul3A_270, %add3A_277 : vector<16xi32>
      %gather3A_279 = tpu.vector_load_idx %arg9[%add3A_278] : memref<40960xf32, #tpu.memory_space<vmem>>[vector<16xi32>], vector<16xf32>,
      %add3A_280 = arith.constant 0 : i32
      %add3A_281 = vector.broadcast %add3A_280 : i32 to vector<16xi32>
      %add3A_282 = arith.addi %mul3A_275, %add3A_281 : vector<16xi32>
      tpu.vector_store_idx %arg10[%add3A_282], %gather3A_279 {add = true} : memref<40960xf32, #tpu.memory_space<vmem>>[vector<16xi32>], vector<16xf32>,
      %add3A_283 = arith.constant 1 : i32
      %add3A_284 = vector.broadcast %add3A_283 : i32 to vector<16xi32>
      %add3A_285 = arith.addi %mul3A_270, %add3A_284 : vector<16xi32>
      %gather3A_286 = tpu.vector_load_idx %arg9[%add3A_285] : memref<40960xf32, #tpu.memory_space<vmem>>[vector<16xi32>], vector<16xf32>,
      %add3A_287 = arith.constant 1 : i32
      %add3A_288 = vector.broadcast %add3A_287 : i32 to vector<16xi32>
      %add3A_289 = arith.addi %mul3A_275, %add3A_288 : vector<16xi32>
      tpu.vector_store_idx %arg10[%add3A_289], %gather3A_286 {add = true} : memref<40960xf32, #tpu.memory_space<vmem>>[vector<16xi32>], vector<16xf32>,
      %add3A_290 = arith.constant 2 : i32
      %add3A_291 = vector.broadcast %add3A_290 : i32 to vector<16xi32>
      %add3A_292 = arith.addi %mul3A_270, %add3A_291 : vector<16xi32>
      %gather3A_293 = tpu.vector_load_idx %arg9[%add3A_292] : memref<40960xf32, #tpu.memory_space<vmem>>[vector<16xi32>], vector<16xf32>,
      %add3A_294 = arith.constant 2 : i32
      %add3A_295 = vector.broadcast %add3A_294 : i32 to vector<16xi32>
      %add3A_296 = arith.addi %mul3A_275, %add3A_295 : vector<16xi32>
      tpu.vector_store_idx %arg10[%add3A_296], %gather3A_293 {add = true} : memref<40960xf32, #tpu.memory_space<vmem>>[vector<16xi32>], vector<16xf32>,
      %add3A_297 = arith.constant 3 : i32
      %add3A_298 = vector.broadcast %add3A_297 : i32 to vector<16xi32>
      %add3A_299 = arith.addi %mul3A_270, %add3A_298 : vector<16xi32>
      %gather3A_300 = tpu.vector_load_idx %arg9[%add3A_299] : memref<40960xf32, #tpu.memory_space<vmem>>[vector<16xi32>], vector<16xf32>,
      %add3A_301 = arith.constant 3 : i32
      %add3A_302 = vector.broadcast %add3A_301 : i32 to vector<16xi32>
      %add3A_303 = arith.addi %mul3A_275, %add3A_302 : vector<16xi32>
      tpu.vector_store_idx %arg10[%add3A_303], %gather3A_300 {add = true} : memref<40960xf32, #tpu.memory_space<vmem>>[vector<16xi32>], vector<16xf32>,
    }
    %scan3A_15 = arith.constant 160 : i32
    "tpu.region"() ({
      %run_scoped3A_134 = tpu.sem_alloc : memref<!tpu.dma_semaphore, #tpu.memory_space<semaphore_mem>>
      %dma_start3A_135 = arith.constant 0 : i32
      %dma_start3A_136 = tpu.memref_slice %arg10[%dma_start3A_135] : memref<40960xf32, #tpu.memory_space<vmem>> -> memref<20480xf32, #tpu.memory_space<vmem>>
      %dma_start3A_137 = arith.constant 0 : i32
      %dma_start3A_138 = tpu.memref_slice %arg11[%arg1, %dma_start3A_137] : memref<16x20480xf32, #tpu.memory_space<vmem_shared>> -> memref<1x20480xf32, #tpu.memory_space<vmem_shared>>
      %dma_start3A_139 = tpu.memref_squeeze %dma_start3A_138 : memref<1x20480xf32, #tpu.memory_space<vmem_shared>> -> memref<20480xf32, #tpu.memory_space<vmem_shared>>
      %dma_start3A_140 = arith.constant 0 : i32
      %dma_start3A_141 = tpu.memref_slice %arg11[%arg1, %dma_start3A_140] : memref<16x20480xf32, #tpu.memory_space<vmem_shared>> -> memref<1x20480xf32, #tpu.memory_space<vmem_shared>>
      %dma_start3A_142 = tpu.memref_squeeze %dma_start3A_141 : memref<1x20480xf32, #tpu.memory_space<vmem_shared>> -> memref<20480xf32, #tpu.memory_space<vmem_shared>>
      %dma_start3A_143 = arith.constant 0 : i32
      %dma_start3A_144 = tpu.memref_slice %arg10[%dma_start3A_143] : memref<40960xf32, #tpu.memory_space<vmem>> -> memref<20480xf32, #tpu.memory_space<vmem>>
      tpu.enqueue_dma source(%dma_start3A_144 : memref<20480xf32, #tpu.memory_space<vmem>>) target(%dma_start3A_142 : memref<20480xf32, #tpu.memory_space<vmem_shared>>) target_semaphore(%run_scoped3A_134 : memref<!tpu.dma_semaphore, #tpu.memory_space<semaphore_mem>>)
      %dma_wait3A_145 = arith.constant 0 : i32
      %dma_wait3A_146 = tpu.memref_slice %arg10[%dma_wait3A_145] : memref<40960xf32, #tpu.memory_space<vmem>> -> memref<20480xf32, #tpu.memory_space<vmem>>
      %dma_wait3A_147 = arith.constant 0 : i32
      %dma_wait3A_148 = tpu.memref_slice %arg11[%arg1, %dma_wait3A_147] : memref<16x20480xf32, #tpu.memory_space<vmem_shared>> -> memref<1x20480xf32, #tpu.memory_space<vmem_shared>>
      %dma_wait3A_149 = tpu.memref_squeeze %dma_wait3A_148 : memref<1x20480xf32, #tpu.memory_space<vmem_shared>> -> memref<20480xf32, #tpu.memory_space<vmem_shared>>
      %dma_wait3A_150 = arith.constant 0 : i32
      %dma_wait3A_151 = tpu.memref_slice %arg11[%arg1, %dma_wait3A_150] : memref<16x20480xf32, #tpu.memory_space<vmem_shared>> -> memref<1x20480xf32, #tpu.memory_space<vmem_shared>>
      %dma_wait3A_152 = tpu.memref_squeeze %dma_wait3A_151 : memref<1x20480xf32, #tpu.memory_space<vmem_shared>> -> memref<20480xf32, #tpu.memory_space<vmem_shared>>
      %dma_wait3A_153 = arith.constant 0 : i32
      %dma_wait3A_154 = tpu.memref_slice %arg10[%dma_wait3A_153] : memref<40960xf32, #tpu.memory_space<vmem>> -> memref<20480xf32, #tpu.memory_space<vmem>>
      tpu.wait_dma2 semaphore(%run_scoped3A_134 : memref<!tpu.dma_semaphore, #tpu.memory_space<semaphore_mem>>) src(%dma_wait3A_154 : memref<20480xf32, #tpu.memory_space<vmem>>) dst(%dma_wait3A_152 : memref<20480xf32, #tpu.memory_space<vmem_shared>>)
      tpu.yield
    }) : () -> ()
    %barrier3A = arith.constant 0 : index
    tpu.barrier barrier_id(%barrier3A)
    %mul3A_16 = arith.constant 1280 : i32
    %mul3A_17 = arith.muli %arg1, %mul3A_16 : i32
    %run_scoped3A = arith.constant 0 : i32
    "tpu.region"() ({
      %run_scoped3A_134 = tpu.sem_alloc : memref<!tpu.dma_semaphore, #tpu.memory_space<semaphore_mem>>
      %dma_start3A_135 = arith.constant 0 : i32
      %dma_start3A_136 = tpu.memref_slice %arg9[%dma_start3A_135] : memref<40960xf32, #tpu.memory_space<vmem>> -> memref<1280xf32, #tpu.memory_space<vmem>>
      %dma_start3A_137 = tpu.memref_slice %arg11[%run_scoped3A, %mul3A_17] : memref<16x20480xf32, #tpu.memory_space<vmem_shared>> -> memref<1x1280xf32, #tpu.memory_space<vmem_shared>>
      %dma_start3A_138 = tpu.memref_squeeze %dma_start3A_137 : memref<1x1280xf32, #tpu.memory_space<vmem_shared>> -> memref<1280xf32, #tpu.memory_space<vmem_shared>>
      %dma_start3A_139 = arith.constant 0 : i32
      %dma_start3A_140 = tpu.memref_slice %arg9[%dma_start3A_139] : memref<40960xf32, #tpu.memory_space<vmem>> -> memref<1280xf32, #tpu.memory_space<vmem>>
      %dma_start3A_141 = tpu.memref_slice %arg11[%run_scoped3A, %mul3A_17] : memref<16x20480xf32, #tpu.memory_space<vmem_shared>> -> memref<1x1280xf32, #tpu.memory_space<vmem_shared>>
      %dma_start3A_142 = tpu.memref_squeeze %dma_start3A_141 : memref<1x1280xf32, #tpu.memory_space<vmem_shared>> -> memref<1280xf32, #tpu.memory_space<vmem_shared>>
      tpu.enqueue_dma source(%dma_start3A_142 : memref<1280xf32, #tpu.memory_space<vmem_shared>>) target(%dma_start3A_140 : memref<1280xf32, #tpu.memory_space<vmem>>) target_semaphore(%run_scoped3A_134 : memref<!tpu.dma_semaphore, #tpu.memory_space<semaphore_mem>>)
      %dma_wait3A_143 = arith.constant 0 : i32
      %dma_wait3A_144 = tpu.memref_slice %arg9[%dma_wait3A_143] : memref<40960xf32, #tpu.memory_space<vmem>> -> memref<1280xf32, #tpu.memory_space<vmem>>
      %dma_wait3A_145 = tpu.memref_slice %arg11[%run_scoped3A, %mul3A_17] : memref<16x20480xf32, #tpu.memory_space<vmem_shared>> -> memref<1x1280xf32, #tpu.memory_space<vmem_shared>>
      %dma_wait3A_146 = tpu.memref_squeeze %dma_wait3A_145 : memref<1x1280xf32, #tpu.memory_space<vmem_shared>> -> memref<1280xf32, #tpu.memory_space<vmem_shared>>
      %dma_wait3A_147 = arith.constant 0 : i32
      %dma_wait3A_148 = tpu.memref_slice %arg9[%dma_wait3A_147] : memref<40960xf32, #tpu.memory_space<vmem>> -> memref<1280xf32, #tpu.memory_space<vmem>>
      %dma_wait3A_149 = tpu.memref_slice %arg11[%run_scoped3A, %mul3A_17] : memref<16x20480xf32, #tpu.memory_space<vmem_shared>> -> memref<1x1280xf32, #tpu.memory_space<vmem_shared>>
      %dma_wait3A_150 = tpu.memref_squeeze %dma_wait3A_149 : memref<1x1280xf32, #tpu.memory_space<vmem_shared>> -> memref<1280xf32, #tpu.memory_space<vmem_shared>>
      tpu.wait_dma2 semaphore(%run_scoped3A_134 : memref<!tpu.dma_semaphore, #tpu.memory_space<semaphore_mem>>) src(%dma_wait3A_150 : memref<1280xf32, #tpu.memory_space<vmem_shared>>) dst(%dma_wait3A_148 : memref<1280xf32, #tpu.memory_space<vmem>>)
      tpu.yield
    }) : () -> ()
    %mul3A_18 = arith.constant 1280 : i32
    %mul3A_19 = arith.muli %arg1, %mul3A_18 : i32
    %run_scoped3A_20 = arith.constant 1 : i32
    "tpu.region"() ({
      %run_scoped3A_134 = tpu.sem_alloc : memref<!tpu.dma_semaphore, #tpu.memory_space<semaphore_mem>>
      %dma_start3A_135 = arith.constant 1280 : i32
      %dma_start3A_136 = tpu.memref_slice %arg9[%dma_start3A_135] : memref<40960xf32, #tpu.memory_space<vmem>> -> memref<1280xf32, #tpu.memory_space<vmem>>
      %dma_start3A_137 = tpu.memref_slice %arg11[%run_scoped3A_20, %mul3A_19] : memref<16x20480xf32, #tpu.memory_space<vmem_shared>> -> memref<1x1280xf32, #tpu.memory_space<vmem_shared>>
      %dma_start3A_138 = tpu.memref_squeeze %dma_start3A_137 : memref<1x1280xf32, #tpu.memory_space<vmem_shared>> -> memref<1280xf32, #tpu.memory_space<vmem_shared>>
      %dma_start3A_139 = arith.constant 1280 : i32
      %dma_start3A_140 = tpu.memref_slice %arg9[%dma_start3A_139] : memref<40960xf32, #tpu.memory_space<vmem>> -> memref<1280xf32, #tpu.memory_space<vmem>>
      %dma_start3A_141 = tpu.memref_slice %arg11[%run_scoped3A_20, %mul3A_19] : memref<16x20480xf32, #tpu.memory_space<vmem_shared>> -> memref<1x1280xf32, #tpu.memory_space<vmem_shared>>
      %dma_start3A_142 = tpu.memref_squeeze %dma_start3A_141 : memref<1x1280xf32, #tpu.memory_space<vmem_shared>> -> memref<1280xf32, #tpu.memory_space<vmem_shared>>
      tpu.enqueue_dma source(%dma_start3A_142 : memref<1280xf32, #tpu.memory_space<vmem_shared>>) target(%dma_start3A_140 : memref<1280xf32, #tpu.memory_space<vmem>>) target_semaphore(%run_scoped3A_134 : memref<!tpu.dma_semaphore, #tpu.memory_space<semaphore_mem>>)
      %dma_wait3A_143 = arith.constant 1280 : i32
      %dma_wait3A_144 = tpu.memref_slice %arg9[%dma_wait3A_143] : memref<40960xf32, #tpu.memory_space<vmem>> -> memref<1280xf32, #tpu.memory_space<vmem>>
      %dma_wait3A_145 = tpu.memref_slice %arg11[%run_scoped3A_20, %mul3A_19] : memref<16x20480xf32, #tpu.memory_space<vmem_shared>> -> memref<1x1280xf32, #tpu.memory_space<vmem_shared>>
      %dma_wait3A_146 = tpu.memref_squeeze %dma_wait3A_145 : memref<1x1280xf32, #tpu.memory_space<vmem_shared>> -> memref<1280xf32, #tpu.memory_space<vmem_shared>>
      %dma_wait3A_147 = arith.constant 1280 : i32
      %dma_wait3A_148 = tpu.memref_slice %arg9[%dma_wait3A_147] : memref<40960xf32, #tpu.memory_space<vmem>> -> memref<1280xf32, #tpu.memory_space<vmem>>
      %dma_wait3A_149 = tpu.memref_slice %arg11[%run_scoped3A_20, %mul3A_19] : memref<16x20480xf32, #tpu.memory_space<vmem_shared>> -> memref<1x1280xf32, #tpu.memory_space<vmem_shared>>
      %dma_wait3A_150 = tpu.memref_squeeze %dma_wait3A_149 : memref<1x1280xf32, #tpu.memory_space<vmem_shared>> -> memref<1280xf32, #tpu.memory_space<vmem_shared>>
      tpu.wait_dma2 semaphore(%run_scoped3A_134 : memref<!tpu.dma_semaphore, #tpu.memory_space<semaphore_mem>>) src(%dma_wait3A_150 : memref<1280xf32, #tpu.memory_space<vmem_shared>>) dst(%dma_wait3A_148 : memref<1280xf32, #tpu.memory_space<vmem>>)
      tpu.yield
    }) : () -> ()
    %mul3A_21 = arith.constant 1280 : i32
    %mul3A_22 = arith.muli %arg1, %mul3A_21 : i32
    %run_scoped3A_23 = arith.constant 2 : i32
    "tpu.region"() ({
      %run_scoped3A_134 = tpu.sem_alloc : memref<!tpu.dma_semaphore, #tpu.memory_space<semaphore_mem>>
      %dma_start3A_135 = arith.constant 2560 : i32
      %dma_start3A_136 = tpu.memref_slice %arg9[%dma_start3A_135] : memref<40960xf32, #tpu.memory_space<vmem>> -> memref<1280xf32, #tpu.memory_space<vmem>>
      %dma_start3A_137 = tpu.memref_slice %arg11[%run_scoped3A_23, %mul3A_22] : memref<16x20480xf32, #tpu.memory_space<vmem_shared>> -> memref<1x1280xf32, #tpu.memory_space<vmem_shared>>
      %dma_start3A_138 = tpu.memref_squeeze %dma_start3A_137 : memref<1x1280xf32, #tpu.memory_space<vmem_shared>> -> memref<1280xf32, #tpu.memory_space<vmem_shared>>
      %dma_start3A_139 = arith.constant 2560 : i32
      %dma_start3A_140 = tpu.memref_slice %arg9[%dma_start3A_139] : memref<40960xf32, #tpu.memory_space<vmem>> -> memref<1280xf32, #tpu.memory_space<vmem>>
      %dma_start3A_141 = tpu.memref_slice %arg11[%run_scoped3A_23, %mul3A_22] : memref<16x20480xf32, #tpu.memory_space<vmem_shared>> -> memref<1x1280xf32, #tpu.memory_space<vmem_shared>>
      %dma_start3A_142 = tpu.memref_squeeze %dma_start3A_141 : memref<1x1280xf32, #tpu.memory_space<vmem_shared>> -> memref<1280xf32, #tpu.memory_space<vmem_shared>>
      tpu.enqueue_dma source(%dma_start3A_142 : memref<1280xf32, #tpu.memory_space<vmem_shared>>) target(%dma_start3A_140 : memref<1280xf32, #tpu.memory_space<vmem>>) target_semaphore(%run_scoped3A_134 : memref<!tpu.dma_semaphore, #tpu.memory_space<semaphore_mem>>)
      %dma_wait3A_143 = arith.constant 2560 : i32
      %dma_wait3A_144 = tpu.memref_slice %arg9[%dma_wait3A_143] : memref<40960xf32, #tpu.memory_space<vmem>> -> memref<1280xf32, #tpu.memory_space<vmem>>
      %dma_wait3A_145 = tpu.memref_slice %arg11[%run_scoped3A_23, %mul3A_22] : memref<16x20480xf32, #tpu.memory_space<vmem_shared>> -> memref<1x1280xf32, #tpu.memory_space<vmem_shared>>
      %dma_wait3A_146 = tpu.memref_squeeze %dma_wait3A_145 : memref<1x1280xf32, #tpu.memory_space<vmem_shared>> -> memref<1280xf32, #tpu.memory_space<vmem_shared>>
      %dma_wait3A_147 = arith.constant 2560 : i32
      %dma_wait3A_148 = tpu.memref_slice %arg9[%dma_wait3A_147] : memref<40960xf32, #tpu.memory_space<vmem>> -> memref<1280xf32, #tpu.memory_space<vmem>>
      %dma_wait3A_149 = tpu.memref_slice %arg11[%run_scoped3A_23, %mul3A_22] : memref<16x20480xf32, #tpu.memory_space<vmem_shared>> -> memref<1x1280xf32, #tpu.memory_space<vmem_shared>>
      %dma_wait3A_150 = tpu.memref_squeeze %dma_wait3A_149 : memref<1x1280xf32, #tpu.memory_space<vmem_shared>> -> memref<1280xf32, #tpu.memory_space<vmem_shared>>
      tpu.wait_dma2 semaphore(%run_scoped3A_134 : memref<!tpu.dma_semaphore, #tpu.memory_space<semaphore_mem>>) src(%dma_wait3A_150 : memref<1280xf32, #tpu.memory_space<vmem_shared>>) dst(%dma_wait3A_148 : memref<1280xf32, #tpu.memory_space<vmem>>)
      tpu.yield
    }) : () -> ()
    %mul3A_24 = arith.constant 1280 : i32
    %mul3A_25 = arith.muli %arg1, %mul3A_24 : i32
    %run_scoped3A_26 = arith.constant 3 : i32
    "tpu.region"() ({
      %run_scoped3A_134 = tpu.sem_alloc : memref<!tpu.dma_semaphore, #tpu.memory_space<semaphore_mem>>
      %dma_start3A_135 = arith.constant 3840 : i32
      %dma_start3A_136 = tpu.memref_slice %arg9[%dma_start3A_135] : memref<40960xf32, #tpu.memory_space<vmem>> -> memref<1280xf32, #tpu.memory_space<vmem>>
      %dma_start3A_137 = tpu.memref_slice %arg11[%run_scoped3A_26, %mul3A_25] : memref<16x20480xf32, #tpu.memory_space<vmem_shared>> -> memref<1x1280xf32, #tpu.memory_space<vmem_shared>>
      %dma_start3A_138 = tpu.memref_squeeze %dma_start3A_137 : memref<1x1280xf32, #tpu.memory_space<vmem_shared>> -> memref<1280xf32, #tpu.memory_space<vmem_shared>>
      %dma_start3A_139 = arith.constant 3840 : i32
      %dma_start3A_140 = tpu.memref_slice %arg9[%dma_start3A_139] : memref<40960xf32, #tpu.memory_space<vmem>> -> memref<1280xf32, #tpu.memory_space<vmem>>
      %dma_start3A_141 = tpu.memref_slice %arg11[%run_scoped3A_26, %mul3A_25] : memref<16x20480xf32, #tpu.memory_space<vmem_shared>> -> memref<1x1280xf32, #tpu.memory_space<vmem_shared>>
      %dma_start3A_142 = tpu.memref_squeeze %dma_start3A_141 : memref<1x1280xf32, #tpu.memory_space<vmem_shared>> -> memref<1280xf32, #tpu.memory_space<vmem_shared>>
      tpu.enqueue_dma source(%dma_start3A_142 : memref<1280xf32, #tpu.memory_space<vmem_shared>>) target(%dma_start3A_140 : memref<1280xf32, #tpu.memory_space<vmem>>) target_semaphore(%run_scoped3A_134 : memref<!tpu.dma_semaphore, #tpu.memory_space<semaphore_mem>>)
      %dma_wait3A_143 = arith.constant 3840 : i32
      %dma_wait3A_144 = tpu.memref_slice %arg9[%dma_wait3A_143] : memref<40960xf32, #tpu.memory_space<vmem>> -> memref<1280xf32, #tpu.memory_space<vmem>>
      %dma_wait3A_145 = tpu.memref_slice %arg11[%run_scoped3A_26, %mul3A_25] : memref<16x20480xf32, #tpu.memory_space<vmem_shared>> -> memref<1x1280xf32, #tpu.memory_space<vmem_shared>>
      %dma_wait3A_146 = tpu.memref_squeeze %dma_wait3A_145 : memref<1x1280xf32, #tpu.memory_space<vmem_shared>> -> memref<1280xf32, #tpu.memory_space<vmem_shared>>
      %dma_wait3A_147 = arith.constant 3840 : i32
      %dma_wait3A_148 = tpu.memref_slice %arg9[%dma_wait3A_147] : memref<40960xf32, #tpu.memory_space<vmem>> -> memref<1280xf32, #tpu.memory_space<vmem>>
      %dma_wait3A_149 = tpu.memref_slice %arg11[%run_scoped3A_26, %mul3A_25] : memref<16x20480xf32, #tpu.memory_space<vmem_shared>> -> memref<1x1280xf32, #tpu.memory_space<vmem_shared>>
      %dma_wait3A_150 = tpu.memref_squeeze %dma_wait3A_149 : memref<1x1280xf32, #tpu.memory_space<vmem_shared>> -> memref<1280xf32, #tpu.memory_space<vmem_shared>>
      tpu.wait_dma2 semaphore(%run_scoped3A_134 : memref<!tpu.dma_semaphore, #tpu.memory_space<semaphore_mem>>) src(%dma_wait3A_150 : memref<1280xf32, #tpu.memory_space<vmem_shared>>) dst(%dma_wait3A_148 : memref<1280xf32, #tpu.memory_space<vmem>>)
      tpu.yield
    }) : () -> ()
    %mul3A_27 = arith.constant 1280 : i32
    %mul3A_28 = arith.muli %arg1, %mul3A_27 : i32
    %run_scoped3A_29 = arith.constant 4 : i32
    "tpu.region"() ({
      %run_scoped3A_134 = tpu.sem_alloc : memref<!tpu.dma_semaphore, #tpu.memory_space<semaphore_mem>>
      %dma_start3A_135 = arith.constant 5120 : i32
      %dma_start3A_136 = tpu.memref_slice %arg9[%dma_start3A_135] : memref<40960xf32, #tpu.memory_space<vmem>> -> memref<1280xf32, #tpu.memory_space<vmem>>
      %dma_start3A_137 = tpu.memref_slice %arg11[%run_scoped3A_29, %mul3A_28] : memref<16x20480xf32, #tpu.memory_space<vmem_shared>> -> memref<1x1280xf32, #tpu.memory_space<vmem_shared>>
      %dma_start3A_138 = tpu.memref_squeeze %dma_start3A_137 : memref<1x1280xf32, #tpu.memory_space<vmem_shared>> -> memref<1280xf32, #tpu.memory_space<vmem_shared>>
      %dma_start3A_139 = arith.constant 5120 : i32
      %dma_start3A_140 = tpu.memref_slice %arg9[%dma_start3A_139] : memref<40960xf32, #tpu.memory_space<vmem>> -> memref<1280xf32, #tpu.memory_space<vmem>>
      %dma_start3A_141 = tpu.memref_slice %arg11[%run_scoped3A_29, %mul3A_28] : memref<16x20480xf32, #tpu.memory_space<vmem_shared>> -> memref<1x1280xf32, #tpu.memory_space<vmem_shared>>
      %dma_start3A_142 = tpu.memref_squeeze %dma_start3A_141 : memref<1x1280xf32, #tpu.memory_space<vmem_shared>> -> memref<1280xf32, #tpu.memory_space<vmem_shared>>
      tpu.enqueue_dma source(%dma_start3A_142 : memref<1280xf32, #tpu.memory_space<vmem_shared>>) target(%dma_start3A_140 : memref<1280xf32, #tpu.memory_space<vmem>>) target_semaphore(%run_scoped3A_134 : memref<!tpu.dma_semaphore, #tpu.memory_space<semaphore_mem>>)
      %dma_wait3A_143 = arith.constant 5120 : i32
      %dma_wait3A_144 = tpu.memref_slice %arg9[%dma_wait3A_143] : memref<40960xf32, #tpu.memory_space<vmem>> -> memref<1280xf32, #tpu.memory_space<vmem>>
      %dma_wait3A_145 = tpu.memref_slice %arg11[%run_scoped3A_29, %mul3A_28] : memref<16x20480xf32, #tpu.memory_space<vmem_shared>> -> memref<1x1280xf32, #tpu.memory_space<vmem_shared>>
      %dma_wait3A_146 = tpu.memref_squeeze %dma_wait3A_145 : memref<1x1280xf32, #tpu.memory_space<vmem_shared>> -> memref<1280xf32, #tpu.memory_space<vmem_shared>>
      %dma_wait3A_147 = arith.constant 5120 : i32
      %dma_wait3A_148 = tpu.memref_slice %arg9[%dma_wait3A_147] : memref<40960xf32, #tpu.memory_space<vmem>> -> memref<1280xf32, #tpu.memory_space<vmem>>
      %dma_wait3A_149 = tpu.memref_slice %arg11[%run_scoped3A_29, %mul3A_28] : memref<16x20480xf32, #tpu.memory_space<vmem_shared>> -> memref<1x1280xf32, #tpu.memory_space<vmem_shared>>
      %dma_wait3A_150 = tpu.memref_squeeze %dma_wait3A_149 : memref<1x1280xf32, #tpu.memory_space<vmem_shared>> -> memref<1280xf32, #tpu.memory_space<vmem_shared>>
      tpu.wait_dma2 semaphore(%run_scoped3A_134 : memref<!tpu.dma_semaphore, #tpu.memory_space<semaphore_mem>>) src(%dma_wait3A_150 : memref<1280xf32, #tpu.memory_space<vmem_shared>>) dst(%dma_wait3A_148 : memref<1280xf32, #tpu.memory_space<vmem>>)
      tpu.yield
    }) : () -> ()
    %mul3A_30 = arith.constant 1280 : i32
    %mul3A_31 = arith.muli %arg1, %mul3A_30 : i32
    %run_scoped3A_32 = arith.constant 5 : i32
    "tpu.region"() ({
      %run_scoped3A_134 = tpu.sem_alloc : memref<!tpu.dma_semaphore, #tpu.memory_space<semaphore_mem>>
      %dma_start3A_135 = arith.constant 6400 : i32
      %dma_start3A_136 = tpu.memref_slice %arg9[%dma_start3A_135] : memref<40960xf32, #tpu.memory_space<vmem>> -> memref<1280xf32, #tpu.memory_space<vmem>>
      %dma_start3A_137 = tpu.memref_slice %arg11[%run_scoped3A_32, %mul3A_31] : memref<16x20480xf32, #tpu.memory_space<vmem_shared>> -> memref<1x1280xf32, #tpu.memory_space<vmem_shared>>
      %dma_start3A_138 = tpu.memref_squeeze %dma_start3A_137 : memref<1x1280xf32, #tpu.memory_space<vmem_shared>> -> memref<1280xf32, #tpu.memory_space<vmem_shared>>
      %dma_start3A_139 = arith.constant 6400 : i32
      %dma_start3A_140 = tpu.memref_slice %arg9[%dma_start3A_139] : memref<40960xf32, #tpu.memory_space<vmem>> -> memref<1280xf32, #tpu.memory_space<vmem>>
      %dma_start3A_141 = tpu.memref_slice %arg11[%run_scoped3A_32, %mul3A_31] : memref<16x20480xf32, #tpu.memory_space<vmem_shared>> -> memref<1x1280xf32, #tpu.memory_space<vmem_shared>>
      %dma_start3A_142 = tpu.memref_squeeze %dma_start3A_141 : memref<1x1280xf32, #tpu.memory_space<vmem_shared>> -> memref<1280xf32, #tpu.memory_space<vmem_shared>>
      tpu.enqueue_dma source(%dma_start3A_142 : memref<1280xf32, #tpu.memory_space<vmem_shared>>) target(%dma_start3A_140 : memref<1280xf32, #tpu.memory_space<vmem>>) target_semaphore(%run_scoped3A_134 : memref<!tpu.dma_semaphore, #tpu.memory_space<semaphore_mem>>)
      %dma_wait3A_143 = arith.constant 6400 : i32
      %dma_wait3A_144 = tpu.memref_slice %arg9[%dma_wait3A_143] : memref<40960xf32, #tpu.memory_space<vmem>> -> memref<1280xf32, #tpu.memory_space<vmem>>
      %dma_wait3A_145 = tpu.memref_slice %arg11[%run_scoped3A_32, %mul3A_31] : memref<16x20480xf32, #tpu.memory_space<vmem_shared>> -> memref<1x1280xf32, #tpu.memory_space<vmem_shared>>
      %dma_wait3A_146 = tpu.memref_squeeze %dma_wait3A_145 : memref<1x1280xf32, #tpu.memory_space<vmem_shared>> -> memref<1280xf32, #tpu.memory_space<vmem_shared>>
      %dma_wait3A_147 = arith.constant 6400 : i32
      %dma_wait3A_148 = tpu.memref_slice %arg9[%dma_wait3A_147] : memref<40960xf32, #tpu.memory_space<vmem>> -> memref<1280xf32, #tpu.memory_space<vmem>>
      %dma_wait3A_149 = tpu.memref_slice %arg11[%run_scoped3A_32, %mul3A_31] : memref<16x20480xf32, #tpu.memory_space<vmem_shared>> -> memref<1x1280xf32, #tpu.memory_space<vmem_shared>>
      %dma_wait3A_150 = tpu.memref_squeeze %dma_wait3A_149 : memref<1x1280xf32, #tpu.memory_space<vmem_shared>> -> memref<1280xf32, #tpu.memory_space<vmem_shared>>
      tpu.wait_dma2 semaphore(%run_scoped3A_134 : memref<!tpu.dma_semaphore, #tpu.memory_space<semaphore_mem>>) src(%dma_wait3A_150 : memref<1280xf32, #tpu.memory_space<vmem_shared>>) dst(%dma_wait3A_148 : memref<1280xf32, #tpu.memory_space<vmem>>)
      tpu.yield
    }) : () -> ()
    %mul3A_33 = arith.constant 1280 : i32
    %mul3A_34 = arith.muli %arg1, %mul3A_33 : i32
    %run_scoped3A_35 = arith.constant 6 : i32
    "tpu.region"() ({
      %run_scoped3A_134 = tpu.sem_alloc : memref<!tpu.dma_semaphore, #tpu.memory_space<semaphore_mem>>
      %dma_start3A_135 = arith.constant 7680 : i32
      %dma_start3A_136 = tpu.memref_slice %arg9[%dma_start3A_135] : memref<40960xf32, #tpu.memory_space<vmem>> -> memref<1280xf32, #tpu.memory_space<vmem>>
      %dma_start3A_137 = tpu.memref_slice %arg11[%run_scoped3A_35, %mul3A_34] : memref<16x20480xf32, #tpu.memory_space<vmem_shared>> -> memref<1x1280xf32, #tpu.memory_space<vmem_shared>>
      %dma_start3A_138 = tpu.memref_squeeze %dma_start3A_137 : memref<1x1280xf32, #tpu.memory_space<vmem_shared>> -> memref<1280xf32, #tpu.memory_space<vmem_shared>>
      %dma_start3A_139 = arith.constant 7680 : i32
      %dma_start3A_140 = tpu.memref_slice %arg9[%dma_start3A_139] : memref<40960xf32, #tpu.memory_space<vmem>> -> memref<1280xf32, #tpu.memory_space<vmem>>
      %dma_start3A_141 = tpu.memref_slice %arg11[%run_scoped3A_35, %mul3A_34] : memref<16x20480xf32, #tpu.memory_space<vmem_shared>> -> memref<1x1280xf32, #tpu.memory_space<vmem_shared>>
      %dma_start3A_142 = tpu.memref_squeeze %dma_start3A_141 : memref<1x1280xf32, #tpu.memory_space<vmem_shared>> -> memref<1280xf32, #tpu.memory_space<vmem_shared>>
      tpu.enqueue_dma source(%dma_start3A_142 : memref<1280xf32, #tpu.memory_space<vmem_shared>>) target(%dma_start3A_140 : memref<1280xf32, #tpu.memory_space<vmem>>) target_semaphore(%run_scoped3A_134 : memref<!tpu.dma_semaphore, #tpu.memory_space<semaphore_mem>>)
      %dma_wait3A_143 = arith.constant 7680 : i32
      %dma_wait3A_144 = tpu.memref_slice %arg9[%dma_wait3A_143] : memref<40960xf32, #tpu.memory_space<vmem>> -> memref<1280xf32, #tpu.memory_space<vmem>>
      %dma_wait3A_145 = tpu.memref_slice %arg11[%run_scoped3A_35, %mul3A_34] : memref<16x20480xf32, #tpu.memory_space<vmem_shared>> -> memref<1x1280xf32, #tpu.memory_space<vmem_shared>>
      %dma_wait3A_146 = tpu.memref_squeeze %dma_wait3A_145 : memref<1x1280xf32, #tpu.memory_space<vmem_shared>> -> memref<1280xf32, #tpu.memory_space<vmem_shared>>
      %dma_wait3A_147 = arith.constant 7680 : i32
      %dma_wait3A_148 = tpu.memref_slice %arg9[%dma_wait3A_147] : memref<40960xf32, #tpu.memory_space<vmem>> -> memref<1280xf32, #tpu.memory_space<vmem>>
      %dma_wait3A_149 = tpu.memref_slice %arg11[%run_scoped3A_35, %mul3A_34] : memref<16x20480xf32, #tpu.memory_space<vmem_shared>> -> memref<1x1280xf32, #tpu.memory_space<vmem_shared>>
      %dma_wait3A_150 = tpu.memref_squeeze %dma_wait3A_149 : memref<1x1280xf32, #tpu.memory_space<vmem_shared>> -> memref<1280xf32, #tpu.memory_space<vmem_shared>>
      tpu.wait_dma2 semaphore(%run_scoped3A_134 : memref<!tpu.dma_semaphore, #tpu.memory_space<semaphore_mem>>) src(%dma_wait3A_150 : memref<1280xf32, #tpu.memory_space<vmem_shared>>) dst(%dma_wait3A_148 : memref<1280xf32, #tpu.memory_space<vmem>>)
      tpu.yield
    }) : () -> ()
    %mul3A_36 = arith.constant 1280 : i32
    %mul3A_37 = arith.muli %arg1, %mul3A_36 : i32
    %run_scoped3A_38 = arith.constant 7 : i32
    "tpu.region"() ({
      %run_scoped3A_134 = tpu.sem_alloc : memref<!tpu.dma_semaphore, #tpu.memory_space<semaphore_mem>>
      %dma_start3A_135 = arith.constant 8960 : i32
      %dma_start3A_136 = tpu.memref_slice %arg9[%dma_start3A_135] : memref<40960xf32, #tpu.memory_space<vmem>> -> memref<1280xf32, #tpu.memory_space<vmem>>
      %dma_start3A_137 = tpu.memref_slice %arg11[%run_scoped3A_38, %mul3A_37] : memref<16x20480xf32, #tpu.memory_space<vmem_shared>> -> memref<1x1280xf32, #tpu.memory_space<vmem_shared>>
      %dma_start3A_138 = tpu.memref_squeeze %dma_start3A_137 : memref<1x1280xf32, #tpu.memory_space<vmem_shared>> -> memref<1280xf32, #tpu.memory_space<vmem_shared>>
      %dma_start3A_139 = arith.constant 8960 : i32
      %dma_start3A_140 = tpu.memref_slice %arg9[%dma_start3A_139] : memref<40960xf32, #tpu.memory_space<vmem>> -> memref<1280xf32, #tpu.memory_space<vmem>>
      %dma_start3A_141 = tpu.memref_slice %arg11[%run_scoped3A_38, %mul3A_37] : memref<16x20480xf32, #tpu.memory_space<vmem_shared>> -> memref<1x1280xf32, #tpu.memory_space<vmem_shared>>
      %dma_start3A_142 = tpu.memref_squeeze %dma_start3A_141 : memref<1x1280xf32, #tpu.memory_space<vmem_shared>> -> memref<1280xf32, #tpu.memory_space<vmem_shared>>
      tpu.enqueue_dma source(%dma_start3A_142 : memref<1280xf32, #tpu.memory_space<vmem_shared>>) target(%dma_start3A_140 : memref<1280xf32, #tpu.memory_space<vmem>>) target_semaphore(%run_scoped3A_134 : memref<!tpu.dma_semaphore, #tpu.memory_space<semaphore_mem>>)
      %dma_wait3A_143 = arith.constant 8960 : i32
      %dma_wait3A_144 = tpu.memref_slice %arg9[%dma_wait3A_143] : memref<40960xf32, #tpu.memory_space<vmem>> -> memref<1280xf32, #tpu.memory_space<vmem>>
      %dma_wait3A_145 = tpu.memref_slice %arg11[%run_scoped3A_38, %mul3A_37] : memref<16x20480xf32, #tpu.memory_space<vmem_shared>> -> memref<1x1280xf32, #tpu.memory_space<vmem_shared>>
      %dma_wait3A_146 = tpu.memref_squeeze %dma_wait3A_145 : memref<1x1280xf32, #tpu.memory_space<vmem_shared>> -> memref<1280xf32, #tpu.memory_space<vmem_shared>>
      %dma_wait3A_147 = arith.constant 8960 : i32
      %dma_wait3A_148 = tpu.memref_slice %arg9[%dma_wait3A_147] : memref<40960xf32, #tpu.memory_space<vmem>> -> memref<1280xf32, #tpu.memory_space<vmem>>
      %dma_wait3A_149 = tpu.memref_slice %arg11[%run_scoped3A_38, %mul3A_37] : memref<16x20480xf32, #tpu.memory_space<vmem_shared>> -> memref<1x1280xf32, #tpu.memory_space<vmem_shared>>
      %dma_wait3A_150 = tpu.memref_squeeze %dma_wait3A_149 : memref<1x1280xf32, #tpu.memory_space<vmem_shared>> -> memref<1280xf32, #tpu.memory_space<vmem_shared>>
      tpu.wait_dma2 semaphore(%run_scoped3A_134 : memref<!tpu.dma_semaphore, #tpu.memory_space<semaphore_mem>>) src(%dma_wait3A_150 : memref<1280xf32, #tpu.memory_space<vmem_shared>>) dst(%dma_wait3A_148 : memref<1280xf32, #tpu.memory_space<vmem>>)
      tpu.yield
    }) : () -> ()
    %mul3A_39 = arith.constant 1280 : i32
    %mul3A_40 = arith.muli %arg1, %mul3A_39 : i32
    %run_scoped3A_41 = arith.constant 8 : i32
    "tpu.region"() ({
      %run_scoped3A_134 = tpu.sem_alloc : memref<!tpu.dma_semaphore, #tpu.memory_space<semaphore_mem>>
      %dma_start3A_135 = arith.constant 10240 : i32
      %dma_start3A_136 = tpu.memref_slice %arg9[%dma_start3A_135] : memref<40960xf32, #tpu.memory_space<vmem>> -> memref<1280xf32, #tpu.memory_space<vmem>>
      %dma_start3A_137 = tpu.memref_slice %arg11[%run_scoped3A_41, %mul3A_40] : memref<16x20480xf32, #tpu.memory_space<vmem_shared>> -> memref<1x1280xf32, #tpu.memory_space<vmem_shared>>
      %dma_start3A_138 = tpu.memref_squeeze %dma_start3A_137 : memref<1x1280xf32, #tpu.memory_space<vmem_shared>> -> memref<1280xf32, #tpu.memory_space<vmem_shared>>
      %dma_start3A_139 = arith.constant 10240 : i32
      %dma_start3A_140 = tpu.memref_slice %arg9[%dma_start3A_139] : memref<40960xf32, #tpu.memory_space<vmem>> -> memref<1280xf32, #tpu.memory_space<vmem>>
      %dma_start3A_141 = tpu.memref_slice %arg11[%run_scoped3A_41, %mul3A_40] : memref<16x20480xf32, #tpu.memory_space<vmem_shared>> -> memref<1x1280xf32, #tpu.memory_space<vmem_shared>>
      %dma_start3A_142 = tpu.memref_squeeze %dma_start3A_141 : memref<1x1280xf32, #tpu.memory_space<vmem_shared>> -> memref<1280xf32, #tpu.memory_space<vmem_shared>>
      tpu.enqueue_dma source(%dma_start3A_142 : memref<1280xf32, #tpu.memory_space<vmem_shared>>) target(%dma_start3A_140 : memref<1280xf32, #tpu.memory_space<vmem>>) target_semaphore(%run_scoped3A_134 : memref<!tpu.dma_semaphore, #tpu.memory_space<semaphore_mem>>)
      %dma_wait3A_143 = arith.constant 10240 : i32
      %dma_wait3A_144 = tpu.memref_slice %arg9[%dma_wait3A_143] : memref<40960xf32, #tpu.memory_space<vmem>> -> memref<1280xf32, #tpu.memory_space<vmem>>
      %dma_wait3A_145 = tpu.memref_slice %arg11[%run_scoped3A_41, %mul3A_40] : memref<16x20480xf32, #tpu.memory_space<vmem_shared>> -> memref<1x1280xf32, #tpu.memory_space<vmem_shared>>
      %dma_wait3A_146 = tpu.memref_squeeze %dma_wait3A_145 : memref<1x1280xf32, #tpu.memory_space<vmem_shared>> -> memref<1280xf32, #tpu.memory_space<vmem_shared>>
      %dma_wait3A_147 = arith.constant 10240 : i32
      %dma_wait3A_148 = tpu.memref_slice %arg9[%dma_wait3A_147] : memref<40960xf32, #tpu.memory_space<vmem>> -> memref<1280xf32, #tpu.memory_space<vmem>>
      %dma_wait3A_149 = tpu.memref_slice %arg11[%run_scoped3A_41, %mul3A_40] : memref<16x20480xf32, #tpu.memory_space<vmem_shared>> -> memref<1x1280xf32, #tpu.memory_space<vmem_shared>>
      %dma_wait3A_150 = tpu.memref_squeeze %dma_wait3A_149 : memref<1x1280xf32, #tpu.memory_space<vmem_shared>> -> memref<1280xf32, #tpu.memory_space<vmem_shared>>
      tpu.wait_dma2 semaphore(%run_scoped3A_134 : memref<!tpu.dma_semaphore, #tpu.memory_space<semaphore_mem>>) src(%dma_wait3A_150 : memref<1280xf32, #tpu.memory_space<vmem_shared>>) dst(%dma_wait3A_148 : memref<1280xf32, #tpu.memory_space<vmem>>)
      tpu.yield
    }) : () -> ()
    %mul3A_42 = arith.constant 1280 : i32
    %mul3A_43 = arith.muli %arg1, %mul3A_42 : i32
    %run_scoped3A_44 = arith.constant 9 : i32
    "tpu.region"() ({
      %run_scoped3A_134 = tpu.sem_alloc : memref<!tpu.dma_semaphore, #tpu.memory_space<semaphore_mem>>
      %dma_start3A_135 = arith.constant 11520 : i32
      %dma_start3A_136 = tpu.memref_slice %arg9[%dma_start3A_135] : memref<40960xf32, #tpu.memory_space<vmem>> -> memref<1280xf32, #tpu.memory_space<vmem>>
      %dma_start3A_137 = tpu.memref_slice %arg11[%run_scoped3A_44, %mul3A_43] : memref<16x20480xf32, #tpu.memory_space<vmem_shared>> -> memref<1x1280xf32, #tpu.memory_space<vmem_shared>>
      %dma_start3A_138 = tpu.memref_squeeze %dma_start3A_137 : memref<1x1280xf32, #tpu.memory_space<vmem_shared>> -> memref<1280xf32, #tpu.memory_space<vmem_shared>>
      %dma_start3A_139 = arith.constant 11520 : i32
      %dma_start3A_140 = tpu.memref_slice %arg9[%dma_start3A_139] : memref<40960xf32, #tpu.memory_space<vmem>> -> memref<1280xf32, #tpu.memory_space<vmem>>
      %dma_start3A_141 = tpu.memref_slice %arg11[%run_scoped3A_44, %mul3A_43] : memref<16x20480xf32, #tpu.memory_space<vmem_shared>> -> memref<1x1280xf32, #tpu.memory_space<vmem_shared>>
      %dma_start3A_142 = tpu.memref_squeeze %dma_start3A_141 : memref<1x1280xf32, #tpu.memory_space<vmem_shared>> -> memref<1280xf32, #tpu.memory_space<vmem_shared>>
      tpu.enqueue_dma source(%dma_start3A_142 : memref<1280xf32, #tpu.memory_space<vmem_shared>>) target(%dma_start3A_140 : memref<1280xf32, #tpu.memory_space<vmem>>) target_semaphore(%run_scoped3A_134 : memref<!tpu.dma_semaphore, #tpu.memory_space<semaphore_mem>>)
      %dma_wait3A_143 = arith.constant 11520 : i32
      %dma_wait3A_144 = tpu.memref_slice %arg9[%dma_wait3A_143] : memref<40960xf32, #tpu.memory_space<vmem>> -> memref<1280xf32, #tpu.memory_space<vmem>>
      %dma_wait3A_145 = tpu.memref_slice %arg11[%run_scoped3A_44, %mul3A_43] : memref<16x20480xf32, #tpu.memory_space<vmem_shared>> -> memref<1x1280xf32, #tpu.memory_space<vmem_shared>>
      %dma_wait3A_146 = tpu.memref_squeeze %dma_wait3A_145 : memref<1x1280xf32, #tpu.memory_space<vmem_shared>> -> memref<1280xf32, #tpu.memory_space<vmem_shared>>
      %dma_wait3A_147 = arith.constant 11520 : i32
      %dma_wait3A_148 = tpu.memref_slice %arg9[%dma_wait3A_147] : memref<40960xf32, #tpu.memory_space<vmem>> -> memref<1280xf32, #tpu.memory_space<vmem>>
      %dma_wait3A_149 = tpu.memref_slice %arg11[%run_scoped3A_44, %mul3A_43] : memref<16x20480xf32, #tpu.memory_space<vmem_shared>> -> memref<1x1280xf32, #tpu.memory_space<vmem_shared>>
      %dma_wait3A_150 = tpu.memref_squeeze %dma_wait3A_149 : memref<1x1280xf32, #tpu.memory_space<vmem_shared>> -> memref<1280xf32, #tpu.memory_space<vmem_shared>>
      tpu.wait_dma2 semaphore(%run_scoped3A_134 : memref<!tpu.dma_semaphore, #tpu.memory_space<semaphore_mem>>) src(%dma_wait3A_150 : memref<1280xf32, #tpu.memory_space<vmem_shared>>) dst(%dma_wait3A_148 : memref<1280xf32, #tpu.memory_space<vmem>>)
      tpu.yield
    }) : () -> ()
    %mul3A_45 = arith.constant 1280 : i32
    %mul3A_46 = arith.muli %arg1, %mul3A_45 : i32
    %run_scoped3A_47 = arith.constant 10 : i32
    "tpu.region"() ({
      %run_scoped3A_134 = tpu.sem_alloc : memref<!tpu.dma_semaphore, #tpu.memory_space<semaphore_mem>>
      %dma_start3A_135 = arith.constant 12800 : i32
      %dma_start3A_136 = tpu.memref_slice %arg9[%dma_start3A_135] : memref<40960xf32, #tpu.memory_space<vmem>> -> memref<1280xf32, #tpu.memory_space<vmem>>
      %dma_start3A_137 = tpu.memref_slice %arg11[%run_scoped3A_47, %mul3A_46] : memref<16x20480xf32, #tpu.memory_space<vmem_shared>> -> memref<1x1280xf32, #tpu.memory_space<vmem_shared>>
      %dma_start3A_138 = tpu.memref_squeeze %dma_start3A_137 : memref<1x1280xf32, #tpu.memory_space<vmem_shared>> -> memref<1280xf32, #tpu.memory_space<vmem_shared>>
      %dma_start3A_139 = arith.constant 12800 : i32
      %dma_start3A_140 = tpu.memref_slice %arg9[%dma_start3A_139] : memref<40960xf32, #tpu.memory_space<vmem>> -> memref<1280xf32, #tpu.memory_space<vmem>>
      %dma_start3A_141 = tpu.memref_slice %arg11[%run_scoped3A_47, %mul3A_46] : memref<16x20480xf32, #tpu.memory_space<vmem_shared>> -> memref<1x1280xf32, #tpu.memory_space<vmem_shared>>
      %dma_start3A_142 = tpu.memref_squeeze %dma_start3A_141 : memref<1x1280xf32, #tpu.memory_space<vmem_shared>> -> memref<1280xf32, #tpu.memory_space<vmem_shared>>
      tpu.enqueue_dma source(%dma_start3A_142 : memref<1280xf32, #tpu.memory_space<vmem_shared>>) target(%dma_start3A_140 : memref<1280xf32, #tpu.memory_space<vmem>>) target_semaphore(%run_scoped3A_134 : memref<!tpu.dma_semaphore, #tpu.memory_space<semaphore_mem>>)
      %dma_wait3A_143 = arith.constant 12800 : i32
      %dma_wait3A_144 = tpu.memref_slice %arg9[%dma_wait3A_143] : memref<40960xf32, #tpu.memory_space<vmem>> -> memref<1280xf32, #tpu.memory_space<vmem>>
      %dma_wait3A_145 = tpu.memref_slice %arg11[%run_scoped3A_47, %mul3A_46] : memref<16x20480xf32, #tpu.memory_space<vmem_shared>> -> memref<1x1280xf32, #tpu.memory_space<vmem_shared>>
      %dma_wait3A_146 = tpu.memref_squeeze %dma_wait3A_145 : memref<1x1280xf32, #tpu.memory_space<vmem_shared>> -> memref<1280xf32, #tpu.memory_space<vmem_shared>>
      %dma_wait3A_147 = arith.constant 12800 : i32
      %dma_wait3A_148 = tpu.memref_slice %arg9[%dma_wait3A_147] : memref<40960xf32, #tpu.memory_space<vmem>> -> memref<1280xf32, #tpu.memory_space<vmem>>
      %dma_wait3A_149 = tpu.memref_slice %arg11[%run_scoped3A_47, %mul3A_46] : memref<16x20480xf32, #tpu.memory_space<vmem_shared>> -> memref<1x1280xf32, #tpu.memory_space<vmem_shared>>
      %dma_wait3A_150 = tpu.memref_squeeze %dma_wait3A_149 : memref<1x1280xf32, #tpu.memory_space<vmem_shared>> -> memref<1280xf32, #tpu.memory_space<vmem_shared>>
      tpu.wait_dma2 semaphore(%run_scoped3A_134 : memref<!tpu.dma_semaphore, #tpu.memory_space<semaphore_mem>>) src(%dma_wait3A_150 : memref<1280xf32, #tpu.memory_space<vmem_shared>>) dst(%dma_wait3A_148 : memref<1280xf32, #tpu.memory_space<vmem>>)
      tpu.yield
    }) : () -> ()
    %mul3A_48 = arith.constant 1280 : i32
    %mul3A_49 = arith.muli %arg1, %mul3A_48 : i32
    %run_scoped3A_50 = arith.constant 11 : i32
    "tpu.region"() ({
      %run_scoped3A_134 = tpu.sem_alloc : memref<!tpu.dma_semaphore, #tpu.memory_space<semaphore_mem>>
      %dma_start3A_135 = arith.constant 14080 : i32
      %dma_start3A_136 = tpu.memref_slice %arg9[%dma_start3A_135] : memref<40960xf32, #tpu.memory_space<vmem>> -> memref<1280xf32, #tpu.memory_space<vmem>>
      %dma_start3A_137 = tpu.memref_slice %arg11[%run_scoped3A_50, %mul3A_49] : memref<16x20480xf32, #tpu.memory_space<vmem_shared>> -> memref<1x1280xf32, #tpu.memory_space<vmem_shared>>
      %dma_start3A_138 = tpu.memref_squeeze %dma_start3A_137 : memref<1x1280xf32, #tpu.memory_space<vmem_shared>> -> memref<1280xf32, #tpu.memory_space<vmem_shared>>
      %dma_start3A_139 = arith.constant 14080 : i32
      %dma_start3A_140 = tpu.memref_slice %arg9[%dma_start3A_139] : memref<40960xf32, #tpu.memory_space<vmem>> -> memref<1280xf32, #tpu.memory_space<vmem>>
      %dma_start3A_141 = tpu.memref_slice %arg11[%run_scoped3A_50, %mul3A_49] : memref<16x20480xf32, #tpu.memory_space<vmem_shared>> -> memref<1x1280xf32, #tpu.memory_space<vmem_shared>>
      %dma_start3A_142 = tpu.memref_squeeze %dma_start3A_141 : memref<1x1280xf32, #tpu.memory_space<vmem_shared>> -> memref<1280xf32, #tpu.memory_space<vmem_shared>>
      tpu.enqueue_dma source(%dma_start3A_142 : memref<1280xf32, #tpu.memory_space<vmem_shared>>) target(%dma_start3A_140 : memref<1280xf32, #tpu.memory_space<vmem>>) target_semaphore(%run_scoped3A_134 : memref<!tpu.dma_semaphore, #tpu.memory_space<semaphore_mem>>)
      %dma_wait3A_143 = arith.constant 14080 : i32
      %dma_wait3A_144 = tpu.memref_slice %arg9[%dma_wait3A_143] : memref<40960xf32, #tpu.memory_space<vmem>> -> memref<1280xf32, #tpu.memory_space<vmem>>
      %dma_wait3A_145 = tpu.memref_slice %arg11[%run_scoped3A_50, %mul3A_49] : memref<16x20480xf32, #tpu.memory_space<vmem_shared>> -> memref<1x1280xf32, #tpu.memory_space<vmem_shared>>
      %dma_wait3A_146 = tpu.memref_squeeze %dma_wait3A_145 : memref<1x1280xf32, #tpu.memory_space<vmem_shared>> -> memref<1280xf32, #tpu.memory_space<vmem_shared>>
      %dma_wait3A_147 = arith.constant 14080 : i32
      %dma_wait3A_148 = tpu.memref_slice %arg9[%dma_wait3A_147] : memref<40960xf32, #tpu.memory_space<vmem>> -> memref<1280xf32, #tpu.memory_space<vmem>>
      %dma_wait3A_149 = tpu.memref_slice %arg11[%run_scoped3A_50, %mul3A_49] : memref<16x20480xf32, #tpu.memory_space<vmem_shared>> -> memref<1x1280xf32, #tpu.memory_space<vmem_shared>>
      %dma_wait3A_150 = tpu.memref_squeeze %dma_wait3A_149 : memref<1x1280xf32, #tpu.memory_space<vmem_shared>> -> memref<1280xf32, #tpu.memory_space<vmem_shared>>
      tpu.wait_dma2 semaphore(%run_scoped3A_134 : memref<!tpu.dma_semaphore, #tpu.memory_space<semaphore_mem>>) src(%dma_wait3A_150 : memref<1280xf32, #tpu.memory_space<vmem_shared>>) dst(%dma_wait3A_148 : memref<1280xf32, #tpu.memory_space<vmem>>)
      tpu.yield
    }) : () -> ()
    %mul3A_51 = arith.constant 1280 : i32
    %mul3A_52 = arith.muli %arg1, %mul3A_51 : i32
    %run_scoped3A_53 = arith.constant 12 : i32
    "tpu.region"() ({
      %run_scoped3A_134 = tpu.sem_alloc : memref<!tpu.dma_semaphore, #tpu.memory_space<semaphore_mem>>
      %dma_start3A_135 = arith.constant 15360 : i32
      %dma_start3A_136 = tpu.memref_slice %arg9[%dma_start3A_135] : memref<40960xf32, #tpu.memory_space<vmem>> -> memref<1280xf32, #tpu.memory_space<vmem>>
      %dma_start3A_137 = tpu.memref_slice %arg11[%run_scoped3A_53, %mul3A_52] : memref<16x20480xf32, #tpu.memory_space<vmem_shared>> -> memref<1x1280xf32, #tpu.memory_space<vmem_shared>>
      %dma_start3A_138 = tpu.memref_squeeze %dma_start3A_137 : memref<1x1280xf32, #tpu.memory_space<vmem_shared>> -> memref<1280xf32, #tpu.memory_space<vmem_shared>>
      %dma_start3A_139 = arith.constant 15360 : i32
      %dma_start3A_140 = tpu.memref_slice %arg9[%dma_start3A_139] : memref<40960xf32, #tpu.memory_space<vmem>> -> memref<1280xf32, #tpu.memory_space<vmem>>
      %dma_start3A_141 = tpu.memref_slice %arg11[%run_scoped3A_53, %mul3A_52] : memref<16x20480xf32, #tpu.memory_space<vmem_shared>> -> memref<1x1280xf32, #tpu.memory_space<vmem_shared>>
      %dma_start3A_142 = tpu.memref_squeeze %dma_start3A_141 : memref<1x1280xf32, #tpu.memory_space<vmem_shared>> -> memref<1280xf32, #tpu.memory_space<vmem_shared>>
      tpu.enqueue_dma source(%dma_start3A_142 : memref<1280xf32, #tpu.memory_space<vmem_shared>>) target(%dma_start3A_140 : memref<1280xf32, #tpu.memory_space<vmem>>) target_semaphore(%run_scoped3A_134 : memref<!tpu.dma_semaphore, #tpu.memory_space<semaphore_mem>>)
      %dma_wait3A_143 = arith.constant 15360 : i32
      %dma_wait3A_144 = tpu.memref_slice %arg9[%dma_wait3A_143] : memref<40960xf32, #tpu.memory_space<vmem>> -> memref<1280xf32, #tpu.memory_space<vmem>>
      %dma_wait3A_145 = tpu.memref_slice %arg11[%run_scoped3A_53, %mul3A_52] : memref<16x20480xf32, #tpu.memory_space<vmem_shared>> -> memref<1x1280xf32, #tpu.memory_space<vmem_shared>>
      %dma_wait3A_146 = tpu.memref_squeeze %dma_wait3A_145 : memref<1x1280xf32, #tpu.memory_space<vmem_shared>> -> memref<1280xf32, #tpu.memory_space<vmem_shared>>
      %dma_wait3A_147 = arith.constant 15360 : i32
      %dma_wait3A_148 = tpu.memref_slice %arg9[%dma_wait3A_147] : memref<40960xf32, #tpu.memory_space<vmem>> -> memref<1280xf32, #tpu.memory_space<vmem>>
      %dma_wait3A_149 = tpu.memref_slice %arg11[%run_scoped3A_53, %mul3A_52] : memref<16x20480xf32, #tpu.memory_space<vmem_shared>> -> memref<1x1280xf32, #tpu.memory_space<vmem_shared>>
      %dma_wait3A_150 = tpu.memref_squeeze %dma_wait3A_149 : memref<1x1280xf32, #tpu.memory_space<vmem_shared>> -> memref<1280xf32, #tpu.memory_space<vmem_shared>>
      tpu.wait_dma2 semaphore(%run_scoped3A_134 : memref<!tpu.dma_semaphore, #tpu.memory_space<semaphore_mem>>) src(%dma_wait3A_150 : memref<1280xf32, #tpu.memory_space<vmem_shared>>) dst(%dma_wait3A_148 : memref<1280xf32, #tpu.memory_space<vmem>>)
      tpu.yield
    }) : () -> ()
    %mul3A_54 = arith.constant 1280 : i32
    %mul3A_55 = arith.muli %arg1, %mul3A_54 : i32
    %run_scoped3A_56 = arith.constant 13 : i32
    "tpu.region"() ({
      %run_scoped3A_134 = tpu.sem_alloc : memref<!tpu.dma_semaphore, #tpu.memory_space<semaphore_mem>>
      %dma_start3A_135 = arith.constant 16640 : i32
      %dma_start3A_136 = tpu.memref_slice %arg9[%dma_start3A_135] : memref<40960xf32, #tpu.memory_space<vmem>> -> memref<1280xf32, #tpu.memory_space<vmem>>
      %dma_start3A_137 = tpu.memref_slice %arg11[%run_scoped3A_56, %mul3A_55] : memref<16x20480xf32, #tpu.memory_space<vmem_shared>> -> memref<1x1280xf32, #tpu.memory_space<vmem_shared>>
      %dma_start3A_138 = tpu.memref_squeeze %dma_start3A_137 : memref<1x1280xf32, #tpu.memory_space<vmem_shared>> -> memref<1280xf32, #tpu.memory_space<vmem_shared>>
      %dma_start3A_139 = arith.constant 16640 : i32
      %dma_start3A_140 = tpu.memref_slice %arg9[%dma_start3A_139] : memref<40960xf32, #tpu.memory_space<vmem>> -> memref<1280xf32, #tpu.memory_space<vmem>>
      %dma_start3A_141 = tpu.memref_slice %arg11[%run_scoped3A_56, %mul3A_55] : memref<16x20480xf32, #tpu.memory_space<vmem_shared>> -> memref<1x1280xf32, #tpu.memory_space<vmem_shared>>
      %dma_start3A_142 = tpu.memref_squeeze %dma_start3A_141 : memref<1x1280xf32, #tpu.memory_space<vmem_shared>> -> memref<1280xf32, #tpu.memory_space<vmem_shared>>
      tpu.enqueue_dma source(%dma_start3A_142 : memref<1280xf32, #tpu.memory_space<vmem_shared>>) target(%dma_start3A_140 : memref<1280xf32, #tpu.memory_space<vmem>>) target_semaphore(%run_scoped3A_134 : memref<!tpu.dma_semaphore, #tpu.memory_space<semaphore_mem>>)
      %dma_wait3A_143 = arith.constant 16640 : i32
      %dma_wait3A_144 = tpu.memref_slice %arg9[%dma_wait3A_143] : memref<40960xf32, #tpu.memory_space<vmem>> -> memref<1280xf32, #tpu.memory_space<vmem>>
      %dma_wait3A_145 = tpu.memref_slice %arg11[%run_scoped3A_56, %mul3A_55] : memref<16x20480xf32, #tpu.memory_space<vmem_shared>> -> memref<1x1280xf32, #tpu.memory_space<vmem_shared>>
      %dma_wait3A_146 = tpu.memref_squeeze %dma_wait3A_145 : memref<1x1280xf32, #tpu.memory_space<vmem_shared>> -> memref<1280xf32, #tpu.memory_space<vmem_shared>>
      %dma_wait3A_147 = arith.constant 16640 : i32
      %dma_wait3A_148 = tpu.memref_slice %arg9[%dma_wait3A_147] : memref<40960xf32, #tpu.memory_space<vmem>> -> memref<1280xf32, #tpu.memory_space<vmem>>
      %dma_wait3A_149 = tpu.memref_slice %arg11[%run_scoped3A_56, %mul3A_55] : memref<16x20480xf32, #tpu.memory_space<vmem_shared>> -> memref<1x1280xf32, #tpu.memory_space<vmem_shared>>
      %dma_wait3A_150 = tpu.memref_squeeze %dma_wait3A_149 : memref<1x1280xf32, #tpu.memory_space<vmem_shared>> -> memref<1280xf32, #tpu.memory_space<vmem_shared>>
      tpu.wait_dma2 semaphore(%run_scoped3A_134 : memref<!tpu.dma_semaphore, #tpu.memory_space<semaphore_mem>>) src(%dma_wait3A_150 : memref<1280xf32, #tpu.memory_space<vmem_shared>>) dst(%dma_wait3A_148 : memref<1280xf32, #tpu.memory_space<vmem>>)
      tpu.yield
    }) : () -> ()
    %mul3A_57 = arith.constant 1280 : i32
    %mul3A_58 = arith.muli %arg1, %mul3A_57 : i32
    %run_scoped3A_59 = arith.constant 14 : i32
    "tpu.region"() ({
      %run_scoped3A_134 = tpu.sem_alloc : memref<!tpu.dma_semaphore, #tpu.memory_space<semaphore_mem>>
      %dma_start3A_135 = arith.constant 17920 : i32
      %dma_start3A_136 = tpu.memref_slice %arg9[%dma_start3A_135] : memref<40960xf32, #tpu.memory_space<vmem>> -> memref<1280xf32, #tpu.memory_space<vmem>>
      %dma_start3A_137 = tpu.memref_slice %arg11[%run_scoped3A_59, %mul3A_58] : memref<16x20480xf32, #tpu.memory_space<vmem_shared>> -> memref<1x1280xf32, #tpu.memory_space<vmem_shared>>
      %dma_start3A_138 = tpu.memref_squeeze %dma_start3A_137 : memref<1x1280xf32, #tpu.memory_space<vmem_shared>> -> memref<1280xf32, #tpu.memory_space<vmem_shared>>
      %dma_start3A_139 = arith.constant 17920 : i32
      %dma_start3A_140 = tpu.memref_slice %arg9[%dma_start3A_139] : memref<40960xf32, #tpu.memory_space<vmem>> -> memref<1280xf32, #tpu.memory_space<vmem>>
      %dma_start3A_141 = tpu.memref_slice %arg11[%run_scoped3A_59, %mul3A_58] : memref<16x20480xf32, #tpu.memory_space<vmem_shared>> -> memref<1x1280xf32, #tpu.memory_space<vmem_shared>>
      %dma_start3A_142 = tpu.memref_squeeze %dma_start3A_141 : memref<1x1280xf32, #tpu.memory_space<vmem_shared>> -> memref<1280xf32, #tpu.memory_space<vmem_shared>>
      tpu.enqueue_dma source(%dma_start3A_142 : memref<1280xf32, #tpu.memory_space<vmem_shared>>) target(%dma_start3A_140 : memref<1280xf32, #tpu.memory_space<vmem>>) target_semaphore(%run_scoped3A_134 : memref<!tpu.dma_semaphore, #tpu.memory_space<semaphore_mem>>)
      %dma_wait3A_143 = arith.constant 17920 : i32
      %dma_wait3A_144 = tpu.memref_slice %arg9[%dma_wait3A_143] : memref<40960xf32, #tpu.memory_space<vmem>> -> memref<1280xf32, #tpu.memory_space<vmem>>
      %dma_wait3A_145 = tpu.memref_slice %arg11[%run_scoped3A_59, %mul3A_58] : memref<16x20480xf32, #tpu.memory_space<vmem_shared>> -> memref<1x1280xf32, #tpu.memory_space<vmem_shared>>
      %dma_wait3A_146 = tpu.memref_squeeze %dma_wait3A_145 : memref<1x1280xf32, #tpu.memory_space<vmem_shared>> -> memref<1280xf32, #tpu.memory_space<vmem_shared>>
      %dma_wait3A_147 = arith.constant 17920 : i32
      %dma_wait3A_148 = tpu.memref_slice %arg9[%dma_wait3A_147] : memref<40960xf32, #tpu.memory_space<vmem>> -> memref<1280xf32, #tpu.memory_space<vmem>>
      %dma_wait3A_149 = tpu.memref_slice %arg11[%run_scoped3A_59, %mul3A_58] : memref<16x20480xf32, #tpu.memory_space<vmem_shared>> -> memref<1x1280xf32, #tpu.memory_space<vmem_shared>>
      %dma_wait3A_150 = tpu.memref_squeeze %dma_wait3A_149 : memref<1x1280xf32, #tpu.memory_space<vmem_shared>> -> memref<1280xf32, #tpu.memory_space<vmem_shared>>
      tpu.wait_dma2 semaphore(%run_scoped3A_134 : memref<!tpu.dma_semaphore, #tpu.memory_space<semaphore_mem>>) src(%dma_wait3A_150 : memref<1280xf32, #tpu.memory_space<vmem_shared>>) dst(%dma_wait3A_148 : memref<1280xf32, #tpu.memory_space<vmem>>)
      tpu.yield
    }) : () -> ()
    %mul3A_60 = arith.constant 1280 : i32
    %mul3A_61 = arith.muli %arg1, %mul3A_60 : i32
    %run_scoped3A_62 = arith.constant 15 : i32
    "tpu.region"() ({
      %run_scoped3A_134 = tpu.sem_alloc : memref<!tpu.dma_semaphore, #tpu.memory_space<semaphore_mem>>
      %dma_start3A_135 = arith.constant 19200 : i32
      %dma_start3A_136 = tpu.memref_slice %arg9[%dma_start3A_135] : memref<40960xf32, #tpu.memory_space<vmem>> -> memref<1280xf32, #tpu.memory_space<vmem>>
      %dma_start3A_137 = tpu.memref_slice %arg11[%run_scoped3A_62, %mul3A_61] : memref<16x20480xf32, #tpu.memory_space<vmem_shared>> -> memref<1x1280xf32, #tpu.memory_space<vmem_shared>>
      %dma_start3A_138 = tpu.memref_squeeze %dma_start3A_137 : memref<1x1280xf32, #tpu.memory_space<vmem_shared>> -> memref<1280xf32, #tpu.memory_space<vmem_shared>>
      %dma_start3A_139 = arith.constant 19200 : i32
      %dma_start3A_140 = tpu.memref_slice %arg9[%dma_start3A_139] : memref<40960xf32, #tpu.memory_space<vmem>> -> memref<1280xf32, #tpu.memory_space<vmem>>
      %dma_start3A_141 = tpu.memref_slice %arg11[%run_scoped3A_62, %mul3A_61] : memref<16x20480xf32, #tpu.memory_space<vmem_shared>> -> memref<1x1280xf32, #tpu.memory_space<vmem_shared>>
      %dma_start3A_142 = tpu.memref_squeeze %dma_start3A_141 : memref<1x1280xf32, #tpu.memory_space<vmem_shared>> -> memref<1280xf32, #tpu.memory_space<vmem_shared>>
      tpu.enqueue_dma source(%dma_start3A_142 : memref<1280xf32, #tpu.memory_space<vmem_shared>>) target(%dma_start3A_140 : memref<1280xf32, #tpu.memory_space<vmem>>) target_semaphore(%run_scoped3A_134 : memref<!tpu.dma_semaphore, #tpu.memory_space<semaphore_mem>>)
      %dma_wait3A_143 = arith.constant 19200 : i32
      %dma_wait3A_144 = tpu.memref_slice %arg9[%dma_wait3A_143] : memref<40960xf32, #tpu.memory_space<vmem>> -> memref<1280xf32, #tpu.memory_space<vmem>>
      %dma_wait3A_145 = tpu.memref_slice %arg11[%run_scoped3A_62, %mul3A_61] : memref<16x20480xf32, #tpu.memory_space<vmem_shared>> -> memref<1x1280xf32, #tpu.memory_space<vmem_shared>>
      %dma_wait3A_146 = tpu.memref_squeeze %dma_wait3A_145 : memref<1x1280xf32, #tpu.memory_space<vmem_shared>> -> memref<1280xf32, #tpu.memory_space<vmem_shared>>
      %dma_wait3A_147 = arith.constant 19200 : i32
      %dma_wait3A_148 = tpu.memref_slice %arg9[%dma_wait3A_147] : memref<40960xf32, #tpu.memory_space<vmem>> -> memref<1280xf32, #tpu.memory_space<vmem>>
      %dma_wait3A_149 = tpu.memref_slice %arg11[%run_scoped3A_62, %mul3A_61] : memref<16x20480xf32, #tpu.memory_space<vmem_shared>> -> memref<1x1280xf32, #tpu.memory_space<vmem_shared>>
      %dma_wait3A_150 = tpu.memref_squeeze %dma_wait3A_149 : memref<1x1280xf32, #tpu.memory_space<vmem_shared>> -> memref<1280xf32, #tpu.memory_space<vmem_shared>>
      tpu.wait_dma2 semaphore(%run_scoped3A_134 : memref<!tpu.dma_semaphore, #tpu.memory_space<semaphore_mem>>) src(%dma_wait3A_150 : memref<1280xf32, #tpu.memory_space<vmem_shared>>) dst(%dma_wait3A_148 : memref<1280xf32, #tpu.memory_space<vmem>>)
      tpu.yield
    }) : () -> ()
    %scan3A_63 = arith.constant 0 : i32
    %scan3A_64 = arith.constant 0 : i32
    %scan3A_65 = arith.constant 80 : i32
    %scan3A_66 = arith.addi %scan3A_64, %scan3A_65 : i32
    %scan3A_67 = arith.constant 1 : i32
    scf.for %scan3A_134 = %scan3A_64 to %scan3A_66 step %scan3A_67  : i32 {
      %mul3A_135 = arith.constant 16 : i32
      %mul3A_136 = arith.muli %scan3A_134, %mul3A_135 : i32
      %multiple_of3A = tpu.assume_multiple %mul3A_136, 16 : i32
      %get3A = arith.index_cast %multiple_of3A : i32 to index
      %get3A_137 = tpu.vector_load %arg9[%get3A] {strides = array<i32>} : memref<40960xf32, #tpu.memory_space<vmem>>, vector<16xf32>,
      %add3A_138 = arith.constant 1280 : i32
      %add3A_139 = arith.addi %add3A_138, %multiple_of3A : i32
      %get3A_140 = arith.index_cast %add3A_139 : i32 to index
      %get3A_141 = tpu.vector_load %arg9[%get3A_140] {strides = array<i32>} : memref<40960xf32, #tpu.memory_space<vmem>>, vector<16xf32>,
      %add3A_142 = arith.addf %get3A_137, %get3A_141 : vector<16xf32>
      %add3A_143 = arith.constant 2560 : i32
      %add3A_144 = arith.addi %add3A_143, %multiple_of3A : i32
      %get3A_145 = arith.index_cast %add3A_144 : i32 to index
      %get3A_146 = tpu.vector_load %arg9[%get3A_145] {strides = array<i32>} : memref<40960xf32, #tpu.memory_space<vmem>>, vector<16xf32>,
      %add3A_147 = arith.addf %add3A_142, %get3A_146 : vector<16xf32>
      %add3A_148 = arith.constant 3840 : i32
      %add3A_149 = arith.addi %add3A_148, %multiple_of3A : i32
      %get3A_150 = arith.index_cast %add3A_149 : i32 to index
      %get3A_151 = tpu.vector_load %arg9[%get3A_150] {strides = array<i32>} : memref<40960xf32, #tpu.memory_space<vmem>>, vector<16xf32>,
      %add3A_152 = arith.addf %add3A_147, %get3A_151 : vector<16xf32>
      %add3A_153 = arith.constant 5120 : i32
      %add3A_154 = arith.addi %add3A_153, %multiple_of3A : i32
      %get3A_155 = arith.index_cast %add3A_154 : i32 to index
      %get3A_156 = tpu.vector_load %arg9[%get3A_155] {strides = array<i32>} : memref<40960xf32, #tpu.memory_space<vmem>>, vector<16xf32>,
      %add3A_157 = arith.addf %add3A_152, %get3A_156 : vector<16xf32>
      %add3A_158 = arith.constant 6400 : i32
      %add3A_159 = arith.addi %add3A_158, %multiple_of3A : i32
      %get3A_160 = arith.index_cast %add3A_159 : i32 to index
      %get3A_161 = tpu.vector_load %arg9[%get3A_160] {strides = array<i32>} : memref<40960xf32, #tpu.memory_space<vmem>>, vector<16xf32>,
      %add3A_162 = arith.addf %add3A_157, %get3A_161 : vector<16xf32>
      %add3A_163 = arith.constant 7680 : i32
      %add3A_164 = arith.addi %add3A_163, %multiple_of3A : i32
      %get3A_165 = arith.index_cast %add3A_164 : i32 to index
      %get3A_166 = tpu.vector_load %arg9[%get3A_165] {strides = array<i32>} : memref<40960xf32, #tpu.memory_space<vmem>>, vector<16xf32>,
      %add3A_167 = arith.addf %add3A_162, %get3A_166 : vector<16xf32>
      %add3A_168 = arith.constant 8960 : i32
      %add3A_169 = arith.addi %add3A_168, %multiple_of3A : i32
      %get3A_170 = arith.index_cast %add3A_169 : i32 to index
      %get3A_171 = tpu.vector_load %arg9[%get3A_170] {strides = array<i32>} : memref<40960xf32, #tpu.memory_space<vmem>>, vector<16xf32>,
      %add3A_172 = arith.addf %add3A_167, %get3A_171 : vector<16xf32>
      %add3A_173 = arith.constant 10240 : i32
      %add3A_174 = arith.addi %add3A_173, %multiple_of3A : i32
      %get3A_175 = arith.index_cast %add3A_174 : i32 to index
      %get3A_176 = tpu.vector_load %arg9[%get3A_175] {strides = array<i32>} : memref<40960xf32, #tpu.memory_space<vmem>>, vector<16xf32>,
      %add3A_177 = arith.addf %add3A_172, %get3A_176 : vector<16xf32>
      %add3A_178 = arith.constant 11520 : i32
      %add3A_179 = arith.addi %add3A_178, %multiple_of3A : i32
      %get3A_180 = arith.index_cast %add3A_179 : i32 to index
      %get3A_181 = tpu.vector_load %arg9[%get3A_180] {strides = array<i32>} : memref<40960xf32, #tpu.memory_space<vmem>>, vector<16xf32>,
      %add3A_182 = arith.addf %add3A_177, %get3A_181 : vector<16xf32>
      %add3A_183 = arith.constant 12800 : i32
      %add3A_184 = arith.addi %add3A_183, %multiple_of3A : i32
      %get3A_185 = arith.index_cast %add3A_184 : i32 to index
      %get3A_186 = tpu.vector_load %arg9[%get3A_185] {strides = array<i32>} : memref<40960xf32, #tpu.memory_space<vmem>>, vector<16xf32>,
      %add3A_187 = arith.addf %add3A_182, %get3A_186 : vector<16xf32>
      %add3A_188 = arith.constant 14080 : i32
      %add3A_189 = arith.addi %add3A_188, %multiple_of3A : i32
      %get3A_190 = arith.index_cast %add3A_189 : i32 to index
      %get3A_191 = tpu.vector_load %arg9[%get3A_190] {strides = array<i32>} : memref<40960xf32, #tpu.memory_space<vmem>>, vector<16xf32>,
      %add3A_192 = arith.addf %add3A_187, %get3A_191 : vector<16xf32>
      %add3A_193 = arith.constant 15360 : i32
      %add3A_194 = arith.addi %add3A_193, %multiple_of3A : i32
      %get3A_195 = arith.index_cast %add3A_194 : i32 to index
      %get3A_196 = tpu.vector_load %arg9[%get3A_195] {strides = array<i32>} : memref<40960xf32, #tpu.memory_space<vmem>>, vector<16xf32>,
      %add3A_197 = arith.addf %add3A_192, %get3A_196 : vector<16xf32>
      %add3A_198 = arith.constant 16640 : i32
      %add3A_199 = arith.addi %add3A_198, %multiple_of3A : i32
      %get3A_200 = arith.index_cast %add3A_199 : i32 to index
      %get3A_201 = tpu.vector_load %arg9[%get3A_200] {strides = array<i32>} : memref<40960xf32, #tpu.memory_space<vmem>>, vector<16xf32>,
      %add3A_202 = arith.addf %add3A_197, %get3A_201 : vector<16xf32>
      %add3A_203 = arith.constant 17920 : i32
      %add3A_204 = arith.addi %add3A_203, %multiple_of3A : i32
      %get3A_205 = arith.index_cast %add3A_204 : i32 to index
      %get3A_206 = tpu.vector_load %arg9[%get3A_205] {strides = array<i32>} : memref<40960xf32, #tpu.memory_space<vmem>>, vector<16xf32>,
      %add3A_207 = arith.addf %add3A_202, %get3A_206 : vector<16xf32>
      %add3A_208 = arith.constant 19200 : i32
      %add3A_209 = arith.addi %add3A_208, %multiple_of3A : i32
      %get3A_210 = arith.index_cast %add3A_209 : i32 to index
      %get3A_211 = tpu.vector_load %arg9[%get3A_210] {strides = array<i32>} : memref<40960xf32, #tpu.memory_space<vmem>>, vector<16xf32>,
      %add3A_212 = arith.addf %add3A_207, %get3A_211 : vector<16xf32>
      %add3A_213 = arith.constant 20480 : i32
      %add3A_214 = arith.addi %add3A_213, %multiple_of3A : i32
      %swap3A = arith.index_cast %add3A_214 : i32 to index
      %swap3A_215 = tpu.vector_load %arg9[%swap3A] {strides = array<i32>} : memref<40960xf32, #tpu.memory_space<vmem>>, vector<16xf32>,
      tpu.vector_store %arg9[%swap3A], %add3A_212 {strides = array<i32>} : memref<40960xf32, #tpu.memory_space<vmem>>, vector<16xf32>,
    }
    %scan3A_68 = arith.constant 80 : i32
    %mul3A_69 = arith.constant 1280 : i32
    %mul3A_70 = arith.muli %arg1, %mul3A_69 : i32
    %add3A_71 = arith.constant 0 : i32
    %add3A_72 = arith.addi %add3A_71, %mul3A_70 : i32
    "tpu.region"() ({
      %run_scoped3A_134 = tpu.sem_alloc : memref<!tpu.dma_semaphore, #tpu.memory_space<semaphore_mem>>
      %dma_start3A_135 = arith.constant 20480 : i32
      %dma_start3A_136 = tpu.memref_slice %arg9[%dma_start3A_135] : memref<40960xf32, #tpu.memory_space<vmem>> -> memref<1280xf32, #tpu.memory_space<vmem>>
      %dma_start3A_137 = tpu.memref_slice %arg6[%arg0, %add3A_72] : memref<2x40960xf32, #tpu.memory_space<hbm>> -> memref<1x1280xf32, #tpu.memory_space<hbm>>
      %dma_start3A_138 = tpu.memref_squeeze %dma_start3A_137 : memref<1x1280xf32, #tpu.memory_space<hbm>> -> memref<1280xf32, #tpu.memory_space<hbm>>
      %dma_start3A_139 = tpu.memref_slice %arg6[%arg0, %add3A_72] : memref<2x40960xf32, #tpu.memory_space<hbm>> -> memref<1x1280xf32, #tpu.memory_space<hbm>>
      %dma_start3A_140 = tpu.memref_squeeze %dma_start3A_139 : memref<1x1280xf32, #tpu.memory_space<hbm>> -> memref<1280xf32, #tpu.memory_space<hbm>>
      %dma_start3A_141 = arith.constant 20480 : i32
      %dma_start3A_142 = tpu.memref_slice %arg9[%dma_start3A_141] : memref<40960xf32, #tpu.memory_space<vmem>> -> memref<1280xf32, #tpu.memory_space<vmem>>
      tpu.enqueue_dma source(%dma_start3A_142 : memref<1280xf32, #tpu.memory_space<vmem>>) target(%dma_start3A_140 : memref<1280xf32, #tpu.memory_space<hbm>>) target_semaphore(%run_scoped3A_134 : memref<!tpu.dma_semaphore, #tpu.memory_space<semaphore_mem>>)
      %dma_wait3A_143 = arith.constant 20480 : i32
      %dma_wait3A_144 = tpu.memref_slice %arg9[%dma_wait3A_143] : memref<40960xf32, #tpu.memory_space<vmem>> -> memref<1280xf32, #tpu.memory_space<vmem>>
      %dma_wait3A_145 = tpu.memref_slice %arg6[%arg0, %add3A_72] : memref<2x40960xf32, #tpu.memory_space<hbm>> -> memref<1x1280xf32, #tpu.memory_space<hbm>>
      %dma_wait3A_146 = tpu.memref_squeeze %dma_wait3A_145 : memref<1x1280xf32, #tpu.memory_space<hbm>> -> memref<1280xf32, #tpu.memory_space<hbm>>
      %dma_wait3A_147 = tpu.memref_slice %arg6[%arg0, %add3A_72] : memref<2x40960xf32, #tpu.memory_space<hbm>> -> memref<1x1280xf32, #tpu.memory_space<hbm>>
      %dma_wait3A_148 = tpu.memref_squeeze %dma_wait3A_147 : memref<1x1280xf32, #tpu.memory_space<hbm>> -> memref<1280xf32, #tpu.memory_space<hbm>>
      %dma_wait3A_149 = arith.constant 20480 : i32
      %dma_wait3A_150 = tpu.memref_slice %arg9[%dma_wait3A_149] : memref<40960xf32, #tpu.memory_space<vmem>> -> memref<1280xf32, #tpu.memory_space<vmem>>
      tpu.wait_dma2 semaphore(%run_scoped3A_134 : memref<!tpu.dma_semaphore, #tpu.memory_space<semaphore_mem>>) src(%dma_wait3A_150 : memref<1280xf32, #tpu.memory_space<vmem>>) dst(%dma_wait3A_148 : memref<1280xf32, #tpu.memory_space<hbm>>)
      tpu.yield
    }) : () -> ()
    %barrier3A_73 = arith.constant 0 : index
    tpu.barrier barrier_id(%barrier3A_73)
    "tpu.region"() ({
      %run_scoped3A_134 = tpu.sem_alloc : memref<!tpu.dma_semaphore, #tpu.memory_space<semaphore_mem>>
      %dma_start3A_135 = arith.constant 20480 : i32
      %dma_start3A_136 = tpu.memref_slice %arg10[%dma_start3A_135] : memref<40960xf32, #tpu.memory_space<vmem>> -> memref<20480xf32, #tpu.memory_space<vmem>>
      %dma_start3A_137 = arith.constant 0 : i32
      %dma_start3A_138 = tpu.memref_slice %arg11[%arg1, %dma_start3A_137] : memref<16x20480xf32, #tpu.memory_space<vmem_shared>> -> memref<1x20480xf32, #tpu.memory_space<vmem_shared>>
      %dma_start3A_139 = tpu.memref_squeeze %dma_start3A_138 : memref<1x20480xf32, #tpu.memory_space<vmem_shared>> -> memref<20480xf32, #tpu.memory_space<vmem_shared>>
      %dma_start3A_140 = arith.constant 0 : i32
      %dma_start3A_141 = tpu.memref_slice %arg11[%arg1, %dma_start3A_140] : memref<16x20480xf32, #tpu.memory_space<vmem_shared>> -> memref<1x20480xf32, #tpu.memory_space<vmem_shared>>
      %dma_start3A_142 = tpu.memref_squeeze %dma_start3A_141 : memref<1x20480xf32, #tpu.memory_space<vmem_shared>> -> memref<20480xf32, #tpu.memory_space<vmem_shared>>
      %dma_start3A_143 = arith.constant 20480 : i32
      %dma_start3A_144 = tpu.memref_slice %arg10[%dma_start3A_143] : memref<40960xf32, #tpu.memory_space<vmem>> -> memref<20480xf32, #tpu.memory_space<vmem>>
      tpu.enqueue_dma source(%dma_start3A_144 : memref<20480xf32, #tpu.memory_space<vmem>>) target(%dma_start3A_142 : memref<20480xf32, #tpu.memory_space<vmem_shared>>) target_semaphore(%run_scoped3A_134 : memref<!tpu.dma_semaphore, #tpu.memory_space<semaphore_mem>>)
      %dma_wait3A_145 = arith.constant 20480 : i32
      %dma_wait3A_146 = tpu.memref_slice %arg10[%dma_wait3A_145] : memref<40960xf32, #tpu.memory_space<vmem>> -> memref<20480xf32, #tpu.memory_space<vmem>>
      %dma_wait3A_147 = arith.constant 0 : i32
      %dma_wait3A_148 = tpu.memref_slice %arg11[%arg1, %dma_wait3A_147] : memref<16x20480xf32, #tpu.memory_space<vmem_shared>> -> memref<1x20480xf32, #tpu.memory_space<vmem_shared>>
      %dma_wait3A_149 = tpu.memref_squeeze %dma_wait3A_148 : memref<1x20480xf32, #tpu.memory_space<vmem_shared>> -> memref<20480xf32, #tpu.memory_space<vmem_shared>>
      %dma_wait3A_150 = arith.constant 0 : i32
      %dma_wait3A_151 = tpu.memref_slice %arg11[%arg1, %dma_wait3A_150] : memref<16x20480xf32, #tpu.memory_space<vmem_shared>> -> memref<1x20480xf32, #tpu.memory_space<vmem_shared>>
      %dma_wait3A_152 = tpu.memref_squeeze %dma_wait3A_151 : memref<1x20480xf32, #tpu.memory_space<vmem_shared>> -> memref<20480xf32, #tpu.memory_space<vmem_shared>>
      %dma_wait3A_153 = arith.constant 20480 : i32
      %dma_wait3A_154 = tpu.memref_slice %arg10[%dma_wait3A_153] : memref<40960xf32, #tpu.memory_space<vmem>> -> memref<20480xf32, #tpu.memory_space<vmem>>
      tpu.wait_dma2 semaphore(%run_scoped3A_134 : memref<!tpu.dma_semaphore, #tpu.memory_space<semaphore_mem>>) src(%dma_wait3A_154 : memref<20480xf32, #tpu.memory_space<vmem>>) dst(%dma_wait3A_152 : memref<20480xf32, #tpu.memory_space<vmem_shared>>)
      tpu.yield
    }) : () -> ()
    %barrier3A_74 = arith.constant 0 : index
    tpu.barrier barrier_id(%barrier3A_74)
    %mul3A_75 = arith.constant 1280 : i32
    %mul3A_76 = arith.muli %arg1, %mul3A_75 : i32
    %run_scoped3A_77 = arith.constant 0 : i32
    "tpu.region"() ({
      %run_scoped3A_134 = tpu.sem_alloc : memref<!tpu.dma_semaphore, #tpu.memory_space<semaphore_mem>>
      %dma_start3A_135 = arith.constant 0 : i32
      %dma_start3A_136 = tpu.memref_slice %arg9[%dma_start3A_135] : memref<40960xf32, #tpu.memory_space<vmem>> -> memref<1280xf32, #tpu.memory_space<vmem>>
      %dma_start3A_137 = tpu.memref_slice %arg11[%run_scoped3A_77, %mul3A_76] : memref<16x20480xf32, #tpu.memory_space<vmem_shared>> -> memref<1x1280xf32, #tpu.memory_space<vmem_shared>>
      %dma_start3A_138 = tpu.memref_squeeze %dma_start3A_137 : memref<1x1280xf32, #tpu.memory_space<vmem_shared>> -> memref<1280xf32, #tpu.memory_space<vmem_shared>>
      %dma_start3A_139 = arith.constant 0 : i32
      %dma_start3A_140 = tpu.memref_slice %arg9[%dma_start3A_139] : memref<40960xf32, #tpu.memory_space<vmem>> -> memref<1280xf32, #tpu.memory_space<vmem>>
      %dma_start3A_141 = tpu.memref_slice %arg11[%run_scoped3A_77, %mul3A_76] : memref<16x20480xf32, #tpu.memory_space<vmem_shared>> -> memref<1x1280xf32, #tpu.memory_space<vmem_shared>>
      %dma_start3A_142 = tpu.memref_squeeze %dma_start3A_141 : memref<1x1280xf32, #tpu.memory_space<vmem_shared>> -> memref<1280xf32, #tpu.memory_space<vmem_shared>>
      tpu.enqueue_dma source(%dma_start3A_142 : memref<1280xf32, #tpu.memory_space<vmem_shared>>) target(%dma_start3A_140 : memref<1280xf32, #tpu.memory_space<vmem>>) target_semaphore(%run_scoped3A_134 : memref<!tpu.dma_semaphore, #tpu.memory_space<semaphore_mem>>)
      %dma_wait3A_143 = arith.constant 0 : i32
      %dma_wait3A_144 = tpu.memref_slice %arg9[%dma_wait3A_143] : memref<40960xf32, #tpu.memory_space<vmem>> -> memref<1280xf32, #tpu.memory_space<vmem>>
      %dma_wait3A_145 = tpu.memref_slice %arg11[%run_scoped3A_77, %mul3A_76] : memref<16x20480xf32, #tpu.memory_space<vmem_shared>> -> memref<1x1280xf32, #tpu.memory_space<vmem_shared>>
      %dma_wait3A_146 = tpu.memref_squeeze %dma_wait3A_145 : memref<1x1280xf32, #tpu.memory_space<vmem_shared>> -> memref<1280xf32, #tpu.memory_space<vmem_shared>>
      %dma_wait3A_147 = arith.constant 0 : i32
      %dma_wait3A_148 = tpu.memref_slice %arg9[%dma_wait3A_147] : memref<40960xf32, #tpu.memory_space<vmem>> -> memref<1280xf32, #tpu.memory_space<vmem>>
      %dma_wait3A_149 = tpu.memref_slice %arg11[%run_scoped3A_77, %mul3A_76] : memref<16x20480xf32, #tpu.memory_space<vmem_shared>> -> memref<1x1280xf32, #tpu.memory_space<vmem_shared>>
      %dma_wait3A_150 = tpu.memref_squeeze %dma_wait3A_149 : memref<1x1280xf32, #tpu.memory_space<vmem_shared>> -> memref<1280xf32, #tpu.memory_space<vmem_shared>>
      tpu.wait_dma2 semaphore(%run_scoped3A_134 : memref<!tpu.dma_semaphore, #tpu.memory_space<semaphore_mem>>) src(%dma_wait3A_150 : memref<1280xf32, #tpu.memory_space<vmem_shared>>) dst(%dma_wait3A_148 : memref<1280xf32, #tpu.memory_space<vmem>>)
      tpu.yield
    }) : () -> ()
    %mul3A_78 = arith.constant 1280 : i32
    %mul3A_79 = arith.muli %arg1, %mul3A_78 : i32
    %run_scoped3A_80 = arith.constant 1 : i32
    "tpu.region"() ({
      %run_scoped3A_134 = tpu.sem_alloc : memref<!tpu.dma_semaphore, #tpu.memory_space<semaphore_mem>>
      %dma_start3A_135 = arith.constant 1280 : i32
      %dma_start3A_136 = tpu.memref_slice %arg9[%dma_start3A_135] : memref<40960xf32, #tpu.memory_space<vmem>> -> memref<1280xf32, #tpu.memory_space<vmem>>
      %dma_start3A_137 = tpu.memref_slice %arg11[%run_scoped3A_80, %mul3A_79] : memref<16x20480xf32, #tpu.memory_space<vmem_shared>> -> memref<1x1280xf32, #tpu.memory_space<vmem_shared>>
      %dma_start3A_138 = tpu.memref_squeeze %dma_start3A_137 : memref<1x1280xf32, #tpu.memory_space<vmem_shared>> -> memref<1280xf32, #tpu.memory_space<vmem_shared>>
      %dma_start3A_139 = arith.constant 1280 : i32
      %dma_start3A_140 = tpu.memref_slice %arg9[%dma_start3A_139] : memref<40960xf32, #tpu.memory_space<vmem>> -> memref<1280xf32, #tpu.memory_space<vmem>>
      %dma_start3A_141 = tpu.memref_slice %arg11[%run_scoped3A_80, %mul3A_79] : memref<16x20480xf32, #tpu.memory_space<vmem_shared>> -> memref<1x1280xf32, #tpu.memory_space<vmem_shared>>
      %dma_start3A_142 = tpu.memref_squeeze %dma_start3A_141 : memref<1x1280xf32, #tpu.memory_space<vmem_shared>> -> memref<1280xf32, #tpu.memory_space<vmem_shared>>
      tpu.enqueue_dma source(%dma_start3A_142 : memref<1280xf32, #tpu.memory_space<vmem_shared>>) target(%dma_start3A_140 : memref<1280xf32, #tpu.memory_space<vmem>>) target_semaphore(%run_scoped3A_134 : memref<!tpu.dma_semaphore, #tpu.memory_space<semaphore_mem>>)
      %dma_wait3A_143 = arith.constant 1280 : i32
      %dma_wait3A_144 = tpu.memref_slice %arg9[%dma_wait3A_143] : memref<40960xf32, #tpu.memory_space<vmem>> -> memref<1280xf32, #tpu.memory_space<vmem>>
      %dma_wait3A_145 = tpu.memref_slice %arg11[%run_scoped3A_80, %mul3A_79] : memref<16x20480xf32, #tpu.memory_space<vmem_shared>> -> memref<1x1280xf32, #tpu.memory_space<vmem_shared>>
      %dma_wait3A_146 = tpu.memref_squeeze %dma_wait3A_145 : memref<1x1280xf32, #tpu.memory_space<vmem_shared>> -> memref<1280xf32, #tpu.memory_space<vmem_shared>>
      %dma_wait3A_147 = arith.constant 1280 : i32
      %dma_wait3A_148 = tpu.memref_slice %arg9[%dma_wait3A_147] : memref<40960xf32, #tpu.memory_space<vmem>> -> memref<1280xf32, #tpu.memory_space<vmem>>
      %dma_wait3A_149 = tpu.memref_slice %arg11[%run_scoped3A_80, %mul3A_79] : memref<16x20480xf32, #tpu.memory_space<vmem_shared>> -> memref<1x1280xf32, #tpu.memory_space<vmem_shared>>
      %dma_wait3A_150 = tpu.memref_squeeze %dma_wait3A_149 : memref<1x1280xf32, #tpu.memory_space<vmem_shared>> -> memref<1280xf32, #tpu.memory_space<vmem_shared>>
      tpu.wait_dma2 semaphore(%run_scoped3A_134 : memref<!tpu.dma_semaphore, #tpu.memory_space<semaphore_mem>>) src(%dma_wait3A_150 : memref<1280xf32, #tpu.memory_space<vmem_shared>>) dst(%dma_wait3A_148 : memref<1280xf32, #tpu.memory_space<vmem>>)
      tpu.yield
    }) : () -> ()
    %mul3A_81 = arith.constant 1280 : i32
    %mul3A_82 = arith.muli %arg1, %mul3A_81 : i32
    %run_scoped3A_83 = arith.constant 2 : i32
    "tpu.region"() ({
      %run_scoped3A_134 = tpu.sem_alloc : memref<!tpu.dma_semaphore, #tpu.memory_space<semaphore_mem>>
      %dma_start3A_135 = arith.constant 2560 : i32
      %dma_start3A_136 = tpu.memref_slice %arg9[%dma_start3A_135] : memref<40960xf32, #tpu.memory_space<vmem>> -> memref<1280xf32, #tpu.memory_space<vmem>>
      %dma_start3A_137 = tpu.memref_slice %arg11[%run_scoped3A_83, %mul3A_82] : memref<16x20480xf32, #tpu.memory_space<vmem_shared>> -> memref<1x1280xf32, #tpu.memory_space<vmem_shared>>
      %dma_start3A_138 = tpu.memref_squeeze %dma_start3A_137 : memref<1x1280xf32, #tpu.memory_space<vmem_shared>> -> memref<1280xf32, #tpu.memory_space<vmem_shared>>
      %dma_start3A_139 = arith.constant 2560 : i32
      %dma_start3A_140 = tpu.memref_slice %arg9[%dma_start3A_139] : memref<40960xf32, #tpu.memory_space<vmem>> -> memref<1280xf32, #tpu.memory_space<vmem>>
      %dma_start3A_141 = tpu.memref_slice %arg11[%run_scoped3A_83, %mul3A_82] : memref<16x20480xf32, #tpu.memory_space<vmem_shared>> -> memref<1x1280xf32, #tpu.memory_space<vmem_shared>>
      %dma_start3A_142 = tpu.memref_squeeze %dma_start3A_141 : memref<1x1280xf32, #tpu.memory_space<vmem_shared>> -> memref<1280xf32, #tpu.memory_space<vmem_shared>>
      tpu.enqueue_dma source(%dma_start3A_142 : memref<1280xf32, #tpu.memory_space<vmem_shared>>) target(%dma_start3A_140 : memref<1280xf32, #tpu.memory_space<vmem>>) target_semaphore(%run_scoped3A_134 : memref<!tpu.dma_semaphore, #tpu.memory_space<semaphore_mem>>)
      %dma_wait3A_143 = arith.constant 2560 : i32
      %dma_wait3A_144 = tpu.memref_slice %arg9[%dma_wait3A_143] : memref<40960xf32, #tpu.memory_space<vmem>> -> memref<1280xf32, #tpu.memory_space<vmem>>
      %dma_wait3A_145 = tpu.memref_slice %arg11[%run_scoped3A_83, %mul3A_82] : memref<16x20480xf32, #tpu.memory_space<vmem_shared>> -> memref<1x1280xf32, #tpu.memory_space<vmem_shared>>
      %dma_wait3A_146 = tpu.memref_squeeze %dma_wait3A_145 : memref<1x1280xf32, #tpu.memory_space<vmem_shared>> -> memref<1280xf32, #tpu.memory_space<vmem_shared>>
      %dma_wait3A_147 = arith.constant 2560 : i32
      %dma_wait3A_148 = tpu.memref_slice %arg9[%dma_wait3A_147] : memref<40960xf32, #tpu.memory_space<vmem>> -> memref<1280xf32, #tpu.memory_space<vmem>>
      %dma_wait3A_149 = tpu.memref_slice %arg11[%run_scoped3A_83, %mul3A_82] : memref<16x20480xf32, #tpu.memory_space<vmem_shared>> -> memref<1x1280xf32, #tpu.memory_space<vmem_shared>>
      %dma_wait3A_150 = tpu.memref_squeeze %dma_wait3A_149 : memref<1x1280xf32, #tpu.memory_space<vmem_shared>> -> memref<1280xf32, #tpu.memory_space<vmem_shared>>
      tpu.wait_dma2 semaphore(%run_scoped3A_134 : memref<!tpu.dma_semaphore, #tpu.memory_space<semaphore_mem>>) src(%dma_wait3A_150 : memref<1280xf32, #tpu.memory_space<vmem_shared>>) dst(%dma_wait3A_148 : memref<1280xf32, #tpu.memory_space<vmem>>)
      tpu.yield
    }) : () -> ()
    %mul3A_84 = arith.constant 1280 : i32
    %mul3A_85 = arith.muli %arg1, %mul3A_84 : i32
    %run_scoped3A_86 = arith.constant 3 : i32
    "tpu.region"() ({
      %run_scoped3A_134 = tpu.sem_alloc : memref<!tpu.dma_semaphore, #tpu.memory_space<semaphore_mem>>
      %dma_start3A_135 = arith.constant 3840 : i32
      %dma_start3A_136 = tpu.memref_slice %arg9[%dma_start3A_135] : memref<40960xf32, #tpu.memory_space<vmem>> -> memref<1280xf32, #tpu.memory_space<vmem>>
      %dma_start3A_137 = tpu.memref_slice %arg11[%run_scoped3A_86, %mul3A_85] : memref<16x20480xf32, #tpu.memory_space<vmem_shared>> -> memref<1x1280xf32, #tpu.memory_space<vmem_shared>>
      %dma_start3A_138 = tpu.memref_squeeze %dma_start3A_137 : memref<1x1280xf32, #tpu.memory_space<vmem_shared>> -> memref<1280xf32, #tpu.memory_space<vmem_shared>>
      %dma_start3A_139 = arith.constant 3840 : i32
      %dma_start3A_140 = tpu.memref_slice %arg9[%dma_start3A_139] : memref<40960xf32, #tpu.memory_space<vmem>> -> memref<1280xf32, #tpu.memory_space<vmem>>
      %dma_start3A_141 = tpu.memref_slice %arg11[%run_scoped3A_86, %mul3A_85] : memref<16x20480xf32, #tpu.memory_space<vmem_shared>> -> memref<1x1280xf32, #tpu.memory_space<vmem_shared>>
      %dma_start3A_142 = tpu.memref_squeeze %dma_start3A_141 : memref<1x1280xf32, #tpu.memory_space<vmem_shared>> -> memref<1280xf32, #tpu.memory_space<vmem_shared>>
      tpu.enqueue_dma source(%dma_start3A_142 : memref<1280xf32, #tpu.memory_space<vmem_shared>>) target(%dma_start3A_140 : memref<1280xf32, #tpu.memory_space<vmem>>) target_semaphore(%run_scoped3A_134 : memref<!tpu.dma_semaphore, #tpu.memory_space<semaphore_mem>>)
      %dma_wait3A_143 = arith.constant 3840 : i32
      %dma_wait3A_144 = tpu.memref_slice %arg9[%dma_wait3A_143] : memref<40960xf32, #tpu.memory_space<vmem>> -> memref<1280xf32, #tpu.memory_space<vmem>>
      %dma_wait3A_145 = tpu.memref_slice %arg11[%run_scoped3A_86, %mul3A_85] : memref<16x20480xf32, #tpu.memory_space<vmem_shared>> -> memref<1x1280xf32, #tpu.memory_space<vmem_shared>>
      %dma_wait3A_146 = tpu.memref_squeeze %dma_wait3A_145 : memref<1x1280xf32, #tpu.memory_space<vmem_shared>> -> memref<1280xf32, #tpu.memory_space<vmem_shared>>
      %dma_wait3A_147 = arith.constant 3840 : i32
      %dma_wait3A_148 = tpu.memref_slice %arg9[%dma_wait3A_147] : memref<40960xf32, #tpu.memory_space<vmem>> -> memref<1280xf32, #tpu.memory_space<vmem>>
      %dma_wait3A_149 = tpu.memref_slice %arg11[%run_scoped3A_86, %mul3A_85] : memref<16x20480xf32, #tpu.memory_space<vmem_shared>> -> memref<1x1280xf32, #tpu.memory_space<vmem_shared>>
      %dma_wait3A_150 = tpu.memref_squeeze %dma_wait3A_149 : memref<1x1280xf32, #tpu.memory_space<vmem_shared>> -> memref<1280xf32, #tpu.memory_space<vmem_shared>>
      tpu.wait_dma2 semaphore(%run_scoped3A_134 : memref<!tpu.dma_semaphore, #tpu.memory_space<semaphore_mem>>) src(%dma_wait3A_150 : memref<1280xf32, #tpu.memory_space<vmem_shared>>) dst(%dma_wait3A_148 : memref<1280xf32, #tpu.memory_space<vmem>>)
      tpu.yield
    }) : () -> ()
    %mul3A_87 = arith.constant 1280 : i32
    %mul3A_88 = arith.muli %arg1, %mul3A_87 : i32
    %run_scoped3A_89 = arith.constant 4 : i32
    "tpu.region"() ({
      %run_scoped3A_134 = tpu.sem_alloc : memref<!tpu.dma_semaphore, #tpu.memory_space<semaphore_mem>>
      %dma_start3A_135 = arith.constant 5120 : i32
      %dma_start3A_136 = tpu.memref_slice %arg9[%dma_start3A_135] : memref<40960xf32, #tpu.memory_space<vmem>> -> memref<1280xf32, #tpu.memory_space<vmem>>
      %dma_start3A_137 = tpu.memref_slice %arg11[%run_scoped3A_89, %mul3A_88] : memref<16x20480xf32, #tpu.memory_space<vmem_shared>> -> memref<1x1280xf32, #tpu.memory_space<vmem_shared>>
      %dma_start3A_138 = tpu.memref_squeeze %dma_start3A_137 : memref<1x1280xf32, #tpu.memory_space<vmem_shared>> -> memref<1280xf32, #tpu.memory_space<vmem_shared>>
      %dma_start3A_139 = arith.constant 5120 : i32
      %dma_start3A_140 = tpu.memref_slice %arg9[%dma_start3A_139] : memref<40960xf32, #tpu.memory_space<vmem>> -> memref<1280xf32, #tpu.memory_space<vmem>>
      %dma_start3A_141 = tpu.memref_slice %arg11[%run_scoped3A_89, %mul3A_88] : memref<16x20480xf32, #tpu.memory_space<vmem_shared>> -> memref<1x1280xf32, #tpu.memory_space<vmem_shared>>
      %dma_start3A_142 = tpu.memref_squeeze %dma_start3A_141 : memref<1x1280xf32, #tpu.memory_space<vmem_shared>> -> memref<1280xf32, #tpu.memory_space<vmem_shared>>
      tpu.enqueue_dma source(%dma_start3A_142 : memref<1280xf32, #tpu.memory_space<vmem_shared>>) target(%dma_start3A_140 : memref<1280xf32, #tpu.memory_space<vmem>>) target_semaphore(%run_scoped3A_134 : memref<!tpu.dma_semaphore, #tpu.memory_space<semaphore_mem>>)
      %dma_wait3A_143 = arith.constant 5120 : i32
      %dma_wait3A_144 = tpu.memref_slice %arg9[%dma_wait3A_143] : memref<40960xf32, #tpu.memory_space<vmem>> -> memref<1280xf32, #tpu.memory_space<vmem>>
      %dma_wait3A_145 = tpu.memref_slice %arg11[%run_scoped3A_89, %mul3A_88] : memref<16x20480xf32, #tpu.memory_space<vmem_shared>> -> memref<1x1280xf32, #tpu.memory_space<vmem_shared>>
      %dma_wait3A_146 = tpu.memref_squeeze %dma_wait3A_145 : memref<1x1280xf32, #tpu.memory_space<vmem_shared>> -> memref<1280xf32, #tpu.memory_space<vmem_shared>>
      %dma_wait3A_147 = arith.constant 5120 : i32
      %dma_wait3A_148 = tpu.memref_slice %arg9[%dma_wait3A_147] : memref<40960xf32, #tpu.memory_space<vmem>> -> memref<1280xf32, #tpu.memory_space<vmem>>
      %dma_wait3A_149 = tpu.memref_slice %arg11[%run_scoped3A_89, %mul3A_88] : memref<16x20480xf32, #tpu.memory_space<vmem_shared>> -> memref<1x1280xf32, #tpu.memory_space<vmem_shared>>
      %dma_wait3A_150 = tpu.memref_squeeze %dma_wait3A_149 : memref<1x1280xf32, #tpu.memory_space<vmem_shared>> -> memref<1280xf32, #tpu.memory_space<vmem_shared>>
      tpu.wait_dma2 semaphore(%run_scoped3A_134 : memref<!tpu.dma_semaphore, #tpu.memory_space<semaphore_mem>>) src(%dma_wait3A_150 : memref<1280xf32, #tpu.memory_space<vmem_shared>>) dst(%dma_wait3A_148 : memref<1280xf32, #tpu.memory_space<vmem>>)
      tpu.yield
    }) : () -> ()
    %mul3A_90 = arith.constant 1280 : i32
    %mul3A_91 = arith.muli %arg1, %mul3A_90 : i32
    %run_scoped3A_92 = arith.constant 5 : i32
    "tpu.region"() ({
      %run_scoped3A_134 = tpu.sem_alloc : memref<!tpu.dma_semaphore, #tpu.memory_space<semaphore_mem>>
      %dma_start3A_135 = arith.constant 6400 : i32
      %dma_start3A_136 = tpu.memref_slice %arg9[%dma_start3A_135] : memref<40960xf32, #tpu.memory_space<vmem>> -> memref<1280xf32, #tpu.memory_space<vmem>>
      %dma_start3A_137 = tpu.memref_slice %arg11[%run_scoped3A_92, %mul3A_91] : memref<16x20480xf32, #tpu.memory_space<vmem_shared>> -> memref<1x1280xf32, #tpu.memory_space<vmem_shared>>
      %dma_start3A_138 = tpu.memref_squeeze %dma_start3A_137 : memref<1x1280xf32, #tpu.memory_space<vmem_shared>> -> memref<1280xf32, #tpu.memory_space<vmem_shared>>
      %dma_start3A_139 = arith.constant 6400 : i32
      %dma_start3A_140 = tpu.memref_slice %arg9[%dma_start3A_139] : memref<40960xf32, #tpu.memory_space<vmem>> -> memref<1280xf32, #tpu.memory_space<vmem>>
      %dma_start3A_141 = tpu.memref_slice %arg11[%run_scoped3A_92, %mul3A_91] : memref<16x20480xf32, #tpu.memory_space<vmem_shared>> -> memref<1x1280xf32, #tpu.memory_space<vmem_shared>>
      %dma_start3A_142 = tpu.memref_squeeze %dma_start3A_141 : memref<1x1280xf32, #tpu.memory_space<vmem_shared>> -> memref<1280xf32, #tpu.memory_space<vmem_shared>>
      tpu.enqueue_dma source(%dma_start3A_142 : memref<1280xf32, #tpu.memory_space<vmem_shared>>) target(%dma_start3A_140 : memref<1280xf32, #tpu.memory_space<vmem>>) target_semaphore(%run_scoped3A_134 : memref<!tpu.dma_semaphore, #tpu.memory_space<semaphore_mem>>)
      %dma_wait3A_143 = arith.constant 6400 : i32
      %dma_wait3A_144 = tpu.memref_slice %arg9[%dma_wait3A_143] : memref<40960xf32, #tpu.memory_space<vmem>> -> memref<1280xf32, #tpu.memory_space<vmem>>
      %dma_wait3A_145 = tpu.memref_slice %arg11[%run_scoped3A_92, %mul3A_91] : memref<16x20480xf32, #tpu.memory_space<vmem_shared>> -> memref<1x1280xf32, #tpu.memory_space<vmem_shared>>
      %dma_wait3A_146 = tpu.memref_squeeze %dma_wait3A_145 : memref<1x1280xf32, #tpu.memory_space<vmem_shared>> -> memref<1280xf32, #tpu.memory_space<vmem_shared>>
      %dma_wait3A_147 = arith.constant 6400 : i32
      %dma_wait3A_148 = tpu.memref_slice %arg9[%dma_wait3A_147] : memref<40960xf32, #tpu.memory_space<vmem>> -> memref<1280xf32, #tpu.memory_space<vmem>>
      %dma_wait3A_149 = tpu.memref_slice %arg11[%run_scoped3A_92, %mul3A_91] : memref<16x20480xf32, #tpu.memory_space<vmem_shared>> -> memref<1x1280xf32, #tpu.memory_space<vmem_shared>>
      %dma_wait3A_150 = tpu.memref_squeeze %dma_wait3A_149 : memref<1x1280xf32, #tpu.memory_space<vmem_shared>> -> memref<1280xf32, #tpu.memory_space<vmem_shared>>
      tpu.wait_dma2 semaphore(%run_scoped3A_134 : memref<!tpu.dma_semaphore, #tpu.memory_space<semaphore_mem>>) src(%dma_wait3A_150 : memref<1280xf32, #tpu.memory_space<vmem_shared>>) dst(%dma_wait3A_148 : memref<1280xf32, #tpu.memory_space<vmem>>)
      tpu.yield
    }) : () -> ()
    %mul3A_93 = arith.constant 1280 : i32
    %mul3A_94 = arith.muli %arg1, %mul3A_93 : i32
    %run_scoped3A_95 = arith.constant 6 : i32
    "tpu.region"() ({
      %run_scoped3A_134 = tpu.sem_alloc : memref<!tpu.dma_semaphore, #tpu.memory_space<semaphore_mem>>
      %dma_start3A_135 = arith.constant 7680 : i32
      %dma_start3A_136 = tpu.memref_slice %arg9[%dma_start3A_135] : memref<40960xf32, #tpu.memory_space<vmem>> -> memref<1280xf32, #tpu.memory_space<vmem>>
      %dma_start3A_137 = tpu.memref_slice %arg11[%run_scoped3A_95, %mul3A_94] : memref<16x20480xf32, #tpu.memory_space<vmem_shared>> -> memref<1x1280xf32, #tpu.memory_space<vmem_shared>>
      %dma_start3A_138 = tpu.memref_squeeze %dma_start3A_137 : memref<1x1280xf32, #tpu.memory_space<vmem_shared>> -> memref<1280xf32, #tpu.memory_space<vmem_shared>>
      %dma_start3A_139 = arith.constant 7680 : i32
      %dma_start3A_140 = tpu.memref_slice %arg9[%dma_start3A_139] : memref<40960xf32, #tpu.memory_space<vmem>> -> memref<1280xf32, #tpu.memory_space<vmem>>
      %dma_start3A_141 = tpu.memref_slice %arg11[%run_scoped3A_95, %mul3A_94] : memref<16x20480xf32, #tpu.memory_space<vmem_shared>> -> memref<1x1280xf32, #tpu.memory_space<vmem_shared>>
      %dma_start3A_142 = tpu.memref_squeeze %dma_start3A_141 : memref<1x1280xf32, #tpu.memory_space<vmem_shared>> -> memref<1280xf32, #tpu.memory_space<vmem_shared>>
      tpu.enqueue_dma source(%dma_start3A_142 : memref<1280xf32, #tpu.memory_space<vmem_shared>>) target(%dma_start3A_140 : memref<1280xf32, #tpu.memory_space<vmem>>) target_semaphore(%run_scoped3A_134 : memref<!tpu.dma_semaphore, #tpu.memory_space<semaphore_mem>>)
      %dma_wait3A_143 = arith.constant 7680 : i32
      %dma_wait3A_144 = tpu.memref_slice %arg9[%dma_wait3A_143] : memref<40960xf32, #tpu.memory_space<vmem>> -> memref<1280xf32, #tpu.memory_space<vmem>>
      %dma_wait3A_145 = tpu.memref_slice %arg11[%run_scoped3A_95, %mul3A_94] : memref<16x20480xf32, #tpu.memory_space<vmem_shared>> -> memref<1x1280xf32, #tpu.memory_space<vmem_shared>>
      %dma_wait3A_146 = tpu.memref_squeeze %dma_wait3A_145 : memref<1x1280xf32, #tpu.memory_space<vmem_shared>> -> memref<1280xf32, #tpu.memory_space<vmem_shared>>
      %dma_wait3A_147 = arith.constant 7680 : i32
      %dma_wait3A_148 = tpu.memref_slice %arg9[%dma_wait3A_147] : memref<40960xf32, #tpu.memory_space<vmem>> -> memref<1280xf32, #tpu.memory_space<vmem>>
      %dma_wait3A_149 = tpu.memref_slice %arg11[%run_scoped3A_95, %mul3A_94] : memref<16x20480xf32, #tpu.memory_space<vmem_shared>> -> memref<1x1280xf32, #tpu.memory_space<vmem_shared>>
      %dma_wait3A_150 = tpu.memref_squeeze %dma_wait3A_149 : memref<1x1280xf32, #tpu.memory_space<vmem_shared>> -> memref<1280xf32, #tpu.memory_space<vmem_shared>>
      tpu.wait_dma2 semaphore(%run_scoped3A_134 : memref<!tpu.dma_semaphore, #tpu.memory_space<semaphore_mem>>) src(%dma_wait3A_150 : memref<1280xf32, #tpu.memory_space<vmem_shared>>) dst(%dma_wait3A_148 : memref<1280xf32, #tpu.memory_space<vmem>>)
      tpu.yield
    }) : () -> ()
    %mul3A_96 = arith.constant 1280 : i32
    %mul3A_97 = arith.muli %arg1, %mul3A_96 : i32
    %run_scoped3A_98 = arith.constant 7 : i32
    "tpu.region"() ({
      %run_scoped3A_134 = tpu.sem_alloc : memref<!tpu.dma_semaphore, #tpu.memory_space<semaphore_mem>>
      %dma_start3A_135 = arith.constant 8960 : i32
      %dma_start3A_136 = tpu.memref_slice %arg9[%dma_start3A_135] : memref<40960xf32, #tpu.memory_space<vmem>> -> memref<1280xf32, #tpu.memory_space<vmem>>
      %dma_start3A_137 = tpu.memref_slice %arg11[%run_scoped3A_98, %mul3A_97] : memref<16x20480xf32, #tpu.memory_space<vmem_shared>> -> memref<1x1280xf32, #tpu.memory_space<vmem_shared>>
      %dma_start3A_138 = tpu.memref_squeeze %dma_start3A_137 : memref<1x1280xf32, #tpu.memory_space<vmem_shared>> -> memref<1280xf32, #tpu.memory_space<vmem_shared>>
      %dma_start3A_139 = arith.constant 8960 : i32
      %dma_start3A_140 = tpu.memref_slice %arg9[%dma_start3A_139] : memref<40960xf32, #tpu.memory_space<vmem>> -> memref<1280xf32, #tpu.memory_space<vmem>>
      %dma_start3A_141 = tpu.memref_slice %arg11[%run_scoped3A_98, %mul3A_97] : memref<16x20480xf32, #tpu.memory_space<vmem_shared>> -> memref<1x1280xf32, #tpu.memory_space<vmem_shared>>
      %dma_start3A_142 = tpu.memref_squeeze %dma_start3A_141 : memref<1x1280xf32, #tpu.memory_space<vmem_shared>> -> memref<1280xf32, #tpu.memory_space<vmem_shared>>
      tpu.enqueue_dma source(%dma_start3A_142 : memref<1280xf32, #tpu.memory_space<vmem_shared>>) target(%dma_start3A_140 : memref<1280xf32, #tpu.memory_space<vmem>>) target_semaphore(%run_scoped3A_134 : memref<!tpu.dma_semaphore, #tpu.memory_space<semaphore_mem>>)
      %dma_wait3A_143 = arith.constant 8960 : i32
      %dma_wait3A_144 = tpu.memref_slice %arg9[%dma_wait3A_143] : memref<40960xf32, #tpu.memory_space<vmem>> -> memref<1280xf32, #tpu.memory_space<vmem>>
      %dma_wait3A_145 = tpu.memref_slice %arg11[%run_scoped3A_98, %mul3A_97] : memref<16x20480xf32, #tpu.memory_space<vmem_shared>> -> memref<1x1280xf32, #tpu.memory_space<vmem_shared>>
      %dma_wait3A_146 = tpu.memref_squeeze %dma_wait3A_145 : memref<1x1280xf32, #tpu.memory_space<vmem_shared>> -> memref<1280xf32, #tpu.memory_space<vmem_shared>>
      %dma_wait3A_147 = arith.constant 8960 : i32
      %dma_wait3A_148 = tpu.memref_slice %arg9[%dma_wait3A_147] : memref<40960xf32, #tpu.memory_space<vmem>> -> memref<1280xf32, #tpu.memory_space<vmem>>
      %dma_wait3A_149 = tpu.memref_slice %arg11[%run_scoped3A_98, %mul3A_97] : memref<16x20480xf32, #tpu.memory_space<vmem_shared>> -> memref<1x1280xf32, #tpu.memory_space<vmem_shared>>
      %dma_wait3A_150 = tpu.memref_squeeze %dma_wait3A_149 : memref<1x1280xf32, #tpu.memory_space<vmem_shared>> -> memref<1280xf32, #tpu.memory_space<vmem_shared>>
      tpu.wait_dma2 semaphore(%run_scoped3A_134 : memref<!tpu.dma_semaphore, #tpu.memory_space<semaphore_mem>>) src(%dma_wait3A_150 : memref<1280xf32, #tpu.memory_space<vmem_shared>>) dst(%dma_wait3A_148 : memref<1280xf32, #tpu.memory_space<vmem>>)
      tpu.yield
    }) : () -> ()
    %mul3A_99 = arith.constant 1280 : i32
    %mul3A_100 = arith.muli %arg1, %mul3A_99 : i32
    %run_scoped3A_101 = arith.constant 8 : i32
    "tpu.region"() ({
      %run_scoped3A_134 = tpu.sem_alloc : memref<!tpu.dma_semaphore, #tpu.memory_space<semaphore_mem>>
      %dma_start3A_135 = arith.constant 10240 : i32
      %dma_start3A_136 = tpu.memref_slice %arg9[%dma_start3A_135] : memref<40960xf32, #tpu.memory_space<vmem>> -> memref<1280xf32, #tpu.memory_space<vmem>>
      %dma_start3A_137 = tpu.memref_slice %arg11[%run_scoped3A_101, %mul3A_100] : memref<16x20480xf32, #tpu.memory_space<vmem_shared>> -> memref<1x1280xf32, #tpu.memory_space<vmem_shared>>
      %dma_start3A_138 = tpu.memref_squeeze %dma_start3A_137 : memref<1x1280xf32, #tpu.memory_space<vmem_shared>> -> memref<1280xf32, #tpu.memory_space<vmem_shared>>
      %dma_start3A_139 = arith.constant 10240 : i32
      %dma_start3A_140 = tpu.memref_slice %arg9[%dma_start3A_139] : memref<40960xf32, #tpu.memory_space<vmem>> -> memref<1280xf32, #tpu.memory_space<vmem>>
      %dma_start3A_141 = tpu.memref_slice %arg11[%run_scoped3A_101, %mul3A_100] : memref<16x20480xf32, #tpu.memory_space<vmem_shared>> -> memref<1x1280xf32, #tpu.memory_space<vmem_shared>>
      %dma_start3A_142 = tpu.memref_squeeze %dma_start3A_141 : memref<1x1280xf32, #tpu.memory_space<vmem_shared>> -> memref<1280xf32, #tpu.memory_space<vmem_shared>>
      tpu.enqueue_dma source(%dma_start3A_142 : memref<1280xf32, #tpu.memory_space<vmem_shared>>) target(%dma_start3A_140 : memref<1280xf32, #tpu.memory_space<vmem>>) target_semaphore(%run_scoped3A_134 : memref<!tpu.dma_semaphore, #tpu.memory_space<semaphore_mem>>)
      %dma_wait3A_143 = arith.constant 10240 : i32
      %dma_wait3A_144 = tpu.memref_slice %arg9[%dma_wait3A_143] : memref<40960xf32, #tpu.memory_space<vmem>> -> memref<1280xf32, #tpu.memory_space<vmem>>
      %dma_wait3A_145 = tpu.memref_slice %arg11[%run_scoped3A_101, %mul3A_100] : memref<16x20480xf32, #tpu.memory_space<vmem_shared>> -> memref<1x1280xf32, #tpu.memory_space<vmem_shared>>
      %dma_wait3A_146 = tpu.memref_squeeze %dma_wait3A_145 : memref<1x1280xf32, #tpu.memory_space<vmem_shared>> -> memref<1280xf32, #tpu.memory_space<vmem_shared>>
      %dma_wait3A_147 = arith.constant 10240 : i32
      %dma_wait3A_148 = tpu.memref_slice %arg9[%dma_wait3A_147] : memref<40960xf32, #tpu.memory_space<vmem>> -> memref<1280xf32, #tpu.memory_space<vmem>>
      %dma_wait3A_149 = tpu.memref_slice %arg11[%run_scoped3A_101, %mul3A_100] : memref<16x20480xf32, #tpu.memory_space<vmem_shared>> -> memref<1x1280xf32, #tpu.memory_space<vmem_shared>>
      %dma_wait3A_150 = tpu.memref_squeeze %dma_wait3A_149 : memref<1x1280xf32, #tpu.memory_space<vmem_shared>> -> memref<1280xf32, #tpu.memory_space<vmem_shared>>
      tpu.wait_dma2 semaphore(%run_scoped3A_134 : memref<!tpu.dma_semaphore, #tpu.memory_space<semaphore_mem>>) src(%dma_wait3A_150 : memref<1280xf32, #tpu.memory_space<vmem_shared>>) dst(%dma_wait3A_148 : memref<1280xf32, #tpu.memory_space<vmem>>)
      tpu.yield
    }) : () -> ()
    %mul3A_102 = arith.constant 1280 : i32
    %mul3A_103 = arith.muli %arg1, %mul3A_102 : i32
    %run_scoped3A_104 = arith.constant 9 : i32
    "tpu.region"() ({
      %run_scoped3A_134 = tpu.sem_alloc : memref<!tpu.dma_semaphore, #tpu.memory_space<semaphore_mem>>
      %dma_start3A_135 = arith.constant 11520 : i32
      %dma_start3A_136 = tpu.memref_slice %arg9[%dma_start3A_135] : memref<40960xf32, #tpu.memory_space<vmem>> -> memref<1280xf32, #tpu.memory_space<vmem>>
      %dma_start3A_137 = tpu.memref_slice %arg11[%run_scoped3A_104, %mul3A_103] : memref<16x20480xf32, #tpu.memory_space<vmem_shared>> -> memref<1x1280xf32, #tpu.memory_space<vmem_shared>>
      %dma_start3A_138 = tpu.memref_squeeze %dma_start3A_137 : memref<1x1280xf32, #tpu.memory_space<vmem_shared>> -> memref<1280xf32, #tpu.memory_space<vmem_shared>>
      %dma_start3A_139 = arith.constant 11520 : i32
      %dma_start3A_140 = tpu.memref_slice %arg9[%dma_start3A_139] : memref<40960xf32, #tpu.memory_space<vmem>> -> memref<1280xf32, #tpu.memory_space<vmem>>
      %dma_start3A_141 = tpu.memref_slice %arg11[%run_scoped3A_104, %mul3A_103] : memref<16x20480xf32, #tpu.memory_space<vmem_shared>> -> memref<1x1280xf32, #tpu.memory_space<vmem_shared>>
      %dma_start3A_142 = tpu.memref_squeeze %dma_start3A_141 : memref<1x1280xf32, #tpu.memory_space<vmem_shared>> -> memref<1280xf32, #tpu.memory_space<vmem_shared>>
      tpu.enqueue_dma source(%dma_start3A_142 : memref<1280xf32, #tpu.memory_space<vmem_shared>>) target(%dma_start3A_140 : memref<1280xf32, #tpu.memory_space<vmem>>) target_semaphore(%run_scoped3A_134 : memref<!tpu.dma_semaphore, #tpu.memory_space<semaphore_mem>>)
      %dma_wait3A_143 = arith.constant 11520 : i32
      %dma_wait3A_144 = tpu.memref_slice %arg9[%dma_wait3A_143] : memref<40960xf32, #tpu.memory_space<vmem>> -> memref<1280xf32, #tpu.memory_space<vmem>>
      %dma_wait3A_145 = tpu.memref_slice %arg11[%run_scoped3A_104, %mul3A_103] : memref<16x20480xf32, #tpu.memory_space<vmem_shared>> -> memref<1x1280xf32, #tpu.memory_space<vmem_shared>>
      %dma_wait3A_146 = tpu.memref_squeeze %dma_wait3A_145 : memref<1x1280xf32, #tpu.memory_space<vmem_shared>> -> memref<1280xf32, #tpu.memory_space<vmem_shared>>
      %dma_wait3A_147 = arith.constant 11520 : i32
      %dma_wait3A_148 = tpu.memref_slice %arg9[%dma_wait3A_147] : memref<40960xf32, #tpu.memory_space<vmem>> -> memref<1280xf32, #tpu.memory_space<vmem>>
      %dma_wait3A_149 = tpu.memref_slice %arg11[%run_scoped3A_104, %mul3A_103] : memref<16x20480xf32, #tpu.memory_space<vmem_shared>> -> memref<1x1280xf32, #tpu.memory_space<vmem_shared>>
      %dma_wait3A_150 = tpu.memref_squeeze %dma_wait3A_149 : memref<1x1280xf32, #tpu.memory_space<vmem_shared>> -> memref<1280xf32, #tpu.memory_space<vmem_shared>>
      tpu.wait_dma2 semaphore(%run_scoped3A_134 : memref<!tpu.dma_semaphore, #tpu.memory_space<semaphore_mem>>) src(%dma_wait3A_150 : memref<1280xf32, #tpu.memory_space<vmem_shared>>) dst(%dma_wait3A_148 : memref<1280xf32, #tpu.memory_space<vmem>>)
      tpu.yield
    }) : () -> ()
    %mul3A_105 = arith.constant 1280 : i32
    %mul3A_106 = arith.muli %arg1, %mul3A_105 : i32
    %run_scoped3A_107 = arith.constant 10 : i32
    "tpu.region"() ({
      %run_scoped3A_134 = tpu.sem_alloc : memref<!tpu.dma_semaphore, #tpu.memory_space<semaphore_mem>>
      %dma_start3A_135 = arith.constant 12800 : i32
      %dma_start3A_136 = tpu.memref_slice %arg9[%dma_start3A_135] : memref<40960xf32, #tpu.memory_space<vmem>> -> memref<1280xf32, #tpu.memory_space<vmem>>
      %dma_start3A_137 = tpu.memref_slice %arg11[%run_scoped3A_107, %mul3A_106] : memref<16x20480xf32, #tpu.memory_space<vmem_shared>> -> memref<1x1280xf32, #tpu.memory_space<vmem_shared>>
      %dma_start3A_138 = tpu.memref_squeeze %dma_start3A_137 : memref<1x1280xf32, #tpu.memory_space<vmem_shared>> -> memref<1280xf32, #tpu.memory_space<vmem_shared>>
      %dma_start3A_139 = arith.constant 12800 : i32
      %dma_start3A_140 = tpu.memref_slice %arg9[%dma_start3A_139] : memref<40960xf32, #tpu.memory_space<vmem>> -> memref<1280xf32, #tpu.memory_space<vmem>>
      %dma_start3A_141 = tpu.memref_slice %arg11[%run_scoped3A_107, %mul3A_106] : memref<16x20480xf32, #tpu.memory_space<vmem_shared>> -> memref<1x1280xf32, #tpu.memory_space<vmem_shared>>
      %dma_start3A_142 = tpu.memref_squeeze %dma_start3A_141 : memref<1x1280xf32, #tpu.memory_space<vmem_shared>> -> memref<1280xf32, #tpu.memory_space<vmem_shared>>
      tpu.enqueue_dma source(%dma_start3A_142 : memref<1280xf32, #tpu.memory_space<vmem_shared>>) target(%dma_start3A_140 : memref<1280xf32, #tpu.memory_space<vmem>>) target_semaphore(%run_scoped3A_134 : memref<!tpu.dma_semaphore, #tpu.memory_space<semaphore_mem>>)
      %dma_wait3A_143 = arith.constant 12800 : i32
      %dma_wait3A_144 = tpu.memref_slice %arg9[%dma_wait3A_143] : memref<40960xf32, #tpu.memory_space<vmem>> -> memref<1280xf32, #tpu.memory_space<vmem>>
      %dma_wait3A_145 = tpu.memref_slice %arg11[%run_scoped3A_107, %mul3A_106] : memref<16x20480xf32, #tpu.memory_space<vmem_shared>> -> memref<1x1280xf32, #tpu.memory_space<vmem_shared>>
      %dma_wait3A_146 = tpu.memref_squeeze %dma_wait3A_145 : memref<1x1280xf32, #tpu.memory_space<vmem_shared>> -> memref<1280xf32, #tpu.memory_space<vmem_shared>>
      %dma_wait3A_147 = arith.constant 12800 : i32
      %dma_wait3A_148 = tpu.memref_slice %arg9[%dma_wait3A_147] : memref<40960xf32, #tpu.memory_space<vmem>> -> memref<1280xf32, #tpu.memory_space<vmem>>
      %dma_wait3A_149 = tpu.memref_slice %arg11[%run_scoped3A_107, %mul3A_106] : memref<16x20480xf32, #tpu.memory_space<vmem_shared>> -> memref<1x1280xf32, #tpu.memory_space<vmem_shared>>
      %dma_wait3A_150 = tpu.memref_squeeze %dma_wait3A_149 : memref<1x1280xf32, #tpu.memory_space<vmem_shared>> -> memref<1280xf32, #tpu.memory_space<vmem_shared>>
      tpu.wait_dma2 semaphore(%run_scoped3A_134 : memref<!tpu.dma_semaphore, #tpu.memory_space<semaphore_mem>>) src(%dma_wait3A_150 : memref<1280xf32, #tpu.memory_space<vmem_shared>>) dst(%dma_wait3A_148 : memref<1280xf32, #tpu.memory_space<vmem>>)
      tpu.yield
    }) : () -> ()
    %mul3A_108 = arith.constant 1280 : i32
    %mul3A_109 = arith.muli %arg1, %mul3A_108 : i32
    %run_scoped3A_110 = arith.constant 11 : i32
    "tpu.region"() ({
      %run_scoped3A_134 = tpu.sem_alloc : memref<!tpu.dma_semaphore, #tpu.memory_space<semaphore_mem>>
      %dma_start3A_135 = arith.constant 14080 : i32
      %dma_start3A_136 = tpu.memref_slice %arg9[%dma_start3A_135] : memref<40960xf32, #tpu.memory_space<vmem>> -> memref<1280xf32, #tpu.memory_space<vmem>>
      %dma_start3A_137 = tpu.memref_slice %arg11[%run_scoped3A_110, %mul3A_109] : memref<16x20480xf32, #tpu.memory_space<vmem_shared>> -> memref<1x1280xf32, #tpu.memory_space<vmem_shared>>
      %dma_start3A_138 = tpu.memref_squeeze %dma_start3A_137 : memref<1x1280xf32, #tpu.memory_space<vmem_shared>> -> memref<1280xf32, #tpu.memory_space<vmem_shared>>
      %dma_start3A_139 = arith.constant 14080 : i32
      %dma_start3A_140 = tpu.memref_slice %arg9[%dma_start3A_139] : memref<40960xf32, #tpu.memory_space<vmem>> -> memref<1280xf32, #tpu.memory_space<vmem>>
      %dma_start3A_141 = tpu.memref_slice %arg11[%run_scoped3A_110, %mul3A_109] : memref<16x20480xf32, #tpu.memory_space<vmem_shared>> -> memref<1x1280xf32, #tpu.memory_space<vmem_shared>>
      %dma_start3A_142 = tpu.memref_squeeze %dma_start3A_141 : memref<1x1280xf32, #tpu.memory_space<vmem_shared>> -> memref<1280xf32, #tpu.memory_space<vmem_shared>>
      tpu.enqueue_dma source(%dma_start3A_142 : memref<1280xf32, #tpu.memory_space<vmem_shared>>) target(%dma_start3A_140 : memref<1280xf32, #tpu.memory_space<vmem>>) target_semaphore(%run_scoped3A_134 : memref<!tpu.dma_semaphore, #tpu.memory_space<semaphore_mem>>)
      %dma_wait3A_143 = arith.constant 14080 : i32
      %dma_wait3A_144 = tpu.memref_slice %arg9[%dma_wait3A_143] : memref<40960xf32, #tpu.memory_space<vmem>> -> memref<1280xf32, #tpu.memory_space<vmem>>
      %dma_wait3A_145 = tpu.memref_slice %arg11[%run_scoped3A_110, %mul3A_109] : memref<16x20480xf32, #tpu.memory_space<vmem_shared>> -> memref<1x1280xf32, #tpu.memory_space<vmem_shared>>
      %dma_wait3A_146 = tpu.memref_squeeze %dma_wait3A_145 : memref<1x1280xf32, #tpu.memory_space<vmem_shared>> -> memref<1280xf32, #tpu.memory_space<vmem_shared>>
      %dma_wait3A_147 = arith.constant 14080 : i32
      %dma_wait3A_148 = tpu.memref_slice %arg9[%dma_wait3A_147] : memref<40960xf32, #tpu.memory_space<vmem>> -> memref<1280xf32, #tpu.memory_space<vmem>>
      %dma_wait3A_149 = tpu.memref_slice %arg11[%run_scoped3A_110, %mul3A_109] : memref<16x20480xf32, #tpu.memory_space<vmem_shared>> -> memref<1x1280xf32, #tpu.memory_space<vmem_shared>>
      %dma_wait3A_150 = tpu.memref_squeeze %dma_wait3A_149 : memref<1x1280xf32, #tpu.memory_space<vmem_shared>> -> memref<1280xf32, #tpu.memory_space<vmem_shared>>
      tpu.wait_dma2 semaphore(%run_scoped3A_134 : memref<!tpu.dma_semaphore, #tpu.memory_space<semaphore_mem>>) src(%dma_wait3A_150 : memref<1280xf32, #tpu.memory_space<vmem_shared>>) dst(%dma_wait3A_148 : memref<1280xf32, #tpu.memory_space<vmem>>)
      tpu.yield
    }) : () -> ()
    %mul3A_111 = arith.constant 1280 : i32
    %mul3A_112 = arith.muli %arg1, %mul3A_111 : i32
    %run_scoped3A_113 = arith.constant 12 : i32
    "tpu.region"() ({
      %run_scoped3A_134 = tpu.sem_alloc : memref<!tpu.dma_semaphore, #tpu.memory_space<semaphore_mem>>
      %dma_start3A_135 = arith.constant 15360 : i32
      %dma_start3A_136 = tpu.memref_slice %arg9[%dma_start3A_135] : memref<40960xf32, #tpu.memory_space<vmem>> -> memref<1280xf32, #tpu.memory_space<vmem>>
      %dma_start3A_137 = tpu.memref_slice %arg11[%run_scoped3A_113, %mul3A_112] : memref<16x20480xf32, #tpu.memory_space<vmem_shared>> -> memref<1x1280xf32, #tpu.memory_space<vmem_shared>>
      %dma_start3A_138 = tpu.memref_squeeze %dma_start3A_137 : memref<1x1280xf32, #tpu.memory_space<vmem_shared>> -> memref<1280xf32, #tpu.memory_space<vmem_shared>>
      %dma_start3A_139 = arith.constant 15360 : i32
      %dma_start3A_140 = tpu.memref_slice %arg9[%dma_start3A_139] : memref<40960xf32, #tpu.memory_space<vmem>> -> memref<1280xf32, #tpu.memory_space<vmem>>
      %dma_start3A_141 = tpu.memref_slice %arg11[%run_scoped3A_113, %mul3A_112] : memref<16x20480xf32, #tpu.memory_space<vmem_shared>> -> memref<1x1280xf32, #tpu.memory_space<vmem_shared>>
      %dma_start3A_142 = tpu.memref_squeeze %dma_start3A_141 : memref<1x1280xf32, #tpu.memory_space<vmem_shared>> -> memref<1280xf32, #tpu.memory_space<vmem_shared>>
      tpu.enqueue_dma source(%dma_start3A_142 : memref<1280xf32, #tpu.memory_space<vmem_shared>>) target(%dma_start3A_140 : memref<1280xf32, #tpu.memory_space<vmem>>) target_semaphore(%run_scoped3A_134 : memref<!tpu.dma_semaphore, #tpu.memory_space<semaphore_mem>>)
      %dma_wait3A_143 = arith.constant 15360 : i32
      %dma_wait3A_144 = tpu.memref_slice %arg9[%dma_wait3A_143] : memref<40960xf32, #tpu.memory_space<vmem>> -> memref<1280xf32, #tpu.memory_space<vmem>>
      %dma_wait3A_145 = tpu.memref_slice %arg11[%run_scoped3A_113, %mul3A_112] : memref<16x20480xf32, #tpu.memory_space<vmem_shared>> -> memref<1x1280xf32, #tpu.memory_space<vmem_shared>>
      %dma_wait3A_146 = tpu.memref_squeeze %dma_wait3A_145 : memref<1x1280xf32, #tpu.memory_space<vmem_shared>> -> memref<1280xf32, #tpu.memory_space<vmem_shared>>
      %dma_wait3A_147 = arith.constant 15360 : i32
      %dma_wait3A_148 = tpu.memref_slice %arg9[%dma_wait3A_147] : memref<40960xf32, #tpu.memory_space<vmem>> -> memref<1280xf32, #tpu.memory_space<vmem>>
      %dma_wait3A_149 = tpu.memref_slice %arg11[%run_scoped3A_113, %mul3A_112] : memref<16x20480xf32, #tpu.memory_space<vmem_shared>> -> memref<1x1280xf32, #tpu.memory_space<vmem_shared>>
      %dma_wait3A_150 = tpu.memref_squeeze %dma_wait3A_149 : memref<1x1280xf32, #tpu.memory_space<vmem_shared>> -> memref<1280xf32, #tpu.memory_space<vmem_shared>>
      tpu.wait_dma2 semaphore(%run_scoped3A_134 : memref<!tpu.dma_semaphore, #tpu.memory_space<semaphore_mem>>) src(%dma_wait3A_150 : memref<1280xf32, #tpu.memory_space<vmem_shared>>) dst(%dma_wait3A_148 : memref<1280xf32, #tpu.memory_space<vmem>>)
      tpu.yield
    }) : () -> ()
    %mul3A_114 = arith.constant 1280 : i32
    %mul3A_115 = arith.muli %arg1, %mul3A_114 : i32
    %run_scoped3A_116 = arith.constant 13 : i32
    "tpu.region"() ({
      %run_scoped3A_134 = tpu.sem_alloc : memref<!tpu.dma_semaphore, #tpu.memory_space<semaphore_mem>>
      %dma_start3A_135 = arith.constant 16640 : i32
      %dma_start3A_136 = tpu.memref_slice %arg9[%dma_start3A_135] : memref<40960xf32, #tpu.memory_space<vmem>> -> memref<1280xf32, #tpu.memory_space<vmem>>
      %dma_start3A_137 = tpu.memref_slice %arg11[%run_scoped3A_116, %mul3A_115] : memref<16x20480xf32, #tpu.memory_space<vmem_shared>> -> memref<1x1280xf32, #tpu.memory_space<vmem_shared>>
      %dma_start3A_138 = tpu.memref_squeeze %dma_start3A_137 : memref<1x1280xf32, #tpu.memory_space<vmem_shared>> -> memref<1280xf32, #tpu.memory_space<vmem_shared>>
      %dma_start3A_139 = arith.constant 16640 : i32
      %dma_start3A_140 = tpu.memref_slice %arg9[%dma_start3A_139] : memref<40960xf32, #tpu.memory_space<vmem>> -> memref<1280xf32, #tpu.memory_space<vmem>>
      %dma_start3A_141 = tpu.memref_slice %arg11[%run_scoped3A_116, %mul3A_115] : memref<16x20480xf32, #tpu.memory_space<vmem_shared>> -> memref<1x1280xf32, #tpu.memory_space<vmem_shared>>
      %dma_start3A_142 = tpu.memref_squeeze %dma_start3A_141 : memref<1x1280xf32, #tpu.memory_space<vmem_shared>> -> memref<1280xf32, #tpu.memory_space<vmem_shared>>
      tpu.enqueue_dma source(%dma_start3A_142 : memref<1280xf32, #tpu.memory_space<vmem_shared>>) target(%dma_start3A_140 : memref<1280xf32, #tpu.memory_space<vmem>>) target_semaphore(%run_scoped3A_134 : memref<!tpu.dma_semaphore, #tpu.memory_space<semaphore_mem>>)
      %dma_wait3A_143 = arith.constant 16640 : i32
      %dma_wait3A_144 = tpu.memref_slice %arg9[%dma_wait3A_143] : memref<40960xf32, #tpu.memory_space<vmem>> -> memref<1280xf32, #tpu.memory_space<vmem>>
      %dma_wait3A_145 = tpu.memref_slice %arg11[%run_scoped3A_116, %mul3A_115] : memref<16x20480xf32, #tpu.memory_space<vmem_shared>> -> memref<1x1280xf32, #tpu.memory_space<vmem_shared>>
      %dma_wait3A_146 = tpu.memref_squeeze %dma_wait3A_145 : memref<1x1280xf32, #tpu.memory_space<vmem_shared>> -> memref<1280xf32, #tpu.memory_space<vmem_shared>>
      %dma_wait3A_147 = arith.constant 16640 : i32
      %dma_wait3A_148 = tpu.memref_slice %arg9[%dma_wait3A_147] : memref<40960xf32, #tpu.memory_space<vmem>> -> memref<1280xf32, #tpu.memory_space<vmem>>
      %dma_wait3A_149 = tpu.memref_slice %arg11[%run_scoped3A_116, %mul3A_115] : memref<16x20480xf32, #tpu.memory_space<vmem_shared>> -> memref<1x1280xf32, #tpu.memory_space<vmem_shared>>
      %dma_wait3A_150 = tpu.memref_squeeze %dma_wait3A_149 : memref<1x1280xf32, #tpu.memory_space<vmem_shared>> -> memref<1280xf32, #tpu.memory_space<vmem_shared>>
      tpu.wait_dma2 semaphore(%run_scoped3A_134 : memref<!tpu.dma_semaphore, #tpu.memory_space<semaphore_mem>>) src(%dma_wait3A_150 : memref<1280xf32, #tpu.memory_space<vmem_shared>>) dst(%dma_wait3A_148 : memref<1280xf32, #tpu.memory_space<vmem>>)
      tpu.yield
    }) : () -> ()
    %mul3A_117 = arith.constant 1280 : i32
    %mul3A_118 = arith.muli %arg1, %mul3A_117 : i32
    %run_scoped3A_119 = arith.constant 14 : i32
    "tpu.region"() ({
      %run_scoped3A_134 = tpu.sem_alloc : memref<!tpu.dma_semaphore, #tpu.memory_space<semaphore_mem>>
      %dma_start3A_135 = arith.constant 17920 : i32
      %dma_start3A_136 = tpu.memref_slice %arg9[%dma_start3A_135] : memref<40960xf32, #tpu.memory_space<vmem>> -> memref<1280xf32, #tpu.memory_space<vmem>>
      %dma_start3A_137 = tpu.memref_slice %arg11[%run_scoped3A_119, %mul3A_118] : memref<16x20480xf32, #tpu.memory_space<vmem_shared>> -> memref<1x1280xf32, #tpu.memory_space<vmem_shared>>
      %dma_start3A_138 = tpu.memref_squeeze %dma_start3A_137 : memref<1x1280xf32, #tpu.memory_space<vmem_shared>> -> memref<1280xf32, #tpu.memory_space<vmem_shared>>
      %dma_start3A_139 = arith.constant 17920 : i32
      %dma_start3A_140 = tpu.memref_slice %arg9[%dma_start3A_139] : memref<40960xf32, #tpu.memory_space<vmem>> -> memref<1280xf32, #tpu.memory_space<vmem>>
      %dma_start3A_141 = tpu.memref_slice %arg11[%run_scoped3A_119, %mul3A_118] : memref<16x20480xf32, #tpu.memory_space<vmem_shared>> -> memref<1x1280xf32, #tpu.memory_space<vmem_shared>>
      %dma_start3A_142 = tpu.memref_squeeze %dma_start3A_141 : memref<1x1280xf32, #tpu.memory_space<vmem_shared>> -> memref<1280xf32, #tpu.memory_space<vmem_shared>>
      tpu.enqueue_dma source(%dma_start3A_142 : memref<1280xf32, #tpu.memory_space<vmem_shared>>) target(%dma_start3A_140 : memref<1280xf32, #tpu.memory_space<vmem>>) target_semaphore(%run_scoped3A_134 : memref<!tpu.dma_semaphore, #tpu.memory_space<semaphore_mem>>)
      %dma_wait3A_143 = arith.constant 17920 : i32
      %dma_wait3A_144 = tpu.memref_slice %arg9[%dma_wait3A_143] : memref<40960xf32, #tpu.memory_space<vmem>> -> memref<1280xf32, #tpu.memory_space<vmem>>
      %dma_wait3A_145 = tpu.memref_slice %arg11[%run_scoped3A_119, %mul3A_118] : memref<16x20480xf32, #tpu.memory_space<vmem_shared>> -> memref<1x1280xf32, #tpu.memory_space<vmem_shared>>
      %dma_wait3A_146 = tpu.memref_squeeze %dma_wait3A_145 : memref<1x1280xf32, #tpu.memory_space<vmem_shared>> -> memref<1280xf32, #tpu.memory_space<vmem_shared>>
      %dma_wait3A_147 = arith.constant 17920 : i32
      %dma_wait3A_148 = tpu.memref_slice %arg9[%dma_wait3A_147] : memref<40960xf32, #tpu.memory_space<vmem>> -> memref<1280xf32, #tpu.memory_space<vmem>>
      %dma_wait3A_149 = tpu.memref_slice %arg11[%run_scoped3A_119, %mul3A_118] : memref<16x20480xf32, #tpu.memory_space<vmem_shared>> -> memref<1x1280xf32, #tpu.memory_space<vmem_shared>>
      %dma_wait3A_150 = tpu.memref_squeeze %dma_wait3A_149 : memref<1x1280xf32, #tpu.memory_space<vmem_shared>> -> memref<1280xf32, #tpu.memory_space<vmem_shared>>
      tpu.wait_dma2 semaphore(%run_scoped3A_134 : memref<!tpu.dma_semaphore, #tpu.memory_space<semaphore_mem>>) src(%dma_wait3A_150 : memref<1280xf32, #tpu.memory_space<vmem_shared>>) dst(%dma_wait3A_148 : memref<1280xf32, #tpu.memory_space<vmem>>)
      tpu.yield
    }) : () -> ()
    %mul3A_120 = arith.constant 1280 : i32
    %mul3A_121 = arith.muli %arg1, %mul3A_120 : i32
    %run_scoped3A_122 = arith.constant 15 : i32
    "tpu.region"() ({
      %run_scoped3A_134 = tpu.sem_alloc : memref<!tpu.dma_semaphore, #tpu.memory_space<semaphore_mem>>
      %dma_start3A_135 = arith.constant 19200 : i32
      %dma_start3A_136 = tpu.memref_slice %arg9[%dma_start3A_135] : memref<40960xf32, #tpu.memory_space<vmem>> -> memref<1280xf32, #tpu.memory_space<vmem>>
      %dma_start3A_137 = tpu.memref_slice %arg11[%run_scoped3A_122, %mul3A_121] : memref<16x20480xf32, #tpu.memory_space<vmem_shared>> -> memref<1x1280xf32, #tpu.memory_space<vmem_shared>>
      %dma_start3A_138 = tpu.memref_squeeze %dma_start3A_137 : memref<1x1280xf32, #tpu.memory_space<vmem_shared>> -> memref<1280xf32, #tpu.memory_space<vmem_shared>>
      %dma_start3A_139 = arith.constant 19200 : i32
      %dma_start3A_140 = tpu.memref_slice %arg9[%dma_start3A_139] : memref<40960xf32, #tpu.memory_space<vmem>> -> memref<1280xf32, #tpu.memory_space<vmem>>
      %dma_start3A_141 = tpu.memref_slice %arg11[%run_scoped3A_122, %mul3A_121] : memref<16x20480xf32, #tpu.memory_space<vmem_shared>> -> memref<1x1280xf32, #tpu.memory_space<vmem_shared>>
      %dma_start3A_142 = tpu.memref_squeeze %dma_start3A_141 : memref<1x1280xf32, #tpu.memory_space<vmem_shared>> -> memref<1280xf32, #tpu.memory_space<vmem_shared>>
      tpu.enqueue_dma source(%dma_start3A_142 : memref<1280xf32, #tpu.memory_space<vmem_shared>>) target(%dma_start3A_140 : memref<1280xf32, #tpu.memory_space<vmem>>) target_semaphore(%run_scoped3A_134 : memref<!tpu.dma_semaphore, #tpu.memory_space<semaphore_mem>>)
      %dma_wait3A_143 = arith.constant 19200 : i32
      %dma_wait3A_144 = tpu.memref_slice %arg9[%dma_wait3A_143] : memref<40960xf32, #tpu.memory_space<vmem>> -> memref<1280xf32, #tpu.memory_space<vmem>>
      %dma_wait3A_145 = tpu.memref_slice %arg11[%run_scoped3A_122, %mul3A_121] : memref<16x20480xf32, #tpu.memory_space<vmem_shared>> -> memref<1x1280xf32, #tpu.memory_space<vmem_shared>>
      %dma_wait3A_146 = tpu.memref_squeeze %dma_wait3A_145 : memref<1x1280xf32, #tpu.memory_space<vmem_shared>> -> memref<1280xf32, #tpu.memory_space<vmem_shared>>
      %dma_wait3A_147 = arith.constant 19200 : i32
      %dma_wait3A_148 = tpu.memref_slice %arg9[%dma_wait3A_147] : memref<40960xf32, #tpu.memory_space<vmem>> -> memref<1280xf32, #tpu.memory_space<vmem>>
      %dma_wait3A_149 = tpu.memref_slice %arg11[%run_scoped3A_122, %mul3A_121] : memref<16x20480xf32, #tpu.memory_space<vmem_shared>> -> memref<1x1280xf32, #tpu.memory_space<vmem_shared>>
      %dma_wait3A_150 = tpu.memref_squeeze %dma_wait3A_149 : memref<1x1280xf32, #tpu.memory_space<vmem_shared>> -> memref<1280xf32, #tpu.memory_space<vmem_shared>>
      tpu.wait_dma2 semaphore(%run_scoped3A_134 : memref<!tpu.dma_semaphore, #tpu.memory_space<semaphore_mem>>) src(%dma_wait3A_150 : memref<1280xf32, #tpu.memory_space<vmem_shared>>) dst(%dma_wait3A_148 : memref<1280xf32, #tpu.memory_space<vmem>>)
      tpu.yield
    }) : () -> ()
    %scan3A_123 = arith.constant 0 : i32
    %scan3A_124 = arith.constant 0 : i32
    %scan3A_125 = arith.constant 80 : i32
    %scan3A_126 = arith.addi %scan3A_124, %scan3A_125 : i32
    %scan3A_127 = arith.constant 1 : i32
    scf.for %scan3A_134 = %scan3A_124 to %scan3A_126 step %scan3A_127  : i32 {
      %mul3A_135 = arith.constant 16 : i32
      %mul3A_136 = arith.muli %scan3A_134, %mul3A_135 : i32
      %multiple_of3A = tpu.assume_multiple %mul3A_136, 16 : i32
      %get3A = arith.index_cast %multiple_of3A : i32 to index
      %get3A_137 = tpu.vector_load %arg9[%get3A] {strides = array<i32>} : memref<40960xf32, #tpu.memory_space<vmem>>, vector<16xf32>,
      %add3A_138 = arith.constant 1280 : i32
      %add3A_139 = arith.addi %add3A_138, %multiple_of3A : i32
      %get3A_140 = arith.index_cast %add3A_139 : i32 to index
      %get3A_141 = tpu.vector_load %arg9[%get3A_140] {strides = array<i32>} : memref<40960xf32, #tpu.memory_space<vmem>>, vector<16xf32>,
      %add3A_142 = arith.addf %get3A_137, %get3A_141 : vector<16xf32>
      %add3A_143 = arith.constant 2560 : i32
      %add3A_144 = arith.addi %add3A_143, %multiple_of3A : i32
      %get3A_145 = arith.index_cast %add3A_144 : i32 to index
      %get3A_146 = tpu.vector_load %arg9[%get3A_145] {strides = array<i32>} : memref<40960xf32, #tpu.memory_space<vmem>>, vector<16xf32>,
      %add3A_147 = arith.addf %add3A_142, %get3A_146 : vector<16xf32>
      %add3A_148 = arith.constant 3840 : i32
      %add3A_149 = arith.addi %add3A_148, %multiple_of3A : i32
      %get3A_150 = arith.index_cast %add3A_149 : i32 to index
      %get3A_151 = tpu.vector_load %arg9[%get3A_150] {strides = array<i32>} : memref<40960xf32, #tpu.memory_space<vmem>>, vector<16xf32>,
      %add3A_152 = arith.addf %add3A_147, %get3A_151 : vector<16xf32>
      %add3A_153 = arith.constant 5120 : i32
      %add3A_154 = arith.addi %add3A_153, %multiple_of3A : i32
      %get3A_155 = arith.index_cast %add3A_154 : i32 to index
      %get3A_156 = tpu.vector_load %arg9[%get3A_155] {strides = array<i32>} : memref<40960xf32, #tpu.memory_space<vmem>>, vector<16xf32>,
      %add3A_157 = arith.addf %add3A_152, %get3A_156 : vector<16xf32>
      %add3A_158 = arith.constant 6400 : i32
      %add3A_159 = arith.addi %add3A_158, %multiple_of3A : i32
      %get3A_160 = arith.index_cast %add3A_159 : i32 to index
      %get3A_161 = tpu.vector_load %arg9[%get3A_160] {strides = array<i32>} : memref<40960xf32, #tpu.memory_space<vmem>>, vector<16xf32>,
      %add3A_162 = arith.addf %add3A_157, %get3A_161 : vector<16xf32>
      %add3A_163 = arith.constant 7680 : i32
      %add3A_164 = arith.addi %add3A_163, %multiple_of3A : i32
      %get3A_165 = arith.index_cast %add3A_164 : i32 to index
      %get3A_166 = tpu.vector_load %arg9[%get3A_165] {strides = array<i32>} : memref<40960xf32, #tpu.memory_space<vmem>>, vector<16xf32>,
      %add3A_167 = arith.addf %add3A_162, %get3A_166 : vector<16xf32>
      %add3A_168 = arith.constant 8960 : i32
      %add3A_169 = arith.addi %add3A_168, %multiple_of3A : i32
      %get3A_170 = arith.index_cast %add3A_169 : i32 to index
      %get3A_171 = tpu.vector_load %arg9[%get3A_170] {strides = array<i32>} : memref<40960xf32, #tpu.memory_space<vmem>>, vector<16xf32>,
      %add3A_172 = arith.addf %add3A_167, %get3A_171 : vector<16xf32>
      %add3A_173 = arith.constant 10240 : i32
      %add3A_174 = arith.addi %add3A_173, %multiple_of3A : i32
      %get3A_175 = arith.index_cast %add3A_174 : i32 to index
      %get3A_176 = tpu.vector_load %arg9[%get3A_175] {strides = array<i32>} : memref<40960xf32, #tpu.memory_space<vmem>>, vector<16xf32>,
      %add3A_177 = arith.addf %add3A_172, %get3A_176 : vector<16xf32>
      %add3A_178 = arith.constant 11520 : i32
      %add3A_179 = arith.addi %add3A_178, %multiple_of3A : i32
      %get3A_180 = arith.index_cast %add3A_179 : i32 to index
      %get3A_181 = tpu.vector_load %arg9[%get3A_180] {strides = array<i32>} : memref<40960xf32, #tpu.memory_space<vmem>>, vector<16xf32>,
      %add3A_182 = arith.addf %add3A_177, %get3A_181 : vector<16xf32>
      %add3A_183 = arith.constant 12800 : i32
      %add3A_184 = arith.addi %add3A_183, %multiple_of3A : i32
      %get3A_185 = arith.index_cast %add3A_184 : i32 to index
      %get3A_186 = tpu.vector_load %arg9[%get3A_185] {strides = array<i32>} : memref<40960xf32, #tpu.memory_space<vmem>>, vector<16xf32>,
      %add3A_187 = arith.addf %add3A_182, %get3A_186 : vector<16xf32>
      %add3A_188 = arith.constant 14080 : i32
      %add3A_189 = arith.addi %add3A_188, %multiple_of3A : i32
      %get3A_190 = arith.index_cast %add3A_189 : i32 to index
      %get3A_191 = tpu.vector_load %arg9[%get3A_190] {strides = array<i32>} : memref<40960xf32, #tpu.memory_space<vmem>>, vector<16xf32>,
      %add3A_192 = arith.addf %add3A_187, %get3A_191 : vector<16xf32>
      %add3A_193 = arith.constant 15360 : i32
      %add3A_194 = arith.addi %add3A_193, %multiple_of3A : i32
      %get3A_195 = arith.index_cast %add3A_194 : i32 to index
      %get3A_196 = tpu.vector_load %arg9[%get3A_195] {strides = array<i32>} : memref<40960xf32, #tpu.memory_space<vmem>>, vector<16xf32>,
      %add3A_197 = arith.addf %add3A_192, %get3A_196 : vector<16xf32>
      %add3A_198 = arith.constant 16640 : i32
      %add3A_199 = arith.addi %add3A_198, %multiple_of3A : i32
      %get3A_200 = arith.index_cast %add3A_199 : i32 to index
      %get3A_201 = tpu.vector_load %arg9[%get3A_200] {strides = array<i32>} : memref<40960xf32, #tpu.memory_space<vmem>>, vector<16xf32>,
      %add3A_202 = arith.addf %add3A_197, %get3A_201 : vector<16xf32>
      %add3A_203 = arith.constant 17920 : i32
      %add3A_204 = arith.addi %add3A_203, %multiple_of3A : i32
      %get3A_205 = arith.index_cast %add3A_204 : i32 to index
      %get3A_206 = tpu.vector_load %arg9[%get3A_205] {strides = array<i32>} : memref<40960xf32, #tpu.memory_space<vmem>>, vector<16xf32>,
      %add3A_207 = arith.addf %add3A_202, %get3A_206 : vector<16xf32>
      %add3A_208 = arith.constant 19200 : i32
      %add3A_209 = arith.addi %add3A_208, %multiple_of3A : i32
      %get3A_210 = arith.index_cast %add3A_209 : i32 to index
      %get3A_211 = tpu.vector_load %arg9[%get3A_210] {strides = array<i32>} : memref<40960xf32, #tpu.memory_space<vmem>>, vector<16xf32>,
      %add3A_212 = arith.addf %add3A_207, %get3A_211 : vector<16xf32>
      %add3A_213 = arith.constant 20480 : i32
      %add3A_214 = arith.addi %add3A_213, %multiple_of3A : i32
      %swap3A = arith.index_cast %add3A_214 : i32 to index
      %swap3A_215 = tpu.vector_load %arg9[%swap3A] {strides = array<i32>} : memref<40960xf32, #tpu.memory_space<vmem>>, vector<16xf32>,
      tpu.vector_store %arg9[%swap3A], %add3A_212 {strides = array<i32>} : memref<40960xf32, #tpu.memory_space<vmem>>, vector<16xf32>,
    }
    %scan3A_128 = arith.constant 80 : i32
    %mul3A_129 = arith.constant 1280 : i32
    %mul3A_130 = arith.muli %arg1, %mul3A_129 : i32
    %add3A_131 = arith.constant 20480 : i32
    %add3A_132 = arith.addi %add3A_131, %mul3A_130 : i32
    "tpu.region"() ({
      %run_scoped3A_134 = tpu.sem_alloc : memref<!tpu.dma_semaphore, #tpu.memory_space<semaphore_mem>>
      %dma_start3A_135 = arith.constant 20480 : i32
      %dma_start3A_136 = tpu.memref_slice %arg9[%dma_start3A_135] : memref<40960xf32, #tpu.memory_space<vmem>> -> memref<1280xf32, #tpu.memory_space<vmem>>
      %dma_start3A_137 = tpu.memref_slice %arg6[%arg0, %add3A_132] : memref<2x40960xf32, #tpu.memory_space<hbm>> -> memref<1x1280xf32, #tpu.memory_space<hbm>>
      %dma_start3A_138 = tpu.memref_squeeze %dma_start3A_137 : memref<1x1280xf32, #tpu.memory_space<hbm>> -> memref<1280xf32, #tpu.memory_space<hbm>>
      %dma_start3A_139 = tpu.memref_slice %arg6[%arg0, %add3A_132] : memref<2x40960xf32, #tpu.memory_space<hbm>> -> memref<1x1280xf32, #tpu.memory_space<hbm>>
      %dma_start3A_140 = tpu.memref_squeeze %dma_start3A_139 : memref<1x1280xf32, #tpu.memory_space<hbm>> -> memref<1280xf32, #tpu.memory_space<hbm>>
      %dma_start3A_141 = arith.constant 20480 : i32
      %dma_start3A_142 = tpu.memref_slice %arg9[%dma_start3A_141] : memref<40960xf32, #tpu.memory_space<vmem>> -> memref<1280xf32, #tpu.memory_space<vmem>>
      tpu.enqueue_dma source(%dma_start3A_142 : memref<1280xf32, #tpu.memory_space<vmem>>) target(%dma_start3A_140 : memref<1280xf32, #tpu.memory_space<hbm>>) target_semaphore(%run_scoped3A_134 : memref<!tpu.dma_semaphore, #tpu.memory_space<semaphore_mem>>)
      %dma_wait3A_143 = arith.constant 20480 : i32
      %dma_wait3A_144 = tpu.memref_slice %arg9[%dma_wait3A_143] : memref<40960xf32, #tpu.memory_space<vmem>> -> memref<1280xf32, #tpu.memory_space<vmem>>
      %dma_wait3A_145 = tpu.memref_slice %arg6[%arg0, %add3A_132] : memref<2x40960xf32, #tpu.memory_space<hbm>> -> memref<1x1280xf32, #tpu.memory_space<hbm>>
      %dma_wait3A_146 = tpu.memref_squeeze %dma_wait3A_145 : memref<1x1280xf32, #tpu.memory_space<hbm>> -> memref<1280xf32, #tpu.memory_space<hbm>>
      %dma_wait3A_147 = tpu.memref_slice %arg6[%arg0, %add3A_132] : memref<2x40960xf32, #tpu.memory_space<hbm>> -> memref<1x1280xf32, #tpu.memory_space<hbm>>
      %dma_wait3A_148 = tpu.memref_squeeze %dma_wait3A_147 : memref<1x1280xf32, #tpu.memory_space<hbm>> -> memref<1280xf32, #tpu.memory_space<hbm>>
      %dma_wait3A_149 = arith.constant 20480 : i32
      %dma_wait3A_150 = tpu.memref_slice %arg9[%dma_wait3A_149] : memref<40960xf32, #tpu.memory_space<vmem>> -> memref<1280xf32, #tpu.memory_space<vmem>>
      tpu.wait_dma2 semaphore(%run_scoped3A_134 : memref<!tpu.dma_semaphore, #tpu.memory_space<semaphore_mem>>) src(%dma_wait3A_150 : memref<1280xf32, #tpu.memory_space<vmem>>) dst(%dma_wait3A_148 : memref<1280xf32, #tpu.memory_space<hbm>>)
      tpu.yield
    }) : () -> ()
    %barrier3A_133 = arith.constant 0 : index
    tpu.barrier barrier_id(%barrier3A_133)
    return
  }
}

#map = affine_map<(d0, d1) -> (0)>
#map1 = affine_map<(d0, d1) -> (0, 0)>
module attributes {stable_mosaic.version = 14 : i64} {
  func.func @deg_kernel(%arg0: i32, %arg1: i32, %arg2: memref<327680xi32, #tpu.memory_space<hbm>>, %arg3: memref<10240xf32, #tpu.memory_space<hbm>>, %arg4: memref<2x10240xf32, #tpu.memory_space<hbm>>, %arg5: memref<10240xi32, #tpu.memory_space<vmem>>, %arg6: memref<10240xf32, #tpu.memory_space<vmem>>, %arg7: memref<16x10240xf32, #tpu.memory_space<vmem_shared>>, %arg8: memref<!tpu.dma_semaphore, #tpu.memory_space<semaphore_mem>>) attributes {dimension_semantics = [#tpu.dimension_semantics<core_parallel>, #tpu.dimension_semantics<subcore_parallel>], iteration_bounds = array<i64: 2, 16>, scalar_prefetch = 0 : i64, scratch_operands = 4 : i64, tpu.core_type = #tpu.core_type<sc_vector_subcore>, window_params = [{transform_indices = #map}, {transform_indices = #map}, {transform_indices = #map1}]} {
    %mul3A = arith.constant 16 : i32
    %mul3A_0 = arith.muli %arg0, %mul3A : i32
    %add3A = arith.addi %mul3A_0, %arg1 : i32
    %mul3A_1 = arith.constant 10240 : i32
    %mul3A_2 = arith.muli %add3A, %mul3A_1 : i32
    %dma_start3A = tpu.memref_slice %arg2[%mul3A_2] : memref<327680xi32, #tpu.memory_space<hbm>> -> memref<10240xi32, #tpu.memory_space<hbm>>
    %dma_start3A_3 = tpu.memref_slice %arg2[%mul3A_2] : memref<327680xi32, #tpu.memory_space<hbm>> -> memref<10240xi32, #tpu.memory_space<hbm>>
    tpu.enqueue_dma source(%dma_start3A_3 : memref<10240xi32, #tpu.memory_space<hbm>>) target(%arg5 : memref<10240xi32, #tpu.memory_space<vmem>>) target_semaphore(%arg8 : memref<!tpu.dma_semaphore, #tpu.memory_space<semaphore_mem>>)
    tpu.enqueue_dma source(%arg3 : memref<10240xf32, #tpu.memory_space<hbm>>) target(%arg6 : memref<10240xf32, #tpu.memory_space<vmem>>) target_semaphore(%arg8 : memref<!tpu.dma_semaphore, #tpu.memory_space<semaphore_mem>>)
    %dma_wait3A = tpu.memref_slice %arg2[%mul3A_2] : memref<327680xi32, #tpu.memory_space<hbm>> -> memref<10240xi32, #tpu.memory_space<hbm>>
    %dma_wait3A_4 = tpu.memref_slice %arg2[%mul3A_2] : memref<327680xi32, #tpu.memory_space<hbm>> -> memref<10240xi32, #tpu.memory_space<hbm>>
    tpu.wait_dma2 semaphore(%arg8 : memref<!tpu.dma_semaphore, #tpu.memory_space<semaphore_mem>>) src(%dma_wait3A_4 : memref<10240xi32, #tpu.memory_space<hbm>>) dst(%arg5 : memref<10240xi32, #tpu.memory_space<vmem>>)
    tpu.wait_dma2 semaphore(%arg8 : memref<!tpu.dma_semaphore, #tpu.memory_space<semaphore_mem>>) src(%arg3 : memref<10240xf32, #tpu.memory_space<hbm>>) dst(%arg6 : memref<10240xf32, #tpu.memory_space<vmem>>)
    %broadcast_in_dim3A = arith.constant 1.000000e+00 : f32
    %broadcast_in_dim3A_5 = vector.broadcast %broadcast_in_dim3A : f32 to vector<16xf32>
    %scan3A = arith.constant 0 : i32
    %scan3A_6 = arith.constant 0 : i32
    %scan3A_7 = arith.constant 160 : i32
    %scan3A_8 = arith.addi %scan3A_6, %scan3A_7 : i32
    %scan3A_9 = arith.constant 1 : i32
    scf.for %scan3A_66 = %scan3A_6 to %scan3A_8 step %scan3A_9  : i32 {
      %mul3A_67 = arith.constant 64 : i32
      %mul3A_68 = arith.muli %scan3A_66, %mul3A_67 : i32
      %add3A_69 = arith.constant 0 : i32
      %add3A_70 = arith.addi %mul3A_68, %add3A_69 : i32
      %multiple_of3A = tpu.assume_multiple %add3A_70, 16 : i32
      %get3A = arith.index_cast %multiple_of3A : i32 to index
      %get3A_71 = tpu.vector_load %arg5[%get3A] {strides = array<i32>} : memref<10240xi32, #tpu.memory_space<vmem>>, vector<16xi32>,
      tpu.vector_store_idx %arg6[%get3A_71], %broadcast_in_dim3A_5 {add = true} : memref<10240xf32, #tpu.memory_space<vmem>>[vector<16xi32>], vector<16xf32>,
      %mul3A_72 = arith.constant 64 : i32
      %mul3A_73 = arith.muli %scan3A_66, %mul3A_72 : i32
      %add3A_74 = arith.constant 16 : i32
      %add3A_75 = arith.addi %mul3A_73, %add3A_74 : i32
      %multiple_of3A_76 = tpu.assume_multiple %add3A_75, 16 : i32
      %get3A_77 = arith.index_cast %multiple_of3A_76 : i32 to index
      %get3A_78 = tpu.vector_load %arg5[%get3A_77] {strides = array<i32>} : memref<10240xi32, #tpu.memory_space<vmem>>, vector<16xi32>,
      tpu.vector_store_idx %arg6[%get3A_78], %broadcast_in_dim3A_5 {add = true} : memref<10240xf32, #tpu.memory_space<vmem>>[vector<16xi32>], vector<16xf32>,
      %mul3A_79 = arith.constant 64 : i32
      %mul3A_80 = arith.muli %scan3A_66, %mul3A_79 : i32
      %add3A_81 = arith.constant 32 : i32
      %add3A_82 = arith.addi %mul3A_80, %add3A_81 : i32
      %multiple_of3A_83 = tpu.assume_multiple %add3A_82, 16 : i32
      %get3A_84 = arith.index_cast %multiple_of3A_83 : i32 to index
      %get3A_85 = tpu.vector_load %arg5[%get3A_84] {strides = array<i32>} : memref<10240xi32, #tpu.memory_space<vmem>>, vector<16xi32>,
      tpu.vector_store_idx %arg6[%get3A_85], %broadcast_in_dim3A_5 {add = true} : memref<10240xf32, #tpu.memory_space<vmem>>[vector<16xi32>], vector<16xf32>,
      %mul3A_86 = arith.constant 64 : i32
      %mul3A_87 = arith.muli %scan3A_66, %mul3A_86 : i32
      %add3A_88 = arith.constant 48 : i32
      %add3A_89 = arith.addi %mul3A_87, %add3A_88 : i32
      %multiple_of3A_90 = tpu.assume_multiple %add3A_89, 16 : i32
      %get3A_91 = arith.index_cast %multiple_of3A_90 : i32 to index
      %get3A_92 = tpu.vector_load %arg5[%get3A_91] {strides = array<i32>} : memref<10240xi32, #tpu.memory_space<vmem>>, vector<16xi32>,
      tpu.vector_store_idx %arg6[%get3A_92], %broadcast_in_dim3A_5 {add = true} : memref<10240xf32, #tpu.memory_space<vmem>>[vector<16xi32>], vector<16xf32>,
    }
    %scan3A_10 = arith.constant 160 : i32
    "tpu.region"() ({
      %run_scoped3A_66 = tpu.sem_alloc : memref<!tpu.dma_semaphore, #tpu.memory_space<semaphore_mem>>
      %dma_start3A_67 = arith.constant 0 : i32
      %dma_start3A_68 = tpu.memref_slice %arg7[%arg1, %dma_start3A_67] : memref<16x10240xf32, #tpu.memory_space<vmem_shared>> -> memref<1x10240xf32, #tpu.memory_space<vmem_shared>>
      %dma_start3A_69 = tpu.memref_squeeze %dma_start3A_68 : memref<1x10240xf32, #tpu.memory_space<vmem_shared>> -> memref<10240xf32, #tpu.memory_space<vmem_shared>>
      %dma_start3A_70 = arith.constant 0 : i32
      %dma_start3A_71 = tpu.memref_slice %arg7[%arg1, %dma_start3A_70] : memref<16x10240xf32, #tpu.memory_space<vmem_shared>> -> memref<1x10240xf32, #tpu.memory_space<vmem_shared>>
      %dma_start3A_72 = tpu.memref_squeeze %dma_start3A_71 : memref<1x10240xf32, #tpu.memory_space<vmem_shared>> -> memref<10240xf32, #tpu.memory_space<vmem_shared>>
      tpu.enqueue_dma source(%arg6 : memref<10240xf32, #tpu.memory_space<vmem>>) target(%dma_start3A_72 : memref<10240xf32, #tpu.memory_space<vmem_shared>>) target_semaphore(%run_scoped3A_66 : memref<!tpu.dma_semaphore, #tpu.memory_space<semaphore_mem>>)
      %dma_wait3A_73 = arith.constant 0 : i32
      %dma_wait3A_74 = tpu.memref_slice %arg7[%arg1, %dma_wait3A_73] : memref<16x10240xf32, #tpu.memory_space<vmem_shared>> -> memref<1x10240xf32, #tpu.memory_space<vmem_shared>>
      %dma_wait3A_75 = tpu.memref_squeeze %dma_wait3A_74 : memref<1x10240xf32, #tpu.memory_space<vmem_shared>> -> memref<10240xf32, #tpu.memory_space<vmem_shared>>
      %dma_wait3A_76 = arith.constant 0 : i32
      %dma_wait3A_77 = tpu.memref_slice %arg7[%arg1, %dma_wait3A_76] : memref<16x10240xf32, #tpu.memory_space<vmem_shared>> -> memref<1x10240xf32, #tpu.memory_space<vmem_shared>>
      %dma_wait3A_78 = tpu.memref_squeeze %dma_wait3A_77 : memref<1x10240xf32, #tpu.memory_space<vmem_shared>> -> memref<10240xf32, #tpu.memory_space<vmem_shared>>
      tpu.wait_dma2 semaphore(%run_scoped3A_66 : memref<!tpu.dma_semaphore, #tpu.memory_space<semaphore_mem>>) src(%arg6 : memref<10240xf32, #tpu.memory_space<vmem>>) dst(%dma_wait3A_78 : memref<10240xf32, #tpu.memory_space<vmem_shared>>)
      tpu.yield
    }) : () -> ()
    %barrier3A = arith.constant 0 : index
    tpu.barrier barrier_id(%barrier3A)
    %mul3A_11 = arith.constant 640 : i32
    %mul3A_12 = arith.muli %arg1, %mul3A_11 : i32
    %run_scoped3A = arith.constant 0 : i32
    "tpu.region"() ({
      %run_scoped3A_66 = tpu.sem_alloc : memref<!tpu.dma_semaphore, #tpu.memory_space<semaphore_mem>>
      %dma_start3A_67 = arith.constant 0 : i32
      %dma_start3A_68 = tpu.memref_slice %arg6[%dma_start3A_67] : memref<10240xf32, #tpu.memory_space<vmem>> -> memref<640xf32, #tpu.memory_space<vmem>>
      %dma_start3A_69 = tpu.memref_slice %arg7[%run_scoped3A, %mul3A_12] : memref<16x10240xf32, #tpu.memory_space<vmem_shared>> -> memref<1x640xf32, #tpu.memory_space<vmem_shared>>
      %dma_start3A_70 = tpu.memref_squeeze %dma_start3A_69 : memref<1x640xf32, #tpu.memory_space<vmem_shared>> -> memref<640xf32, #tpu.memory_space<vmem_shared>>
      %dma_start3A_71 = arith.constant 0 : i32
      %dma_start3A_72 = tpu.memref_slice %arg6[%dma_start3A_71] : memref<10240xf32, #tpu.memory_space<vmem>> -> memref<640xf32, #tpu.memory_space<vmem>>
      %dma_start3A_73 = tpu.memref_slice %arg7[%run_scoped3A, %mul3A_12] : memref<16x10240xf32, #tpu.memory_space<vmem_shared>> -> memref<1x640xf32, #tpu.memory_space<vmem_shared>>
      %dma_start3A_74 = tpu.memref_squeeze %dma_start3A_73 : memref<1x640xf32, #tpu.memory_space<vmem_shared>> -> memref<640xf32, #tpu.memory_space<vmem_shared>>
      tpu.enqueue_dma source(%dma_start3A_74 : memref<640xf32, #tpu.memory_space<vmem_shared>>) target(%dma_start3A_72 : memref<640xf32, #tpu.memory_space<vmem>>) target_semaphore(%run_scoped3A_66 : memref<!tpu.dma_semaphore, #tpu.memory_space<semaphore_mem>>)
      %dma_wait3A_75 = arith.constant 0 : i32
      %dma_wait3A_76 = tpu.memref_slice %arg6[%dma_wait3A_75] : memref<10240xf32, #tpu.memory_space<vmem>> -> memref<640xf32, #tpu.memory_space<vmem>>
      %dma_wait3A_77 = tpu.memref_slice %arg7[%run_scoped3A, %mul3A_12] : memref<16x10240xf32, #tpu.memory_space<vmem_shared>> -> memref<1x640xf32, #tpu.memory_space<vmem_shared>>
      %dma_wait3A_78 = tpu.memref_squeeze %dma_wait3A_77 : memref<1x640xf32, #tpu.memory_space<vmem_shared>> -> memref<640xf32, #tpu.memory_space<vmem_shared>>
      %dma_wait3A_79 = arith.constant 0 : i32
      %dma_wait3A_80 = tpu.memref_slice %arg6[%dma_wait3A_79] : memref<10240xf32, #tpu.memory_space<vmem>> -> memref<640xf32, #tpu.memory_space<vmem>>
      %dma_wait3A_81 = tpu.memref_slice %arg7[%run_scoped3A, %mul3A_12] : memref<16x10240xf32, #tpu.memory_space<vmem_shared>> -> memref<1x640xf32, #tpu.memory_space<vmem_shared>>
      %dma_wait3A_82 = tpu.memref_squeeze %dma_wait3A_81 : memref<1x640xf32, #tpu.memory_space<vmem_shared>> -> memref<640xf32, #tpu.memory_space<vmem_shared>>
      tpu.wait_dma2 semaphore(%run_scoped3A_66 : memref<!tpu.dma_semaphore, #tpu.memory_space<semaphore_mem>>) src(%dma_wait3A_82 : memref<640xf32, #tpu.memory_space<vmem_shared>>) dst(%dma_wait3A_80 : memref<640xf32, #tpu.memory_space<vmem>>)
      tpu.yield
    }) : () -> ()
    %mul3A_13 = arith.constant 640 : i32
    %mul3A_14 = arith.muli %arg1, %mul3A_13 : i32
    %run_scoped3A_15 = arith.constant 1 : i32
    "tpu.region"() ({
      %run_scoped3A_66 = tpu.sem_alloc : memref<!tpu.dma_semaphore, #tpu.memory_space<semaphore_mem>>
      %dma_start3A_67 = arith.constant 640 : i32
      %dma_start3A_68 = tpu.memref_slice %arg6[%dma_start3A_67] : memref<10240xf32, #tpu.memory_space<vmem>> -> memref<640xf32, #tpu.memory_space<vmem>>
      %dma_start3A_69 = tpu.memref_slice %arg7[%run_scoped3A_15, %mul3A_14] : memref<16x10240xf32, #tpu.memory_space<vmem_shared>> -> memref<1x640xf32, #tpu.memory_space<vmem_shared>>
      %dma_start3A_70 = tpu.memref_squeeze %dma_start3A_69 : memref<1x640xf32, #tpu.memory_space<vmem_shared>> -> memref<640xf32, #tpu.memory_space<vmem_shared>>
      %dma_start3A_71 = arith.constant 640 : i32
      %dma_start3A_72 = tpu.memref_slice %arg6[%dma_start3A_71] : memref<10240xf32, #tpu.memory_space<vmem>> -> memref<640xf32, #tpu.memory_space<vmem>>
      %dma_start3A_73 = tpu.memref_slice %arg7[%run_scoped3A_15, %mul3A_14] : memref<16x10240xf32, #tpu.memory_space<vmem_shared>> -> memref<1x640xf32, #tpu.memory_space<vmem_shared>>
      %dma_start3A_74 = tpu.memref_squeeze %dma_start3A_73 : memref<1x640xf32, #tpu.memory_space<vmem_shared>> -> memref<640xf32, #tpu.memory_space<vmem_shared>>
      tpu.enqueue_dma source(%dma_start3A_74 : memref<640xf32, #tpu.memory_space<vmem_shared>>) target(%dma_start3A_72 : memref<640xf32, #tpu.memory_space<vmem>>) target_semaphore(%run_scoped3A_66 : memref<!tpu.dma_semaphore, #tpu.memory_space<semaphore_mem>>)
      %dma_wait3A_75 = arith.constant 640 : i32
      %dma_wait3A_76 = tpu.memref_slice %arg6[%dma_wait3A_75] : memref<10240xf32, #tpu.memory_space<vmem>> -> memref<640xf32, #tpu.memory_space<vmem>>
      %dma_wait3A_77 = tpu.memref_slice %arg7[%run_scoped3A_15, %mul3A_14] : memref<16x10240xf32, #tpu.memory_space<vmem_shared>> -> memref<1x640xf32, #tpu.memory_space<vmem_shared>>
      %dma_wait3A_78 = tpu.memref_squeeze %dma_wait3A_77 : memref<1x640xf32, #tpu.memory_space<vmem_shared>> -> memref<640xf32, #tpu.memory_space<vmem_shared>>
      %dma_wait3A_79 = arith.constant 640 : i32
      %dma_wait3A_80 = tpu.memref_slice %arg6[%dma_wait3A_79] : memref<10240xf32, #tpu.memory_space<vmem>> -> memref<640xf32, #tpu.memory_space<vmem>>
      %dma_wait3A_81 = tpu.memref_slice %arg7[%run_scoped3A_15, %mul3A_14] : memref<16x10240xf32, #tpu.memory_space<vmem_shared>> -> memref<1x640xf32, #tpu.memory_space<vmem_shared>>
      %dma_wait3A_82 = tpu.memref_squeeze %dma_wait3A_81 : memref<1x640xf32, #tpu.memory_space<vmem_shared>> -> memref<640xf32, #tpu.memory_space<vmem_shared>>
      tpu.wait_dma2 semaphore(%run_scoped3A_66 : memref<!tpu.dma_semaphore, #tpu.memory_space<semaphore_mem>>) src(%dma_wait3A_82 : memref<640xf32, #tpu.memory_space<vmem_shared>>) dst(%dma_wait3A_80 : memref<640xf32, #tpu.memory_space<vmem>>)
      tpu.yield
    }) : () -> ()
    %mul3A_16 = arith.constant 640 : i32
    %mul3A_17 = arith.muli %arg1, %mul3A_16 : i32
    %run_scoped3A_18 = arith.constant 2 : i32
    "tpu.region"() ({
      %run_scoped3A_66 = tpu.sem_alloc : memref<!tpu.dma_semaphore, #tpu.memory_space<semaphore_mem>>
      %dma_start3A_67 = arith.constant 1280 : i32
      %dma_start3A_68 = tpu.memref_slice %arg6[%dma_start3A_67] : memref<10240xf32, #tpu.memory_space<vmem>> -> memref<640xf32, #tpu.memory_space<vmem>>
      %dma_start3A_69 = tpu.memref_slice %arg7[%run_scoped3A_18, %mul3A_17] : memref<16x10240xf32, #tpu.memory_space<vmem_shared>> -> memref<1x640xf32, #tpu.memory_space<vmem_shared>>
      %dma_start3A_70 = tpu.memref_squeeze %dma_start3A_69 : memref<1x640xf32, #tpu.memory_space<vmem_shared>> -> memref<640xf32, #tpu.memory_space<vmem_shared>>
      %dma_start3A_71 = arith.constant 1280 : i32
      %dma_start3A_72 = tpu.memref_slice %arg6[%dma_start3A_71] : memref<10240xf32, #tpu.memory_space<vmem>> -> memref<640xf32, #tpu.memory_space<vmem>>
      %dma_start3A_73 = tpu.memref_slice %arg7[%run_scoped3A_18, %mul3A_17] : memref<16x10240xf32, #tpu.memory_space<vmem_shared>> -> memref<1x640xf32, #tpu.memory_space<vmem_shared>>
      %dma_start3A_74 = tpu.memref_squeeze %dma_start3A_73 : memref<1x640xf32, #tpu.memory_space<vmem_shared>> -> memref<640xf32, #tpu.memory_space<vmem_shared>>
      tpu.enqueue_dma source(%dma_start3A_74 : memref<640xf32, #tpu.memory_space<vmem_shared>>) target(%dma_start3A_72 : memref<640xf32, #tpu.memory_space<vmem>>) target_semaphore(%run_scoped3A_66 : memref<!tpu.dma_semaphore, #tpu.memory_space<semaphore_mem>>)
      %dma_wait3A_75 = arith.constant 1280 : i32
      %dma_wait3A_76 = tpu.memref_slice %arg6[%dma_wait3A_75] : memref<10240xf32, #tpu.memory_space<vmem>> -> memref<640xf32, #tpu.memory_space<vmem>>
      %dma_wait3A_77 = tpu.memref_slice %arg7[%run_scoped3A_18, %mul3A_17] : memref<16x10240xf32, #tpu.memory_space<vmem_shared>> -> memref<1x640xf32, #tpu.memory_space<vmem_shared>>
      %dma_wait3A_78 = tpu.memref_squeeze %dma_wait3A_77 : memref<1x640xf32, #tpu.memory_space<vmem_shared>> -> memref<640xf32, #tpu.memory_space<vmem_shared>>
      %dma_wait3A_79 = arith.constant 1280 : i32
      %dma_wait3A_80 = tpu.memref_slice %arg6[%dma_wait3A_79] : memref<10240xf32, #tpu.memory_space<vmem>> -> memref<640xf32, #tpu.memory_space<vmem>>
      %dma_wait3A_81 = tpu.memref_slice %arg7[%run_scoped3A_18, %mul3A_17] : memref<16x10240xf32, #tpu.memory_space<vmem_shared>> -> memref<1x640xf32, #tpu.memory_space<vmem_shared>>
      %dma_wait3A_82 = tpu.memref_squeeze %dma_wait3A_81 : memref<1x640xf32, #tpu.memory_space<vmem_shared>> -> memref<640xf32, #tpu.memory_space<vmem_shared>>
      tpu.wait_dma2 semaphore(%run_scoped3A_66 : memref<!tpu.dma_semaphore, #tpu.memory_space<semaphore_mem>>) src(%dma_wait3A_82 : memref<640xf32, #tpu.memory_space<vmem_shared>>) dst(%dma_wait3A_80 : memref<640xf32, #tpu.memory_space<vmem>>)
      tpu.yield
    }) : () -> ()
    %mul3A_19 = arith.constant 640 : i32
    %mul3A_20 = arith.muli %arg1, %mul3A_19 : i32
    %run_scoped3A_21 = arith.constant 3 : i32
    "tpu.region"() ({
      %run_scoped3A_66 = tpu.sem_alloc : memref<!tpu.dma_semaphore, #tpu.memory_space<semaphore_mem>>
      %dma_start3A_67 = arith.constant 1920 : i32
      %dma_start3A_68 = tpu.memref_slice %arg6[%dma_start3A_67] : memref<10240xf32, #tpu.memory_space<vmem>> -> memref<640xf32, #tpu.memory_space<vmem>>
      %dma_start3A_69 = tpu.memref_slice %arg7[%run_scoped3A_21, %mul3A_20] : memref<16x10240xf32, #tpu.memory_space<vmem_shared>> -> memref<1x640xf32, #tpu.memory_space<vmem_shared>>
      %dma_start3A_70 = tpu.memref_squeeze %dma_start3A_69 : memref<1x640xf32, #tpu.memory_space<vmem_shared>> -> memref<640xf32, #tpu.memory_space<vmem_shared>>
      %dma_start3A_71 = arith.constant 1920 : i32
      %dma_start3A_72 = tpu.memref_slice %arg6[%dma_start3A_71] : memref<10240xf32, #tpu.memory_space<vmem>> -> memref<640xf32, #tpu.memory_space<vmem>>
      %dma_start3A_73 = tpu.memref_slice %arg7[%run_scoped3A_21, %mul3A_20] : memref<16x10240xf32, #tpu.memory_space<vmem_shared>> -> memref<1x640xf32, #tpu.memory_space<vmem_shared>>
      %dma_start3A_74 = tpu.memref_squeeze %dma_start3A_73 : memref<1x640xf32, #tpu.memory_space<vmem_shared>> -> memref<640xf32, #tpu.memory_space<vmem_shared>>
      tpu.enqueue_dma source(%dma_start3A_74 : memref<640xf32, #tpu.memory_space<vmem_shared>>) target(%dma_start3A_72 : memref<640xf32, #tpu.memory_space<vmem>>) target_semaphore(%run_scoped3A_66 : memref<!tpu.dma_semaphore, #tpu.memory_space<semaphore_mem>>)
      %dma_wait3A_75 = arith.constant 1920 : i32
      %dma_wait3A_76 = tpu.memref_slice %arg6[%dma_wait3A_75] : memref<10240xf32, #tpu.memory_space<vmem>> -> memref<640xf32, #tpu.memory_space<vmem>>
      %dma_wait3A_77 = tpu.memref_slice %arg7[%run_scoped3A_21, %mul3A_20] : memref<16x10240xf32, #tpu.memory_space<vmem_shared>> -> memref<1x640xf32, #tpu.memory_space<vmem_shared>>
      %dma_wait3A_78 = tpu.memref_squeeze %dma_wait3A_77 : memref<1x640xf32, #tpu.memory_space<vmem_shared>> -> memref<640xf32, #tpu.memory_space<vmem_shared>>
      %dma_wait3A_79 = arith.constant 1920 : i32
      %dma_wait3A_80 = tpu.memref_slice %arg6[%dma_wait3A_79] : memref<10240xf32, #tpu.memory_space<vmem>> -> memref<640xf32, #tpu.memory_space<vmem>>
      %dma_wait3A_81 = tpu.memref_slice %arg7[%run_scoped3A_21, %mul3A_20] : memref<16x10240xf32, #tpu.memory_space<vmem_shared>> -> memref<1x640xf32, #tpu.memory_space<vmem_shared>>
      %dma_wait3A_82 = tpu.memref_squeeze %dma_wait3A_81 : memref<1x640xf32, #tpu.memory_space<vmem_shared>> -> memref<640xf32, #tpu.memory_space<vmem_shared>>
      tpu.wait_dma2 semaphore(%run_scoped3A_66 : memref<!tpu.dma_semaphore, #tpu.memory_space<semaphore_mem>>) src(%dma_wait3A_82 : memref<640xf32, #tpu.memory_space<vmem_shared>>) dst(%dma_wait3A_80 : memref<640xf32, #tpu.memory_space<vmem>>)
      tpu.yield
    }) : () -> ()
    %mul3A_22 = arith.constant 640 : i32
    %mul3A_23 = arith.muli %arg1, %mul3A_22 : i32
    %run_scoped3A_24 = arith.constant 4 : i32
    "tpu.region"() ({
      %run_scoped3A_66 = tpu.sem_alloc : memref<!tpu.dma_semaphore, #tpu.memory_space<semaphore_mem>>
      %dma_start3A_67 = arith.constant 2560 : i32
      %dma_start3A_68 = tpu.memref_slice %arg6[%dma_start3A_67] : memref<10240xf32, #tpu.memory_space<vmem>> -> memref<640xf32, #tpu.memory_space<vmem>>
      %dma_start3A_69 = tpu.memref_slice %arg7[%run_scoped3A_24, %mul3A_23] : memref<16x10240xf32, #tpu.memory_space<vmem_shared>> -> memref<1x640xf32, #tpu.memory_space<vmem_shared>>
      %dma_start3A_70 = tpu.memref_squeeze %dma_start3A_69 : memref<1x640xf32, #tpu.memory_space<vmem_shared>> -> memref<640xf32, #tpu.memory_space<vmem_shared>>
      %dma_start3A_71 = arith.constant 2560 : i32
      %dma_start3A_72 = tpu.memref_slice %arg6[%dma_start3A_71] : memref<10240xf32, #tpu.memory_space<vmem>> -> memref<640xf32, #tpu.memory_space<vmem>>
      %dma_start3A_73 = tpu.memref_slice %arg7[%run_scoped3A_24, %mul3A_23] : memref<16x10240xf32, #tpu.memory_space<vmem_shared>> -> memref<1x640xf32, #tpu.memory_space<vmem_shared>>
      %dma_start3A_74 = tpu.memref_squeeze %dma_start3A_73 : memref<1x640xf32, #tpu.memory_space<vmem_shared>> -> memref<640xf32, #tpu.memory_space<vmem_shared>>
      tpu.enqueue_dma source(%dma_start3A_74 : memref<640xf32, #tpu.memory_space<vmem_shared>>) target(%dma_start3A_72 : memref<640xf32, #tpu.memory_space<vmem>>) target_semaphore(%run_scoped3A_66 : memref<!tpu.dma_semaphore, #tpu.memory_space<semaphore_mem>>)
      %dma_wait3A_75 = arith.constant 2560 : i32
      %dma_wait3A_76 = tpu.memref_slice %arg6[%dma_wait3A_75] : memref<10240xf32, #tpu.memory_space<vmem>> -> memref<640xf32, #tpu.memory_space<vmem>>
      %dma_wait3A_77 = tpu.memref_slice %arg7[%run_scoped3A_24, %mul3A_23] : memref<16x10240xf32, #tpu.memory_space<vmem_shared>> -> memref<1x640xf32, #tpu.memory_space<vmem_shared>>
      %dma_wait3A_78 = tpu.memref_squeeze %dma_wait3A_77 : memref<1x640xf32, #tpu.memory_space<vmem_shared>> -> memref<640xf32, #tpu.memory_space<vmem_shared>>
      %dma_wait3A_79 = arith.constant 2560 : i32
      %dma_wait3A_80 = tpu.memref_slice %arg6[%dma_wait3A_79] : memref<10240xf32, #tpu.memory_space<vmem>> -> memref<640xf32, #tpu.memory_space<vmem>>
      %dma_wait3A_81 = tpu.memref_slice %arg7[%run_scoped3A_24, %mul3A_23] : memref<16x10240xf32, #tpu.memory_space<vmem_shared>> -> memref<1x640xf32, #tpu.memory_space<vmem_shared>>
      %dma_wait3A_82 = tpu.memref_squeeze %dma_wait3A_81 : memref<1x640xf32, #tpu.memory_space<vmem_shared>> -> memref<640xf32, #tpu.memory_space<vmem_shared>>
      tpu.wait_dma2 semaphore(%run_scoped3A_66 : memref<!tpu.dma_semaphore, #tpu.memory_space<semaphore_mem>>) src(%dma_wait3A_82 : memref<640xf32, #tpu.memory_space<vmem_shared>>) dst(%dma_wait3A_80 : memref<640xf32, #tpu.memory_space<vmem>>)
      tpu.yield
    }) : () -> ()
    %mul3A_25 = arith.constant 640 : i32
    %mul3A_26 = arith.muli %arg1, %mul3A_25 : i32
    %run_scoped3A_27 = arith.constant 5 : i32
    "tpu.region"() ({
      %run_scoped3A_66 = tpu.sem_alloc : memref<!tpu.dma_semaphore, #tpu.memory_space<semaphore_mem>>
      %dma_start3A_67 = arith.constant 3200 : i32
      %dma_start3A_68 = tpu.memref_slice %arg6[%dma_start3A_67] : memref<10240xf32, #tpu.memory_space<vmem>> -> memref<640xf32, #tpu.memory_space<vmem>>
      %dma_start3A_69 = tpu.memref_slice %arg7[%run_scoped3A_27, %mul3A_26] : memref<16x10240xf32, #tpu.memory_space<vmem_shared>> -> memref<1x640xf32, #tpu.memory_space<vmem_shared>>
      %dma_start3A_70 = tpu.memref_squeeze %dma_start3A_69 : memref<1x640xf32, #tpu.memory_space<vmem_shared>> -> memref<640xf32, #tpu.memory_space<vmem_shared>>
      %dma_start3A_71 = arith.constant 3200 : i32
      %dma_start3A_72 = tpu.memref_slice %arg6[%dma_start3A_71] : memref<10240xf32, #tpu.memory_space<vmem>> -> memref<640xf32, #tpu.memory_space<vmem>>
      %dma_start3A_73 = tpu.memref_slice %arg7[%run_scoped3A_27, %mul3A_26] : memref<16x10240xf32, #tpu.memory_space<vmem_shared>> -> memref<1x640xf32, #tpu.memory_space<vmem_shared>>
      %dma_start3A_74 = tpu.memref_squeeze %dma_start3A_73 : memref<1x640xf32, #tpu.memory_space<vmem_shared>> -> memref<640xf32, #tpu.memory_space<vmem_shared>>
      tpu.enqueue_dma source(%dma_start3A_74 : memref<640xf32, #tpu.memory_space<vmem_shared>>) target(%dma_start3A_72 : memref<640xf32, #tpu.memory_space<vmem>>) target_semaphore(%run_scoped3A_66 : memref<!tpu.dma_semaphore, #tpu.memory_space<semaphore_mem>>)
      %dma_wait3A_75 = arith.constant 3200 : i32
      %dma_wait3A_76 = tpu.memref_slice %arg6[%dma_wait3A_75] : memref<10240xf32, #tpu.memory_space<vmem>> -> memref<640xf32, #tpu.memory_space<vmem>>
      %dma_wait3A_77 = tpu.memref_slice %arg7[%run_scoped3A_27, %mul3A_26] : memref<16x10240xf32, #tpu.memory_space<vmem_shared>> -> memref<1x640xf32, #tpu.memory_space<vmem_shared>>
      %dma_wait3A_78 = tpu.memref_squeeze %dma_wait3A_77 : memref<1x640xf32, #tpu.memory_space<vmem_shared>> -> memref<640xf32, #tpu.memory_space<vmem_shared>>
      %dma_wait3A_79 = arith.constant 3200 : i32
      %dma_wait3A_80 = tpu.memref_slice %arg6[%dma_wait3A_79] : memref<10240xf32, #tpu.memory_space<vmem>> -> memref<640xf32, #tpu.memory_space<vmem>>
      %dma_wait3A_81 = tpu.memref_slice %arg7[%run_scoped3A_27, %mul3A_26] : memref<16x10240xf32, #tpu.memory_space<vmem_shared>> -> memref<1x640xf32, #tpu.memory_space<vmem_shared>>
      %dma_wait3A_82 = tpu.memref_squeeze %dma_wait3A_81 : memref<1x640xf32, #tpu.memory_space<vmem_shared>> -> memref<640xf32, #tpu.memory_space<vmem_shared>>
      tpu.wait_dma2 semaphore(%run_scoped3A_66 : memref<!tpu.dma_semaphore, #tpu.memory_space<semaphore_mem>>) src(%dma_wait3A_82 : memref<640xf32, #tpu.memory_space<vmem_shared>>) dst(%dma_wait3A_80 : memref<640xf32, #tpu.memory_space<vmem>>)
      tpu.yield
    }) : () -> ()
    %mul3A_28 = arith.constant 640 : i32
    %mul3A_29 = arith.muli %arg1, %mul3A_28 : i32
    %run_scoped3A_30 = arith.constant 6 : i32
    "tpu.region"() ({
      %run_scoped3A_66 = tpu.sem_alloc : memref<!tpu.dma_semaphore, #tpu.memory_space<semaphore_mem>>
      %dma_start3A_67 = arith.constant 3840 : i32
      %dma_start3A_68 = tpu.memref_slice %arg6[%dma_start3A_67] : memref<10240xf32, #tpu.memory_space<vmem>> -> memref<640xf32, #tpu.memory_space<vmem>>
      %dma_start3A_69 = tpu.memref_slice %arg7[%run_scoped3A_30, %mul3A_29] : memref<16x10240xf32, #tpu.memory_space<vmem_shared>> -> memref<1x640xf32, #tpu.memory_space<vmem_shared>>
      %dma_start3A_70 = tpu.memref_squeeze %dma_start3A_69 : memref<1x640xf32, #tpu.memory_space<vmem_shared>> -> memref<640xf32, #tpu.memory_space<vmem_shared>>
      %dma_start3A_71 = arith.constant 3840 : i32
      %dma_start3A_72 = tpu.memref_slice %arg6[%dma_start3A_71] : memref<10240xf32, #tpu.memory_space<vmem>> -> memref<640xf32, #tpu.memory_space<vmem>>
      %dma_start3A_73 = tpu.memref_slice %arg7[%run_scoped3A_30, %mul3A_29] : memref<16x10240xf32, #tpu.memory_space<vmem_shared>> -> memref<1x640xf32, #tpu.memory_space<vmem_shared>>
      %dma_start3A_74 = tpu.memref_squeeze %dma_start3A_73 : memref<1x640xf32, #tpu.memory_space<vmem_shared>> -> memref<640xf32, #tpu.memory_space<vmem_shared>>
      tpu.enqueue_dma source(%dma_start3A_74 : memref<640xf32, #tpu.memory_space<vmem_shared>>) target(%dma_start3A_72 : memref<640xf32, #tpu.memory_space<vmem>>) target_semaphore(%run_scoped3A_66 : memref<!tpu.dma_semaphore, #tpu.memory_space<semaphore_mem>>)
      %dma_wait3A_75 = arith.constant 3840 : i32
      %dma_wait3A_76 = tpu.memref_slice %arg6[%dma_wait3A_75] : memref<10240xf32, #tpu.memory_space<vmem>> -> memref<640xf32, #tpu.memory_space<vmem>>
      %dma_wait3A_77 = tpu.memref_slice %arg7[%run_scoped3A_30, %mul3A_29] : memref<16x10240xf32, #tpu.memory_space<vmem_shared>> -> memref<1x640xf32, #tpu.memory_space<vmem_shared>>
      %dma_wait3A_78 = tpu.memref_squeeze %dma_wait3A_77 : memref<1x640xf32, #tpu.memory_space<vmem_shared>> -> memref<640xf32, #tpu.memory_space<vmem_shared>>
      %dma_wait3A_79 = arith.constant 3840 : i32
      %dma_wait3A_80 = tpu.memref_slice %arg6[%dma_wait3A_79] : memref<10240xf32, #tpu.memory_space<vmem>> -> memref<640xf32, #tpu.memory_space<vmem>>
      %dma_wait3A_81 = tpu.memref_slice %arg7[%run_scoped3A_30, %mul3A_29] : memref<16x10240xf32, #tpu.memory_space<vmem_shared>> -> memref<1x640xf32, #tpu.memory_space<vmem_shared>>
      %dma_wait3A_82 = tpu.memref_squeeze %dma_wait3A_81 : memref<1x640xf32, #tpu.memory_space<vmem_shared>> -> memref<640xf32, #tpu.memory_space<vmem_shared>>
      tpu.wait_dma2 semaphore(%run_scoped3A_66 : memref<!tpu.dma_semaphore, #tpu.memory_space<semaphore_mem>>) src(%dma_wait3A_82 : memref<640xf32, #tpu.memory_space<vmem_shared>>) dst(%dma_wait3A_80 : memref<640xf32, #tpu.memory_space<vmem>>)
      tpu.yield
    }) : () -> ()
    %mul3A_31 = arith.constant 640 : i32
    %mul3A_32 = arith.muli %arg1, %mul3A_31 : i32
    %run_scoped3A_33 = arith.constant 7 : i32
    "tpu.region"() ({
      %run_scoped3A_66 = tpu.sem_alloc : memref<!tpu.dma_semaphore, #tpu.memory_space<semaphore_mem>>
      %dma_start3A_67 = arith.constant 4480 : i32
      %dma_start3A_68 = tpu.memref_slice %arg6[%dma_start3A_67] : memref<10240xf32, #tpu.memory_space<vmem>> -> memref<640xf32, #tpu.memory_space<vmem>>
      %dma_start3A_69 = tpu.memref_slice %arg7[%run_scoped3A_33, %mul3A_32] : memref<16x10240xf32, #tpu.memory_space<vmem_shared>> -> memref<1x640xf32, #tpu.memory_space<vmem_shared>>
      %dma_start3A_70 = tpu.memref_squeeze %dma_start3A_69 : memref<1x640xf32, #tpu.memory_space<vmem_shared>> -> memref<640xf32, #tpu.memory_space<vmem_shared>>
      %dma_start3A_71 = arith.constant 4480 : i32
      %dma_start3A_72 = tpu.memref_slice %arg6[%dma_start3A_71] : memref<10240xf32, #tpu.memory_space<vmem>> -> memref<640xf32, #tpu.memory_space<vmem>>
      %dma_start3A_73 = tpu.memref_slice %arg7[%run_scoped3A_33, %mul3A_32] : memref<16x10240xf32, #tpu.memory_space<vmem_shared>> -> memref<1x640xf32, #tpu.memory_space<vmem_shared>>
      %dma_start3A_74 = tpu.memref_squeeze %dma_start3A_73 : memref<1x640xf32, #tpu.memory_space<vmem_shared>> -> memref<640xf32, #tpu.memory_space<vmem_shared>>
      tpu.enqueue_dma source(%dma_start3A_74 : memref<640xf32, #tpu.memory_space<vmem_shared>>) target(%dma_start3A_72 : memref<640xf32, #tpu.memory_space<vmem>>) target_semaphore(%run_scoped3A_66 : memref<!tpu.dma_semaphore, #tpu.memory_space<semaphore_mem>>)
      %dma_wait3A_75 = arith.constant 4480 : i32
      %dma_wait3A_76 = tpu.memref_slice %arg6[%dma_wait3A_75] : memref<10240xf32, #tpu.memory_space<vmem>> -> memref<640xf32, #tpu.memory_space<vmem>>
      %dma_wait3A_77 = tpu.memref_slice %arg7[%run_scoped3A_33, %mul3A_32] : memref<16x10240xf32, #tpu.memory_space<vmem_shared>> -> memref<1x640xf32, #tpu.memory_space<vmem_shared>>
      %dma_wait3A_78 = tpu.memref_squeeze %dma_wait3A_77 : memref<1x640xf32, #tpu.memory_space<vmem_shared>> -> memref<640xf32, #tpu.memory_space<vmem_shared>>
      %dma_wait3A_79 = arith.constant 4480 : i32
      %dma_wait3A_80 = tpu.memref_slice %arg6[%dma_wait3A_79] : memref<10240xf32, #tpu.memory_space<vmem>> -> memref<640xf32, #tpu.memory_space<vmem>>
      %dma_wait3A_81 = tpu.memref_slice %arg7[%run_scoped3A_33, %mul3A_32] : memref<16x10240xf32, #tpu.memory_space<vmem_shared>> -> memref<1x640xf32, #tpu.memory_space<vmem_shared>>
      %dma_wait3A_82 = tpu.memref_squeeze %dma_wait3A_81 : memref<1x640xf32, #tpu.memory_space<vmem_shared>> -> memref<640xf32, #tpu.memory_space<vmem_shared>>
      tpu.wait_dma2 semaphore(%run_scoped3A_66 : memref<!tpu.dma_semaphore, #tpu.memory_space<semaphore_mem>>) src(%dma_wait3A_82 : memref<640xf32, #tpu.memory_space<vmem_shared>>) dst(%dma_wait3A_80 : memref<640xf32, #tpu.memory_space<vmem>>)
      tpu.yield
    }) : () -> ()
    %mul3A_34 = arith.constant 640 : i32
    %mul3A_35 = arith.muli %arg1, %mul3A_34 : i32
    %run_scoped3A_36 = arith.constant 8 : i32
    "tpu.region"() ({
      %run_scoped3A_66 = tpu.sem_alloc : memref<!tpu.dma_semaphore, #tpu.memory_space<semaphore_mem>>
      %dma_start3A_67 = arith.constant 5120 : i32
      %dma_start3A_68 = tpu.memref_slice %arg6[%dma_start3A_67] : memref<10240xf32, #tpu.memory_space<vmem>> -> memref<640xf32, #tpu.memory_space<vmem>>
      %dma_start3A_69 = tpu.memref_slice %arg7[%run_scoped3A_36, %mul3A_35] : memref<16x10240xf32, #tpu.memory_space<vmem_shared>> -> memref<1x640xf32, #tpu.memory_space<vmem_shared>>
      %dma_start3A_70 = tpu.memref_squeeze %dma_start3A_69 : memref<1x640xf32, #tpu.memory_space<vmem_shared>> -> memref<640xf32, #tpu.memory_space<vmem_shared>>
      %dma_start3A_71 = arith.constant 5120 : i32
      %dma_start3A_72 = tpu.memref_slice %arg6[%dma_start3A_71] : memref<10240xf32, #tpu.memory_space<vmem>> -> memref<640xf32, #tpu.memory_space<vmem>>
      %dma_start3A_73 = tpu.memref_slice %arg7[%run_scoped3A_36, %mul3A_35] : memref<16x10240xf32, #tpu.memory_space<vmem_shared>> -> memref<1x640xf32, #tpu.memory_space<vmem_shared>>
      %dma_start3A_74 = tpu.memref_squeeze %dma_start3A_73 : memref<1x640xf32, #tpu.memory_space<vmem_shared>> -> memref<640xf32, #tpu.memory_space<vmem_shared>>
      tpu.enqueue_dma source(%dma_start3A_74 : memref<640xf32, #tpu.memory_space<vmem_shared>>) target(%dma_start3A_72 : memref<640xf32, #tpu.memory_space<vmem>>) target_semaphore(%run_scoped3A_66 : memref<!tpu.dma_semaphore, #tpu.memory_space<semaphore_mem>>)
      %dma_wait3A_75 = arith.constant 5120 : i32
      %dma_wait3A_76 = tpu.memref_slice %arg6[%dma_wait3A_75] : memref<10240xf32, #tpu.memory_space<vmem>> -> memref<640xf32, #tpu.memory_space<vmem>>
      %dma_wait3A_77 = tpu.memref_slice %arg7[%run_scoped3A_36, %mul3A_35] : memref<16x10240xf32, #tpu.memory_space<vmem_shared>> -> memref<1x640xf32, #tpu.memory_space<vmem_shared>>
      %dma_wait3A_78 = tpu.memref_squeeze %dma_wait3A_77 : memref<1x640xf32, #tpu.memory_space<vmem_shared>> -> memref<640xf32, #tpu.memory_space<vmem_shared>>
      %dma_wait3A_79 = arith.constant 5120 : i32
      %dma_wait3A_80 = tpu.memref_slice %arg6[%dma_wait3A_79] : memref<10240xf32, #tpu.memory_space<vmem>> -> memref<640xf32, #tpu.memory_space<vmem>>
      %dma_wait3A_81 = tpu.memref_slice %arg7[%run_scoped3A_36, %mul3A_35] : memref<16x10240xf32, #tpu.memory_space<vmem_shared>> -> memref<1x640xf32, #tpu.memory_space<vmem_shared>>
      %dma_wait3A_82 = tpu.memref_squeeze %dma_wait3A_81 : memref<1x640xf32, #tpu.memory_space<vmem_shared>> -> memref<640xf32, #tpu.memory_space<vmem_shared>>
      tpu.wait_dma2 semaphore(%run_scoped3A_66 : memref<!tpu.dma_semaphore, #tpu.memory_space<semaphore_mem>>) src(%dma_wait3A_82 : memref<640xf32, #tpu.memory_space<vmem_shared>>) dst(%dma_wait3A_80 : memref<640xf32, #tpu.memory_space<vmem>>)
      tpu.yield
    }) : () -> ()
    %mul3A_37 = arith.constant 640 : i32
    %mul3A_38 = arith.muli %arg1, %mul3A_37 : i32
    %run_scoped3A_39 = arith.constant 9 : i32
    "tpu.region"() ({
      %run_scoped3A_66 = tpu.sem_alloc : memref<!tpu.dma_semaphore, #tpu.memory_space<semaphore_mem>>
      %dma_start3A_67 = arith.constant 5760 : i32
      %dma_start3A_68 = tpu.memref_slice %arg6[%dma_start3A_67] : memref<10240xf32, #tpu.memory_space<vmem>> -> memref<640xf32, #tpu.memory_space<vmem>>
      %dma_start3A_69 = tpu.memref_slice %arg7[%run_scoped3A_39, %mul3A_38] : memref<16x10240xf32, #tpu.memory_space<vmem_shared>> -> memref<1x640xf32, #tpu.memory_space<vmem_shared>>
      %dma_start3A_70 = tpu.memref_squeeze %dma_start3A_69 : memref<1x640xf32, #tpu.memory_space<vmem_shared>> -> memref<640xf32, #tpu.memory_space<vmem_shared>>
      %dma_start3A_71 = arith.constant 5760 : i32
      %dma_start3A_72 = tpu.memref_slice %arg6[%dma_start3A_71] : memref<10240xf32, #tpu.memory_space<vmem>> -> memref<640xf32, #tpu.memory_space<vmem>>
      %dma_start3A_73 = tpu.memref_slice %arg7[%run_scoped3A_39, %mul3A_38] : memref<16x10240xf32, #tpu.memory_space<vmem_shared>> -> memref<1x640xf32, #tpu.memory_space<vmem_shared>>
      %dma_start3A_74 = tpu.memref_squeeze %dma_start3A_73 : memref<1x640xf32, #tpu.memory_space<vmem_shared>> -> memref<640xf32, #tpu.memory_space<vmem_shared>>
      tpu.enqueue_dma source(%dma_start3A_74 : memref<640xf32, #tpu.memory_space<vmem_shared>>) target(%dma_start3A_72 : memref<640xf32, #tpu.memory_space<vmem>>) target_semaphore(%run_scoped3A_66 : memref<!tpu.dma_semaphore, #tpu.memory_space<semaphore_mem>>)
      %dma_wait3A_75 = arith.constant 5760 : i32
      %dma_wait3A_76 = tpu.memref_slice %arg6[%dma_wait3A_75] : memref<10240xf32, #tpu.memory_space<vmem>> -> memref<640xf32, #tpu.memory_space<vmem>>
      %dma_wait3A_77 = tpu.memref_slice %arg7[%run_scoped3A_39, %mul3A_38] : memref<16x10240xf32, #tpu.memory_space<vmem_shared>> -> memref<1x640xf32, #tpu.memory_space<vmem_shared>>
      %dma_wait3A_78 = tpu.memref_squeeze %dma_wait3A_77 : memref<1x640xf32, #tpu.memory_space<vmem_shared>> -> memref<640xf32, #tpu.memory_space<vmem_shared>>
      %dma_wait3A_79 = arith.constant 5760 : i32
      %dma_wait3A_80 = tpu.memref_slice %arg6[%dma_wait3A_79] : memref<10240xf32, #tpu.memory_space<vmem>> -> memref<640xf32, #tpu.memory_space<vmem>>
      %dma_wait3A_81 = tpu.memref_slice %arg7[%run_scoped3A_39, %mul3A_38] : memref<16x10240xf32, #tpu.memory_space<vmem_shared>> -> memref<1x640xf32, #tpu.memory_space<vmem_shared>>
      %dma_wait3A_82 = tpu.memref_squeeze %dma_wait3A_81 : memref<1x640xf32, #tpu.memory_space<vmem_shared>> -> memref<640xf32, #tpu.memory_space<vmem_shared>>
      tpu.wait_dma2 semaphore(%run_scoped3A_66 : memref<!tpu.dma_semaphore, #tpu.memory_space<semaphore_mem>>) src(%dma_wait3A_82 : memref<640xf32, #tpu.memory_space<vmem_shared>>) dst(%dma_wait3A_80 : memref<640xf32, #tpu.memory_space<vmem>>)
      tpu.yield
    }) : () -> ()
    %mul3A_40 = arith.constant 640 : i32
    %mul3A_41 = arith.muli %arg1, %mul3A_40 : i32
    %run_scoped3A_42 = arith.constant 10 : i32
    "tpu.region"() ({
      %run_scoped3A_66 = tpu.sem_alloc : memref<!tpu.dma_semaphore, #tpu.memory_space<semaphore_mem>>
      %dma_start3A_67 = arith.constant 6400 : i32
      %dma_start3A_68 = tpu.memref_slice %arg6[%dma_start3A_67] : memref<10240xf32, #tpu.memory_space<vmem>> -> memref<640xf32, #tpu.memory_space<vmem>>
      %dma_start3A_69 = tpu.memref_slice %arg7[%run_scoped3A_42, %mul3A_41] : memref<16x10240xf32, #tpu.memory_space<vmem_shared>> -> memref<1x640xf32, #tpu.memory_space<vmem_shared>>
      %dma_start3A_70 = tpu.memref_squeeze %dma_start3A_69 : memref<1x640xf32, #tpu.memory_space<vmem_shared>> -> memref<640xf32, #tpu.memory_space<vmem_shared>>
      %dma_start3A_71 = arith.constant 6400 : i32
      %dma_start3A_72 = tpu.memref_slice %arg6[%dma_start3A_71] : memref<10240xf32, #tpu.memory_space<vmem>> -> memref<640xf32, #tpu.memory_space<vmem>>
      %dma_start3A_73 = tpu.memref_slice %arg7[%run_scoped3A_42, %mul3A_41] : memref<16x10240xf32, #tpu.memory_space<vmem_shared>> -> memref<1x640xf32, #tpu.memory_space<vmem_shared>>
      %dma_start3A_74 = tpu.memref_squeeze %dma_start3A_73 : memref<1x640xf32, #tpu.memory_space<vmem_shared>> -> memref<640xf32, #tpu.memory_space<vmem_shared>>
      tpu.enqueue_dma source(%dma_start3A_74 : memref<640xf32, #tpu.memory_space<vmem_shared>>) target(%dma_start3A_72 : memref<640xf32, #tpu.memory_space<vmem>>) target_semaphore(%run_scoped3A_66 : memref<!tpu.dma_semaphore, #tpu.memory_space<semaphore_mem>>)
      %dma_wait3A_75 = arith.constant 6400 : i32
      %dma_wait3A_76 = tpu.memref_slice %arg6[%dma_wait3A_75] : memref<10240xf32, #tpu.memory_space<vmem>> -> memref<640xf32, #tpu.memory_space<vmem>>
      %dma_wait3A_77 = tpu.memref_slice %arg7[%run_scoped3A_42, %mul3A_41] : memref<16x10240xf32, #tpu.memory_space<vmem_shared>> -> memref<1x640xf32, #tpu.memory_space<vmem_shared>>
      %dma_wait3A_78 = tpu.memref_squeeze %dma_wait3A_77 : memref<1x640xf32, #tpu.memory_space<vmem_shared>> -> memref<640xf32, #tpu.memory_space<vmem_shared>>
      %dma_wait3A_79 = arith.constant 6400 : i32
      %dma_wait3A_80 = tpu.memref_slice %arg6[%dma_wait3A_79] : memref<10240xf32, #tpu.memory_space<vmem>> -> memref<640xf32, #tpu.memory_space<vmem>>
      %dma_wait3A_81 = tpu.memref_slice %arg7[%run_scoped3A_42, %mul3A_41] : memref<16x10240xf32, #tpu.memory_space<vmem_shared>> -> memref<1x640xf32, #tpu.memory_space<vmem_shared>>
      %dma_wait3A_82 = tpu.memref_squeeze %dma_wait3A_81 : memref<1x640xf32, #tpu.memory_space<vmem_shared>> -> memref<640xf32, #tpu.memory_space<vmem_shared>>
      tpu.wait_dma2 semaphore(%run_scoped3A_66 : memref<!tpu.dma_semaphore, #tpu.memory_space<semaphore_mem>>) src(%dma_wait3A_82 : memref<640xf32, #tpu.memory_space<vmem_shared>>) dst(%dma_wait3A_80 : memref<640xf32, #tpu.memory_space<vmem>>)
      tpu.yield
    }) : () -> ()
    %mul3A_43 = arith.constant 640 : i32
    %mul3A_44 = arith.muli %arg1, %mul3A_43 : i32
    %run_scoped3A_45 = arith.constant 11 : i32
    "tpu.region"() ({
      %run_scoped3A_66 = tpu.sem_alloc : memref<!tpu.dma_semaphore, #tpu.memory_space<semaphore_mem>>
      %dma_start3A_67 = arith.constant 7040 : i32
      %dma_start3A_68 = tpu.memref_slice %arg6[%dma_start3A_67] : memref<10240xf32, #tpu.memory_space<vmem>> -> memref<640xf32, #tpu.memory_space<vmem>>
      %dma_start3A_69 = tpu.memref_slice %arg7[%run_scoped3A_45, %mul3A_44] : memref<16x10240xf32, #tpu.memory_space<vmem_shared>> -> memref<1x640xf32, #tpu.memory_space<vmem_shared>>
      %dma_start3A_70 = tpu.memref_squeeze %dma_start3A_69 : memref<1x640xf32, #tpu.memory_space<vmem_shared>> -> memref<640xf32, #tpu.memory_space<vmem_shared>>
      %dma_start3A_71 = arith.constant 7040 : i32
      %dma_start3A_72 = tpu.memref_slice %arg6[%dma_start3A_71] : memref<10240xf32, #tpu.memory_space<vmem>> -> memref<640xf32, #tpu.memory_space<vmem>>
      %dma_start3A_73 = tpu.memref_slice %arg7[%run_scoped3A_45, %mul3A_44] : memref<16x10240xf32, #tpu.memory_space<vmem_shared>> -> memref<1x640xf32, #tpu.memory_space<vmem_shared>>
      %dma_start3A_74 = tpu.memref_squeeze %dma_start3A_73 : memref<1x640xf32, #tpu.memory_space<vmem_shared>> -> memref<640xf32, #tpu.memory_space<vmem_shared>>
      tpu.enqueue_dma source(%dma_start3A_74 : memref<640xf32, #tpu.memory_space<vmem_shared>>) target(%dma_start3A_72 : memref<640xf32, #tpu.memory_space<vmem>>) target_semaphore(%run_scoped3A_66 : memref<!tpu.dma_semaphore, #tpu.memory_space<semaphore_mem>>)
      %dma_wait3A_75 = arith.constant 7040 : i32
      %dma_wait3A_76 = tpu.memref_slice %arg6[%dma_wait3A_75] : memref<10240xf32, #tpu.memory_space<vmem>> -> memref<640xf32, #tpu.memory_space<vmem>>
      %dma_wait3A_77 = tpu.memref_slice %arg7[%run_scoped3A_45, %mul3A_44] : memref<16x10240xf32, #tpu.memory_space<vmem_shared>> -> memref<1x640xf32, #tpu.memory_space<vmem_shared>>
      %dma_wait3A_78 = tpu.memref_squeeze %dma_wait3A_77 : memref<1x640xf32, #tpu.memory_space<vmem_shared>> -> memref<640xf32, #tpu.memory_space<vmem_shared>>
      %dma_wait3A_79 = arith.constant 7040 : i32
      %dma_wait3A_80 = tpu.memref_slice %arg6[%dma_wait3A_79] : memref<10240xf32, #tpu.memory_space<vmem>> -> memref<640xf32, #tpu.memory_space<vmem>>
      %dma_wait3A_81 = tpu.memref_slice %arg7[%run_scoped3A_45, %mul3A_44] : memref<16x10240xf32, #tpu.memory_space<vmem_shared>> -> memref<1x640xf32, #tpu.memory_space<vmem_shared>>
      %dma_wait3A_82 = tpu.memref_squeeze %dma_wait3A_81 : memref<1x640xf32, #tpu.memory_space<vmem_shared>> -> memref<640xf32, #tpu.memory_space<vmem_shared>>
      tpu.wait_dma2 semaphore(%run_scoped3A_66 : memref<!tpu.dma_semaphore, #tpu.memory_space<semaphore_mem>>) src(%dma_wait3A_82 : memref<640xf32, #tpu.memory_space<vmem_shared>>) dst(%dma_wait3A_80 : memref<640xf32, #tpu.memory_space<vmem>>)
      tpu.yield
    }) : () -> ()
    %mul3A_46 = arith.constant 640 : i32
    %mul3A_47 = arith.muli %arg1, %mul3A_46 : i32
    %run_scoped3A_48 = arith.constant 12 : i32
    "tpu.region"() ({
      %run_scoped3A_66 = tpu.sem_alloc : memref<!tpu.dma_semaphore, #tpu.memory_space<semaphore_mem>>
      %dma_start3A_67 = arith.constant 7680 : i32
      %dma_start3A_68 = tpu.memref_slice %arg6[%dma_start3A_67] : memref<10240xf32, #tpu.memory_space<vmem>> -> memref<640xf32, #tpu.memory_space<vmem>>
      %dma_start3A_69 = tpu.memref_slice %arg7[%run_scoped3A_48, %mul3A_47] : memref<16x10240xf32, #tpu.memory_space<vmem_shared>> -> memref<1x640xf32, #tpu.memory_space<vmem_shared>>
      %dma_start3A_70 = tpu.memref_squeeze %dma_start3A_69 : memref<1x640xf32, #tpu.memory_space<vmem_shared>> -> memref<640xf32, #tpu.memory_space<vmem_shared>>
      %dma_start3A_71 = arith.constant 7680 : i32
      %dma_start3A_72 = tpu.memref_slice %arg6[%dma_start3A_71] : memref<10240xf32, #tpu.memory_space<vmem>> -> memref<640xf32, #tpu.memory_space<vmem>>
      %dma_start3A_73 = tpu.memref_slice %arg7[%run_scoped3A_48, %mul3A_47] : memref<16x10240xf32, #tpu.memory_space<vmem_shared>> -> memref<1x640xf32, #tpu.memory_space<vmem_shared>>
      %dma_start3A_74 = tpu.memref_squeeze %dma_start3A_73 : memref<1x640xf32, #tpu.memory_space<vmem_shared>> -> memref<640xf32, #tpu.memory_space<vmem_shared>>
      tpu.enqueue_dma source(%dma_start3A_74 : memref<640xf32, #tpu.memory_space<vmem_shared>>) target(%dma_start3A_72 : memref<640xf32, #tpu.memory_space<vmem>>) target_semaphore(%run_scoped3A_66 : memref<!tpu.dma_semaphore, #tpu.memory_space<semaphore_mem>>)
      %dma_wait3A_75 = arith.constant 7680 : i32
      %dma_wait3A_76 = tpu.memref_slice %arg6[%dma_wait3A_75] : memref<10240xf32, #tpu.memory_space<vmem>> -> memref<640xf32, #tpu.memory_space<vmem>>
      %dma_wait3A_77 = tpu.memref_slice %arg7[%run_scoped3A_48, %mul3A_47] : memref<16x10240xf32, #tpu.memory_space<vmem_shared>> -> memref<1x640xf32, #tpu.memory_space<vmem_shared>>
      %dma_wait3A_78 = tpu.memref_squeeze %dma_wait3A_77 : memref<1x640xf32, #tpu.memory_space<vmem_shared>> -> memref<640xf32, #tpu.memory_space<vmem_shared>>
      %dma_wait3A_79 = arith.constant 7680 : i32
      %dma_wait3A_80 = tpu.memref_slice %arg6[%dma_wait3A_79] : memref<10240xf32, #tpu.memory_space<vmem>> -> memref<640xf32, #tpu.memory_space<vmem>>
      %dma_wait3A_81 = tpu.memref_slice %arg7[%run_scoped3A_48, %mul3A_47] : memref<16x10240xf32, #tpu.memory_space<vmem_shared>> -> memref<1x640xf32, #tpu.memory_space<vmem_shared>>
      %dma_wait3A_82 = tpu.memref_squeeze %dma_wait3A_81 : memref<1x640xf32, #tpu.memory_space<vmem_shared>> -> memref<640xf32, #tpu.memory_space<vmem_shared>>
      tpu.wait_dma2 semaphore(%run_scoped3A_66 : memref<!tpu.dma_semaphore, #tpu.memory_space<semaphore_mem>>) src(%dma_wait3A_82 : memref<640xf32, #tpu.memory_space<vmem_shared>>) dst(%dma_wait3A_80 : memref<640xf32, #tpu.memory_space<vmem>>)
      tpu.yield
    }) : () -> ()
    %mul3A_49 = arith.constant 640 : i32
    %mul3A_50 = arith.muli %arg1, %mul3A_49 : i32
    %run_scoped3A_51 = arith.constant 13 : i32
    "tpu.region"() ({
      %run_scoped3A_66 = tpu.sem_alloc : memref<!tpu.dma_semaphore, #tpu.memory_space<semaphore_mem>>
      %dma_start3A_67 = arith.constant 8320 : i32
      %dma_start3A_68 = tpu.memref_slice %arg6[%dma_start3A_67] : memref<10240xf32, #tpu.memory_space<vmem>> -> memref<640xf32, #tpu.memory_space<vmem>>
      %dma_start3A_69 = tpu.memref_slice %arg7[%run_scoped3A_51, %mul3A_50] : memref<16x10240xf32, #tpu.memory_space<vmem_shared>> -> memref<1x640xf32, #tpu.memory_space<vmem_shared>>
      %dma_start3A_70 = tpu.memref_squeeze %dma_start3A_69 : memref<1x640xf32, #tpu.memory_space<vmem_shared>> -> memref<640xf32, #tpu.memory_space<vmem_shared>>
      %dma_start3A_71 = arith.constant 8320 : i32
      %dma_start3A_72 = tpu.memref_slice %arg6[%dma_start3A_71] : memref<10240xf32, #tpu.memory_space<vmem>> -> memref<640xf32, #tpu.memory_space<vmem>>
      %dma_start3A_73 = tpu.memref_slice %arg7[%run_scoped3A_51, %mul3A_50] : memref<16x10240xf32, #tpu.memory_space<vmem_shared>> -> memref<1x640xf32, #tpu.memory_space<vmem_shared>>
      %dma_start3A_74 = tpu.memref_squeeze %dma_start3A_73 : memref<1x640xf32, #tpu.memory_space<vmem_shared>> -> memref<640xf32, #tpu.memory_space<vmem_shared>>
      tpu.enqueue_dma source(%dma_start3A_74 : memref<640xf32, #tpu.memory_space<vmem_shared>>) target(%dma_start3A_72 : memref<640xf32, #tpu.memory_space<vmem>>) target_semaphore(%run_scoped3A_66 : memref<!tpu.dma_semaphore, #tpu.memory_space<semaphore_mem>>)
      %dma_wait3A_75 = arith.constant 8320 : i32
      %dma_wait3A_76 = tpu.memref_slice %arg6[%dma_wait3A_75] : memref<10240xf32, #tpu.memory_space<vmem>> -> memref<640xf32, #tpu.memory_space<vmem>>
      %dma_wait3A_77 = tpu.memref_slice %arg7[%run_scoped3A_51, %mul3A_50] : memref<16x10240xf32, #tpu.memory_space<vmem_shared>> -> memref<1x640xf32, #tpu.memory_space<vmem_shared>>
      %dma_wait3A_78 = tpu.memref_squeeze %dma_wait3A_77 : memref<1x640xf32, #tpu.memory_space<vmem_shared>> -> memref<640xf32, #tpu.memory_space<vmem_shared>>
      %dma_wait3A_79 = arith.constant 8320 : i32
      %dma_wait3A_80 = tpu.memref_slice %arg6[%dma_wait3A_79] : memref<10240xf32, #tpu.memory_space<vmem>> -> memref<640xf32, #tpu.memory_space<vmem>>
      %dma_wait3A_81 = tpu.memref_slice %arg7[%run_scoped3A_51, %mul3A_50] : memref<16x10240xf32, #tpu.memory_space<vmem_shared>> -> memref<1x640xf32, #tpu.memory_space<vmem_shared>>
      %dma_wait3A_82 = tpu.memref_squeeze %dma_wait3A_81 : memref<1x640xf32, #tpu.memory_space<vmem_shared>> -> memref<640xf32, #tpu.memory_space<vmem_shared>>
      tpu.wait_dma2 semaphore(%run_scoped3A_66 : memref<!tpu.dma_semaphore, #tpu.memory_space<semaphore_mem>>) src(%dma_wait3A_82 : memref<640xf32, #tpu.memory_space<vmem_shared>>) dst(%dma_wait3A_80 : memref<640xf32, #tpu.memory_space<vmem>>)
      tpu.yield
    }) : () -> ()
    %mul3A_52 = arith.constant 640 : i32
    %mul3A_53 = arith.muli %arg1, %mul3A_52 : i32
    %run_scoped3A_54 = arith.constant 14 : i32
    "tpu.region"() ({
      %run_scoped3A_66 = tpu.sem_alloc : memref<!tpu.dma_semaphore, #tpu.memory_space<semaphore_mem>>
      %dma_start3A_67 = arith.constant 8960 : i32
      %dma_start3A_68 = tpu.memref_slice %arg6[%dma_start3A_67] : memref<10240xf32, #tpu.memory_space<vmem>> -> memref<640xf32, #tpu.memory_space<vmem>>
      %dma_start3A_69 = tpu.memref_slice %arg7[%run_scoped3A_54, %mul3A_53] : memref<16x10240xf32, #tpu.memory_space<vmem_shared>> -> memref<1x640xf32, #tpu.memory_space<vmem_shared>>
      %dma_start3A_70 = tpu.memref_squeeze %dma_start3A_69 : memref<1x640xf32, #tpu.memory_space<vmem_shared>> -> memref<640xf32, #tpu.memory_space<vmem_shared>>
      %dma_start3A_71 = arith.constant 8960 : i32
      %dma_start3A_72 = tpu.memref_slice %arg6[%dma_start3A_71] : memref<10240xf32, #tpu.memory_space<vmem>> -> memref<640xf32, #tpu.memory_space<vmem>>
      %dma_start3A_73 = tpu.memref_slice %arg7[%run_scoped3A_54, %mul3A_53] : memref<16x10240xf32, #tpu.memory_space<vmem_shared>> -> memref<1x640xf32, #tpu.memory_space<vmem_shared>>
      %dma_start3A_74 = tpu.memref_squeeze %dma_start3A_73 : memref<1x640xf32, #tpu.memory_space<vmem_shared>> -> memref<640xf32, #tpu.memory_space<vmem_shared>>
      tpu.enqueue_dma source(%dma_start3A_74 : memref<640xf32, #tpu.memory_space<vmem_shared>>) target(%dma_start3A_72 : memref<640xf32, #tpu.memory_space<vmem>>) target_semaphore(%run_scoped3A_66 : memref<!tpu.dma_semaphore, #tpu.memory_space<semaphore_mem>>)
      %dma_wait3A_75 = arith.constant 8960 : i32
      %dma_wait3A_76 = tpu.memref_slice %arg6[%dma_wait3A_75] : memref<10240xf32, #tpu.memory_space<vmem>> -> memref<640xf32, #tpu.memory_space<vmem>>
      %dma_wait3A_77 = tpu.memref_slice %arg7[%run_scoped3A_54, %mul3A_53] : memref<16x10240xf32, #tpu.memory_space<vmem_shared>> -> memref<1x640xf32, #tpu.memory_space<vmem_shared>>
      %dma_wait3A_78 = tpu.memref_squeeze %dma_wait3A_77 : memref<1x640xf32, #tpu.memory_space<vmem_shared>> -> memref<640xf32, #tpu.memory_space<vmem_shared>>
      %dma_wait3A_79 = arith.constant 8960 : i32
      %dma_wait3A_80 = tpu.memref_slice %arg6[%dma_wait3A_79] : memref<10240xf32, #tpu.memory_space<vmem>> -> memref<640xf32, #tpu.memory_space<vmem>>
      %dma_wait3A_81 = tpu.memref_slice %arg7[%run_scoped3A_54, %mul3A_53] : memref<16x10240xf32, #tpu.memory_space<vmem_shared>> -> memref<1x640xf32, #tpu.memory_space<vmem_shared>>
      %dma_wait3A_82 = tpu.memref_squeeze %dma_wait3A_81 : memref<1x640xf32, #tpu.memory_space<vmem_shared>> -> memref<640xf32, #tpu.memory_space<vmem_shared>>
      tpu.wait_dma2 semaphore(%run_scoped3A_66 : memref<!tpu.dma_semaphore, #tpu.memory_space<semaphore_mem>>) src(%dma_wait3A_82 : memref<640xf32, #tpu.memory_space<vmem_shared>>) dst(%dma_wait3A_80 : memref<640xf32, #tpu.memory_space<vmem>>)
      tpu.yield
    }) : () -> ()
    %mul3A_55 = arith.constant 640 : i32
    %mul3A_56 = arith.muli %arg1, %mul3A_55 : i32
    %run_scoped3A_57 = arith.constant 15 : i32
    "tpu.region"() ({
      %run_scoped3A_66 = tpu.sem_alloc : memref<!tpu.dma_semaphore, #tpu.memory_space<semaphore_mem>>
      %dma_start3A_67 = arith.constant 9600 : i32
      %dma_start3A_68 = tpu.memref_slice %arg6[%dma_start3A_67] : memref<10240xf32, #tpu.memory_space<vmem>> -> memref<640xf32, #tpu.memory_space<vmem>>
      %dma_start3A_69 = tpu.memref_slice %arg7[%run_scoped3A_57, %mul3A_56] : memref<16x10240xf32, #tpu.memory_space<vmem_shared>> -> memref<1x640xf32, #tpu.memory_space<vmem_shared>>
      %dma_start3A_70 = tpu.memref_squeeze %dma_start3A_69 : memref<1x640xf32, #tpu.memory_space<vmem_shared>> -> memref<640xf32, #tpu.memory_space<vmem_shared>>
      %dma_start3A_71 = arith.constant 9600 : i32
      %dma_start3A_72 = tpu.memref_slice %arg6[%dma_start3A_71] : memref<10240xf32, #tpu.memory_space<vmem>> -> memref<640xf32, #tpu.memory_space<vmem>>
      %dma_start3A_73 = tpu.memref_slice %arg7[%run_scoped3A_57, %mul3A_56] : memref<16x10240xf32, #tpu.memory_space<vmem_shared>> -> memref<1x640xf32, #tpu.memory_space<vmem_shared>>
      %dma_start3A_74 = tpu.memref_squeeze %dma_start3A_73 : memref<1x640xf32, #tpu.memory_space<vmem_shared>> -> memref<640xf32, #tpu.memory_space<vmem_shared>>
      tpu.enqueue_dma source(%dma_start3A_74 : memref<640xf32, #tpu.memory_space<vmem_shared>>) target(%dma_start3A_72 : memref<640xf32, #tpu.memory_space<vmem>>) target_semaphore(%run_scoped3A_66 : memref<!tpu.dma_semaphore, #tpu.memory_space<semaphore_mem>>)
      %dma_wait3A_75 = arith.constant 9600 : i32
      %dma_wait3A_76 = tpu.memref_slice %arg6[%dma_wait3A_75] : memref<10240xf32, #tpu.memory_space<vmem>> -> memref<640xf32, #tpu.memory_space<vmem>>
      %dma_wait3A_77 = tpu.memref_slice %arg7[%run_scoped3A_57, %mul3A_56] : memref<16x10240xf32, #tpu.memory_space<vmem_shared>> -> memref<1x640xf32, #tpu.memory_space<vmem_shared>>
      %dma_wait3A_78 = tpu.memref_squeeze %dma_wait3A_77 : memref<1x640xf32, #tpu.memory_space<vmem_shared>> -> memref<640xf32, #tpu.memory_space<vmem_shared>>
      %dma_wait3A_79 = arith.constant 9600 : i32
      %dma_wait3A_80 = tpu.memref_slice %arg6[%dma_wait3A_79] : memref<10240xf32, #tpu.memory_space<vmem>> -> memref<640xf32, #tpu.memory_space<vmem>>
      %dma_wait3A_81 = tpu.memref_slice %arg7[%run_scoped3A_57, %mul3A_56] : memref<16x10240xf32, #tpu.memory_space<vmem_shared>> -> memref<1x640xf32, #tpu.memory_space<vmem_shared>>
      %dma_wait3A_82 = tpu.memref_squeeze %dma_wait3A_81 : memref<1x640xf32, #tpu.memory_space<vmem_shared>> -> memref<640xf32, #tpu.memory_space<vmem_shared>>
      tpu.wait_dma2 semaphore(%run_scoped3A_66 : memref<!tpu.dma_semaphore, #tpu.memory_space<semaphore_mem>>) src(%dma_wait3A_82 : memref<640xf32, #tpu.memory_space<vmem_shared>>) dst(%dma_wait3A_80 : memref<640xf32, #tpu.memory_space<vmem>>)
      tpu.yield
    }) : () -> ()
    %scan3A_58 = arith.constant 0 : i32
    %scan3A_59 = arith.constant 0 : i32
    %scan3A_60 = arith.constant 40 : i32
    %scan3A_61 = arith.addi %scan3A_59, %scan3A_60 : i32
    %scan3A_62 = arith.constant 1 : i32
    scf.for %scan3A_66 = %scan3A_59 to %scan3A_61 step %scan3A_62  : i32 {
      %mul3A_67 = arith.constant 16 : i32
      %mul3A_68 = arith.muli %scan3A_66, %mul3A_67 : i32
      %multiple_of3A = tpu.assume_multiple %mul3A_68, 16 : i32
      %get3A = arith.index_cast %multiple_of3A : i32 to index
      %get3A_69 = tpu.vector_load %arg6[%get3A] {strides = array<i32>} : memref<10240xf32, #tpu.memory_space<vmem>>, vector<16xf32>,
      %add3A_70 = arith.constant 640 : i32
      %add3A_71 = arith.addi %add3A_70, %multiple_of3A : i32
      %get3A_72 = arith.index_cast %add3A_71 : i32 to index
      %get3A_73 = tpu.vector_load %arg6[%get3A_72] {strides = array<i32>} : memref<10240xf32, #tpu.memory_space<vmem>>, vector<16xf32>,
      %add3A_74 = arith.addf %get3A_69, %get3A_73 : vector<16xf32>
      %add3A_75 = arith.constant 1280 : i32
      %add3A_76 = arith.addi %add3A_75, %multiple_of3A : i32
      %get3A_77 = arith.index_cast %add3A_76 : i32 to index
      %get3A_78 = tpu.vector_load %arg6[%get3A_77] {strides = array<i32>} : memref<10240xf32, #tpu.memory_space<vmem>>, vector<16xf32>,
      %add3A_79 = arith.addf %add3A_74, %get3A_78 : vector<16xf32>
      %add3A_80 = arith.constant 1920 : i32
      %add3A_81 = arith.addi %add3A_80, %multiple_of3A : i32
      %get3A_82 = arith.index_cast %add3A_81 : i32 to index
      %get3A_83 = tpu.vector_load %arg6[%get3A_82] {strides = array<i32>} : memref<10240xf32, #tpu.memory_space<vmem>>, vector<16xf32>,
      %add3A_84 = arith.addf %add3A_79, %get3A_83 : vector<16xf32>
      %add3A_85 = arith.constant 2560 : i32
      %add3A_86 = arith.addi %add3A_85, %multiple_of3A : i32
      %get3A_87 = arith.index_cast %add3A_86 : i32 to index
      %get3A_88 = tpu.vector_load %arg6[%get3A_87] {strides = array<i32>} : memref<10240xf32, #tpu.memory_space<vmem>>, vector<16xf32>,
      %add3A_89 = arith.addf %add3A_84, %get3A_88 : vector<16xf32>
      %add3A_90 = arith.constant 3200 : i32
      %add3A_91 = arith.addi %add3A_90, %multiple_of3A : i32
      %get3A_92 = arith.index_cast %add3A_91 : i32 to index
      %get3A_93 = tpu.vector_load %arg6[%get3A_92] {strides = array<i32>} : memref<10240xf32, #tpu.memory_space<vmem>>, vector<16xf32>,
      %add3A_94 = arith.addf %add3A_89, %get3A_93 : vector<16xf32>
      %add3A_95 = arith.constant 3840 : i32
      %add3A_96 = arith.addi %add3A_95, %multiple_of3A : i32
      %get3A_97 = arith.index_cast %add3A_96 : i32 to index
      %get3A_98 = tpu.vector_load %arg6[%get3A_97] {strides = array<i32>} : memref<10240xf32, #tpu.memory_space<vmem>>, vector<16xf32>,
      %add3A_99 = arith.addf %add3A_94, %get3A_98 : vector<16xf32>
      %add3A_100 = arith.constant 4480 : i32
      %add3A_101 = arith.addi %add3A_100, %multiple_of3A : i32
      %get3A_102 = arith.index_cast %add3A_101 : i32 to index
      %get3A_103 = tpu.vector_load %arg6[%get3A_102] {strides = array<i32>} : memref<10240xf32, #tpu.memory_space<vmem>>, vector<16xf32>,
      %add3A_104 = arith.addf %add3A_99, %get3A_103 : vector<16xf32>
      %add3A_105 = arith.constant 5120 : i32
      %add3A_106 = arith.addi %add3A_105, %multiple_of3A : i32
      %get3A_107 = arith.index_cast %add3A_106 : i32 to index
      %get3A_108 = tpu.vector_load %arg6[%get3A_107] {strides = array<i32>} : memref<10240xf32, #tpu.memory_space<vmem>>, vector<16xf32>,
      %add3A_109 = arith.addf %add3A_104, %get3A_108 : vector<16xf32>
      %add3A_110 = arith.constant 5760 : i32
      %add3A_111 = arith.addi %add3A_110, %multiple_of3A : i32
      %get3A_112 = arith.index_cast %add3A_111 : i32 to index
      %get3A_113 = tpu.vector_load %arg6[%get3A_112] {strides = array<i32>} : memref<10240xf32, #tpu.memory_space<vmem>>, vector<16xf32>,
      %add3A_114 = arith.addf %add3A_109, %get3A_113 : vector<16xf32>
      %add3A_115 = arith.constant 6400 : i32
      %add3A_116 = arith.addi %add3A_115, %multiple_of3A : i32
      %get3A_117 = arith.index_cast %add3A_116 : i32 to index
      %get3A_118 = tpu.vector_load %arg6[%get3A_117] {strides = array<i32>} : memref<10240xf32, #tpu.memory_space<vmem>>, vector<16xf32>,
      %add3A_119 = arith.addf %add3A_114, %get3A_118 : vector<16xf32>
      %add3A_120 = arith.constant 7040 : i32
      %add3A_121 = arith.addi %add3A_120, %multiple_of3A : i32
      %get3A_122 = arith.index_cast %add3A_121 : i32 to index
      %get3A_123 = tpu.vector_load %arg6[%get3A_122] {strides = array<i32>} : memref<10240xf32, #tpu.memory_space<vmem>>, vector<16xf32>,
      %add3A_124 = arith.addf %add3A_119, %get3A_123 : vector<16xf32>
      %add3A_125 = arith.constant 7680 : i32
      %add3A_126 = arith.addi %add3A_125, %multiple_of3A : i32
      %get3A_127 = arith.index_cast %add3A_126 : i32 to index
      %get3A_128 = tpu.vector_load %arg6[%get3A_127] {strides = array<i32>} : memref<10240xf32, #tpu.memory_space<vmem>>, vector<16xf32>,
      %add3A_129 = arith.addf %add3A_124, %get3A_128 : vector<16xf32>
      %add3A_130 = arith.constant 8320 : i32
      %add3A_131 = arith.addi %add3A_130, %multiple_of3A : i32
      %get3A_132 = arith.index_cast %add3A_131 : i32 to index
      %get3A_133 = tpu.vector_load %arg6[%get3A_132] {strides = array<i32>} : memref<10240xf32, #tpu.memory_space<vmem>>, vector<16xf32>,
      %add3A_134 = arith.addf %add3A_129, %get3A_133 : vector<16xf32>
      %add3A_135 = arith.constant 8960 : i32
      %add3A_136 = arith.addi %add3A_135, %multiple_of3A : i32
      %get3A_137 = arith.index_cast %add3A_136 : i32 to index
      %get3A_138 = tpu.vector_load %arg6[%get3A_137] {strides = array<i32>} : memref<10240xf32, #tpu.memory_space<vmem>>, vector<16xf32>,
      %add3A_139 = arith.addf %add3A_134, %get3A_138 : vector<16xf32>
      %add3A_140 = arith.constant 9600 : i32
      %add3A_141 = arith.addi %add3A_140, %multiple_of3A : i32
      %get3A_142 = arith.index_cast %add3A_141 : i32 to index
      %get3A_143 = tpu.vector_load %arg6[%get3A_142] {strides = array<i32>} : memref<10240xf32, #tpu.memory_space<vmem>>, vector<16xf32>,
      %add3A_144 = arith.addf %add3A_139, %get3A_143 : vector<16xf32>
      %swap3A = arith.index_cast %multiple_of3A : i32 to index
      %swap3A_145 = tpu.vector_load %arg6[%swap3A] {strides = array<i32>} : memref<10240xf32, #tpu.memory_space<vmem>>, vector<16xf32>,
      tpu.vector_store %arg6[%swap3A], %add3A_144 {strides = array<i32>} : memref<10240xf32, #tpu.memory_space<vmem>>, vector<16xf32>,
    }
    %scan3A_63 = arith.constant 40 : i32
    %mul3A_64 = arith.constant 640 : i32
    %mul3A_65 = arith.muli %arg1, %mul3A_64 : i32
    "tpu.region"() ({
      %run_scoped3A_66 = tpu.sem_alloc : memref<!tpu.dma_semaphore, #tpu.memory_space<semaphore_mem>>
      %dma_start3A_67 = arith.constant 0 : i32
      %dma_start3A_68 = tpu.memref_slice %arg6[%dma_start3A_67] : memref<10240xf32, #tpu.memory_space<vmem>> -> memref<640xf32, #tpu.memory_space<vmem>>
      %dma_start3A_69 = tpu.memref_slice %arg4[%arg0, %mul3A_65] : memref<2x10240xf32, #tpu.memory_space<hbm>> -> memref<1x640xf32, #tpu.memory_space<hbm>>
      %dma_start3A_70 = tpu.memref_squeeze %dma_start3A_69 : memref<1x640xf32, #tpu.memory_space<hbm>> -> memref<640xf32, #tpu.memory_space<hbm>>
      %dma_start3A_71 = tpu.memref_slice %arg4[%arg0, %mul3A_65] : memref<2x10240xf32, #tpu.memory_space<hbm>> -> memref<1x640xf32, #tpu.memory_space<hbm>>
      %dma_start3A_72 = tpu.memref_squeeze %dma_start3A_71 : memref<1x640xf32, #tpu.memory_space<hbm>> -> memref<640xf32, #tpu.memory_space<hbm>>
      %dma_start3A_73 = arith.constant 0 : i32
      %dma_start3A_74 = tpu.memref_slice %arg6[%dma_start3A_73] : memref<10240xf32, #tpu.memory_space<vmem>> -> memref<640xf32, #tpu.memory_space<vmem>>
      tpu.enqueue_dma source(%dma_start3A_74 : memref<640xf32, #tpu.memory_space<vmem>>) target(%dma_start3A_72 : memref<640xf32, #tpu.memory_space<hbm>>) target_semaphore(%run_scoped3A_66 : memref<!tpu.dma_semaphore, #tpu.memory_space<semaphore_mem>>)
      %dma_wait3A_75 = arith.constant 0 : i32
      %dma_wait3A_76 = tpu.memref_slice %arg6[%dma_wait3A_75] : memref<10240xf32, #tpu.memory_space<vmem>> -> memref<640xf32, #tpu.memory_space<vmem>>
      %dma_wait3A_77 = tpu.memref_slice %arg4[%arg0, %mul3A_65] : memref<2x10240xf32, #tpu.memory_space<hbm>> -> memref<1x640xf32, #tpu.memory_space<hbm>>
      %dma_wait3A_78 = tpu.memref_squeeze %dma_wait3A_77 : memref<1x640xf32, #tpu.memory_space<hbm>> -> memref<640xf32, #tpu.memory_space<hbm>>
      %dma_wait3A_79 = tpu.memref_slice %arg4[%arg0, %mul3A_65] : memref<2x10240xf32, #tpu.memory_space<hbm>> -> memref<1x640xf32, #tpu.memory_space<hbm>>
      %dma_wait3A_80 = tpu.memref_squeeze %dma_wait3A_79 : memref<1x640xf32, #tpu.memory_space<hbm>> -> memref<640xf32, #tpu.memory_space<hbm>>
      %dma_wait3A_81 = arith.constant 0 : i32
      %dma_wait3A_82 = tpu.memref_slice %arg6[%dma_wait3A_81] : memref<10240xf32, #tpu.memory_space<vmem>> -> memref<640xf32, #tpu.memory_space<vmem>>
      tpu.wait_dma2 semaphore(%run_scoped3A_66 : memref<!tpu.dma_semaphore, #tpu.memory_space<semaphore_mem>>) src(%dma_wait3A_82 : memref<640xf32, #tpu.memory_space<vmem>>) dst(%dma_wait3A_80 : memref<640xf32, #tpu.memory_space<hbm>>)
      tpu.yield
    }) : () -> ()
    return
  }
}

module attributes {stable_mosaic.version = 14 : i64} {
  func.func @body(%arg0: memref<10240x128xf32, #tpu.memory_space<vmem>>, %arg1: memref<128x4xf32, #tpu.memory_space<vmem>>, %arg2: memref<2x10240x1xf32, #tpu.memory_space<vmem>>, %arg3: memref<10240x4xf32, #tpu.memory_space<vmem>>, %arg4: memref<10240x1xf32, #tpu.memory_space<vmem>>) attributes {dimension_semantics = [], scalar_prefetch = 0 : i64, scratch_operands = 0 : i64, tpu.core_type = #tpu.core_type<tc>} {
    %get3A = arith.constant 0 : index
    %get3A_0 = arith.constant 0 : index
    %get3A_1 = vector.load %arg0[%get3A, %get3A_0] : memref<10240x128xf32, #tpu.memory_space<vmem>>, vector<10240x128xf32>
    %get3A_2 = arith.constant 0 : index
    %get3A_3 = arith.constant 0 : index
    %get3A_4 = vector.load %arg1[%get3A_2, %get3A_3] : memref<128x4xf32, #tpu.memory_space<vmem>>, vector<128x4xf32>
    %dot_general3A = arith.constant dense<0.000000e+00> : vector<10240x4xf32>
    %dot_general3A_5 = tpu.matmul %get3A_1, %get3A_4, %dot_general3A {dimension_numbers = #tpu.dot_dimension_numbers<[1], [0], [0], [1], [0, 0, 1, 1], [], []>, transpose_lhs_hint = false} : vector<10240x128xf32>, vector<128x4xf32>, vector<10240x4xf32> -> vector<10240x4xf32>
    %get3A_6 = arith.constant 0 : index
    %get3A_7 = arith.constant 0 : index
    %get3A_8 = arith.constant 0 : index
    %get3A_9 = vector.load %arg2[%get3A_6, %get3A_7, %get3A_8] : memref<2x10240x1xf32, #tpu.memory_space<vmem>>, vector<1x10240x1xf32>
    %get3A_10 = vector.shape_cast %get3A_9 : vector<1x10240x1xf32> to vector<10240x1xf32>
    %get3A_11 = arith.constant 1 : index
    %get3A_12 = arith.constant 0 : index
    %get3A_13 = arith.constant 0 : index
    %get3A_14 = vector.load %arg2[%get3A_11, %get3A_12, %get3A_13] : memref<2x10240x1xf32, #tpu.memory_space<vmem>>, vector<1x10240x1xf32>
    %get3A_15 = vector.shape_cast %get3A_14 : vector<1x10240x1xf32> to vector<10240x1xf32>
    %add3A = arith.addf %get3A_10, %get3A_15 : vector<10240x1xf32>
    %add3A_16 = arith.constant 1.000000e+00 : f32
    %add3A_17 = vector.broadcast %add3A_16 : f32 to vector<10240x1xf32>
    %add3A_18 = arith.addf %add3A, %add3A_17 : vector<10240x1xf32>
    %rsqrt3A = math.rsqrt %add3A_18 : vector<10240x1xf32>
    %swap3A = arith.constant 0 : index
    %swap3A_19 = arith.constant 0 : index
    %swap3A_20 = vector.load %arg4[%swap3A, %swap3A_19] : memref<10240x1xf32, #tpu.memory_space<vmem>>, vector<10240x1xf32>
    tpu.vector_store %arg4[%swap3A, %swap3A_19], %rsqrt3A {strides = array<i32>} : memref<10240x1xf32, #tpu.memory_space<vmem>>, vector<10240x1xf32>,
    %mul3A = vector.broadcast %rsqrt3A : vector<10240x1xf32> to vector<10240x4xf32>
    %mul3A_21 = arith.mulf %mul3A, %dot_general3A_5 : vector<10240x4xf32>
    %swap3A_22 = arith.constant 0 : index
    %swap3A_23 = arith.constant 0 : index
    %swap3A_24 = vector.load %arg3[%swap3A_22, %swap3A_23] : memref<10240x4xf32, #tpu.memory_space<vmem>>, vector<10240x4xf32>
    tpu.vector_store %arg3[%swap3A_22, %swap3A_23], %mul3A_21 {strides = array<i32>} : memref<10240x4xf32, #tpu.memory_space<vmem>>, vector<10240x4xf32>,
    return
  }
}

module attributes {stable_mosaic.version = 14 : i64} {
  func.func @body(%arg0: memref<2x10240x4xf32, #tpu.memory_space<vmem>>, %arg1: memref<10240x4xf32, #tpu.memory_space<vmem>>, %arg2: memref<10240x1xf32, #tpu.memory_space<vmem>>, %arg3: memref<4x4xf32, #tpu.memory_space<vmem>>, %arg4: memref<1x4xf32, #tpu.memory_space<vmem>>, %arg5: memref<10240x4xf32, #tpu.memory_space<vmem>>) attributes {dimension_semantics = [], scalar_prefetch = 0 : i64, scratch_operands = 0 : i64, tpu.core_type = #tpu.core_type<tc>} {
    %get3A = arith.constant 0 : index
    %get3A_0 = arith.constant 0 : index
    %get3A_1 = vector.load %arg2[%get3A, %get3A_0] : memref<10240x1xf32, #tpu.memory_space<vmem>>, vector<10240x1xf32>
    %get3A_2 = arith.constant 0 : index
    %get3A_3 = arith.constant 0 : index
    %get3A_4 = arith.constant 0 : index
    %get3A_5 = vector.load %arg0[%get3A_2, %get3A_3, %get3A_4] : memref<2x10240x4xf32, #tpu.memory_space<vmem>>, vector<1x10240x4xf32>
    %get3A_6 = vector.shape_cast %get3A_5 : vector<1x10240x4xf32> to vector<10240x4xf32>
    %get3A_7 = arith.constant 1 : index
    %get3A_8 = arith.constant 0 : index
    %get3A_9 = arith.constant 0 : index
    %get3A_10 = vector.load %arg0[%get3A_7, %get3A_8, %get3A_9] : memref<2x10240x4xf32, #tpu.memory_space<vmem>>, vector<1x10240x4xf32>
    %get3A_11 = vector.shape_cast %get3A_10 : vector<1x10240x4xf32> to vector<10240x4xf32>
    %add3A = arith.addf %get3A_6, %get3A_11 : vector<10240x4xf32>
    %get3A_12 = arith.constant 0 : index
    %get3A_13 = arith.constant 0 : index
    %get3A_14 = vector.load %arg1[%get3A_12, %get3A_13] : memref<10240x4xf32, #tpu.memory_space<vmem>>, vector<10240x4xf32>
    %add3A_15 = arith.addf %add3A, %get3A_14 : vector<10240x4xf32>
    %mul3A = vector.broadcast %get3A_1 : vector<10240x1xf32> to vector<10240x4xf32>
    %mul3A_16 = arith.mulf %mul3A, %add3A_15 : vector<10240x4xf32>
    %get3A_17 = arith.constant 0 : index
    %get3A_18 = arith.constant 0 : index
    %get3A_19 = vector.load %arg4[%get3A_17, %get3A_18] : memref<1x4xf32, #tpu.memory_space<vmem>>, vector<1x4xf32>
    %add3A_20 = vector.broadcast %get3A_19 : vector<1x4xf32> to vector<10240x4xf32>
    %add3A_21 = arith.addf %mul3A_16, %add3A_20 : vector<10240x4xf32>
    %get3A_22 = arith.constant 0 : index
    %get3A_23 = arith.constant 0 : index
    %get3A_24 = vector.load %arg3[%get3A_22, %get3A_23] : memref<4x4xf32, #tpu.memory_space<vmem>>, vector<4x4xf32>
    %dot_general3A = arith.constant dense<0.000000e+00> : vector<10240x4xf32>
    %dot_general3A_25 = tpu.matmul %add3A_21, %get3A_24, %dot_general3A {dimension_numbers = #tpu.dot_dimension_numbers<[1], [0], [0], [1], [0, 0, 1, 1], [], []>, transpose_lhs_hint = false} : vector<10240x4xf32>, vector<4x4xf32>, vector<10240x4xf32> -> vector<10240x4xf32>
    %mul3A_26 = vector.broadcast %get3A_1 : vector<10240x1xf32> to vector<10240x4xf32>
    %mul3A_27 = arith.mulf %mul3A_26, %dot_general3A_25 : vector<10240x4xf32>
    %swap3A = arith.constant 0 : index
    %swap3A_28 = arith.constant 0 : index
    %swap3A_29 = vector.load %arg5[%swap3A, %swap3A_28] : memref<10240x4xf32, #tpu.memory_space<vmem>>, vector<10240x4xf32>
    tpu.vector_store %arg5[%swap3A, %swap3A_28], %mul3A_27 {strides = array<i32>} : memref<10240x4xf32, #tpu.memory_space<vmem>>, vector<10240x4xf32>,
    return
  }
}

module attributes {stable_mosaic.version = 14 : i64} {
  func.func @body(%arg0: memref<2x10240x4xf32, #tpu.memory_space<vmem>>, %arg1: memref<10240x4xf32, #tpu.memory_space<vmem>>, %arg2: memref<10240x1xf32, #tpu.memory_space<vmem>>, %arg3: memref<1x4xf32, #tpu.memory_space<vmem>>, %arg4: memref<10240x4xf32, #tpu.memory_space<vmem>>) attributes {dimension_semantics = [], scalar_prefetch = 0 : i64, scratch_operands = 0 : i64, tpu.core_type = #tpu.core_type<tc>} {
    %get3A = arith.constant 0 : index
    %get3A_0 = arith.constant 0 : index
    %get3A_1 = vector.load %arg2[%get3A, %get3A_0] : memref<10240x1xf32, #tpu.memory_space<vmem>>, vector<10240x1xf32>
    %get3A_2 = arith.constant 0 : index
    %get3A_3 = arith.constant 0 : index
    %get3A_4 = arith.constant 0 : index
    %get3A_5 = vector.load %arg0[%get3A_2, %get3A_3, %get3A_4] : memref<2x10240x4xf32, #tpu.memory_space<vmem>>, vector<1x10240x4xf32>
    %get3A_6 = vector.shape_cast %get3A_5 : vector<1x10240x4xf32> to vector<10240x4xf32>
    %get3A_7 = arith.constant 1 : index
    %get3A_8 = arith.constant 0 : index
    %get3A_9 = arith.constant 0 : index
    %get3A_10 = vector.load %arg0[%get3A_7, %get3A_8, %get3A_9] : memref<2x10240x4xf32, #tpu.memory_space<vmem>>, vector<1x10240x4xf32>
    %get3A_11 = vector.shape_cast %get3A_10 : vector<1x10240x4xf32> to vector<10240x4xf32>
    %add3A = arith.addf %get3A_6, %get3A_11 : vector<10240x4xf32>
    %get3A_12 = arith.constant 0 : index
    %get3A_13 = arith.constant 0 : index
    %get3A_14 = vector.load %arg1[%get3A_12, %get3A_13] : memref<10240x4xf32, #tpu.memory_space<vmem>>, vector<10240x4xf32>
    %add3A_15 = arith.addf %add3A, %get3A_14 : vector<10240x4xf32>
    %mul3A = vector.broadcast %get3A_1 : vector<10240x1xf32> to vector<10240x4xf32>
    %mul3A_16 = arith.mulf %mul3A, %add3A_15 : vector<10240x4xf32>
    %get3A_17 = arith.constant 0 : index
    %get3A_18 = arith.constant 0 : index
    %get3A_19 = vector.load %arg3[%get3A_17, %get3A_18] : memref<1x4xf32, #tpu.memory_space<vmem>>, vector<1x4xf32>
    %add3A_20 = vector.broadcast %get3A_19 : vector<1x4xf32> to vector<10240x4xf32>
    %add3A_21 = arith.addf %mul3A_16, %add3A_20 : vector<10240x4xf32>
    %swap3A = arith.constant 0 : index
    %swap3A_22 = arith.constant 0 : index
    %swap3A_23 = vector.load %arg4[%swap3A, %swap3A_22] : memref<10240x4xf32, #tpu.memory_space<vmem>>, vector<10240x4xf32>
    tpu.vector_store %arg4[%swap3A, %swap3A_22], %add3A_21 {strides = array<i32>} : memref<10240x4xf32, #tpu.memory_space<vmem>>, vector<10240x4xf32>,
    return
  }
}

</mosaic_0001>

<sc_bundles>
// kernel: kernel.11.cloned.1.call-start
scs
__scs_entry_jumppad:
0x0: {  	(pc) =	sbr.rel $0x88, $3  }
0x1: {  	(tag) =	ssettag $0x0;
	lr =	simm.s32 $0x1  }
0x2: {  	[smem:$0x3F97] =	sst lr;
	_ =	strace $0xD0000000  }
0x3: {  	_ = 	snop  }
0x4: {  	_ = 	snop  }
0x5: {  	_ = 	snop  }
0x6: {  	_ = 	snop  }
0x7: {  	_ = 	snop  }
__scs_overlays_trampoline_lowered:
0x8: {  	[smem:$0x3FA6] =	sst s0  }
0x9: {  	[smem:$0x3FA7] =	sst s1  }
0xa: {  	[smem:$0x3FA8] =	sst s2  }
0xb: {  	[smem:$0x3FA9] =	sst s3  }
0xc: {  	[smem:$0x3FAA] =	sst s4  }
0xd: {  	[smem:$0x3FAB] =	sst s5  }
0xe: {  	[smem:$0x3FAC] =	sst s6  }
0xf: {  	[smem:$0x3FAD] =	sst s7  }
0x10: {  	[smem:$0x3FAE] =	sst s8  }
0x11: {  	[smem:$0x3FAF] =	sst s9;
	s0 =	simm.s32 @!p0 $0x0  }
0x12: {  	s1 =	sld [smem:$0x3F95];
	s0 =	simm.s32 @p0 $0x1  }
0x13: {  	[smem:$0x3FB0] =	sst s0;
	s0 =	simm.s32 @!p1 $0x0  }
0x14: {  	s2 =	sld [smem:$0x3F94];
	s0 =	simm.s32 @p1 $0x1  }
0x15: {  	[smem:$0x3FB1] =	sst s0;
	s0 =	simm.s32 @!p2 $0x0  }
0x16: {  	s3 =	sld [smem:$0x3FDB];
	s0 =	simm.s32 @p2 $0x1  }
0x17: {  	s4 =	simm.s32 $0x1BF5;
	[smem:$0x3FB3] =	sst s0  }
0x18: {  	s0 =	sld [smem:$0x3F96];
	_ =	swait.ge [sflag:s4], $0x0  }
0x19: {  	s7 =	sld [smem:$0x3F97]  }
0x1a: {  	s8 =	sadd.s32 $0xFFFFE003, lr  }
0x1b: {  	s9 =	sadd.s32 $0xFFFFFEF7, lr;
	s5 =	simm.s32 $0xFFFFFFFF;
	p2 =	slt.u32 s8, $0xFFFFF086  }
0x1c: {  	p1 =	slt.u32 s9, $0xF7A;
	s5 =	simm.s32 @!p2 $0x0  }
0x1d: {  	s5 =	simm.s32 @p1 $0x1;
	p0 =	seq.s32 s7, s2  }
0x1e: {  	s7 =	smul.u32 @!p0 $0xF7A, s2;
	p2 =	seq.s32 @!p0 s5, $0x0  }
0x1f: {  	s9 =	smul.u32 $0xF7A, s1;
	s8 =	simm.s32 @!p0 $0x1BF5;
	p2 =	por !p2, p0  }
0x20: {  	[sflag:s8] =	ssyncset.s32 @!p0 $0xFFFFF086;
	s6 =	sadd.s32 @!p0 s3, s7;
	s7 =	simm.s32 @!p0 $0x108  }
0x21: {  	s3 =	sadd.s32 s3, s9;
	s6 =	sadd.s32 @!p0 $0x88, s6;
	s7 =	simm.s32 @p2 $0x1082  }
0x22: {  	[simem:s7], [sflag:s8] =	dma.local @!p0 [hbm:s6], $0xF7A  }
0x23: {  	s9 =	sor.u32 $0xD0000000, s2;
	s6 =	simm.s32 $0x108;
	_ =	swait.ge @!p0 [sflag:s8], $0x0  }
0x24: {  	s3 =	sadd.s32 $0x88, s3;
	s6 =	simm.s32 @!p1 $0x1082;
	[sflag:s4] =	ssyncset.s32 $0xFFFFF086  }
0x25: {  	[simem:s6], [sflag:s4] =	dma.local [hbm:s3], $0xF7A  }
0x26: {  	[smem:$0x3F97] =	sst s1;
	(tag) =	ssettag s2;
	_ =	strace s9  }
0x27: {  	s1 =	sld [smem:$0x3FA7]  }
0x28: {  	s2 =	sld [smem:$0x3FA8]  }
0x29: {  	s4 =	sld [smem:$0x3FAA]  }
0x2a: {  	p0 =	seq.s32 s5, $0x0;
	s5 =	sld [smem:$0x3FAB]  }
0x2b: {  	s6 =	sld [smem:$0x3FAC]  }
0x2c: {  	s7 =	sld [smem:$0x3FAD]  }
0x2d: {  	s3 =	simm.s32 $0x108;
	s8 =	sld [smem:$0x3FAE]  }
0x2e: {  	s3 =	simm.s32 @!p0 $0x1082;
	s9 =	sld [smem:$0x3FAF]  }
0x2f: {  	lr =	sadd.s32 s0, s3;
	s0 =	sld [smem:$0x3FA6]  }
0x30: {  	s3 =	sld [smem:$0x3FA9]  }
0x31: {  	[smem:$0x3FB2] =	sst s10  }
0x32: {  	s10 =	sld [smem:$0x3FB0];
	_ =	sdelay $0x3  }
0x33: {  	p0 =	seq.s32 s10, $0x1;
	s10 =	sld [smem:$0x3FB2];
	_ =	sdelay $0x3  }
0x34: {  	[smem:$0x3FB2] =	sst s10  }
0x35: {  	s10 =	sld [smem:$0x3FB1];
	_ =	sdelay $0x3  }
0x36: {  	p1 =	seq.s32 s10, $0x1;
	s10 =	sld [smem:$0x3FB2];
	_ =	sdelay $0x3  }
0x37: {  	[smem:$0x3FB2] =	sst s10  }
0x38: {  	s10 =	sld [smem:$0x3FB3]  }
0x39: {  	_ = 	snop;
	(pc) =	sbr.ind lr, $3  }
0x3a: {  	_ = 	snop  }
0x3b: {  	_ = 	snop  }
0x3c: {  	p2 =	seq.s32 s10, $0x1;
	s10 =	sld [smem:$0x3FB2]  }
0x3d: {  	_ =	shalt  }
0x3e: {  	_ =	shalt  }
0x3f: {  	_ =	shalt  }
0x40: {  	_ =	shalt  }
0x41: {  	_ =	shalt  }
0x42: {  	_ =	shalt  }
0x43: {  	_ =	shalt  }
0x44: {  	_ =	shalt  }
0x45: {  	_ =	shalt  }
0x46: {  	_ =	shalt  }
0x47: {  	_ =	shalt  }
0x48: {  	_ =	shalt  }
0x49: {  	_ =	shalt  }
0x4a: {  	_ =	shalt  }
0x4b: {  	_ =	shalt  }
0x4c: {  	_ =	shalt  }
0x4d: {  	_ =	shalt  }
0x4e: {  	_ =	shalt  }
0x4f: {  	_ =	shalt  }
0x50: {  	_ =	shalt  }
0x51: {  	_ =	shalt  }
0x52: {  	_ =	shalt  }
0x53: {  	_ =	shalt  }
0x54: {  	_ =	shalt  }
0x55: {  	_ =	shalt  }
0x56: {  	_ =	shalt  }
0x57: {  	_ =	shalt  }
0x58: {  	_ =	shalt  }
0x59: {  	_ =	shalt  }
0x5a: {  	_ =	shalt  }
0x5b: {  	_ =	shalt  }
0x5c: {  	_ =	shalt  }
0x5d: {  	_ =	shalt  }
0x5e: {  	_ =	shalt  }
0x5f: {  	_ =	shalt  }
0x60: {  	_ =	shalt  }
0x61: {  	_ =	shalt  }
0x62: {  	_ =	shalt  }
0x63: {  	_ =	shalt  }
0x64: {  	_ =	shalt  }
0x65: {  	_ =	shalt  }
0x66: {  	_ =	shalt  }
0x67: {  	_ =	shalt  }
0x68: {  	_ =	shalt  }
0x69: {  	_ =	shalt  }
0x6a: {  	_ =	shalt  }
0x6b: {  	_ =	shalt  }
0x6c: {  	_ =	shalt  }
0x6d: {  	_ =	shalt  }
0x6e: {  	_ =	shalt  }
0x6f: {  	_ =	shalt  }
0x70: {  	_ =	shalt  }
0x71: {  	_ =	shalt  }
0x72: {  	_ =	shalt  }
0x73: {  	_ =	shalt  }
0x74: {  	_ =	shalt  }
0x75: {  	_ =	shalt  }
0x76: {  	_ =	shalt  }
0x77: {  	_ =	shalt  }
0x78: {  	_ =	shalt  }
0x79: {  	_ =	shalt  }
0x7a: {  	_ =	shalt  }
0x7b: {  	_ =	shalt  }
0x7c: {  	_ =	shalt  }
0x7d: {  	_ =	shalt  }
0x7e: {  	_ =	shalt  }
0x7f: {  	_ =	shalt  }
0x80: {  	_ =	shalt  }
0x81: {  	_ =	shalt  }
0x82: {  	_ =	shalt  }
0x83: {  	_ =	shalt  }
0x84: {  	_ =	shalt  }
0x85: {  	_ =	shalt  }
0x86: {  	_ =	shalt  }
0x87: {  	_ =	shalt  }
.Lfunc_end0:
.L_simem_size_0:
called_computation.1_lowered:
.L_overlay_start_0:
0x88: {  	s2 =	sld [smem:$0x3FD9]  }
0x89: {  	s3 =	sld [smem:$0x3FFE];
	_ =	sdelay $0x1  }
0x8a: {  	s1 =	srdreg.scid  }
0x8b: {  	s0 =	sand.u32 $0x1, s1  }
0x8c: {  	s16 =	sshll.u32 s0, $0xA;
	s2 =	sadd.s32 s3, s2  }
0x8d: {  	s2 =	sadd.s32 s2, s16  }
0x8e: {  	[smem:$0x3FBE] =	sst s2  }
0x8f: {  	_ = 	snop  }
0x90: {  	(tm) =	ssettm $0x1  }
0x91: {  	s17 =	sld [smem:$0x3FFB];
	_ =	sdelay $0x3  }
0x92: {  	_ =	strace s17  }
0x93: {  	s2 =	sld [smem:$0x3FFC];
	_ =	sdelay $0x3  }
0x94: {  	_ =	strace s2  }
0x95: {  	s2 =	sld [smem:$0x3FFD];
	_ =	sdelay $0x3  }
0x96: {  	_ =	strace s2  }
0x97: {  	_ =	strace $0x8FFFFFFF  }
0x98: {  	s18 =	sld [smem:$0x3FDB];
	_ =	sdelay $0x1  }
0x99: {  	s19 =	simm.s32 $_scs_section_size  }
0x9a: {  	s4 =	simm.s32 $_size__tile_overlayer_lowered;
	s5 =	simm.s32 $_tile_overlayer_lowered  }
0x9b: {  	s22 =	simm.s32 $0x1BFF;
	s21 =	sshll.u32 s5, $0x1;
	s2 =	sadd.s32 s19, s18  }
0x9c: {  	s6 =	simm.s32 $0x0;
	s20 =	sshll.u32 s4, $0x1;
	s4 =	sadd.s32 s21, s2  }
0x9d: {  	[timem:s6], [sflag:s22] =	dma.local [hbm:s4], s20  }
0x9e: {  	_ =	swait.ge [sflag:s22], s20  }
0x9f: {  	s3 =	ssub.s32 $0x0, s20;
	[sflag:s22] =	ssyncset.done $0x0  }
0xa0: {  	[sflag:s22] =	ssyncadd.s32 s3;
	_ =	sdelay $0x1  }
0xa1: {  	s23 =	simm.s32 $0x1B8B  }
0xa2: {  	_ =	swait.ge [sflag:s23], $0x1  }
0xa3: {  	[sflag:s23] =	ssyncset.done $0x0  }
0xa4: {  	s25 =	simm.s32 $0x1B8E;
	s24 =	sld [smem:$0x3FFE];
	[sflag:s23] =	ssyncadd.s32 $0xFFFFFFFF  }
0xa5: {  	s26 =	simm.s32 $execute0_lowered;
	[smem:$0x3FD2] =	sst s25  }
0xa6: {  	s4 =	sshll.u32 s26, $0x1;
	_ =	strace $0x80000049;
	[dreg:$0x1] =	wrdreg $0xFFFFFFFF  }
0xa7: {  	s28 =	simm.s32 $_size_execute0_lowered;
	s2 =	sadd.s32 s2, s4;
	[dreg:$0x0] =	wrdreg $0x0  }
0xa8: {  	s4 =	sshll.u32 s28, $0x1;
	[dreg:$0x2] =	wrdreg s2  }
0xa9: {  	[dreg:$0x3] =	wrdreg s4  }
0xaa: {  	[dreg:$0x4] =	wrdreg $0xC0  }
0xab: {  	_ =	task [dreg:s6], $0x5FFFF  }
0xac: {  	[dreg:$0x1] =	wrdreg $0xFFFFFFFF  }
0xad: {  	[dreg:$0x0] =	wrdreg $0x60  }
0xae: {  	[dreg:$0x2] =	wrdreg s24  }
0xaf: {  	[dreg:$0x3] =	wrdreg $0x190000  }
0xb0: {  	[dreg:$0x4] =	wrdreg $0x9  }
0xb1: {  	_ =	task.clear_ibuf [dreg:s6], $0x5FFFF;
	_ =	strace $0x90000049  }
0xb2: {  	s29 =	simm.s32 $0x9;
	_ =	strace $0x8000004B  }
0xb3: {  	_ =	swait.ge [sflag:s29], $0x1  }
0xb4: {  	[sflag:s29] =	ssyncadd.s32 $0xFFFFFFFF  }
0xb5: {  	_ =	strace $0x9000004B  }
0xb6: {  	_ =	sfence  }
0xb7: {  	s30 =	sld [smem:$0x0];
	_ =	sdelay $0x2  }
0xb8: {  	s31 =	sshll.u32 s1, $0xD;
	s1 =	sshrl.u32 s1, $0x2  }
0xb9: {  	s3 =	sand.u32 $0x4000, s31;
	s1 =	sadd.s32 s1, s30  }
0xba: {  	s0 =	sor.u32 s3, s0;
	s1 =	sshll.u32 s1, $0x11  }
0xbb: {  	s0 =	sor.u32 s1, s0  }
0xbc: {  	s0 =	sadd.s32 $0x8F2B, s0  }
0xbd: {  	[sflag:s0] =	ssyncadd.remote.s32 $0x1  }
0xbe: {  	_ =	sfence.sel $0xFFFF  }
0xbf: {  	[dreg:$0x0] =	wrdreg $0xFFFFFFFF;
	(pc) =	sbr.abs _section_cstart, $3  }
0xc0: {  	[dreg:$0x1] =	wrdreg $0xFFFFFFFF  }
0xc1: {  	_ =	task.clear_ibuf [dreg:s6], $0x2FFFF;
	_ =	strace $0x9FFFFFFF  }
0xc2: {  	(tm) =	ssettm $0x7FFFFFFF  }
0xc3: {  	_ =	shalt  }
tec
execute0_lowered:
.L_overlay_start_1:
0x0: {  	(tag) =	ssettag $0x1  }
0x1: {  	s0 =	srdreg.scid;
	s3 =	rddreg [dreg:$0x0]  }
0x2: {  	s8 =	stileid.u32;
	s4 =	rddreg [dreg:$0x1];
	s2 =	simm.s32 $0x0  }
0x3: {  	s29 =	simm.s32 $0x5000;
	s30 =	simm.s32 $0xF000;
	s31 =	simm.s32 $0x1  }
0x4: {  	s0 =	sand.u32 $0x1, s0;
	s5 =	smul.u32 $0x500, s8;
	[smem:$0x7FF] =	sst s2  }
0x5: {  	s7 =	sadd.s32 $0x15E00, s3;
	s22 =	sadd.s32 $0x17200, s3;
	s1 =	sshll.u32 s0, $0x4  }
0x6: {  	s6 =	smul.u32 $0xA000, s0;
	_ =	strace $0x8000004A;
	[dreg:$0x3] =	wrdreg s7  }
0x7: {  	[dreg:$0x4] =	wrdreg s22;
	s0 =	ssub.s32 $0x2, s0;
	s1 =	sor.u32 s8, s1  }
0x8: {  	s23 =	sshrl.u32 s0, $0x1;
	s8 =	smul.u32 $0x14000, s8;
	s7 =	sadd.s32 s5, s4  }
0x9: {  	s1 =	smul.u32 $0x500, s1;
	s6 =	sadd.s32 s5, s6;
	s0 =	ssub.s32 s0, s23  }
0xa: {  	s9 =	sadd.s32 $0x5000, s7;
	s10 =	sadd.s32 $0xA000, s7;
	s11 =	sadd.s32 $0xF000, s7  }
0xb: {  	s12 =	sadd.s32 $0x14000, s7;
	s13 =	sadd.s32 $0x19000, s7;
	s14 =	sadd.s32 $0x1E000, s7  }
0xc: {  	s15 =	sadd.s32 $0x23000, s7;
	s16 =	sadd.s32 $0x28000, s7;
	s17 =	sadd.s32 $0x2D000, s7  }
0xd: {  	s18 =	sadd.s32 $0x32000, s7;
	s19 =	sadd.s32 $0x37000, s7;
	s20 =	sadd.s32 $0x3C000, s7  }
0xe: {  	s21 =	sadd.s32 $0x41000, s7;
	s22 =	sadd.s32 $0x46000, s7;
	s5 =	simm.s32 $0x9600  }
0xf: {  	s23 =	simm.s32 $0x0;
	s6 =	sshrl.u32 s6, $0x3;
	s25 =	sshrl.u32 s8, $0x2  }
0x10: {  	s0 =	smax.u32 s0, $0x1;
	s1 =	sadd.s32 s1, s3;
	s3 =	sadd.s32 s6, s3  }
0x11: {  	s8 =	sadd.s32 s25, s4;
	[dreg:$0x9] =	wrdreg s0;
	s24 =	sadd.s32 $0xBE00, s1  }
0x12: {  	s4 =	simm.s32 $0x9100;
	s1 =	sadd.s32 $0x1800, s1;
	[dreg:$0x5] =	wrdreg s24  }
0x13: {  	s6 =	simm.s32 $0x9B00;
	s26 =	sadd.s32 $0x18600, s3;
	[dreg:$0x6] =	wrdreg s1  }
0x14: {  	s0 =	simm.s32 $0xA000;
	s28 =	sadd.s32 $0x19000, s3;
	[dreg:$0x7] =	wrdreg s26  }
0x15: {  	[dreg:$0x8] =	wrdreg s28;
	s26 =	sadd.s32 $0x4B000, s7;
	s1 =	simm.s32 $0x2  }
.LBB2_1:
0x16: {  	s3 =	rddreg [dreg:$0x5]  }
0x17: {  	[tilespmem:s2], [sflag:$0x1] =	stream.linear.gather [hbm4b:s3+s2], $0x2800, $0x38;
	[tilespmem:$0x1E000] =	vst v63  }
0x18: {  	s28 =	rddreg [dreg:$0x6];
	s24 =	simm.s32 $0x2800  }
0x19: {  	[tilespmem:s24], [sflag:$0x1] =	stream.linear.gather [hbm4b:s28+s2], $0x2800, $0x38;
	[tilespmem:$0x1E000] =	vst v63  }
0x1a: {  	s25 =	rddreg [dreg:$0x3]  }
0x1b: {  	[tilespmem:s29], [sflag:$0x1] =	stream.linear.gather [hbm4b:s25+s2], $0xA000, $0x38;
	[tilespmem:$0x1E000] =	vst v63  }
0x1c: {  	s28 =	rddreg [dreg:$0x4]  }
0x1d: {  	[tilespmem:s30], [sflag:$0x1] =	stream.linear.gather [hbm4b:s28+s2], $0xA000, $0x38;
	[tilespmem:$0x1E000] =	vst v63  }
0x1e: {  	_ =	swait.ge [sflag:s31], $0x2800  }
0x1f: {  	[sflag:s31] =	ssyncset.done $0x0  }
0x20: {  	[sflag:s31] =	ssyncadd.s32 $0xFFFFD800  }
0x21: {  	_ =	swait.ge [sflag:s31], $0x2800  }
0x22: {  	[sflag:s31] =	ssyncset.done $0x0  }
0x23: {  	[sflag:s31] =	ssyncadd.s32 $0xFFFFD800  }
0x24: {  	_ =	swait.ge [sflag:s31], $0xA000  }
0x25: {  	[sflag:s31] =	ssyncset.done $0x0  }
0x26: {  	[sflag:s31] =	ssyncadd.s32 $0xFFFF6000  }
0x27: {  	_ =	swait.ge [sflag:s31], $0xA000  }
0x28: {  	[sflag:s31] =	ssyncset.done $0x0  }
0x29: {  	s3 =	simm.s32 $0x0;
	[sflag:s31] =	ssyncadd.s32 $0xFFFF6000  }
.LBB2_2:
0x2a: {  	s24 =	sshra.s32 s3, $0x2  }
0x2b: {  	v0 =	vld [tilespmem:s24+$0x0];
	_ =	sdelay $0x4  }
0x2c: {  	v1 =	vld [tilespmem:s24+$0x2800];
	v0 =	vshll.u32 v0, $0x2;
	_ =	sdelay $0x4  }
0x2d: {  	v1 =	vshll.u32 v1, $0x2;
	v2 =	vld.idx.msk [tilespmem:v0+s29+$0x0], $0xffff  }
0x2e: {  	v3 =	vor.u32 $0x1, v0;
	_ =	sdelay $0x3  }
0x2f: {  	[tilespmem:v1+s30+$0x0] =	vst.idx.add.f32.msk $0xffff, v2  }
0x30: {  	v50 =	vor.u32 $0x1, v1;
	v2 =	vld.idx.msk [tilespmem:v3+s29+$0x0], $0xffff  }
0x31: {  	v4 =	vor.u32 $0x2, v0;
	_ =	sdelay $0x3  }
0x32: {  	[tilespmem:v50+s30+$0x0] =	vst.idx.add.f32.msk $0xffff, v2  }
0x33: {  	v51 =	vor.u32 $0x2, v1;
	v2 =	vld.idx.msk [tilespmem:v4+s29+$0x0], $0xffff  }
0x34: {  	v0 =	vor.u32 $0x3, v0;
	_ =	sdelay $0x3  }
0x35: {  	[tilespmem:v51+s30+$0x0] =	vst.idx.add.f32.msk $0xffff, v2  }
0x36: {  	v1 =	vor.u32 $0x3, v1;
	v0 =	vld.idx.msk [tilespmem:v0+s29+$0x0], $0xffff;
	_ =	sdelay $0x4  }
0x37: {  	[tilespmem:v1+s30+$0x0] =	vst.idx.add.f32.msk $0xffff, v0  }
0x38: {  	v0 =	vld [tilespmem:s24+$0x10];
	_ =	sdelay $0x4  }
0x39: {  	v1 =	vld [tilespmem:s24+$0x2810];
	v0 =	vshll.u32 v0, $0x2;
	_ =	sdelay $0x4  }
0x3a: {  	v1 =	vshll.u32 v1, $0x2;
	v2 =	vld.idx.msk [tilespmem:v0+s29+$0x0], $0xffff  }
0x3b: {  	v52 =	vor.u32 $0x1, v0;
	_ =	sdelay $0x3  }
0x3c: {  	[tilespmem:v1+s30+$0x0] =	vst.idx.add.f32.msk $0xffff, v2  }
0x3d: {  	v53 =	vor.u32 $0x1, v1;
	v2 =	vld.idx.msk [tilespmem:v52+s29+$0x0], $0xffff  }
0x3e: {  	v54 =	vor.u32 $0x2, v0;
	_ =	sdelay $0x3  }
0x3f: {  	[tilespmem:v53+s30+$0x0] =	vst.idx.add.f32.msk $0xffff, v2  }
0x40: {  	v55 =	vor.u32 $0x2, v1;
	v2 =	vld.idx.msk [tilespmem:v54+s29+$0x0], $0xffff  }
0x41: {  	v0 =	vor.u32 $0x3, v0;
	_ =	sdelay $0x3  }
0x42: {  	[tilespmem:v55+s30+$0x0] =	vst.idx.add.f32.msk $0xffff, v2  }
0x43: {  	v1 =	vor.u32 $0x3, v1;
	v0 =	vld.idx.msk [tilespmem:v0+s29+$0x0], $0xffff;
	_ =	sdelay $0x4  }
0x44: {  	[tilespmem:v1+s30+$0x0] =	vst.idx.add.f32.msk $0xffff, v0  }
0x45: {  	v0 =	vld [tilespmem:s24+$0x20];
	_ =	sdelay $0x4  }
0x46: {  	v1 =	vld [tilespmem:s24+$0x2820];
	v0 =	vshll.u32 v0, $0x2;
	_ =	sdelay $0x4  }
0x47: {  	v1 =	vshll.u32 v1, $0x2;
	v2 =	vld.idx.msk [tilespmem:v0+s29+$0x0], $0xffff  }
0x48: {  	v56 =	vor.u32 $0x1, v0;
	_ =	sdelay $0x3  }
0x49: {  	[tilespmem:v1+s30+$0x0] =	vst.idx.add.f32.msk $0xffff, v2  }
0x4a: {  	v57 =	vor.u32 $0x1, v1;
	v2 =	vld.idx.msk [tilespmem:v56+s29+$0x0], $0xffff  }
0x4b: {  	v58 =	vor.u32 $0x2, v0;
	_ =	sdelay $0x3  }
0x4c: {  	[tilespmem:v57+s30+$0x0] =	vst.idx.add.f32.msk $0xffff, v2  }
0x4d: {  	v59 =	vor.u32 $0x2, v1;
	v2 =	vld.idx.msk [tilespmem:v58+s29+$0x0], $0xffff  }
0x4e: {  	v0 =	vor.u32 $0x3, v0;
	_ =	sdelay $0x3  }
0x4f: {  	[tilespmem:v59+s30+$0x0] =	vst.idx.add.f32.msk $0xffff, v2  }
0x50: {  	v1 =	vor.u32 $0x3, v1;
	v0 =	vld.idx.msk [tilespmem:v0+s29+$0x0], $0xffff;
	_ =	sdelay $0x4  }
0x51: {  	[tilespmem:v1+s30+$0x0] =	vst.idx.add.f32.msk $0xffff, v0  }
0x52: {  	v0 =	vld [tilespmem:s24+$0x30];
	_ =	sdelay $0x4  }
0x53: {  	v1 =	vld [tilespmem:s24+$0x2830];
	v0 =	vshll.u32 v0, $0x2;
	_ =	sdelay $0x4  }
0x54: {  	v1 =	vshll.u32 v1, $0x2;
	v2 =	vld.idx.msk [tilespmem:v0+s29+$0x0], $0xffff  }
0x55: {  	v60 =	vor.u32 $0x1, v0;
	_ =	sdelay $0x3  }
0x56: {  	[tilespmem:v1+s30+$0x0] =	vst.idx.add.f32.msk $0xffff, v2  }
0x57: {  	v61 =	vor.u32 $0x1, v1;
	v2 =	vld.idx.msk [tilespmem:v60+s29+$0x0], $0xffff  }
0x58: {  	v62 =	vor.u32 $0x2, v0;
	_ =	sdelay $0x3  }
0x59: {  	[tilespmem:v61+s30+$0x0] =	vst.idx.add.f32.msk $0xffff, v2  }
0x5a: {  	v63 =	vor.u32 $0x2, v1;
	v2 =	vld.idx.msk [tilespmem:v62+s29+$0x0], $0xffff  }
0x5b: {  	v0 =	vor.u32 $0x3, v0;
	_ =	sdelay $0x3  }
0x5c: {  	[tilespmem:v63+s30+$0x0] =	vst.idx.add.f32.msk $0xffff, v2  }
0x5d: {  	p0 =	sne.s32 s3, $0x9F00;
	v1 =	vor.u32 $0x3, v1;
	v0 =	vld.idx.msk [tilespmem:v0+s29+$0x0], $0xffff  }
.Ltmp0:
0x5e: {  	_ = 	snop;
	(pc) =	sbr.rel @p0 .LBB2_2-.Ltmp0, $2  }
0x5f: {  	_ =	sdelay $0x2  }
0x60: {  	s3 =	sadd.s32 $0x100, s3;
	[tilespmem:v1+s30+$0x0] =	vst.idx.add.f32.msk $0xffff, v0  }
0x61: {  	[spmem:s8] =	stream.linear.scatter [tilespmem:s30], [sflag:$0x2], $0x5000, $0x38;
	[tilespmem:$0x1E000] =	vst v63  }
0x62: {  	_ =	swait.ge [sflag:s1], $0x5000  }
0x63: {  	[sflag:s1] =	ssyncset.done $0x0  }
0x64: {  	[sflag:s1] =	ssyncadd.s32 $0xFFFFB000  }
0x65: {  	[bflag:$0x0] =	sbarrier.arrive $0xFFFF  }
0x66: {  	[tilespmem:s29], [sflag:$0x2] =	stream.linear.gather [spmem:s7], $0x500, $0x38;
	[tilespmem:$0x1E000] =	vst v63  }
0x67: {  	_ =	swait.ge [sflag:s1], $0x500  }
0x68: {  	[sflag:s1] =	ssyncset.done $0x0  }
0x69: {  	s3 =	simm.s32 $0x5500;
	[sflag:s1] =	ssyncadd.s32 $0xFFFFFB00  }
0x6a: {  	[tilespmem:s3], [sflag:$0x2] =	stream.linear.gather [spmem:s9], $0x500, $0x38;
	[tilespmem:$0x1E000] =	vst v63  }
0x6b: {  	_ =	swait.ge [sflag:s1], $0x500  }
0x6c: {  	[sflag:s1] =	ssyncset.done $0x0  }
0x6d: {  	s25 =	simm.s32 $0x5A00;
	[sflag:s1] =	ssyncadd.s32 $0xFFFFFB00  }
0x6e: {  	[tilespmem:s25], [sflag:$0x2] =	stream.linear.gather [spmem:s10], $0x500, $0x38;
	[tilespmem:$0x1E000] =	vst v63  }
0x6f: {  	_ =	swait.ge [sflag:s1], $0x500  }
0x70: {  	[sflag:s1] =	ssyncset.done $0x0  }
0x71: {  	s24 =	simm.s32 $0x5F00;
	[sflag:s1] =	ssyncadd.s32 $0xFFFFFB00  }
0x72: {  	[tilespmem:s24], [sflag:$0x2] =	stream.linear.gather [spmem:s11], $0x500, $0x38;
	[tilespmem:$0x1E000] =	vst v63  }
0x73: {  	_ =	swait.ge [sflag:s1], $0x500  }
0x74: {  	[sflag:s1] =	ssyncset.done $0x0  }
0x75: {  	s25 =	simm.s32 $0x6400;
	[sflag:s1] =	ssyncadd.s32 $0xFFFFFB00  }
0x76: {  	[tilespmem:s25], [sflag:$0x2] =	stream.linear.gather [spmem:s12], $0x500, $0x38;
	[tilespmem:$0x1E000] =	vst v63  }
0x77: {  	_ =	swait.ge [sflag:s1], $0x500  }
0x78: {  	[sflag:s1] =	ssyncset.done $0x0  }
0x79: {  	s24 =	simm.s32 $0x6900;
	[sflag:s1] =	ssyncadd.s32 $0xFFFFFB00  }
0x7a: {  	[tilespmem:s24], [sflag:$0x2] =	stream.linear.gather [spmem:s13], $0x500, $0x38;
	[tilespmem:$0x1E000] =	vst v63  }
0x7b: {  	_ =	swait.ge [sflag:s1], $0x500  }
0x7c: {  	[sflag:s1] =	ssyncset.done $0x0  }
0x7d: {  	s25 =	simm.s32 $0x6E00;
	[sflag:s1] =	ssyncadd.s32 $0xFFFFFB00  }
0x7e: {  	[tilespmem:s25], [sflag:$0x2] =	stream.linear.gather [spmem:s14], $0x500, $0x38;
	[tilespmem:$0x1E000] =	vst v63  }
0x7f: {  	_ =	swait.ge [sflag:s1], $0x500  }
0x80: {  	[sflag:s1] =	ssyncset.done $0x0  }
0x81: {  	s24 =	simm.s32 $0x7300;
	[sflag:s1] =	ssyncadd.s32 $0xFFFFFB00  }
0x82: {  	[tilespmem:s24], [sflag:$0x2] =	stream.linear.gather [spmem:s15], $0x500, $0x38;
	[tilespmem:$0x1E000] =	vst v63  }
0x83: {  	_ =	swait.ge [sflag:s1], $0x500  }
0x84: {  	[sflag:s1] =	ssyncset.done $0x0  }
0x85: {  	s25 =	simm.s32 $0x7800;
	[sflag:s1] =	ssyncadd.s32 $0xFFFFFB00  }
0x86: {  	[tilespmem:s25], [sflag:$0x2] =	stream.linear.gather [spmem:s16], $0x500, $0x38;
	[tilespmem:$0x1E000] =	vst v63  }
0x87: {  	_ =	swait.ge [sflag:s1], $0x500  }
0x88: {  	[sflag:s1] =	ssyncset.done $0x0  }
0x89: {  	s24 =	simm.s32 $0x7D00;
	[sflag:s1] =	ssyncadd.s32 $0xFFFFFB00  }
0x8a: {  	[tilespmem:s24], [sflag:$0x2] =	stream.linear.gather [spmem:s17], $0x500, $0x38;
	[tilespmem:$0x1E000] =	vst v63  }
0x8b: {  	_ =	swait.ge [sflag:s1], $0x500  }
0x8c: {  	[sflag:s1] =	ssyncset.done $0x0  }
0x8d: {  	s25 =	simm.s32 $0x8200;
	[sflag:s1] =	ssyncadd.s32 $0xFFFFFB00  }
0x8e: {  	[tilespmem:s25], [sflag:$0x2] =	stream.linear.gather [spmem:s18], $0x500, $0x38;
	[tilespmem:$0x1E000] =	vst v63  }
0x8f: {  	_ =	swait.ge [sflag:s1], $0x500  }
0x90: {  	[sflag:s1] =	ssyncset.done $0x0  }
0x91: {  	s24 =	simm.s32 $0x8700;
	[sflag:s1] =	ssyncadd.s32 $0xFFFFFB00  }
0x92: {  	[tilespmem:s24], [sflag:$0x2] =	stream.linear.gather [spmem:s19], $0x500, $0x38;
	[tilespmem:$0x1E000] =	vst v63  }
0x93: {  	_ =	swait.ge [sflag:s1], $0x500  }
0x94: {  	[sflag:s1] =	ssyncset.done $0x0  }
0x95: {  	s25 =	simm.s32 $0x8C00;
	[sflag:s1] =	ssyncadd.s32 $0xFFFFFB00  }
0x96: {  	[tilespmem:s25], [sflag:$0x2] =	stream.linear.gather [spmem:s20], $0x500, $0x38;
	[tilespmem:$0x1E000] =	vst v63  }
0x97: {  	_ =	swait.ge [sflag:s1], $0x500  }
0x98: {  	[sflag:s1] =	ssyncset.done $0x0  }
0x99: {  	[sflag:s1] =	ssyncadd.s32 $0xFFFFFB00  }
0x9a: {  	[tilespmem:s4], [sflag:$0x2] =	stream.linear.gather [spmem:s21], $0x500, $0x38;
	[tilespmem:$0x1E000] =	vst v63  }
0x9b: {  	_ =	swait.ge [sflag:s1], $0x500  }
0x9c: {  	[sflag:s1] =	ssyncset.done $0x0  }
0x9d: {  	[sflag:s1] =	ssyncadd.s32 $0xFFFFFB00  }
0x9e: {  	[tilespmem:s5], [sflag:$0x2] =	stream.linear.gather [spmem:s22], $0x500, $0x38;
	[tilespmem:$0x1E000] =	vst v63  }
0x9f: {  	_ =	swait.ge [sflag:s1], $0x500  }
0xa0: {  	[sflag:s1] =	ssyncset.done $0x0  }
0xa1: {  	[sflag:s1] =	ssyncadd.s32 $0xFFFFFB00  }
0xa2: {  	[tilespmem:s6], [sflag:$0x2] =	stream.linear.gather [spmem:s26], $0x500, $0x38;
	[tilespmem:$0x1E000] =	vst v63  }
0xa3: {  	_ =	swait.ge [sflag:s1], $0x500  }
0xa4: {  	[sflag:s1] =	ssyncset.done $0x0  }
0xa5: {  	s24 =	simm.s32 $0x0;
	[sflag:s1] =	ssyncadd.s32 $0xFFFFFB00  }
0xa6: {  	v0 =	vld [tilespmem:s24+$0x5000]  }
0xa7: {  	v1 =	vld [tilespmem:s24+$0x5500];
	_ =	sdelay $0x1  }
0xa8: {  	v2 =	vld [tilespmem:s24+$0x5A00];
	_ =	sdelay $0x1  }
0xa9: {  	v3 =	vld [tilespmem:s24+$0x5F00]  }
0xaa: {  	v0 =	vadd.f32 v1, v0  }
0xab: {  	v1 =	vld [tilespmem:s24+$0x6400]  }
0xac: {  	v0 =	vadd.f32 v2, v0  }
0xad: {  	v2 =	vld [tilespmem:s24+$0x6900]  }
0xae: {  	v0 =	vadd.f32 v3, v0  }
0xaf: {  	v3 =	vld [tilespmem:s24+$0x6E00]  }
0xb0: {  	v0 =	vadd.f32 v1, v0  }
0xb1: {  	v1 =	vld [tilespmem:s24+$0x7300]  }
0xb2: {  	s28 =	simm.s32 $0x10;
	v4 =	vld [tilespmem:s24+$0x7800];
	v0 =	vadd.f32 v2, v0  }
0xb3: {  	v5 =	vld [tilespmem:s28+$0x5000]  }
0xb4: {  	v2 =	vld [tilespmem:s24+$0x7D00];
	v0 =	vadd.f32 v3, v0  }
0xb5: {  	v3 =	vld [tilespmem:s28+$0x5500]  }
0xb6: {  	v6 =	vld [tilespmem:s28+$0x5A00];
	v0 =	vadd.f32 v1, v0  }
0xb7: {  	v1 =	vld [tilespmem:s24+$0x8200]  }
0xb8: {  	v7 =	vld [tilespmem:s28+$0x5F00];
	v0 =	vadd.f32 v4, v0  }
0xb9: {  	v4 =	vld [tilespmem:s24+$0x8700]  }
0xba: {  	v3 =	vadd.f32 v3, v5;
	v5 =	vld [tilespmem:s28+$0x6400];
	v0 =	vadd.f32 v2, v0  }
0xbb: {  	v2 =	vld [tilespmem:s24+$0x8C00]  }
0xbc: {  	v3 =	vadd.f32 v6, v3;
	v6 =	vld [tilespmem:s28+$0x6900];
	v0 =	vadd.f32 v1, v0  }
0xbd: {  	v1 =	vld [tilespmem:s24+$0x9100]  }
0xbe: {  	v8 =	vld [tilespmem:s28+$0x6E00];
	v3 =	vadd.f32 v7, v3;
	v0 =	vadd.f32 v4, v0  }
0xbf: {  	v7 =	vld [tilespmem:s24+$0x9600]  }
0xc0: {  	v4 =	vadd.f32 v5, v3;
	v3 =	vld [tilespmem:s28+$0x7300];
	v5 =	vadd.f32 v2, v0  }
0xc1: {  	v2 =	vld [tilespmem:s24+$0x9B00]  }
0xc2: {  	v0 =	vld [tilespmem:s28+$0x7D00];
	v6 =	vadd.f32 v6, v4;
	v9 =	vadd.f32 v1, v5  }
0xc3: {  	s3 =	simm.s32 $0x20;
	v4 =	vld [tilespmem:s28+$0x7800]  }
0xc4: {  	s25 =	simm.s32 $0xC0;
	v1 =	vld [tilespmem:s3+$0x5000];
	v5 =	vadd.f32 v8, v6;
	v6 =	vadd.f32 v7, v9  }
.LBB2_4:
0xc5: {  	p0 =	sne.s32 s25, $0x13C0;
	v7 =	vld [tilespmem:s3+$0x5500]  }
0xc6: {  	v3 =	vadd.f32 v3, v5;
	v5 =	vld [tilespmem:s28+$0x8200];
	v2 =	vadd.f32 v2, v6  }
0xc7: {  	v6 =	vld [tilespmem:s3+$0x5A00]  }
0xc8: {  	v3 =	vadd.f32 v4, v3;
	v4 =	vld [tilespmem:s28+$0x8700];
	[tilespmem:s24+$0xA000] =	vst v2;
	s24 =	smov.u32 s28;
	s28 =	smov.u32 s3  }
0xc9: {  	v2 =	vld [tilespmem:s28+$0x5F00]  }
0xca: {  	v1 =	vadd.f32 v7, v1;
	v0 =	vadd.f32 v0, v3;
	v3 =	vld [tilespmem:s24+$0x8C00]  }
0xcb: {  	v7 =	vld [tilespmem:s28+$0x6400]  }
0xcc: {  	v1 =	vadd.f32 v6, v1;
	v0 =	vadd.f32 v5, v0;
	v5 =	vld [tilespmem:s24+$0x9100]  }
0xcd: {  	v6 =	vld [tilespmem:s28+$0x6900]  }
0xce: {  	v1 =	vadd.f32 v2, v1;
	v0 =	vadd.f32 v4, v0;
	v8 =	vld [tilespmem:s24+$0x9600]  }
0xcf: {  	v9 =	vld [tilespmem:s28+$0x6E00]  }
.Ltmp1:
0xd0: {  	v1 =	vadd.f32 v7, v1;
	v4 =	vadd.f32 v3, v0;
	v2 =	vld [tilespmem:s24+$0x9B00];
	(pc) =	sbr.rel @p0 .LBB2_4-.Ltmp1, $4  }
0xd1: {  	v3 =	vld [tilespmem:s28+$0x7300]  }
0xd2: {  	v6 =	vadd.f32 v6, v1;
	v0 =	vld [tilespmem:s28+$0x7D00];
	v7 =	vadd.f32 v5, v4  }
0xd3: {  	s3 =	sshra.s32 s25, $0x2;
	v4 =	vld [tilespmem:s28+$0x7800]  }
0xd4: {  	s25 =	sadd.s32 $0x40, s25;
	v1 =	vld [tilespmem:s3+$0x5000];
	v5 =	vadd.f32 v9, v6;
	v6 =	vadd.f32 v8, v7  }
0xd5: {  	v7 =	vld [tilespmem:s3+$0x5500]  }
0xd6: {  	v8 =	vld [tilespmem:s28+$0x8200];
	v2 =	vadd.f32 v2, v6  }
0xd7: {  	v6 =	vld [tilespmem:s3+$0x5A00]  }
0xd8: {  	v9 =	vld [tilespmem:s28+$0x8700];
	v3 =	vadd.f32 v3, v5;
	[tilespmem:s24+$0xA000] =	vst v2  }
0xd9: {  	v2 =	vld [tilespmem:s3+$0x5F00]  }
0xda: {  	v3 =	vadd.f32 v4, v3;
	v1 =	vadd.f32 v7, v1  }
0xdb: {  	v4 =	vld [tilespmem:s3+$0x6400]  }
0xdc: {  	v5 =	vld [tilespmem:s3+$0x6900];
	v0 =	vadd.f32 v0, v3;
	v1 =	vadd.f32 v6, v1  }
0xdd: {  	v3 =	vld [tilespmem:s28+$0x8C00]  }
0xde: {  	v0 =	vadd.f32 v8, v0;
	v6 =	vld [tilespmem:s28+$0x9100];
	v1 =	vadd.f32 v2, v1  }
0xdf: {  	v2 =	vld [tilespmem:s3+$0x6E00]  }
0xe0: {  	v7 =	vld [tilespmem:s28+$0x9600];
	v0 =	vadd.f32 v9, v0;
	v1 =	vadd.f32 v4, v1  }
0xe1: {  	v4 =	vld [tilespmem:s3+$0x7300]  }
0xe2: {  	v0 =	vadd.f32 v3, v0;
	v3 =	vld [tilespmem:s28+$0x9B00];
	v1 =	vadd.f32 v5, v1  }
0xe3: {  	v5 =	vld [tilespmem:s3+$0x7800]  }
0xe4: {  	v0 =	vadd.f32 v6, v0;
	v1 =	vadd.f32 v2, v1  }
0xe5: {  	v2 =	vld [tilespmem:s3+$0x7D00]  }
0xe6: {  	v0 =	vadd.f32 v7, v0;
	v1 =	vadd.f32 v4, v1  }
0xe7: {  	v4 =	vld [tilespmem:s3+$0x8200]  }
0xe8: {  	v0 =	vadd.f32 v3, v0;
	v1 =	vadd.f32 v5, v1  }
0xe9: {  	v3 =	vld [tilespmem:s3+$0x8700]  }
0xea: {  	[tilespmem:s28+$0xA000] =	vst v0;
	v0 =	vadd.f32 v2, v1  }
0xeb: {  	v1 =	vld [tilespmem:s3+$0x8C00]  }
0xec: {  	v0 =	vadd.f32 v4, v0  }
0xed: {  	v2 =	vld [tilespmem:s3+$0x9100]  }
0xee: {  	v0 =	vadd.f32 v3, v0  }
0xef: {  	v3 =	vld [tilespmem:s3+$0x9600]  }
0xf0: {  	v0 =	vadd.f32 v1, v0  }
0xf1: {  	v1 =	vld [tilespmem:s3+$0x9B00]  }
0xf2: {  	v0 =	vadd.f32 v2, v0;
	_ =	sdelay $0x1  }
0xf3: {  	v0 =	vadd.f32 v3, v0;
	_ =	sdelay $0x1  }
0xf4: {  	v0 =	vadd.f32 v1, v0;
	_ =	sdelay $0x1  }
0xf5: {  	s25 =	rddreg [dreg:$0x7];
	s24 =	simm.s32 $0x0;
	[tilespmem:s3+$0xA000] =	vst v0  }
0xf6: {  	[hbm4b:s25+s24] =	stream.linear.scatter [tilespmem:s0], [sflag:$0x2], $0x500, $0x38;
	[tilespmem:$0x1E000] =	vst v63  }
0xf7: {  	_ =	swait.ge [sflag:s1], $0x500  }
0xf8: {  	[sflag:s1] =	ssyncset.done $0x0  }
0xf9: {  	[sflag:s1] =	ssyncadd.s32 $0xFFFFFB00  }
0xfa: {  	s25 =	simm.s32 $0x14000;
	[bflag:$0x0] =	sbarrier.arrive $0xFFFF  }
0xfb: {  	[spmem:s8] =	stream.linear.scatter [tilespmem:s25], [sflag:$0x2], $0x5000, $0x38;
	[tilespmem:$0x1E000] =	vst v63  }
0xfc: {  	_ =	swait.ge [sflag:s1], $0x5000  }
0xfd: {  	[sflag:s1] =	ssyncset.done $0x0  }
0xfe: {  	[sflag:s1] =	ssyncadd.s32 $0xFFFFB000  }
0xff: {  	[bflag:$0x0] =	sbarrier.arrive $0xFFFF  }
0x100: {  	[tilespmem:s29], [sflag:$0x2] =	stream.linear.gather [spmem:s7], $0x500, $0x38;
	[tilespmem:$0x1E000] =	vst v63  }
0x101: {  	_ =	swait.ge [sflag:s1], $0x500  }
0x102: {  	[sflag:s1] =	ssyncset.done $0x0  }
0x103: {  	s24 =	simm.s32 $0x5500;
	[sflag:s1] =	ssyncadd.s32 $0xFFFFFB00  }
0x104: {  	[tilespmem:s24], [sflag:$0x2] =	stream.linear.gather [spmem:s9], $0x500, $0x38;
	[tilespmem:$0x1E000] =	vst v63  }
0x105: {  	_ =	swait.ge [sflag:s1], $0x500  }
0x106: {  	[sflag:s1] =	ssyncset.done $0x0  }
0x107: {  	s25 =	simm.s32 $0x5A00;
	[sflag:s1] =	ssyncadd.s32 $0xFFFFFB00  }
0x108: {  	[tilespmem:s25], [sflag:$0x2] =	stream.linear.gather [spmem:s10], $0x500, $0x38;
	[tilespmem:$0x1E000] =	vst v63  }
0x109: {  	_ =	swait.ge [sflag:s1], $0x500  }
0x10a: {  	[sflag:s1] =	ssyncset.done $0x0  }
0x10b: {  	s24 =	simm.s32 $0x5F00;
	[sflag:s1] =	ssyncadd.s32 $0xFFFFFB00  }
0x10c: {  	[tilespmem:s24], [sflag:$0x2] =	stream.linear.gather [spmem:s11], $0x500, $0x38;
	[tilespmem:$0x1E000] =	vst v63  }
0x10d: {  	_ =	swait.ge [sflag:s1], $0x500  }
0x10e: {  	[sflag:s1] =	ssyncset.done $0x0  }
0x10f: {  	s25 =	simm.s32 $0x6400;
	[sflag:s1] =	ssyncadd.s32 $0xFFFFFB00  }
0x110: {  	[tilespmem:s25], [sflag:$0x2] =	stream.linear.gather [spmem:s12], $0x500, $0x38;
	[tilespmem:$0x1E000] =	vst v63  }
0x111: {  	_ =	swait.ge [sflag:s1], $0x500  }
0x112: {  	[sflag:s1] =	ssyncset.done $0x0  }
0x113: {  	s24 =	simm.s32 $0x6900;
	[sflag:s1] =	ssyncadd.s32 $0xFFFFFB00  }
0x114: {  	[tilespmem:s24], [sflag:$0x2] =	stream.linear.gather [spmem:s13], $0x500, $0x38;
	[tilespmem:$0x1E000] =	vst v63  }
0x115: {  	_ =	swait.ge [sflag:s1], $0x500  }
0x116: {  	[sflag:s1] =	ssyncset.done $0x0  }
0x117: {  	s25 =	simm.s32 $0x6E00;
	[sflag:s1] =	ssyncadd.s32 $0xFFFFFB00  }
0x118: {  	[tilespmem:s25], [sflag:$0x2] =	stream.linear.gather [spmem:s14], $0x500, $0x38;
	[tilespmem:$0x1E000] =	vst v63  }
0x119: {  	_ =	swait.ge [sflag:s1], $0x500  }
0x11a: {  	[sflag:s1] =	ssyncset.done $0x0  }
0x11b: {  	s24 =	simm.s32 $0x7300;
	[sflag:s1] =	ssyncadd.s32 $0xFFFFFB00  }
0x11c: {  	[tilespmem:s24], [sflag:$0x2] =	stream.linear.gather [spmem:s15], $0x500, $0x38;
	[tilespmem:$0x1E000] =	vst v63  }
0x11d: {  	_ =	swait.ge [sflag:s1], $0x500  }
0x11e: {  	[sflag:s1] =	ssyncset.done $0x0  }
0x11f: {  	s25 =	simm.s32 $0x7800;
	[sflag:s1] =	ssyncadd.s32 $0xFFFFFB00  }
0x120: {  	[tilespmem:s25], [sflag:$0x2] =	stream.linear.gather [spmem:s16], $0x500, $0x38;
	[tilespmem:$0x1E000] =	vst v63  }
0x121: {  	_ =	swait.ge [sflag:s1], $0x500  }
0x122: {  	[sflag:s1] =	ssyncset.done $0x0  }
0x123: {  	s24 =	simm.s32 $0x7D00;
	[sflag:s1] =	ssyncadd.s32 $0xFFFFFB00  }
0x124: {  	[tilespmem:s24], [sflag:$0x2] =	stream.linear.gather [spmem:s17], $0x500, $0x38;
	[tilespmem:$0x1E000] =	vst v63  }
0x125: {  	_ =	swait.ge [sflag:s1], $0x500  }
0x126: {  	[sflag:s1] =	ssyncset.done $0x0  }
0x127: {  	s25 =	simm.s32 $0x8200;
	[sflag:s1] =	ssyncadd.s32 $0xFFFFFB00  }
0x128: {  	[tilespmem:s25], [sflag:$0x2] =	stream.linear.gather [spmem:s18], $0x500, $0x38;
	[tilespmem:$0x1E000] =	vst v63  }
0x129: {  	_ =	swait.ge [sflag:s1], $0x500  }
0x12a: {  	[sflag:s1] =	ssyncset.done $0x0  }
0x12b: {  	s24 =	simm.s32 $0x8700;
	[sflag:s1] =	ssyncadd.s32 $0xFFFFFB00  }
0x12c: {  	[tilespmem:s24], [sflag:$0x2] =	stream.linear.gather [spmem:s19], $0x500, $0x38;
	[tilespmem:$0x1E000] =	vst v63  }
0x12d: {  	_ =	swait.ge [sflag:s1], $0x500  }
0x12e: {  	[sflag:s1] =	ssyncset.done $0x0  }
0x12f: {  	s25 =	simm.s32 $0x8C00;
	[sflag:s1] =	ssyncadd.s32 $0xFFFFFB00  }
0x130: {  	[tilespmem:s25], [sflag:$0x2] =	stream.linear.gather [spmem:s20], $0x500, $0x38;
	[tilespmem:$0x1E000] =	vst v63  }
0x131: {  	_ =	swait.ge [sflag:s1], $0x500  }
0x132: {  	[sflag:s1] =	ssyncset.done $0x0  }
0x133: {  	[sflag:s1] =	ssyncadd.s32 $0xFFFFFB00  }
0x134: {  	[tilespmem:s4], [sflag:$0x2] =	stream.linear.gather [spmem:s21], $0x500, $0x38;
	[tilespmem:$0x1E000] =	vst v63  }
0x135: {  	_ =	swait.ge [sflag:s1], $0x500  }
0x136: {  	[sflag:s1] =	ssyncset.done $0x0  }
0x137: {  	[sflag:s1] =	ssyncadd.s32 $0xFFFFFB00  }
0x138: {  	[tilespmem:s5], [sflag:$0x2] =	stream.linear.gather [spmem:s22], $0x500, $0x38;
	[tilespmem:$0x1E000] =	vst v63  }
0x139: {  	_ =	swait.ge [sflag:s1], $0x500  }
0x13a: {  	[sflag:s1] =	ssyncset.done $0x0  }
0x13b: {  	[sflag:s1] =	ssyncadd.s32 $0xFFFFFB00  }
0x13c: {  	[tilespmem:s6], [sflag:$0x2] =	stream.linear.gather [spmem:s26], $0x500, $0x38;
	[tilespmem:$0x1E000] =	vst v63  }
0x13d: {  	_ =	swait.ge [sflag:s1], $0x500  }
0x13e: {  	[sflag:s1] =	ssyncset.done $0x0  }
0x13f: {  	s24 =	simm.s32 $0x0;
	[sflag:s1] =	ssyncadd.s32 $0xFFFFFB00  }
0x140: {  	v0 =	vld [tilespmem:s24+$0x5000]  }
0x141: {  	v1 =	vld [tilespmem:s24+$0x5500];
	_ =	sdelay $0x1  }
0x142: {  	v2 =	vld [tilespmem:s24+$0x5A00];
	_ =	sdelay $0x1  }
0x143: {  	v3 =	vld [tilespmem:s24+$0x5F00]  }
0x144: {  	v0 =	vadd.f32 v1, v0  }
0x145: {  	v1 =	vld [tilespmem:s24+$0x6400]  }
0x146: {  	v0 =	vadd.f32 v2, v0  }
0x147: {  	v2 =	vld [tilespmem:s24+$0x6900]  }
0x148: {  	v0 =	vadd.f32 v3, v0  }
0x149: {  	v3 =	vld [tilespmem:s24+$0x6E00]  }
0x14a: {  	v0 =	vadd.f32 v1, v0  }
0x14b: {  	v1 =	vld [tilespmem:s24+$0x7300]  }
0x14c: {  	s28 =	simm.s32 $0x10;
	v4 =	vld [tilespmem:s24+$0x7800];
	v0 =	vadd.f32 v2, v0  }
0x14d: {  	v5 =	vld [tilespmem:s28+$0x5000]  }
0x14e: {  	v2 =	vld [tilespmem:s24+$0x7D00];
	v0 =	vadd.f32 v3, v0  }
0x14f: {  	v3 =	vld [tilespmem:s28+$0x5500]  }
0x150: {  	v6 =	vld [tilespmem:s28+$0x5A00];
	v0 =	vadd.f32 v1, v0  }
0x151: {  	v1 =	vld [tilespmem:s24+$0x8200]  }
0x152: {  	v7 =	vld [tilespmem:s28+$0x5F00];
	v0 =	vadd.f32 v4, v0  }
0x153: {  	v4 =	vld [tilespmem:s24+$0x8700]  }
0x154: {  	v3 =	vadd.f32 v3, v5;
	v5 =	vld [tilespmem:s28+$0x6400];
	v0 =	vadd.f32 v2, v0  }
0x155: {  	v2 =	vld [tilespmem:s24+$0x8C00]  }
0x156: {  	v3 =	vadd.f32 v6, v3;
	v6 =	vld [tilespmem:s28+$0x6900];
	v0 =	vadd.f32 v1, v0  }
0x157: {  	v1 =	vld [tilespmem:s24+$0x9100]  }
0x158: {  	v8 =	vld [tilespmem:s28+$0x6E00];
	v3 =	vadd.f32 v7, v3;
	v0 =	vadd.f32 v4, v0  }
0x159: {  	v7 =	vld [tilespmem:s24+$0x9600]  }
0x15a: {  	v4 =	vadd.f32 v5, v3;
	v3 =	vld [tilespmem:s28+$0x7300];
	v5 =	vadd.f32 v2, v0  }
0x15b: {  	v2 =	vld [tilespmem:s24+$0x9B00]  }
0x15c: {  	v0 =	vld [tilespmem:s28+$0x7D00];
	v6 =	vadd.f32 v6, v4;
	v63 =	vadd.f32 v1, v5  }
0x15d: {  	s3 =	simm.s32 $0x20;
	v4 =	vld [tilespmem:s28+$0x7800]  }
0x15e: {  	s25 =	simm.s32 $0xC0;
	v1 =	vld [tilespmem:s3+$0x5000];
	v5 =	vadd.f32 v8, v6;
	v6 =	vadd.f32 v7, v63  }
.LBB2_6:
0x15f: {  	p0 =	sne.s32 s25, $0x13C0;
	v7 =	vld [tilespmem:s3+$0x5500]  }
0x160: {  	v3 =	vadd.f32 v3, v5;
	v5 =	vld [tilespmem:s28+$0x8200];
	v2 =	vadd.f32 v2, v6  }
0x161: {  	v6 =	vld [tilespmem:s3+$0x5A00]  }
0x162: {  	v3 =	vadd.f32 v4, v3;
	v4 =	vld [tilespmem:s28+$0x8700];
	[tilespmem:s24+$0xA000] =	vst v2;
	s24 =	smov.u32 s28;
	s28 =	smov.u32 s3  }
0x163: {  	v2 =	vld [tilespmem:s28+$0x5F00]  }
0x164: {  	v1 =	vadd.f32 v7, v1;
	v0 =	vadd.f32 v0, v3;
	v3 =	vld [tilespmem:s24+$0x8C00]  }
0x165: {  	v7 =	vld [tilespmem:s28+$0x6400]  }
0x166: {  	v1 =	vadd.f32 v6, v1;
	v0 =	vadd.f32 v5, v0;
	v5 =	vld [tilespmem:s24+$0x9100]  }
0x167: {  	v6 =	vld [tilespmem:s28+$0x6900]  }
0x168: {  	v1 =	vadd.f32 v2, v1;
	v0 =	vadd.f32 v4, v0;
	v8 =	vld [tilespmem:s24+$0x9600]  }
0x169: {  	v9 =	vld [tilespmem:s28+$0x6E00]  }
.Ltmp2:
0x16a: {  	v1 =	vadd.f32 v7, v1;
	v4 =	vadd.f32 v3, v0;
	v2 =	vld [tilespmem:s24+$0x9B00];
	(pc) =	sbr.rel @p0 .LBB2_6-.Ltmp2, $4  }
0x16b: {  	v3 =	vld [tilespmem:s28+$0x7300]  }
0x16c: {  	v6 =	vadd.f32 v6, v1;
	v0 =	vld [tilespmem:s28+$0x7D00];
	v7 =	vadd.f32 v5, v4  }
0x16d: {  	s3 =	sshra.s32 s25, $0x2;
	v4 =	vld [tilespmem:s28+$0x7800]  }
0x16e: {  	s25 =	sadd.s32 $0x40, s25;
	v1 =	vld [tilespmem:s3+$0x5000];
	v5 =	vadd.f32 v9, v6;
	v6 =	vadd.f32 v8, v7  }
0x16f: {  	v7 =	vld [tilespmem:s3+$0x5500]  }
0x170: {  	v8 =	vld [tilespmem:s28+$0x8200];
	v2 =	vadd.f32 v2, v6  }
0x171: {  	v46 =	vld [tilespmem:s3+$0x5A00]  }
0x172: {  	v9 =	vld [tilespmem:s28+$0x8700];
	v3 =	vadd.f32 v3, v5;
	[tilespmem:s24+$0xA000] =	vst v2  }
0x173: {  	v2 =	vld [tilespmem:s3+$0x5F00]  }
0x174: {  	v3 =	vadd.f32 v4, v3;
	v1 =	vadd.f32 v7, v1  }
0x175: {  	v47 =	vld [tilespmem:s3+$0x6400]  }
0x176: {  	v48 =	vld [tilespmem:s28+$0x8C00];
	v0 =	vadd.f32 v0, v3;
	v1 =	vadd.f32 v46, v1  }
0x177: {  	v49 =	vld [tilespmem:s3+$0x6900]  }
0x178: {  	v50 =	vld [tilespmem:s28+$0x9100];
	v0 =	vadd.f32 v8, v0;
	v1 =	vadd.f32 v2, v1  }
0x179: {  	v51 =	vld [tilespmem:s3+$0x6E00]  }
0x17a: {  	v52 =	vld [tilespmem:s28+$0x9600];
	v0 =	vadd.f32 v9, v0;
	v1 =	vadd.f32 v47, v1  }
0x17b: {  	v53 =	vld [tilespmem:s3+$0x7300]  }
0x17c: {  	v54 =	vld [tilespmem:s28+$0x9B00];
	v0 =	vadd.f32 v48, v0;
	v1 =	vadd.f32 v49, v1  }
0x17d: {  	v55 =	vld [tilespmem:s3+$0x7800]  }
0x17e: {  	v0 =	vadd.f32 v50, v0;
	v1 =	vadd.f32 v51, v1  }
0x17f: {  	v56 =	vld [tilespmem:s3+$0x7D00]  }
0x180: {  	v0 =	vadd.f32 v52, v0;
	v1 =	vadd.f32 v53, v1  }
0x181: {  	v57 =	vld [tilespmem:s3+$0x8200]  }
0x182: {  	v0 =	vadd.f32 v54, v0;
	v1 =	vadd.f32 v55, v1  }
0x183: {  	v58 =	vld [tilespmem:s3+$0x8700]  }
0x184: {  	[tilespmem:s28+$0xA000] =	vst v0;
	v59 =	vadd.f32 v56, v1  }
0x185: {  	v60 =	vld [tilespmem:s3+$0x8C00]  }
0x186: {  	v0 =	vadd.f32 v57, v59  }
0x187: {  	v61 =	vld [tilespmem:s3+$0x9100]  }
0x188: {  	v0 =	vadd.f32 v58, v0  }
0x189: {  	v62 =	vld [tilespmem:s3+$0x9600]  }
0x18a: {  	v0 =	vadd.f32 v60, v0  }
0x18b: {  	v63 =	vld [tilespmem:s3+$0x9B00]  }
0x18c: {  	v0 =	vadd.f32 v61, v0;
	_ =	sdelay $0x1  }
0x18d: {  	v0 =	vadd.f32 v62, v0;
	_ =	sdelay $0x1  }
0x18e: {  	v0 =	vadd.f32 v63, v0;
	_ =	sdelay $0x1  }
0x18f: {  	s25 =	rddreg [dreg:$0x8];
	[tilespmem:s3+$0xA000] =	vst v0  }
0x190: {  	[hbm4b:s25+s2] =	stream.linear.scatter [tilespmem:s0], [sflag:$0x2], $0x500, $0x38;
	[tilespmem:$0x1E000] =	vst v63  }
0x191: {  	_ =	swait.ge [sflag:s1], $0x500  }
0x192: {  	s23 =	sadd.s32 $0x1, s23;
	s28 =	rddreg [dreg:$0x9]  }
0x193: {  	p0 =	sne.s32 s23, s28  }
.Ltmp3:
0x194: {  	_ = 	snop;
	(pc) =	sbr.rel @p0 .LBB2_1-.Ltmp3, $3  }
0x195: {  	[sflag:s1] =	ssyncset.done $0x0  }
0x196: {  	[sflag:s1] =	ssyncadd.s32 $0xFFFFFB00  }
0x197: {  	[bflag:$0x0] =	sbarrier.arrive $0xFFFF;
	_ =	sdelay $0x1  }
0x198: {  	_ =	sfence.sel $0x180000  }
0x199: {  	[bflag:$0x0] =	sbarrier.arrive $0xFFFF  }
0x19a: {  	_ =	strace $0x9000004A  }
0x19b: {  	s0 =	stileid.u32;
	[bflag:$0x2] =	sbarrier.arrive $0xFFFF  }
0x19c: {  	p0 =	sne.s32 s0, $0x0;
	s0 =	rddreg [dreg:$0x2]  }
0x19d: {  	s0 =	sadd.s32 @!p0 $0x100000, s0  }
0x19e: {  	[sflag:s0] =	ssyncadd.tile.s32 @!p0 $0x1;
	_ =	shalt  }
.Lfunc_end2:
_tile_overlayer_lowered:
.L_overlay_start_2:
0x19f: {  	(tag) =	ssettag $0x2  }
0x1a0: {  	s0 =	rddreg [dreg:$0x0];
	s2 =	stileid.u32  }
0x1a1: {  	s1 =	rddreg [dreg:$0x1];
	p0 =	sne.s32 s2, $0x0  }
0x1a2: {  	s3 =	rddreg [dreg:$0x2];
	[bflag:$0x3] =	sbarrier.arrive $0xFFFF;
	s2 =	simm.s32 @!p0 $0x1C02  }
0x1a3: {  	[timem:s3], [sflag:s2] =	dma.local @!p0 [hbm:s0], s1  }
0x1a4: {  	s0 =	simm.s32 @!p0 $0x2  }
0x1a5: {  	_ =	swait.ge @!p0 [sflag:s0], s1  }
0x1a6: {  	s1 =	ssub.s32 @!p0 $0x0, s1;
	[sflag:s0] =	ssyncset.done @!p0 $0x0  }
0x1a7: {  	[sflag:s0] =	ssyncadd.s32 @!p0 s1  }
0x1a8: {  	[bflag:$0x3] =	sbarrier.arrive $0xFFFF  }
0x1a9: {  	_ =	shalt  }

// kernel: kernel.14.cloned.1.call-start
scs
__scs_entry_jumppad:
0x0: {  	(pc) =	sbr.rel $0x88, $3  }
0x1: {  	(tag) =	ssettag $0x0;
	lr =	simm.s32 $0x1  }
0x2: {  	[smem:$0x3F97] =	sst lr;
	_ =	strace $0xD0000000  }
0x3: {  	_ = 	snop  }
0x4: {  	_ = 	snop  }
0x5: {  	_ = 	snop  }
0x6: {  	_ = 	snop  }
0x7: {  	_ = 	snop  }
__scs_overlays_trampoline_lowered:
0x8: {  	[smem:$0x3FA6] =	sst s0  }
0x9: {  	[smem:$0x3FA7] =	sst s1  }
0xa: {  	[smem:$0x3FA8] =	sst s2  }
0xb: {  	[smem:$0x3FA9] =	sst s3  }
0xc: {  	[smem:$0x3FAA] =	sst s4  }
0xd: {  	[smem:$0x3FAB] =	sst s5  }
0xe: {  	[smem:$0x3FAC] =	sst s6  }
0xf: {  	[smem:$0x3FAD] =	sst s7  }
0x10: {  	[smem:$0x3FAE] =	sst s8  }
0x11: {  	[smem:$0x3FAF] =	sst s9;
	s0 =	simm.s32 @!p0 $0x0  }
0x12: {  	s1 =	sld [smem:$0x3F95];
	s0 =	simm.s32 @p0 $0x1  }
0x13: {  	[smem:$0x3FB0] =	sst s0;
	s0 =	simm.s32 @!p1 $0x0  }
0x14: {  	s2 =	sld [smem:$0x3F94];
	s0 =	simm.s32 @p1 $0x1  }
0x15: {  	[smem:$0x3FB1] =	sst s0;
	s0 =	simm.s32 @!p2 $0x0  }
0x16: {  	s3 =	sld [smem:$0x3FDB];
	s0 =	simm.s32 @p2 $0x1  }
0x17: {  	s4 =	simm.s32 $0x1BF5;
	[smem:$0x3FB3] =	sst s0  }
0x18: {  	s0 =	sld [smem:$0x3F96];
	_ =	swait.ge [sflag:s4], $0x0  }
0x19: {  	s7 =	sld [smem:$0x3F97]  }
0x1a: {  	s8 =	sadd.s32 $0xFFFFE003, lr  }
0x1b: {  	s9 =	sadd.s32 $0xFFFFFEF7, lr;
	s5 =	simm.s32 $0xFFFFFFFF;
	p2 =	slt.u32 s8, $0xFFFFF086  }
0x1c: {  	p1 =	slt.u32 s9, $0xF7A;
	s5 =	simm.s32 @!p2 $0x0  }
0x1d: {  	s5 =	simm.s32 @p1 $0x1;
	p0 =	seq.s32 s7, s2  }
0x1e: {  	s7 =	smul.u32 @!p0 $0xF7A, s2;
	p2 =	seq.s32 @!p0 s5, $0x0  }
0x1f: {  	s9 =	smul.u32 $0xF7A, s1;
	s8 =	simm.s32 @!p0 $0x1BF5;
	p2 =	por !p2, p0  }
0x20: {  	[sflag:s8] =	ssyncset.s32 @!p0 $0xFFFFF086;
	s6 =	sadd.s32 @!p0 s3, s7;
	s7 =	simm.s32 @!p0 $0x108  }
0x21: {  	s3 =	sadd.s32 s3, s9;
	s6 =	sadd.s32 @!p0 $0x88, s6;
	s7 =	simm.s32 @p2 $0x1082  }
0x22: {  	[simem:s7], [sflag:s8] =	dma.local @!p0 [hbm:s6], $0xF7A  }
0x23: {  	s9 =	sor.u32 $0xD0000000, s2;
	s6 =	simm.s32 $0x108;
	_ =	swait.ge @!p0 [sflag:s8], $0x0  }
0x24: {  	s3 =	sadd.s32 $0x88, s3;
	s6 =	simm.s32 @!p1 $0x1082;
	[sflag:s4] =	ssyncset.s32 $0xFFFFF086  }
0x25: {  	[simem:s6], [sflag:s4] =	dma.local [hbm:s3], $0xF7A  }
0x26: {  	[smem:$0x3F97] =	sst s1;
	(tag) =	ssettag s2;
	_ =	strace s9  }
0x27: {  	s1 =	sld [smem:$0x3FA7]  }
0x28: {  	s2 =	sld [smem:$0x3FA8]  }
0x29: {  	s4 =	sld [smem:$0x3FAA]  }
0x2a: {  	p0 =	seq.s32 s5, $0x0;
	s5 =	sld [smem:$0x3FAB]  }
0x2b: {  	s6 =	sld [smem:$0x3FAC]  }
0x2c: {  	s7 =	sld [smem:$0x3FAD]  }
0x2d: {  	s3 =	simm.s32 $0x108;
	s8 =	sld [smem:$0x3FAE]  }
0x2e: {  	s3 =	simm.s32 @!p0 $0x1082;
	s9 =	sld [smem:$0x3FAF]  }
0x2f: {  	lr =	sadd.s32 s0, s3;
	s0 =	sld [smem:$0x3FA6]  }
0x30: {  	s3 =	sld [smem:$0x3FA9]  }
0x31: {  	[smem:$0x3FB2] =	sst s10  }
0x32: {  	s10 =	sld [smem:$0x3FB0];
	_ =	sdelay $0x3  }
0x33: {  	p0 =	seq.s32 s10, $0x1;
	s10 =	sld [smem:$0x3FB2];
	_ =	sdelay $0x3  }
0x34: {  	[smem:$0x3FB2] =	sst s10  }
0x35: {  	s10 =	sld [smem:$0x3FB1];
	_ =	sdelay $0x3  }
0x36: {  	p1 =	seq.s32 s10, $0x1;
	s10 =	sld [smem:$0x3FB2];
	_ =	sdelay $0x3  }
0x37: {  	[smem:$0x3FB2] =	sst s10  }
0x38: {  	s10 =	sld [smem:$0x3FB3]  }
0x39: {  	_ = 	snop;
	(pc) =	sbr.ind lr, $3  }
0x3a: {  	_ = 	snop  }
0x3b: {  	_ = 	snop  }
0x3c: {  	p2 =	seq.s32 s10, $0x1;
	s10 =	sld [smem:$0x3FB2]  }
0x3d: {  	_ =	shalt  }
0x3e: {  	_ =	shalt  }
0x3f: {  	_ =	shalt  }
0x40: {  	_ =	shalt  }
0x41: {  	_ =	shalt  }
0x42: {  	_ =	shalt  }
0x43: {  	_ =	shalt  }
0x44: {  	_ =	shalt  }
0x45: {  	_ =	shalt  }
0x46: {  	_ =	shalt  }
0x47: {  	_ =	shalt  }
0x48: {  	_ =	shalt  }
0x49: {  	_ =	shalt  }
0x4a: {  	_ =	shalt  }
0x4b: {  	_ =	shalt  }
0x4c: {  	_ =	shalt  }
0x4d: {  	_ =	shalt  }
0x4e: {  	_ =	shalt  }
0x4f: {  	_ =	shalt  }
0x50: {  	_ =	shalt  }
0x51: {  	_ =	shalt  }
0x52: {  	_ =	shalt  }
0x53: {  	_ =	shalt  }
0x54: {  	_ =	shalt  }
0x55: {  	_ =	shalt  }
0x56: {  	_ =	shalt  }
0x57: {  	_ =	shalt  }
0x58: {  	_ =	shalt  }
0x59: {  	_ =	shalt  }
0x5a: {  	_ =	shalt  }
0x5b: {  	_ =	shalt  }
0x5c: {  	_ =	shalt  }
0x5d: {  	_ =	shalt  }
0x5e: {  	_ =	shalt  }
0x5f: {  	_ =	shalt  }
0x60: {  	_ =	shalt  }
0x61: {  	_ =	shalt  }
0x62: {  	_ =	shalt  }
0x63: {  	_ =	shalt  }
0x64: {  	_ =	shalt  }
0x65: {  	_ =	shalt  }
0x66: {  	_ =	shalt  }
0x67: {  	_ =	shalt  }
0x68: {  	_ =	shalt  }
0x69: {  	_ =	shalt  }
0x6a: {  	_ =	shalt  }
0x6b: {  	_ =	shalt  }
0x6c: {  	_ =	shalt  }
0x6d: {  	_ =	shalt  }
0x6e: {  	_ =	shalt  }
0x6f: {  	_ =	shalt  }
0x70: {  	_ =	shalt  }
0x71: {  	_ =	shalt  }
0x72: {  	_ =	shalt  }
0x73: {  	_ =	shalt  }
0x74: {  	_ =	shalt  }
0x75: {  	_ =	shalt  }
0x76: {  	_ =	shalt  }
0x77: {  	_ =	shalt  }
0x78: {  	_ =	shalt  }
0x79: {  	_ =	shalt  }
0x7a: {  	_ =	shalt  }
0x7b: {  	_ =	shalt  }
0x7c: {  	_ =	shalt  }
0x7d: {  	_ =	shalt  }
0x7e: {  	_ =	shalt  }
0x7f: {  	_ =	shalt  }
0x80: {  	_ =	shalt  }
0x81: {  	_ =	shalt  }
0x82: {  	_ =	shalt  }
0x83: {  	_ =	shalt  }
0x84: {  	_ =	shalt  }
0x85: {  	_ =	shalt  }
0x86: {  	_ =	shalt  }
0x87: {  	_ =	shalt  }
.Lfunc_end0:
.L_simem_size_0:
called_computation.2_lowered:
.L_overlay_start_0:
0x88: {  	s2 =	sld [smem:$0x3FD9]  }
0x89: {  	s3 =	sld [smem:$0x3FFE];
	_ =	sdelay $0x1  }
0x8a: {  	s1 =	srdreg.scid  }
0x8b: {  	s0 =	sand.u32 $0x1, s1  }
0x8c: {  	s16 =	sshll.u32 s0, $0xA;
	s2 =	sadd.s32 s3, s2  }
0x8d: {  	s2 =	sadd.s32 s2, s16  }
0x8e: {  	[smem:$0x3FBE] =	sst s2  }
0x8f: {  	_ = 	snop  }
0x90: {  	(tm) =	ssettm $0x1  }
0x91: {  	s17 =	sld [smem:$0x3FFB];
	_ =	sdelay $0x3  }
0x92: {  	_ =	strace s17  }
0x93: {  	s2 =	sld [smem:$0x3FFC];
	_ =	sdelay $0x3  }
0x94: {  	_ =	strace s2  }
0x95: {  	s2 =	sld [smem:$0x3FFD];
	_ =	sdelay $0x3  }
0x96: {  	_ =	strace s2  }
0x97: {  	_ =	strace $0x8FFFFFFF  }
0x98: {  	s18 =	sld [smem:$0x3FDB];
	_ =	sdelay $0x1  }
0x99: {  	s19 =	simm.s32 $_scs_section_size  }
0x9a: {  	s4 =	simm.s32 $_size__tile_overlayer_lowered;
	s5 =	simm.s32 $_tile_overlayer_lowered  }
0x9b: {  	s22 =	simm.s32 $0x1BFF;
	s21 =	sshll.u32 s5, $0x1;
	s2 =	sadd.s32 s19, s18  }
0x9c: {  	s6 =	simm.s32 $0x0;
	s20 =	sshll.u32 s4, $0x1;
	s4 =	sadd.s32 s21, s2  }
0x9d: {  	[timem:s6], [sflag:s22] =	dma.local [hbm:s4], s20  }
0x9e: {  	_ =	swait.ge [sflag:s22], s20  }
0x9f: {  	s3 =	ssub.s32 $0x0, s20;
	[sflag:s22] =	ssyncset.done $0x0  }
0xa0: {  	[sflag:s22] =	ssyncadd.s32 s3;
	_ =	sdelay $0x1  }
0xa1: {  	s23 =	simm.s32 $0x1B8B  }
0xa2: {  	_ =	swait.ge [sflag:s23], $0x1  }
0xa3: {  	[sflag:s23] =	ssyncset.done $0x0  }
0xa4: {  	s25 =	simm.s32 $0x1B8E;
	s24 =	sld [smem:$0x3FFE];
	[sflag:s23] =	ssyncadd.s32 $0xFFFFFFFF  }
0xa5: {  	s26 =	simm.s32 $execute0_lowered;
	[smem:$0x3FD2] =	sst s25  }
0xa6: {  	s4 =	sshll.u32 s26, $0x1;
	_ =	strace $0x8000004C;
	[dreg:$0x1] =	wrdreg $0xFFFFFFFF  }
0xa7: {  	s28 =	simm.s32 $_size_execute0_lowered;
	s2 =	sadd.s32 s2, s4;
	[dreg:$0x0] =	wrdreg $0x0  }
0xa8: {  	s4 =	sshll.u32 s28, $0x1;
	[dreg:$0x2] =	wrdreg s2  }
0xa9: {  	[dreg:$0x3] =	wrdreg s4  }
0xaa: {  	[dreg:$0x4] =	wrdreg $0xC0  }
0xab: {  	_ =	task [dreg:s6], $0x5FFFF  }
0xac: {  	[dreg:$0x1] =	wrdreg $0xFFFFFFFF  }
0xad: {  	[dreg:$0x0] =	wrdreg $0x60  }
0xae: {  	[dreg:$0x2] =	wrdreg s24  }
0xaf: {  	[dreg:$0x3] =	wrdreg $0x190000  }
0xb0: {  	[dreg:$0x4] =	wrdreg $0x9  }
0xb1: {  	_ =	task.clear_ibuf [dreg:s6], $0x5FFFF;
	_ =	strace $0x9000004C  }
0xb2: {  	s29 =	simm.s32 $0x9;
	_ =	strace $0x8000004E  }
0xb3: {  	_ =	swait.ge [sflag:s29], $0x1  }
0xb4: {  	[sflag:s29] =	ssyncadd.s32 $0xFFFFFFFF  }
0xb5: {  	_ =	strace $0x9000004E  }
0xb6: {  	_ =	sfence  }
0xb7: {  	s30 =	sld [smem:$0x0];
	_ =	sdelay $0x2  }
0xb8: {  	s31 =	sshll.u32 s1, $0xD;
	s1 =	sshrl.u32 s1, $0x2  }
0xb9: {  	s3 =	sand.u32 $0x4000, s31;
	s1 =	sadd.s32 s1, s30  }
0xba: {  	s0 =	sor.u32 s3, s0;
	s1 =	sshll.u32 s1, $0x11  }
0xbb: {  	s0 =	sor.u32 s1, s0  }
0xbc: {  	s0 =	sadd.s32 $0x8F2B, s0  }
0xbd: {  	[sflag:s0] =	ssyncadd.remote.s32 $0x1  }
0xbe: {  	_ =	sfence.sel $0xFFFF  }
0xbf: {  	[dreg:$0x0] =	wrdreg $0xFFFFFFFF;
	(pc) =	sbr.abs _section_cstart, $3  }
0xc0: {  	[dreg:$0x1] =	wrdreg $0xFFFFFFFF  }
0xc1: {  	_ =	task.clear_ibuf [dreg:s6], $0x2FFFF;
	_ =	strace $0x9FFFFFFF  }
0xc2: {  	(tm) =	ssettm $0x7FFFFFFF  }
0xc3: {  	_ =	shalt  }
tec
execute0_lowered:
.L_overlay_start_1:
0x0: {  	(tag) =	ssettag $0x1  }
0x1: {  	s0 =	srdreg.scid;
	s3 =	rddreg [dreg:$0x0]  }
0x2: {  	s8 =	stileid.u32;
	s4 =	rddreg [dreg:$0x1];
	s2 =	simm.s32 $0x0  }
0x3: {  	s29 =	simm.s32 $0x5000;
	s30 =	simm.s32 $0xF000;
	s31 =	simm.s32 $0x1  }
0x4: {  	s0 =	sand.u32 $0x1, s0;
	s5 =	smul.u32 $0x500, s8;
	[smem:$0x7FF] =	sst s2  }
0x5: {  	s7 =	sadd.s32 $0x15E00, s3;
	s22 =	sadd.s32 $0x17200, s3;
	s1 =	sshll.u32 s0, $0x4  }
0x6: {  	s6 =	smul.u32 $0xA000, s0;
	_ =	strace $0x8000004D;
	[dreg:$0x3] =	wrdreg s7  }
0x7: {  	[dreg:$0x4] =	wrdreg s22;
	s0 =	ssub.s32 $0x2, s0;
	s1 =	sor.u32 s8, s1  }
0x8: {  	s23 =	sshrl.u32 s0, $0x1;
	s8 =	smul.u32 $0x14000, s8;
	s7 =	sadd.s32 s5, s4  }
0x9: {  	s1 =	smul.u32 $0x500, s1;
	s6 =	sadd.s32 s5, s6;
	s0 =	ssub.s32 s0, s23  }
0xa: {  	s9 =	sadd.s32 $0x5000, s7;
	s10 =	sadd.s32 $0xA000, s7;
	s11 =	sadd.s32 $0xF000, s7  }
0xb: {  	s12 =	sadd.s32 $0x14000, s7;
	s13 =	sadd.s32 $0x19000, s7;
	s14 =	sadd.s32 $0x1E000, s7  }
0xc: {  	s15 =	sadd.s32 $0x23000, s7;
	s16 =	sadd.s32 $0x28000, s7;
	s17 =	sadd.s32 $0x2D000, s7  }
0xd: {  	s18 =	sadd.s32 $0x32000, s7;
	s19 =	sadd.s32 $0x37000, s7;
	s20 =	sadd.s32 $0x3C000, s7  }
0xe: {  	s21 =	sadd.s32 $0x41000, s7;
	s22 =	sadd.s32 $0x46000, s7;
	s5 =	simm.s32 $0x9600  }
0xf: {  	s23 =	simm.s32 $0x0;
	s6 =	sshrl.u32 s6, $0x3;
	s25 =	sshrl.u32 s8, $0x2  }
0x10: {  	s0 =	smax.u32 s0, $0x1;
	s1 =	sadd.s32 s1, s3;
	s3 =	sadd.s32 s6, s3  }
0x11: {  	s8 =	sadd.s32 s25, s4;
	[dreg:$0x9] =	wrdreg s0;
	s24 =	sadd.s32 $0xBE00, s1  }
0x12: {  	s4 =	simm.s32 $0x9100;
	s1 =	sadd.s32 $0x1800, s1;
	[dreg:$0x5] =	wrdreg s24  }
0x13: {  	s6 =	simm.s32 $0x9B00;
	s26 =	sadd.s32 $0x18600, s3;
	[dreg:$0x6] =	wrdreg s1  }
0x14: {  	s0 =	simm.s32 $0xA000;
	s28 =	sadd.s32 $0x19000, s3;
	[dreg:$0x7] =	wrdreg s26  }
0x15: {  	[dreg:$0x8] =	wrdreg s28;
	s26 =	sadd.s32 $0x4B000, s7;
	s1 =	simm.s32 $0x2  }
.LBB2_1:
0x16: {  	s3 =	rddreg [dreg:$0x5]  }
0x17: {  	[tilespmem:s2], [sflag:$0x1] =	stream.linear.gather [hbm4b:s3+s2], $0x2800, $0x38;
	[tilespmem:$0x1E000] =	vst v63  }
0x18: {  	s28 =	rddreg [dreg:$0x6];
	s24 =	simm.s32 $0x2800  }
0x19: {  	[tilespmem:s24], [sflag:$0x1] =	stream.linear.gather [hbm4b:s28+s2], $0x2800, $0x38;
	[tilespmem:$0x1E000] =	vst v63  }
0x1a: {  	s25 =	rddreg [dreg:$0x3]  }
0x1b: {  	[tilespmem:s29], [sflag:$0x1] =	stream.linear.gather [hbm4b:s25+s2], $0xA000, $0x38;
	[tilespmem:$0x1E000] =	vst v63  }
0x1c: {  	s28 =	rddreg [dreg:$0x4]  }
0x1d: {  	[tilespmem:s30], [sflag:$0x1] =	stream.linear.gather [hbm4b:s28+s2], $0xA000, $0x38;
	[tilespmem:$0x1E000] =	vst v63  }
0x1e: {  	_ =	swait.ge [sflag:s31], $0x2800  }
0x1f: {  	[sflag:s31] =	ssyncset.done $0x0  }
0x20: {  	[sflag:s31] =	ssyncadd.s32 $0xFFFFD800  }
0x21: {  	_ =	swait.ge [sflag:s31], $0x2800  }
0x22: {  	[sflag:s31] =	ssyncset.done $0x0  }
0x23: {  	[sflag:s31] =	ssyncadd.s32 $0xFFFFD800  }
0x24: {  	_ =	swait.ge [sflag:s31], $0xA000  }
0x25: {  	[sflag:s31] =	ssyncset.done $0x0  }
0x26: {  	[sflag:s31] =	ssyncadd.s32 $0xFFFF6000  }
0x27: {  	_ =	swait.ge [sflag:s31], $0xA000  }
0x28: {  	[sflag:s31] =	ssyncset.done $0x0  }
0x29: {  	s3 =	simm.s32 $0x0;
	[sflag:s31] =	ssyncadd.s32 $0xFFFF6000  }
.LBB2_2:
0x2a: {  	s24 =	sshra.s32 s3, $0x2  }
0x2b: {  	v0 =	vld [tilespmem:s24+$0x0];
	_ =	sdelay $0x4  }
0x2c: {  	v1 =	vld [tilespmem:s24+$0x2800];
	v0 =	vshll.u32 v0, $0x2;
	_ =	sdelay $0x4  }
0x2d: {  	v1 =	vshll.u32 v1, $0x2;
	v2 =	vld.idx.msk [tilespmem:v0+s29+$0x0], $0xffff  }
0x2e: {  	v3 =	vor.u32 $0x1, v0;
	_ =	sdelay $0x3  }
0x2f: {  	[tilespmem:v1+s30+$0x0] =	vst.idx.add.f32.msk $0xffff, v2  }
0x30: {  	v50 =	vor.u32 $0x1, v1;
	v2 =	vld.idx.msk [tilespmem:v3+s29+$0x0], $0xffff  }
0x31: {  	v4 =	vor.u32 $0x2, v0;
	_ =	sdelay $0x3  }
0x32: {  	[tilespmem:v50+s30+$0x0] =	vst.idx.add.f32.msk $0xffff, v2  }
0x33: {  	v51 =	vor.u32 $0x2, v1;
	v2 =	vld.idx.msk [tilespmem:v4+s29+$0x0], $0xffff  }
0x34: {  	v0 =	vor.u32 $0x3, v0;
	_ =	sdelay $0x3  }
0x35: {  	[tilespmem:v51+s30+$0x0] =	vst.idx.add.f32.msk $0xffff, v2  }
0x36: {  	v1 =	vor.u32 $0x3, v1;
	v0 =	vld.idx.msk [tilespmem:v0+s29+$0x0], $0xffff;
	_ =	sdelay $0x4  }
0x37: {  	[tilespmem:v1+s30+$0x0] =	vst.idx.add.f32.msk $0xffff, v0  }
0x38: {  	v0 =	vld [tilespmem:s24+$0x10];
	_ =	sdelay $0x4  }
0x39: {  	v1 =	vld [tilespmem:s24+$0x2810];
	v0 =	vshll.u32 v0, $0x2;
	_ =	sdelay $0x4  }
0x3a: {  	v1 =	vshll.u32 v1, $0x2;
	v2 =	vld.idx.msk [tilespmem:v0+s29+$0x0], $0xffff  }
0x3b: {  	v52 =	vor.u32 $0x1, v0;
	_ =	sdelay $0x3  }
0x3c: {  	[tilespmem:v1+s30+$0x0] =	vst.idx.add.f32.msk $0xffff, v2  }
0x3d: {  	v53 =	vor.u32 $0x1, v1;
	v2 =	vld.idx.msk [tilespmem:v52+s29+$0x0], $0xffff  }
0x3e: {  	v54 =	vor.u32 $0x2, v0;
	_ =	sdelay $0x3  }
0x3f: {  	[tilespmem:v53+s30+$0x0] =	vst.idx.add.f32.msk $0xffff, v2  }
0x40: {  	v55 =	vor.u32 $0x2, v1;
	v2 =	vld.idx.msk [tilespmem:v54+s29+$0x0], $0xffff  }
0x41: {  	v0 =	vor.u32 $0x3, v0;
	_ =	sdelay $0x3  }
0x42: {  	[tilespmem:v55+s30+$0x0] =	vst.idx.add.f32.msk $0xffff, v2  }
0x43: {  	v1 =	vor.u32 $0x3, v1;
	v0 =	vld.idx.msk [tilespmem:v0+s29+$0x0], $0xffff;
	_ =	sdelay $0x4  }
0x44: {  	[tilespmem:v1+s30+$0x0] =	vst.idx.add.f32.msk $0xffff, v0  }
0x45: {  	v0 =	vld [tilespmem:s24+$0x20];
	_ =	sdelay $0x4  }
0x46: {  	v1 =	vld [tilespmem:s24+$0x2820];
	v0 =	vshll.u32 v0, $0x2;
	_ =	sdelay $0x4  }
0x47: {  	v1 =	vshll.u32 v1, $0x2;
	v2 =	vld.idx.msk [tilespmem:v0+s29+$0x0], $0xffff  }
0x48: {  	v56 =	vor.u32 $0x1, v0;
	_ =	sdelay $0x3  }
0x49: {  	[tilespmem:v1+s30+$0x0] =	vst.idx.add.f32.msk $0xffff, v2  }
0x4a: {  	v57 =	vor.u32 $0x1, v1;
	v2 =	vld.idx.msk [tilespmem:v56+s29+$0x0], $0xffff  }
0x4b: {  	v58 =	vor.u32 $0x2, v0;
	_ =	sdelay $0x3  }
0x4c: {  	[tilespmem:v57+s30+$0x0] =	vst.idx.add.f32.msk $0xffff, v2  }
0x4d: {  	v59 =	vor.u32 $0x2, v1;
	v2 =	vld.idx.msk [tilespmem:v58+s29+$0x0], $0xffff  }
0x4e: {  	v0 =	vor.u32 $0x3, v0;
	_ =	sdelay $0x3  }
0x4f: {  	[tilespmem:v59+s30+$0x0] =	vst.idx.add.f32.msk $0xffff, v2  }
0x50: {  	v1 =	vor.u32 $0x3, v1;
	v0 =	vld.idx.msk [tilespmem:v0+s29+$0x0], $0xffff;
	_ =	sdelay $0x4  }
0x51: {  	[tilespmem:v1+s30+$0x0] =	vst.idx.add.f32.msk $0xffff, v0  }
0x52: {  	v0 =	vld [tilespmem:s24+$0x30];
	_ =	sdelay $0x4  }
0x53: {  	v1 =	vld [tilespmem:s24+$0x2830];
	v0 =	vshll.u32 v0, $0x2;
	_ =	sdelay $0x4  }
0x54: {  	v1 =	vshll.u32 v1, $0x2;
	v2 =	vld.idx.msk [tilespmem:v0+s29+$0x0], $0xffff  }
0x55: {  	v60 =	vor.u32 $0x1, v0;
	_ =	sdelay $0x3  }
0x56: {  	[tilespmem:v1+s30+$0x0] =	vst.idx.add.f32.msk $0xffff, v2  }
0x57: {  	v61 =	vor.u32 $0x1, v1;
	v2 =	vld.idx.msk [tilespmem:v60+s29+$0x0], $0xffff  }
0x58: {  	v62 =	vor.u32 $0x2, v0;
	_ =	sdelay $0x3  }
0x59: {  	[tilespmem:v61+s30+$0x0] =	vst.idx.add.f32.msk $0xffff, v2  }
0x5a: {  	v63 =	vor.u32 $0x2, v1;
	v2 =	vld.idx.msk [tilespmem:v62+s29+$0x0], $0xffff  }
0x5b: {  	v0 =	vor.u32 $0x3, v0;
	_ =	sdelay $0x3  }
0x5c: {  	[tilespmem:v63+s30+$0x0] =	vst.idx.add.f32.msk $0xffff, v2  }
0x5d: {  	p0 =	sne.s32 s3, $0x9F00;
	v1 =	vor.u32 $0x3, v1;
	v0 =	vld.idx.msk [tilespmem:v0+s29+$0x0], $0xffff  }
.Ltmp0:
0x5e: {  	_ = 	snop;
	(pc) =	sbr.rel @p0 .LBB2_2-.Ltmp0, $2  }
0x5f: {  	_ =	sdelay $0x2  }
0x60: {  	s3 =	sadd.s32 $0x100, s3;
	[tilespmem:v1+s30+$0x0] =	vst.idx.add.f32.msk $0xffff, v0  }
0x61: {  	[spmem:s8] =	stream.linear.scatter [tilespmem:s30], [sflag:$0x2], $0x5000, $0x38;
	[tilespmem:$0x1E000] =	vst v63  }
0x62: {  	_ =	swait.ge [sflag:s1], $0x5000  }
0x63: {  	[sflag:s1] =	ssyncset.done $0x0  }
0x64: {  	[sflag:s1] =	ssyncadd.s32 $0xFFFFB000  }
0x65: {  	[bflag:$0x0] =	sbarrier.arrive $0xFFFF  }
0x66: {  	[tilespmem:s29], [sflag:$0x2] =	stream.linear.gather [spmem:s7], $0x500, $0x38;
	[tilespmem:$0x1E000] =	vst v63  }
0x67: {  	_ =	swait.ge [sflag:s1], $0x500  }
0x68: {  	[sflag:s1] =	ssyncset.done $0x0  }
0x69: {  	s3 =	simm.s32 $0x5500;
	[sflag:s1] =	ssyncadd.s32 $0xFFFFFB00  }
0x6a: {  	[tilespmem:s3], [sflag:$0x2] =	stream.linear.gather [spmem:s9], $0x500, $0x38;
	[tilespmem:$0x1E000] =	vst v63  }
0x6b: {  	_ =	swait.ge [sflag:s1], $0x500  }
0x6c: {  	[sflag:s1] =	ssyncset.done $0x0  }
0x6d: {  	s25 =	simm.s32 $0x5A00;
	[sflag:s1] =	ssyncadd.s32 $0xFFFFFB00  }
0x6e: {  	[tilespmem:s25], [sflag:$0x2] =	stream.linear.gather [spmem:s10], $0x500, $0x38;
	[tilespmem:$0x1E000] =	vst v63  }
0x6f: {  	_ =	swait.ge [sflag:s1], $0x500  }
0x70: {  	[sflag:s1] =	ssyncset.done $0x0  }
0x71: {  	s24 =	simm.s32 $0x5F00;
	[sflag:s1] =	ssyncadd.s32 $0xFFFFFB00  }
0x72: {  	[tilespmem:s24], [sflag:$0x2] =	stream.linear.gather [spmem:s11], $0x500, $0x38;
	[tilespmem:$0x1E000] =	vst v63  }
0x73: {  	_ =	swait.ge [sflag:s1], $0x500  }
0x74: {  	[sflag:s1] =	ssyncset.done $0x0  }
0x75: {  	s25 =	simm.s32 $0x6400;
	[sflag:s1] =	ssyncadd.s32 $0xFFFFFB00  }
0x76: {  	[tilespmem:s25], [sflag:$0x2] =	stream.linear.gather [spmem:s12], $0x500, $0x38;
	[tilespmem:$0x1E000] =	vst v63  }
0x77: {  	_ =	swait.ge [sflag:s1], $0x500  }
0x78: {  	[sflag:s1] =	ssyncset.done $0x0  }
0x79: {  	s24 =	simm.s32 $0x6900;
	[sflag:s1] =	ssyncadd.s32 $0xFFFFFB00  }
0x7a: {  	[tilespmem:s24], [sflag:$0x2] =	stream.linear.gather [spmem:s13], $0x500, $0x38;
	[tilespmem:$0x1E000] =	vst v63  }
0x7b: {  	_ =	swait.ge [sflag:s1], $0x500  }
0x7c: {  	[sflag:s1] =	ssyncset.done $0x0  }
0x7d: {  	s25 =	simm.s32 $0x6E00;
	[sflag:s1] =	ssyncadd.s32 $0xFFFFFB00  }
0x7e: {  	[tilespmem:s25], [sflag:$0x2] =	stream.linear.gather [spmem:s14], $0x500, $0x38;
	[tilespmem:$0x1E000] =	vst v63  }
0x7f: {  	_ =	swait.ge [sflag:s1], $0x500  }
0x80: {  	[sflag:s1] =	ssyncset.done $0x0  }
0x81: {  	s24 =	simm.s32 $0x7300;
	[sflag:s1] =	ssyncadd.s32 $0xFFFFFB00  }
0x82: {  	[tilespmem:s24], [sflag:$0x2] =	stream.linear.gather [spmem:s15], $0x500, $0x38;
	[tilespmem:$0x1E000] =	vst v63  }
0x83: {  	_ =	swait.ge [sflag:s1], $0x500  }
0x84: {  	[sflag:s1] =	ssyncset.done $0x0  }
0x85: {  	s25 =	simm.s32 $0x7800;
	[sflag:s1] =	ssyncadd.s32 $0xFFFFFB00  }
0x86: {  	[tilespmem:s25], [sflag:$0x2] =	stream.linear.gather [spmem:s16], $0x500, $0x38;
	[tilespmem:$0x1E000] =	vst v63  }
0x87: {  	_ =	swait.ge [sflag:s1], $0x500  }
0x88: {  	[sflag:s1] =	ssyncset.done $0x0  }
0x89: {  	s24 =	simm.s32 $0x7D00;
	[sflag:s1] =	ssyncadd.s32 $0xFFFFFB00  }
0x8a: {  	[tilespmem:s24], [sflag:$0x2] =	stream.linear.gather [spmem:s17], $0x500, $0x38;
	[tilespmem:$0x1E000] =	vst v63  }
0x8b: {  	_ =	swait.ge [sflag:s1], $0x500  }
0x8c: {  	[sflag:s1] =	ssyncset.done $0x0  }
0x8d: {  	s25 =	simm.s32 $0x8200;
	[sflag:s1] =	ssyncadd.s32 $0xFFFFFB00  }
0x8e: {  	[tilespmem:s25], [sflag:$0x2] =	stream.linear.gather [spmem:s18], $0x500, $0x38;
	[tilespmem:$0x1E000] =	vst v63  }
0x8f: {  	_ =	swait.ge [sflag:s1], $0x500  }
0x90: {  	[sflag:s1] =	ssyncset.done $0x0  }
0x91: {  	s24 =	simm.s32 $0x8700;
	[sflag:s1] =	ssyncadd.s32 $0xFFFFFB00  }
0x92: {  	[tilespmem:s24], [sflag:$0x2] =	stream.linear.gather [spmem:s19], $0x500, $0x38;
	[tilespmem:$0x1E000] =	vst v63  }
0x93: {  	_ =	swait.ge [sflag:s1], $0x500  }
0x94: {  	[sflag:s1] =	ssyncset.done $0x0  }
0x95: {  	s25 =	simm.s32 $0x8C00;
	[sflag:s1] =	ssyncadd.s32 $0xFFFFFB00  }
0x96: {  	[tilespmem:s25], [sflag:$0x2] =	stream.linear.gather [spmem:s20], $0x500, $0x38;
	[tilespmem:$0x1E000] =	vst v63  }
0x97: {  	_ =	swait.ge [sflag:s1], $0x500  }
0x98: {  	[sflag:s1] =	ssyncset.done $0x0  }
0x99: {  	[sflag:s1] =	ssyncadd.s32 $0xFFFFFB00  }
0x9a: {  	[tilespmem:s4], [sflag:$0x2] =	stream.linear.gather [spmem:s21], $0x500, $0x38;
	[tilespmem:$0x1E000] =	vst v63  }
0x9b: {  	_ =	swait.ge [sflag:s1], $0x500  }
0x9c: {  	[sflag:s1] =	ssyncset.done $0x0  }
0x9d: {  	[sflag:s1] =	ssyncadd.s32 $0xFFFFFB00  }
0x9e: {  	[tilespmem:s5], [sflag:$0x2] =	stream.linear.gather [spmem:s22], $0x500, $0x38;
	[tilespmem:$0x1E000] =	vst v63  }
0x9f: {  	_ =	swait.ge [sflag:s1], $0x500  }
0xa0: {  	[sflag:s1] =	ssyncset.done $0x0  }
0xa1: {  	[sflag:s1] =	ssyncadd.s32 $0xFFFFFB00  }
0xa2: {  	[tilespmem:s6], [sflag:$0x2] =	stream.linear.gather [spmem:s26], $0x500, $0x38;
	[tilespmem:$0x1E000] =	vst v63  }
0xa3: {  	_ =	swait.ge [sflag:s1], $0x500  }
0xa4: {  	[sflag:s1] =	ssyncset.done $0x0  }
0xa5: {  	s24 =	simm.s32 $0x0;
	[sflag:s1] =	ssyncadd.s32 $0xFFFFFB00  }
0xa6: {  	v0 =	vld [tilespmem:s24+$0x5000]  }
0xa7: {  	v1 =	vld [tilespmem:s24+$0x5500];
	_ =	sdelay $0x1  }
0xa8: {  	v2 =	vld [tilespmem:s24+$0x5A00];
	_ =	sdelay $0x1  }
0xa9: {  	v3 =	vld [tilespmem:s24+$0x5F00]  }
0xaa: {  	v0 =	vadd.f32 v1, v0  }
0xab: {  	v1 =	vld [tilespmem:s24+$0x6400]  }
0xac: {  	v0 =	vadd.f32 v2, v0  }
0xad: {  	v2 =	vld [tilespmem:s24+$0x6900]  }
0xae: {  	v0 =	vadd.f32 v3, v0  }
0xaf: {  	v3 =	vld [tilespmem:s24+$0x6E00]  }
0xb0: {  	v0 =	vadd.f32 v1, v0  }
0xb1: {  	v1 =	vld [tilespmem:s24+$0x7300]  }
0xb2: {  	s28 =	simm.s32 $0x10;
	v4 =	vld [tilespmem:s24+$0x7800];
	v0 =	vadd.f32 v2, v0  }
0xb3: {  	v5 =	vld [tilespmem:s28+$0x5000]  }
0xb4: {  	v2 =	vld [tilespmem:s24+$0x7D00];
	v0 =	vadd.f32 v3, v0  }
0xb5: {  	v3 =	vld [tilespmem:s28+$0x5500]  }
0xb6: {  	v6 =	vld [tilespmem:s28+$0x5A00];
	v0 =	vadd.f32 v1, v0  }
0xb7: {  	v1 =	vld [tilespmem:s24+$0x8200]  }
0xb8: {  	v7 =	vld [tilespmem:s28+$0x5F00];
	v0 =	vadd.f32 v4, v0  }
0xb9: {  	v4 =	vld [tilespmem:s24+$0x8700]  }
0xba: {  	v3 =	vadd.f32 v3, v5;
	v5 =	vld [tilespmem:s28+$0x6400];
	v0 =	vadd.f32 v2, v0  }
0xbb: {  	v2 =	vld [tilespmem:s24+$0x8C00]  }
0xbc: {  	v3 =	vadd.f32 v6, v3;
	v6 =	vld [tilespmem:s28+$0x6900];
	v0 =	vadd.f32 v1, v0  }
0xbd: {  	v1 =	vld [tilespmem:s24+$0x9100]  }
0xbe: {  	v8 =	vld [tilespmem:s28+$0x6E00];
	v3 =	vadd.f32 v7, v3;
	v0 =	vadd.f32 v4, v0  }
0xbf: {  	v7 =	vld [tilespmem:s24+$0x9600]  }
0xc0: {  	v4 =	vadd.f32 v5, v3;
	v3 =	vld [tilespmem:s28+$0x7300];
	v5 =	vadd.f32 v2, v0  }
0xc1: {  	v2 =	vld [tilespmem:s24+$0x9B00]  }
0xc2: {  	v0 =	vld [tilespmem:s28+$0x7D00];
	v6 =	vadd.f32 v6, v4;
	v9 =	vadd.f32 v1, v5  }
0xc3: {  	s3 =	simm.s32 $0x20;
	v4 =	vld [tilespmem:s28+$0x7800]  }
0xc4: {  	s25 =	simm.s32 $0xC0;
	v1 =	vld [tilespmem:s3+$0x5000];
	v5 =	vadd.f32 v8, v6;
	v6 =	vadd.f32 v7, v9  }
.LBB2_4:
0xc5: {  	p0 =	sne.s32 s25, $0x13C0;
	v7 =	vld [tilespmem:s3+$0x5500]  }
0xc6: {  	v3 =	vadd.f32 v3, v5;
	v5 =	vld [tilespmem:s28+$0x8200];
	v2 =	vadd.f32 v2, v6  }
0xc7: {  	v6 =	vld [tilespmem:s3+$0x5A00]  }
0xc8: {  	v3 =	vadd.f32 v4, v3;
	v4 =	vld [tilespmem:s28+$0x8700];
	[tilespmem:s24+$0xA000] =	vst v2;
	s24 =	smov.u32 s28;
	s28 =	smov.u32 s3  }
0xc9: {  	v2 =	vld [tilespmem:s28+$0x5F00]  }
0xca: {  	v1 =	vadd.f32 v7, v1;
	v0 =	vadd.f32 v0, v3;
	v3 =	vld [tilespmem:s24+$0x8C00]  }
0xcb: {  	v7 =	vld [tilespmem:s28+$0x6400]  }
0xcc: {  	v1 =	vadd.f32 v6, v1;
	v0 =	vadd.f32 v5, v0;
	v5 =	vld [tilespmem:s24+$0x9100]  }
0xcd: {  	v6 =	vld [tilespmem:s28+$0x6900]  }
0xce: {  	v1 =	vadd.f32 v2, v1;
	v0 =	vadd.f32 v4, v0;
	v8 =	vld [tilespmem:s24+$0x9600]  }
0xcf: {  	v9 =	vld [tilespmem:s28+$0x6E00]  }
.Ltmp1:
0xd0: {  	v1 =	vadd.f32 v7, v1;
	v4 =	vadd.f32 v3, v0;
	v2 =	vld [tilespmem:s24+$0x9B00];
	(pc) =	sbr.rel @p0 .LBB2_4-.Ltmp1, $4  }
0xd1: {  	v3 =	vld [tilespmem:s28+$0x7300]  }
0xd2: {  	v6 =	vadd.f32 v6, v1;
	v0 =	vld [tilespmem:s28+$0x7D00];
	v7 =	vadd.f32 v5, v4  }
0xd3: {  	s3 =	sshra.s32 s25, $0x2;
	v4 =	vld [tilespmem:s28+$0x7800]  }
0xd4: {  	s25 =	sadd.s32 $0x40, s25;
	v1 =	vld [tilespmem:s3+$0x5000];
	v5 =	vadd.f32 v9, v6;
	v6 =	vadd.f32 v8, v7  }
0xd5: {  	v7 =	vld [tilespmem:s3+$0x5500]  }
0xd6: {  	v8 =	vld [tilespmem:s28+$0x8200];
	v2 =	vadd.f32 v2, v6  }
0xd7: {  	v6 =	vld [tilespmem:s3+$0x5A00]  }
0xd8: {  	v9 =	vld [tilespmem:s28+$0x8700];
	v3 =	vadd.f32 v3, v5;
	[tilespmem:s24+$0xA000] =	vst v2  }
0xd9: {  	v2 =	vld [tilespmem:s3+$0x5F00]  }
0xda: {  	v3 =	vadd.f32 v4, v3;
	v1 =	vadd.f32 v7, v1  }
0xdb: {  	v4 =	vld [tilespmem:s3+$0x6400]  }
0xdc: {  	v5 =	vld [tilespmem:s3+$0x6900];
	v0 =	vadd.f32 v0, v3;
	v1 =	vadd.f32 v6, v1  }
0xdd: {  	v3 =	vld [tilespmem:s28+$0x8C00]  }
0xde: {  	v0 =	vadd.f32 v8, v0;
	v6 =	vld [tilespmem:s28+$0x9100];
	v1 =	vadd.f32 v2, v1  }
0xdf: {  	v2 =	vld [tilespmem:s3+$0x6E00]  }
0xe0: {  	v7 =	vld [tilespmem:s28+$0x9600];
	v0 =	vadd.f32 v9, v0;
	v1 =	vadd.f32 v4, v1  }
0xe1: {  	v4 =	vld [tilespmem:s3+$0x7300]  }
0xe2: {  	v0 =	vadd.f32 v3, v0;
	v3 =	vld [tilespmem:s28+$0x9B00];
	v1 =	vadd.f32 v5, v1  }
0xe3: {  	v5 =	vld [tilespmem:s3+$0x7800]  }
0xe4: {  	v0 =	vadd.f32 v6, v0;
	v1 =	vadd.f32 v2, v1  }
0xe5: {  	v2 =	vld [tilespmem:s3+$0x7D00]  }
0xe6: {  	v0 =	vadd.f32 v7, v0;
	v1 =	vadd.f32 v4, v1  }
0xe7: {  	v4 =	vld [tilespmem:s3+$0x8200]  }
0xe8: {  	v0 =	vadd.f32 v3, v0;
	v1 =	vadd.f32 v5, v1  }
0xe9: {  	v3 =	vld [tilespmem:s3+$0x8700]  }
0xea: {  	[tilespmem:s28+$0xA000] =	vst v0;
	v0 =	vadd.f32 v2, v1  }
0xeb: {  	v1 =	vld [tilespmem:s3+$0x8C00]  }
0xec: {  	v0 =	vadd.f32 v4, v0  }
0xed: {  	v2 =	vld [tilespmem:s3+$0x9100]  }
0xee: {  	v0 =	vadd.f32 v3, v0  }
0xef: {  	v3 =	vld [tilespmem:s3+$0x9600]  }
0xf0: {  	v0 =	vadd.f32 v1, v0  }
0xf1: {  	v1 =	vld [tilespmem:s3+$0x9B00]  }
0xf2: {  	v0 =	vadd.f32 v2, v0;
	_ =	sdelay $0x1  }
0xf3: {  	v0 =	vadd.f32 v3, v0;
	_ =	sdelay $0x1  }
0xf4: {  	v0 =	vadd.f32 v1, v0;
	_ =	sdelay $0x1  }
0xf5: {  	s25 =	rddreg [dreg:$0x7];
	s24 =	simm.s32 $0x0;
	[tilespmem:s3+$0xA000] =	vst v0  }
0xf6: {  	[hbm4b:s25+s24] =	stream.linear.scatter [tilespmem:s0], [sflag:$0x2], $0x500, $0x38;
	[tilespmem:$0x1E000] =	vst v63  }
0xf7: {  	_ =	swait.ge [sflag:s1], $0x500  }
0xf8: {  	[sflag:s1] =	ssyncset.done $0x0  }
0xf9: {  	[sflag:s1] =	ssyncadd.s32 $0xFFFFFB00  }
0xfa: {  	s25 =	simm.s32 $0x14000;
	[bflag:$0x0] =	sbarrier.arrive $0xFFFF  }
0xfb: {  	[spmem:s8] =	stream.linear.scatter [tilespmem:s25], [sflag:$0x2], $0x5000, $0x38;
	[tilespmem:$0x1E000] =	vst v63  }
0xfc: {  	_ =	swait.ge [sflag:s1], $0x5000  }
0xfd: {  	[sflag:s1] =	ssyncset.done $0x0  }
0xfe: {  	[sflag:s1] =	ssyncadd.s32 $0xFFFFB000  }
0xff: {  	[bflag:$0x0] =	sbarrier.arrive $0xFFFF  }
0x100: {  	[tilespmem:s29], [sflag:$0x2] =	stream.linear.gather [spmem:s7], $0x500, $0x38;
	[tilespmem:$0x1E000] =	vst v63  }
0x101: {  	_ =	swait.ge [sflag:s1], $0x500  }
0x102: {  	[sflag:s1] =	ssyncset.done $0x0  }
0x103: {  	s24 =	simm.s32 $0x5500;
	[sflag:s1] =	ssyncadd.s32 $0xFFFFFB00  }
0x104: {  	[tilespmem:s24], [sflag:$0x2] =	stream.linear.gather [spmem:s9], $0x500, $0x38;
	[tilespmem:$0x1E000] =	vst v63  }
0x105: {  	_ =	swait.ge [sflag:s1], $0x500  }
0x106: {  	[sflag:s1] =	ssyncset.done $0x0  }
0x107: {  	s25 =	simm.s32 $0x5A00;
	[sflag:s1] =	ssyncadd.s32 $0xFFFFFB00  }
0x108: {  	[tilespmem:s25], [sflag:$0x2] =	stream.linear.gather [spmem:s10], $0x500, $0x38;
	[tilespmem:$0x1E000] =	vst v63  }
0x109: {  	_ =	swait.ge [sflag:s1], $0x500  }
0x10a: {  	[sflag:s1] =	ssyncset.done $0x0  }
0x10b: {  	s24 =	simm.s32 $0x5F00;
	[sflag:s1] =	ssyncadd.s32 $0xFFFFFB00  }
0x10c: {  	[tilespmem:s24], [sflag:$0x2] =	stream.linear.gather [spmem:s11], $0x500, $0x38;
	[tilespmem:$0x1E000] =	vst v63  }
0x10d: {  	_ =	swait.ge [sflag:s1], $0x500  }
0x10e: {  	[sflag:s1] =	ssyncset.done $0x0  }
0x10f: {  	s25 =	simm.s32 $0x6400;
	[sflag:s1] =	ssyncadd.s32 $0xFFFFFB00  }
0x110: {  	[tilespmem:s25], [sflag:$0x2] =	stream.linear.gather [spmem:s12], $0x500, $0x38;
	[tilespmem:$0x1E000] =	vst v63  }
0x111: {  	_ =	swait.ge [sflag:s1], $0x500  }
0x112: {  	[sflag:s1] =	ssyncset.done $0x0  }
0x113: {  	s24 =	simm.s32 $0x6900;
	[sflag:s1] =	ssyncadd.s32 $0xFFFFFB00  }
0x114: {  	[tilespmem:s24], [sflag:$0x2] =	stream.linear.gather [spmem:s13], $0x500, $0x38;
	[tilespmem:$0x1E000] =	vst v63  }
0x115: {  	_ =	swait.ge [sflag:s1], $0x500  }
0x116: {  	[sflag:s1] =	ssyncset.done $0x0  }
0x117: {  	s25 =	simm.s32 $0x6E00;
	[sflag:s1] =	ssyncadd.s32 $0xFFFFFB00  }
0x118: {  	[tilespmem:s25], [sflag:$0x2] =	stream.linear.gather [spmem:s14], $0x500, $0x38;
	[tilespmem:$0x1E000] =	vst v63  }
0x119: {  	_ =	swait.ge [sflag:s1], $0x500  }
0x11a: {  	[sflag:s1] =	ssyncset.done $0x0  }
0x11b: {  	s24 =	simm.s32 $0x7300;
	[sflag:s1] =	ssyncadd.s32 $0xFFFFFB00  }
0x11c: {  	[tilespmem:s24], [sflag:$0x2] =	stream.linear.gather [spmem:s15], $0x500, $0x38;
	[tilespmem:$0x1E000] =	vst v63  }
0x11d: {  	_ =	swait.ge [sflag:s1], $0x500  }
0x11e: {  	[sflag:s1] =	ssyncset.done $0x0  }
0x11f: {  	s25 =	simm.s32 $0x7800;
	[sflag:s1] =	ssyncadd.s32 $0xFFFFFB00  }
0x120: {  	[tilespmem:s25], [sflag:$0x2] =	stream.linear.gather [spmem:s16], $0x500, $0x38;
	[tilespmem:$0x1E000] =	vst v63  }
0x121: {  	_ =	swait.ge [sflag:s1], $0x500  }
0x122: {  	[sflag:s1] =	ssyncset.done $0x0  }
0x123: {  	s24 =	simm.s32 $0x7D00;
	[sflag:s1] =	ssyncadd.s32 $0xFFFFFB00  }
0x124: {  	[tilespmem:s24], [sflag:$0x2] =	stream.linear.gather [spmem:s17], $0x500, $0x38;
	[tilespmem:$0x1E000] =	vst v63  }
0x125: {  	_ =	swait.ge [sflag:s1], $0x500  }
0x126: {  	[sflag:s1] =	ssyncset.done $0x0  }
0x127: {  	s25 =	simm.s32 $0x8200;
	[sflag:s1] =	ssyncadd.s32 $0xFFFFFB00  }
0x128: {  	[tilespmem:s25], [sflag:$0x2] =	stream.linear.gather [spmem:s18], $0x500, $0x38;
	[tilespmem:$0x1E000] =	vst v63  }
0x129: {  	_ =	swait.ge [sflag:s1], $0x500  }
0x12a: {  	[sflag:s1] =	ssyncset.done $0x0  }
0x12b: {  	s24 =	simm.s32 $0x8700;
	[sflag:s1] =	ssyncadd.s32 $0xFFFFFB00  }
0x12c: {  	[tilespmem:s24], [sflag:$0x2] =	stream.linear.gather [spmem:s19], $0x500, $0x38;
	[tilespmem:$0x1E000] =	vst v63  }
0x12d: {  	_ =	swait.ge [sflag:s1], $0x500  }
0x12e: {  	[sflag:s1] =	ssyncset.done $0x0  }
0x12f: {  	s25 =	simm.s32 $0x8C00;
	[sflag:s1] =	ssyncadd.s32 $0xFFFFFB00  }
0x130: {  	[tilespmem:s25], [sflag:$0x2] =	stream.linear.gather [spmem:s20], $0x500, $0x38;
	[tilespmem:$0x1E000] =	vst v63  }
0x131: {  	_ =	swait.ge [sflag:s1], $0x500  }
0x132: {  	[sflag:s1] =	ssyncset.done $0x0  }
0x133: {  	[sflag:s1] =	ssyncadd.s32 $0xFFFFFB00  }
0x134: {  	[tilespmem:s4], [sflag:$0x2] =	stream.linear.gather [spmem:s21], $0x500, $0x38;
	[tilespmem:$0x1E000] =	vst v63  }
0x135: {  	_ =	swait.ge [sflag:s1], $0x500  }
0x136: {  	[sflag:s1] =	ssyncset.done $0x0  }
0x137: {  	[sflag:s1] =	ssyncadd.s32 $0xFFFFFB00  }
0x138: {  	[tilespmem:s5], [sflag:$0x2] =	stream.linear.gather [spmem:s22], $0x500, $0x38;
	[tilespmem:$0x1E000] =	vst v63  }
0x139: {  	_ =	swait.ge [sflag:s1], $0x500  }
0x13a: {  	[sflag:s1] =	ssyncset.done $0x0  }
0x13b: {  	[sflag:s1] =	ssyncadd.s32 $0xFFFFFB00  }
0x13c: {  	[tilespmem:s6], [sflag:$0x2] =	stream.linear.gather [spmem:s26], $0x500, $0x38;
	[tilespmem:$0x1E000] =	vst v63  }
0x13d: {  	_ =	swait.ge [sflag:s1], $0x500  }
0x13e: {  	[sflag:s1] =	ssyncset.done $0x0  }
0x13f: {  	s24 =	simm.s32 $0x0;
	[sflag:s1] =	ssyncadd.s32 $0xFFFFFB00  }
0x140: {  	v0 =	vld [tilespmem:s24+$0x5000]  }
0x141: {  	v1 =	vld [tilespmem:s24+$0x5500];
	_ =	sdelay $0x1  }
0x142: {  	v2 =	vld [tilespmem:s24+$0x5A00];
	_ =	sdelay $0x1  }
0x143: {  	v3 =	vld [tilespmem:s24+$0x5F00]  }
0x144: {  	v0 =	vadd.f32 v1, v0  }
0x145: {  	v1 =	vld [tilespmem:s24+$0x6400]  }
0x146: {  	v0 =	vadd.f32 v2, v0  }
0x147: {  	v2 =	vld [tilespmem:s24+$0x6900]  }
0x148: {  	v0 =	vadd.f32 v3, v0  }
0x149: {  	v3 =	vld [tilespmem:s24+$0x6E00]  }
0x14a: {  	v0 =	vadd.f32 v1, v0  }
0x14b: {  	v1 =	vld [tilespmem:s24+$0x7300]  }
0x14c: {  	s28 =	simm.s32 $0x10;
	v4 =	vld [tilespmem:s24+$0x7800];
	v0 =	vadd.f32 v2, v0  }
0x14d: {  	v5 =	vld [tilespmem:s28+$0x5000]  }
0x14e: {  	v2 =	vld [tilespmem:s24+$0x7D00];
	v0 =	vadd.f32 v3, v0  }
0x14f: {  	v3 =	vld [tilespmem:s28+$0x5500]  }
0x150: {  	v6 =	vld [tilespmem:s28+$0x5A00];
	v0 =	vadd.f32 v1, v0  }
0x151: {  	v1 =	vld [tilespmem:s24+$0x8200]  }
0x152: {  	v7 =	vld [tilespmem:s28+$0x5F00];
	v0 =	vadd.f32 v4, v0  }
0x153: {  	v4 =	vld [tilespmem:s24+$0x8700]  }
0x154: {  	v3 =	vadd.f32 v3, v5;
	v5 =	vld [tilespmem:s28+$0x6400];
	v0 =	vadd.f32 v2, v0  }
0x155: {  	v2 =	vld [tilespmem:s24+$0x8C00]  }
0x156: {  	v3 =	vadd.f32 v6, v3;
	v6 =	vld [tilespmem:s28+$0x6900];
	v0 =	vadd.f32 v1, v0  }
0x157: {  	v1 =	vld [tilespmem:s24+$0x9100]  }
0x158: {  	v8 =	vld [tilespmem:s28+$0x6E00];
	v3 =	vadd.f32 v7, v3;
	v0 =	vadd.f32 v4, v0  }
0x159: {  	v7 =	vld [tilespmem:s24+$0x9600]  }
0x15a: {  	v4 =	vadd.f32 v5, v3;
	v3 =	vld [tilespmem:s28+$0x7300];
	v5 =	vadd.f32 v2, v0  }
0x15b: {  	v2 =	vld [tilespmem:s24+$0x9B00]  }
0x15c: {  	v0 =	vld [tilespmem:s28+$0x7D00];
	v6 =	vadd.f32 v6, v4;
	v63 =	vadd.f32 v1, v5  }
0x15d: {  	s3 =	simm.s32 $0x20;
	v4 =	vld [tilespmem:s28+$0x7800]  }
0x15e: {  	s25 =	simm.s32 $0xC0;
	v1 =	vld [tilespmem:s3+$0x5000];
	v5 =	vadd.f32 v8, v6;
	v6 =	vadd.f32 v7, v63  }
.LBB2_6:
0x15f: {  	p0 =	sne.s32 s25, $0x13C0;
	v7 =	vld [tilespmem:s3+$0x5500]  }
0x160: {  	v3 =	vadd.f32 v3, v5;
	v5 =	vld [tilespmem:s28+$0x8200];
	v2 =	vadd.f32 v2, v6  }
0x161: {  	v6 =	vld [tilespmem:s3+$0x5A00]  }
0x162: {  	v3 =	vadd.f32 v4, v3;
	v4 =	vld [tilespmem:s28+$0x8700];
	[tilespmem:s24+$0xA000] =	vst v2;
	s24 =	smov.u32 s28;
	s28 =	smov.u32 s3  }
0x163: {  	v2 =	vld [tilespmem:s28+$0x5F00]  }
0x164: {  	v1 =	vadd.f32 v7, v1;
	v0 =	vadd.f32 v0, v3;
	v3 =	vld [tilespmem:s24+$0x8C00]  }
0x165: {  	v7 =	vld [tilespmem:s28+$0x6400]  }
0x166: {  	v1 =	vadd.f32 v6, v1;
	v0 =	vadd.f32 v5, v0;
	v5 =	vld [tilespmem:s24+$0x9100]  }
0x167: {  	v6 =	vld [tilespmem:s28+$0x6900]  }
0x168: {  	v1 =	vadd.f32 v2, v1;
	v0 =	vadd.f32 v4, v0;
	v8 =	vld [tilespmem:s24+$0x9600]  }
0x169: {  	v9 =	vld [tilespmem:s28+$0x6E00]  }
.Ltmp2:
0x16a: {  	v1 =	vadd.f32 v7, v1;
	v4 =	vadd.f32 v3, v0;
	v2 =	vld [tilespmem:s24+$0x9B00];
	(pc) =	sbr.rel @p0 .LBB2_6-.Ltmp2, $4  }
0x16b: {  	v3 =	vld [tilespmem:s28+$0x7300]  }
0x16c: {  	v6 =	vadd.f32 v6, v1;
	v0 =	vld [tilespmem:s28+$0x7D00];
	v7 =	vadd.f32 v5, v4  }
0x16d: {  	s3 =	sshra.s32 s25, $0x2;
	v4 =	vld [tilespmem:s28+$0x7800]  }
0x16e: {  	s25 =	sadd.s32 $0x40, s25;
	v1 =	vld [tilespmem:s3+$0x5000];
	v5 =	vadd.f32 v9, v6;
	v6 =	vadd.f32 v8, v7  }
0x16f: {  	v7 =	vld [tilespmem:s3+$0x5500]  }
0x170: {  	v8 =	vld [tilespmem:s28+$0x8200];
	v2 =	vadd.f32 v2, v6  }
0x171: {  	v46 =	vld [tilespmem:s3+$0x5A00]  }
0x172: {  	v9 =	vld [tilespmem:s28+$0x8700];
	v3 =	vadd.f32 v3, v5;
	[tilespmem:s24+$0xA000] =	vst v2  }
0x173: {  	v2 =	vld [tilespmem:s3+$0x5F00]  }
0x174: {  	v3 =	vadd.f32 v4, v3;
	v1 =	vadd.f32 v7, v1  }
0x175: {  	v47 =	vld [tilespmem:s3+$0x6400]  }
0x176: {  	v48 =	vld [tilespmem:s28+$0x8C00];
	v0 =	vadd.f32 v0, v3;
	v1 =	vadd.f32 v46, v1  }
0x177: {  	v49 =	vld [tilespmem:s3+$0x6900]  }
0x178: {  	v50 =	vld [tilespmem:s28+$0x9100];
	v0 =	vadd.f32 v8, v0;
	v1 =	vadd.f32 v2, v1  }
0x179: {  	v51 =	vld [tilespmem:s3+$0x6E00]  }
0x17a: {  	v52 =	vld [tilespmem:s28+$0x9600];
	v0 =	vadd.f32 v9, v0;
	v1 =	vadd.f32 v47, v1  }
0x17b: {  	v53 =	vld [tilespmem:s3+$0x7300]  }
0x17c: {  	v54 =	vld [tilespmem:s28+$0x9B00];
	v0 =	vadd.f32 v48, v0;
	v1 =	vadd.f32 v49, v1  }
0x17d: {  	v55 =	vld [tilespmem:s3+$0x7800]  }
0x17e: {  	v0 =	vadd.f32 v50, v0;
	v1 =	vadd.f32 v51, v1  }
0x17f: {  	v56 =	vld [tilespmem:s3+$0x7D00]  }
0x180: {  	v0 =	vadd.f32 v52, v0;
	v1 =	vadd.f32 v53, v1  }
0x181: {  	v57 =	vld [tilespmem:s3+$0x8200]  }
0x182: {  	v0 =	vadd.f32 v54, v0;
	v1 =	vadd.f32 v55, v1  }
0x183: {  	v58 =	vld [tilespmem:s3+$0x8700]  }
0x184: {  	[tilespmem:s28+$0xA000] =	vst v0;
	v59 =	vadd.f32 v56, v1  }
0x185: {  	v60 =	vld [tilespmem:s3+$0x8C00]  }
0x186: {  	v0 =	vadd.f32 v57, v59  }
0x187: {  	v61 =	vld [tilespmem:s3+$0x9100]  }
0x188: {  	v0 =	vadd.f32 v58, v0  }
0x189: {  	v62 =	vld [tilespmem:s3+$0x9600]  }
0x18a: {  	v0 =	vadd.f32 v60, v0  }
0x18b: {  	v63 =	vld [tilespmem:s3+$0x9B00]  }
0x18c: {  	v0 =	vadd.f32 v61, v0;
	_ =	sdelay $0x1  }
0x18d: {  	v0 =	vadd.f32 v62, v0;
	_ =	sdelay $0x1  }
0x18e: {  	v0 =	vadd.f32 v63, v0;
	_ =	sdelay $0x1  }
0x18f: {  	s25 =	rddreg [dreg:$0x8];
	[tilespmem:s3+$0xA000] =	vst v0  }
0x190: {  	[hbm4b:s25+s2] =	stream.linear.scatter [tilespmem:s0], [sflag:$0x2], $0x500, $0x38;
	[tilespmem:$0x1E000] =	vst v63  }
0x191: {  	_ =	swait.ge [sflag:s1], $0x500  }
0x192: {  	s23 =	sadd.s32 $0x1, s23;
	s28 =	rddreg [dreg:$0x9]  }
0x193: {  	p0 =	sne.s32 s23, s28  }
.Ltmp3:
0x194: {  	_ = 	snop;
	(pc) =	sbr.rel @p0 .LBB2_1-.Ltmp3, $3  }
0x195: {  	[sflag:s1] =	ssyncset.done $0x0  }
0x196: {  	[sflag:s1] =	ssyncadd.s32 $0xFFFFFB00  }
0x197: {  	[bflag:$0x0] =	sbarrier.arrive $0xFFFF;
	_ =	sdelay $0x1  }
0x198: {  	_ =	sfence.sel $0x180000  }
0x199: {  	[bflag:$0x0] =	sbarrier.arrive $0xFFFF  }
0x19a: {  	_ =	strace $0x9000004D  }
0x19b: {  	s0 =	stileid.u32;
	[bflag:$0x2] =	sbarrier.arrive $0xFFFF  }
0x19c: {  	p0 =	sne.s32 s0, $0x0;
	s0 =	rddreg [dreg:$0x2]  }
0x19d: {  	s0 =	sadd.s32 @!p0 $0x100000, s0  }
0x19e: {  	[sflag:s0] =	ssyncadd.tile.s32 @!p0 $0x1;
	_ =	shalt  }
.Lfunc_end2:
_tile_overlayer_lowered:
.L_overlay_start_2:
0x19f: {  	(tag) =	ssettag $0x2  }
0x1a0: {  	s0 =	rddreg [dreg:$0x0];
	s2 =	stileid.u32  }
0x1a1: {  	s1 =	rddreg [dreg:$0x1];
	p0 =	sne.s32 s2, $0x0  }
0x1a2: {  	s3 =	rddreg [dreg:$0x2];
	[bflag:$0x3] =	sbarrier.arrive $0xFFFF;
	s2 =	simm.s32 @!p0 $0x1C02  }
0x1a3: {  	[timem:s3], [sflag:s2] =	dma.local @!p0 [hbm:s0], s1  }
0x1a4: {  	s0 =	simm.s32 @!p0 $0x2  }
0x1a5: {  	_ =	swait.ge @!p0 [sflag:s0], s1  }
0x1a6: {  	s1 =	ssub.s32 @!p0 $0x0, s1;
	[sflag:s0] =	ssyncset.done @!p0 $0x0  }
0x1a7: {  	[sflag:s0] =	ssyncadd.s32 @!p0 s1  }
0x1a8: {  	[bflag:$0x3] =	sbarrier.arrive $0xFFFF  }
0x1a9: {  	_ =	shalt  }

// kernel: kernel.8.cloned.1.call-start
scs
__scs_entry_jumppad:
0x0: {  	(pc) =	sbr.rel $0x88, $3  }
0x1: {  	(tag) =	ssettag $0x0;
	lr =	simm.s32 $0x1  }
0x2: {  	[smem:$0x3F97] =	sst lr;
	_ =	strace $0xD0000000  }
0x3: {  	_ = 	snop  }
0x4: {  	_ = 	snop  }
0x5: {  	_ = 	snop  }
0x6: {  	_ = 	snop  }
0x7: {  	_ = 	snop  }
__scs_overlays_trampoline_lowered:
0x8: {  	[smem:$0x3FA6] =	sst s0  }
0x9: {  	[smem:$0x3FA7] =	sst s1  }
0xa: {  	[smem:$0x3FA8] =	sst s2  }
0xb: {  	[smem:$0x3FA9] =	sst s3  }
0xc: {  	[smem:$0x3FAA] =	sst s4  }
0xd: {  	[smem:$0x3FAB] =	sst s5  }
0xe: {  	[smem:$0x3FAC] =	sst s6  }
0xf: {  	[smem:$0x3FAD] =	sst s7  }
0x10: {  	[smem:$0x3FAE] =	sst s8  }
0x11: {  	[smem:$0x3FAF] =	sst s9;
	s0 =	simm.s32 @!p0 $0x0  }
0x12: {  	s1 =	sld [smem:$0x3F95];
	s0 =	simm.s32 @p0 $0x1  }
0x13: {  	[smem:$0x3FB0] =	sst s0;
	s0 =	simm.s32 @!p1 $0x0  }
0x14: {  	s2 =	sld [smem:$0x3F94];
	s0 =	simm.s32 @p1 $0x1  }
0x15: {  	[smem:$0x3FB1] =	sst s0;
	s0 =	simm.s32 @!p2 $0x0  }
0x16: {  	s3 =	sld [smem:$0x3FDB];
	s0 =	simm.s32 @p2 $0x1  }
0x17: {  	s4 =	simm.s32 $0x1BF5;
	[smem:$0x3FB3] =	sst s0  }
0x18: {  	s0 =	sld [smem:$0x3F96];
	_ =	swait.ge [sflag:s4], $0x0  }
0x19: {  	s7 =	sld [smem:$0x3F97]  }
0x1a: {  	s8 =	sadd.s32 $0xFFFFE003, lr  }
0x1b: {  	s9 =	sadd.s32 $0xFFFFFEF7, lr;
	s5 =	simm.s32 $0xFFFFFFFF;
	p2 =	slt.u32 s8, $0xFFFFF086  }
0x1c: {  	p1 =	slt.u32 s9, $0xF7A;
	s5 =	simm.s32 @!p2 $0x0  }
0x1d: {  	s5 =	simm.s32 @p1 $0x1;
	p0 =	seq.s32 s7, s2  }
0x1e: {  	s7 =	smul.u32 @!p0 $0xF7A, s2;
	p2 =	seq.s32 @!p0 s5, $0x0  }
0x1f: {  	s9 =	smul.u32 $0xF7A, s1;
	s8 =	simm.s32 @!p0 $0x1BF5;
	p2 =	por !p2, p0  }
0x20: {  	[sflag:s8] =	ssyncset.s32 @!p0 $0xFFFFF086;
	s6 =	sadd.s32 @!p0 s3, s7;
	s7 =	simm.s32 @!p0 $0x108  }
0x21: {  	s3 =	sadd.s32 s3, s9;
	s6 =	sadd.s32 @!p0 $0x88, s6;
	s7 =	simm.s32 @p2 $0x1082  }
0x22: {  	[simem:s7], [sflag:s8] =	dma.local @!p0 [hbm:s6], $0xF7A  }
0x23: {  	s9 =	sor.u32 $0xD0000000, s2;
	s6 =	simm.s32 $0x108;
	_ =	swait.ge @!p0 [sflag:s8], $0x0  }
0x24: {  	s3 =	sadd.s32 $0x88, s3;
	s6 =	simm.s32 @!p1 $0x1082;
	[sflag:s4] =	ssyncset.s32 $0xFFFFF086  }
0x25: {  	[simem:s6], [sflag:s4] =	dma.local [hbm:s3], $0xF7A  }
0x26: {  	[smem:$0x3F97] =	sst s1;
	(tag) =	ssettag s2;
	_ =	strace s9  }
0x27: {  	s1 =	sld [smem:$0x3FA7]  }
0x28: {  	s2 =	sld [smem:$0x3FA8]  }
0x29: {  	s4 =	sld [smem:$0x3FAA]  }
0x2a: {  	p0 =	seq.s32 s5, $0x0;
	s5 =	sld [smem:$0x3FAB]  }
0x2b: {  	s6 =	sld [smem:$0x3FAC]  }
0x2c: {  	s7 =	sld [smem:$0x3FAD]  }
0x2d: {  	s3 =	simm.s32 $0x108;
	s8 =	sld [smem:$0x3FAE]  }
0x2e: {  	s3 =	simm.s32 @!p0 $0x1082;
	s9 =	sld [smem:$0x3FAF]  }
0x2f: {  	lr =	sadd.s32 s0, s3;
	s0 =	sld [smem:$0x3FA6]  }
0x30: {  	s3 =	sld [smem:$0x3FA9]  }
0x31: {  	[smem:$0x3FB2] =	sst s10  }
0x32: {  	s10 =	sld [smem:$0x3FB0];
	_ =	sdelay $0x3  }
0x33: {  	p0 =	seq.s32 s10, $0x1;
	s10 =	sld [smem:$0x3FB2];
	_ =	sdelay $0x3  }
0x34: {  	[smem:$0x3FB2] =	sst s10  }
0x35: {  	s10 =	sld [smem:$0x3FB1];
	_ =	sdelay $0x3  }
0x36: {  	p1 =	seq.s32 s10, $0x1;
	s10 =	sld [smem:$0x3FB2];
	_ =	sdelay $0x3  }
0x37: {  	[smem:$0x3FB2] =	sst s10  }
0x38: {  	s10 =	sld [smem:$0x3FB3]  }
0x39: {  	_ = 	snop;
	(pc) =	sbr.ind lr, $3  }
0x3a: {  	_ = 	snop  }
0x3b: {  	_ = 	snop  }
0x3c: {  	p2 =	seq.s32 s10, $0x1;
	s10 =	sld [smem:$0x3FB2]  }
0x3d: {  	_ =	shalt  }
0x3e: {  	_ =	shalt  }
0x3f: {  	_ =	shalt  }
0x40: {  	_ =	shalt  }
0x41: {  	_ =	shalt  }
0x42: {  	_ =	shalt  }
0x43: {  	_ =	shalt  }
0x44: {  	_ =	shalt  }
0x45: {  	_ =	shalt  }
0x46: {  	_ =	shalt  }
0x47: {  	_ =	shalt  }
0x48: {  	_ =	shalt  }
0x49: {  	_ =	shalt  }
0x4a: {  	_ =	shalt  }
0x4b: {  	_ =	shalt  }
0x4c: {  	_ =	shalt  }
0x4d: {  	_ =	shalt  }
0x4e: {  	_ =	shalt  }
0x4f: {  	_ =	shalt  }
0x50: {  	_ =	shalt  }
0x51: {  	_ =	shalt  }
0x52: {  	_ =	shalt  }
0x53: {  	_ =	shalt  }
0x54: {  	_ =	shalt  }
0x55: {  	_ =	shalt  }
0x56: {  	_ =	shalt  }
0x57: {  	_ =	shalt  }
0x58: {  	_ =	shalt  }
0x59: {  	_ =	shalt  }
0x5a: {  	_ =	shalt  }
0x5b: {  	_ =	shalt  }
0x5c: {  	_ =	shalt  }
0x5d: {  	_ =	shalt  }
0x5e: {  	_ =	shalt  }
0x5f: {  	_ =	shalt  }
0x60: {  	_ =	shalt  }
0x61: {  	_ =	shalt  }
0x62: {  	_ =	shalt  }
0x63: {  	_ =	shalt  }
0x64: {  	_ =	shalt  }
0x65: {  	_ =	shalt  }
0x66: {  	_ =	shalt  }
0x67: {  	_ =	shalt  }
0x68: {  	_ =	shalt  }
0x69: {  	_ =	shalt  }
0x6a: {  	_ =	shalt  }
0x6b: {  	_ =	shalt  }
0x6c: {  	_ =	shalt  }
0x6d: {  	_ =	shalt  }
0x6e: {  	_ =	shalt  }
0x6f: {  	_ =	shalt  }
0x70: {  	_ =	shalt  }
0x71: {  	_ =	shalt  }
0x72: {  	_ =	shalt  }
0x73: {  	_ =	shalt  }
0x74: {  	_ =	shalt  }
0x75: {  	_ =	shalt  }
0x76: {  	_ =	shalt  }
0x77: {  	_ =	shalt  }
0x78: {  	_ =	shalt  }
0x79: {  	_ =	shalt  }
0x7a: {  	_ =	shalt  }
0x7b: {  	_ =	shalt  }
0x7c: {  	_ =	shalt  }
0x7d: {  	_ =	shalt  }
0x7e: {  	_ =	shalt  }
0x7f: {  	_ =	shalt  }
0x80: {  	_ =	shalt  }
0x81: {  	_ =	shalt  }
0x82: {  	_ =	shalt  }
0x83: {  	_ =	shalt  }
0x84: {  	_ =	shalt  }
0x85: {  	_ =	shalt  }
0x86: {  	_ =	shalt  }
0x87: {  	_ =	shalt  }
.Lfunc_end0:
.L_simem_size_0:
called_computation_lowered:
.L_overlay_start_0:
0x88: {  	s2 =	sld [smem:$0x3FD9]  }
0x89: {  	s3 =	sld [smem:$0x3FFE];
	_ =	sdelay $0x1  }
0x8a: {  	s1 =	srdreg.scid  }
0x8b: {  	s0 =	sand.u32 $0x1, s1  }
0x8c: {  	s17 =	sshll.u32 s0, $0xA;
	s2 =	sadd.s32 s3, s2  }
0x8d: {  	s2 =	sadd.s32 s2, s17  }
0x8e: {  	[smem:$0x3FBE] =	sst s2  }
0x8f: {  	_ = 	snop  }
0x90: {  	s2 =	sld [smem:$0x3FD0];
	(tm) =	ssettm $0x1  }
0x91: {  	s18 =	sld [smem:$0x3FFB];
	_ =	sdelay $0x3  }
0x92: {  	_ =	strace s18  }
0x93: {  	s3 =	sld [smem:$0x3FFC];
	_ =	sdelay $0x3  }
0x94: {  	_ =	strace s3  }
0x95: {  	s3 =	sld [smem:$0x3FFD];
	_ =	sdelay $0x3  }
0x96: {  	_ =	strace s3  }
0x97: {  	_ =	strace $0x8FFFFFFF  }
0x98: {  	s19 =	sld [smem:$0x3FDB];
	_ =	sdelay $0x1  }
0x99: {  	s4 =	simm.s32 $_scs_section_size  }
0x9a: {  	s5 =	simm.s32 $_size__tile_overlayer_lowered;
	s6 =	simm.s32 $_tile_overlayer_lowered  }
0x9b: {  	s22 =	simm.s32 $0x1BFF;
	s21 =	sshll.u32 s6, $0x1;
	s3 =	sadd.s32 s4, s19  }
0x9c: {  	s7 =	simm.s32 $0x0;
	s20 =	sshll.u32 s5, $0x1;
	s5 =	sadd.s32 s21, s3  }
0x9d: {  	[timem:s7], [sflag:s22] =	dma.local [hbm:s5], s20  }
0x9e: {  	_ =	swait.ge [sflag:s22], s20  }
0x9f: {  	s4 =	ssub.s32 $0x0, s20;
	[sflag:s22] =	ssyncset.done $0x0  }
0xa0: {  	[sflag:s22] =	ssyncadd.s32 s4;
	_ =	sdelay $0x1  }
0xa1: {  	s23 =	simm.s32 $0x1B8B  }
0xa2: {  	_ =	swait.ge [sflag:s23], $0x1  }
0xa3: {  	[sflag:s23] =	ssyncset.done $0x0  }
0xa4: {  	s25 =	simm.s32 $0x1B8E;
	s24 =	sld [smem:$0x3FFE];
	[sflag:s23] =	ssyncadd.s32 $0xFFFFFFFF  }
0xa5: {  	s26 =	simm.s32 $execute0_lowered;
	[smem:$0x3FD2] =	sst s25  }
0xa6: {  	s5 =	sshll.u32 s26, $0x1;
	_ =	strace $0x80000046;
	[dreg:$0x1] =	wrdreg $0xFFFFFFFF  }
0xa7: {  	s28 =	simm.s32 $_size_execute0_lowered;
	s3 =	sadd.s32 s3, s5;
	[dreg:$0x0] =	wrdreg $0x0  }
0xa8: {  	s5 =	sshll.u32 s28, $0x1;
	[dreg:$0x2] =	wrdreg s3  }
0xa9: {  	[dreg:$0x3] =	wrdreg s5  }
0xaa: {  	[dreg:$0x4] =	wrdreg $0xC0  }
0xab: {  	_ =	task [dreg:s7], $0x5FFFF  }
0xac: {  	[dreg:$0x1] =	wrdreg $0xFFFFFFFF  }
0xad: {  	[dreg:$0x0] =	wrdreg $0x60  }
0xae: {  	[dreg:$0x2] =	wrdreg s24  }
0xaf: {  	[dreg:$0x3] =	wrdreg s2  }
0xb0: {  	[dreg:$0x4] =	wrdreg $0x50000  }
0xb1: {  	[dreg:$0x5] =	wrdreg $0x9  }
0xb2: {  	_ =	task.clear_ibuf [dreg:s7], $0x6FFFF;
	_ =	strace $0x90000046  }
0xb3: {  	s29 =	simm.s32 $0x9;
	_ =	strace $0x80000048  }
0xb4: {  	_ =	swait.ge [sflag:s29], $0x1  }
0xb5: {  	[sflag:s29] =	ssyncadd.s32 $0xFFFFFFFF  }
0xb6: {  	_ =	strace $0x90000048  }
0xb7: {  	_ =	sfence  }
0xb8: {  	s30 =	sld [smem:$0x0];
	_ =	sdelay $0x2  }
0xb9: {  	s31 =	sshll.u32 s1, $0xD;
	s1 =	sshrl.u32 s1, $0x2  }
0xba: {  	s3 =	sand.u32 $0x4000, s31;
	s1 =	sadd.s32 s1, s30  }
0xbb: {  	s0 =	sor.u32 s3, s0;
	s1 =	sshll.u32 s1, $0x11  }
0xbc: {  	s0 =	sor.u32 s1, s0  }
0xbd: {  	s0 =	sadd.s32 $0x8F2B, s0  }
0xbe: {  	[sflag:s0] =	ssyncadd.remote.s32 $0x1  }
0xbf: {  	_ =	sfence.sel $0xFFFF  }
0xc0: {  	[dreg:$0x0] =	wrdreg $0xFFFFFFFF;
	(pc) =	sbr.abs _section_cstart, $3  }
0xc1: {  	[dreg:$0x1] =	wrdreg $0xFFFFFFFF  }
0xc2: {  	_ =	task.clear_ibuf [dreg:s7], $0x2FFFF;
	_ =	strace $0x9FFFFFFF  }
0xc3: {  	(tm) =	ssettm $0x7FFFFFFF  }
tec
execute0_lowered:
.L_overlay_start_1:
0x0: {  	(tag) =	ssettag $0x1  }
0x1: {  	s0 =	rddreg [dreg:$0x0]  }
0x2: {  	s22 =	rddreg [dreg:$0x1]  }
0x3: {  	s1 =	srdreg.scid;
	s6 =	rddreg [dreg:$0x2]  }
0x4: {  	s9 =	stileid.u32;
	s2 =	simm.s32 $0x0;
	s24 =	simm.s32 $0x2800  }
0x5: {  	s25 =	simm.s32 $0x1;
	s26 =	simm.s32 $0x2;
	s29 =	simm.s32 $0x4B00  }
0x6: {  	s30 =	simm.s32 $0x4D80;
	s31 =	simm.s32 $0x0;
	s5 =	smul.u32 $0xA000, s9  }
0x7: {  	s1 =	sand.u32 $0x1, s1;
	[smem:$0x7FF] =	sst s2;
	s20 =	smul.u32 $0x280, s9  }
0x8: {  	s3 =	sshll.u32 s1, $0x4;
	_ =	strace $0x80000047;
	s4 =	ssub.s32 $0x2, s1  }
0x9: {  	s1 =	smul.u32 $0x2800, s1;
	s3 =	sor.u32 s9, s3;
	s8 =	sshrl.u32 s4, $0x1  }
0xa: {  	s5 =	sshrl.u32 s5, $0x2;
	s3 =	smul.u32 $0x500, s3;
	s28 =	ssub.s32 s4, s8  }
0xb: {  	s5 =	sadd.s32 s5, s6;
	s6 =	sadd.s32 s20, s6;
	s1 =	sadd.s32 s20, s1  }
0xc: {  	s8 =	sadd.s32 $0x5000, s6;
	s9 =	sadd.s32 $0x7800, s6;
	s10 =	sadd.s32 $0xA000, s6  }
0xd: {  	s11 =	sadd.s32 $0xC800, s6;
	s12 =	sadd.s32 $0xF000, s6;
	s13 =	sadd.s32 $0x11800, s6  }
0xe: {  	s14 =	sadd.s32 $0x14000, s6;
	s15 =	sadd.s32 $0x16800, s6;
	s16 =	sadd.s32 $0x19000, s6  }
0xf: {  	s17 =	sadd.s32 $0x1B800, s6;
	s18 =	sadd.s32 $0x1E000, s6;
	s19 =	sadd.s32 $0x20800, s6  }
0x10: {  	s20 =	sadd.s32 $0x23000, s6;
	s21 =	sadd.s32 $0x25800, s6;
	s1 =	sshrl.u32 s1, $0x3  }
0x11: {  	s23 =	smax.u32 s28, $0x1;
	s7 =	sadd.s32 s3, s0;
	s3 =	sadd.s32 $0xB800, s0  }
0x12: {  	v0 =	vimm.f32 $1.000000000e+00;
	s22 =	sadd.s32 s22, s1;
	s4 =	sadd.s32 $0x1800, s7;
	s7 =	sadd.s32 $0x2800, s6  }
.LBB2_1:
0x13: {  	[tilespmem:s2], [sflag:$0x1] =	stream.linear.gather [hbm4b:s4+s2], $0x2800, $0x38;
	[tilespmem:$0x7800] =	vst v63  }
0x14: {  	_ = 	snop  }
0x15: {  	[tilespmem:s24], [sflag:$0x1] =	stream.linear.gather [hbm4b:s3+s2], $0x2800, $0x38;
	[tilespmem:$0x7800] =	vst v63  }
0x16: {  	_ =	swait.ge [sflag:s25], $0x2800  }
0x17: {  	[sflag:s25] =	ssyncset.done $0x0  }
0x18: {  	[sflag:s25] =	ssyncadd.s32 $0xFFFFD800  }
0x19: {  	_ =	swait.ge [sflag:s25], $0x2800  }
0x1a: {  	[sflag:s25] =	ssyncset.done $0x0  }
0x1b: {  	s0 =	simm.s32 $0x0;
	[sflag:s25] =	ssyncadd.s32 $0xFFFFD800  }
.LBB2_2:
0x1c: {  	s1 =	sshra.s32 s0, $0x2  }
0x1d: {  	v1 =	vld [tilespmem:s1+$0x0];
	_ =	sdelay $0x7  }
0x1e: {  	[tilespmem:v1+s24+$0x0] =	vst.idx.add.f32.msk $0xffff, v0  }
0x1f: {  	v1 =	vld [tilespmem:s1+$0x10];
	_ =	sdelay $0x7  }
0x20: {  	[tilespmem:v1+s24+$0x0] =	vst.idx.add.f32.msk $0xffff, v0  }
0x21: {  	v1 =	vld [tilespmem:s1+$0x20];
	_ =	sdelay $0x7  }
0x22: {  	[tilespmem:v1+s24+$0x0] =	vst.idx.add.f32.msk $0xffff, v0  }
0x23: {  	v1 =	vld [tilespmem:s1+$0x30];
	_ =	sdelay $0x2  }
0x24: {  	p0 =	sne.s32 s0, $0x9F00  }
.Ltmp0:
0x25: {  	_ = 	snop;
	(pc) =	sbr.rel @p0 .LBB2_2-.Ltmp0, $2  }
0x26: {  	_ =	sdelay $0x2  }
0x27: {  	s0 =	sadd.s32 $0x100, s0;
	[tilespmem:v1+s24+$0x0] =	vst.idx.add.f32.msk $0xffff, v0  }
0x28: {  	[spmem:s5] =	stream.linear.scatter [tilespmem:s24], [sflag:$0x2], $0x2800, $0x38;
	[tilespmem:$0x7800] =	vst v63  }
0x29: {  	_ =	swait.ge [sflag:s26], $0x2800  }
0x2a: {  	[sflag:s26] =	ssyncset.done $0x0  }
0x2b: {  	[sflag:s26] =	ssyncadd.s32 $0xFFFFD800  }
0x2c: {  	[bflag:$0x0] =	sbarrier.arrive $0xFFFF  }
0x2d: {  	[tilespmem:s24], [sflag:$0x2] =	stream.linear.gather [spmem:s6], $0x280, $0x38;
	[tilespmem:$0x7800] =	vst v63  }
0x2e: {  	_ =	swait.ge [sflag:s26], $0x280  }
0x2f: {  	[sflag:s26] =	ssyncset.done $0x0  }
0x30: {  	s0 =	simm.s32 $0x2A80;
	[sflag:s26] =	ssyncadd.s32 $0xFFFFFD80  }
0x31: {  	[tilespmem:s0], [sflag:$0x2] =	stream.linear.gather [spmem:s7], $0x280, $0x38;
	[tilespmem:$0x7800] =	vst v63  }
0x32: {  	_ =	swait.ge [sflag:s26], $0x280  }
0x33: {  	[sflag:s26] =	ssyncset.done $0x0  }
0x34: {  	s1 =	simm.s32 $0x2D00;
	[sflag:s26] =	ssyncadd.s32 $0xFFFFFD80  }
0x35: {  	[tilespmem:s1], [sflag:$0x2] =	stream.linear.gather [spmem:s8], $0x280, $0x38;
	[tilespmem:$0x7800] =	vst v63  }
0x36: {  	_ =	swait.ge [sflag:s26], $0x280  }
0x37: {  	[sflag:s26] =	ssyncset.done $0x0  }
0x38: {  	s28 =	simm.s32 $0x2F80;
	[sflag:s26] =	ssyncadd.s32 $0xFFFFFD80  }
0x39: {  	[tilespmem:s28], [sflag:$0x2] =	stream.linear.gather [spmem:s9], $0x280, $0x38;
	[tilespmem:$0x7800] =	vst v63  }
0x3a: {  	_ =	swait.ge [sflag:s26], $0x280  }
0x3b: {  	[sflag:s26] =	ssyncset.done $0x0  }
0x3c: {  	s1 =	simm.s32 $0x3200;
	[sflag:s26] =	ssyncadd.s32 $0xFFFFFD80  }
0x3d: {  	[tilespmem:s1], [sflag:$0x2] =	stream.linear.gather [spmem:s10], $0x280, $0x38;
	[tilespmem:$0x7800] =	vst v63  }
0x3e: {  	_ =	swait.ge [sflag:s26], $0x280  }
0x3f: {  	[sflag:s26] =	ssyncset.done $0x0  }
0x40: {  	s28 =	simm.s32 $0x3480;
	[sflag:s26] =	ssyncadd.s32 $0xFFFFFD80  }
0x41: {  	[tilespmem:s28], [sflag:$0x2] =	stream.linear.gather [spmem:s11], $0x280, $0x38;
	[tilespmem:$0x7800] =	vst v63  }
0x42: {  	_ =	swait.ge [sflag:s26], $0x280  }
0x43: {  	[sflag:s26] =	ssyncset.done $0x0  }
0x44: {  	s1 =	simm.s32 $0x3700;
	[sflag:s26] =	ssyncadd.s32 $0xFFFFFD80  }
0x45: {  	[tilespmem:s1], [sflag:$0x2] =	stream.linear.gather [spmem:s12], $0x280, $0x38;
	[tilespmem:$0x7800] =	vst v63  }
0x46: {  	_ =	swait.ge [sflag:s26], $0x280  }
0x47: {  	[sflag:s26] =	ssyncset.done $0x0  }
0x48: {  	s28 =	simm.s32 $0x3980;
	[sflag:s26] =	ssyncadd.s32 $0xFFFFFD80  }
0x49: {  	[tilespmem:s28], [sflag:$0x2] =	stream.linear.gather [spmem:s13], $0x280, $0x38;
	[tilespmem:$0x7800] =	vst v63  }
0x4a: {  	_ =	swait.ge [sflag:s26], $0x280  }
0x4b: {  	[sflag:s26] =	ssyncset.done $0x0  }
0x4c: {  	s1 =	simm.s32 $0x3C00;
	[sflag:s26] =	ssyncadd.s32 $0xFFFFFD80  }
0x4d: {  	[tilespmem:s1], [sflag:$0x2] =	stream.linear.gather [spmem:s14], $0x280, $0x38;
	[tilespmem:$0x7800] =	vst v63  }
0x4e: {  	_ =	swait.ge [sflag:s26], $0x280  }
0x4f: {  	[sflag:s26] =	ssyncset.done $0x0  }
0x50: {  	s28 =	simm.s32 $0x3E80;
	[sflag:s26] =	ssyncadd.s32 $0xFFFFFD80  }
0x51: {  	[tilespmem:s28], [sflag:$0x2] =	stream.linear.gather [spmem:s15], $0x280, $0x38;
	[tilespmem:$0x7800] =	vst v63  }
0x52: {  	_ =	swait.ge [sflag:s26], $0x280  }
0x53: {  	[sflag:s26] =	ssyncset.done $0x0  }
0x54: {  	s1 =	simm.s32 $0x4100;
	[sflag:s26] =	ssyncadd.s32 $0xFFFFFD80  }
0x55: {  	[tilespmem:s1], [sflag:$0x2] =	stream.linear.gather [spmem:s16], $0x280, $0x38;
	[tilespmem:$0x7800] =	vst v63  }
0x56: {  	_ =	swait.ge [sflag:s26], $0x280  }
0x57: {  	[sflag:s26] =	ssyncset.done $0x0  }
0x58: {  	s28 =	simm.s32 $0x4380;
	[sflag:s26] =	ssyncadd.s32 $0xFFFFFD80  }
0x59: {  	[tilespmem:s28], [sflag:$0x2] =	stream.linear.gather [spmem:s17], $0x280, $0x38;
	[tilespmem:$0x7800] =	vst v63  }
0x5a: {  	_ =	swait.ge [sflag:s26], $0x280  }
0x5b: {  	[sflag:s26] =	ssyncset.done $0x0  }
0x5c: {  	s1 =	simm.s32 $0x4600;
	[sflag:s26] =	ssyncadd.s32 $0xFFFFFD80  }
0x5d: {  	[tilespmem:s1], [sflag:$0x2] =	stream.linear.gather [spmem:s18], $0x280, $0x38;
	[tilespmem:$0x7800] =	vst v63  }
0x5e: {  	_ =	swait.ge [sflag:s26], $0x280  }
0x5f: {  	[sflag:s26] =	ssyncset.done $0x0  }
0x60: {  	s28 =	simm.s32 $0x4880;
	[sflag:s26] =	ssyncadd.s32 $0xFFFFFD80  }
0x61: {  	[tilespmem:s28], [sflag:$0x2] =	stream.linear.gather [spmem:s19], $0x280, $0x38;
	[tilespmem:$0x7800] =	vst v63  }
0x62: {  	_ =	swait.ge [sflag:s26], $0x280  }
0x63: {  	[sflag:s26] =	ssyncset.done $0x0  }
0x64: {  	[sflag:s26] =	ssyncadd.s32 $0xFFFFFD80  }
0x65: {  	[tilespmem:s29], [sflag:$0x2] =	stream.linear.gather [spmem:s20], $0x280, $0x38;
	[tilespmem:$0x7800] =	vst v63  }
0x66: {  	_ =	swait.ge [sflag:s26], $0x280  }
0x67: {  	[sflag:s26] =	ssyncset.done $0x0  }
0x68: {  	[sflag:s26] =	ssyncadd.s32 $0xFFFFFD80  }
0x69: {  	[tilespmem:s30], [sflag:$0x2] =	stream.linear.gather [spmem:s21], $0x280, $0x38;
	[tilespmem:$0x7800] =	vst v63  }
0x6a: {  	_ =	swait.ge [sflag:s26], $0x280  }
0x6b: {  	[sflag:s26] =	ssyncset.done $0x0  }
0x6c: {  	s0 =	simm.s32 $0xFFFFFD80;
	[sflag:s26] =	ssyncadd.s32 $0xFFFFFD80  }
0x6d: {  	s1 =	simm.s32 $0xFFFFF640;
	v1 =	vld [tilespmem:s0+$0x2D00]  }
.LBB2_4:
0x6e: {  	p0 =	sne.s32 s1, $0xFFFFFFC0;
	v2 =	vld [tilespmem:s0+$0x2A80];
	_ =	sdelay $0x1  }
0x6f: {  	v3 =	vld [tilespmem:s0+$0x2F80];
	_ =	sdelay $0x1  }
0x70: {  	v4 =	vld [tilespmem:s0+$0x3200]  }
0x71: {  	v1 =	vadd.f32 v1, v2  }
0x72: {  	v2 =	vld [tilespmem:s0+$0x3480]  }
0x73: {  	v1 =	vadd.f32 v3, v1  }
0x74: {  	v3 =	vld [tilespmem:s0+$0x3700]  }
0x75: {  	v1 =	vadd.f32 v4, v1  }
0x76: {  	v4 =	vld [tilespmem:s0+$0x3980]  }
0x77: {  	v1 =	vadd.f32 v2, v1  }
0x78: {  	v2 =	vld [tilespmem:s0+$0x3C00]  }
0x79: {  	v1 =	vadd.f32 v3, v1  }
0x7a: {  	v3 =	vld [tilespmem:s0+$0x3E80]  }
0x7b: {  	v1 =	vadd.f32 v4, v1  }
0x7c: {  	v4 =	vld [tilespmem:s0+$0x4100]  }
0x7d: {  	v1 =	vadd.f32 v2, v1  }
0x7e: {  	v2 =	vld [tilespmem:s0+$0x4380]  }
0x7f: {  	v1 =	vadd.f32 v3, v1  }
0x80: {  	v3 =	vld [tilespmem:s0+$0x4600]  }
0x81: {  	v1 =	vadd.f32 v4, v1  }
0x82: {  	v4 =	vld [tilespmem:s0+$0x4880]  }
0x83: {  	v1 =	vadd.f32 v2, v1  }
0x84: {  	v2 =	vld [tilespmem:s0+$0x4B00]  }
0x85: {  	v1 =	vadd.f32 v3, v1  }
0x86: {  	v3 =	vld [tilespmem:s0+$0x4D80]  }
0x87: {  	v1 =	vadd.f32 v4, v1  }
0x88: {  	v4 =	vld [tilespmem:s0+$0x5000]  }
0x89: {  	v1 =	vadd.f32 v2, v1;
	_ =	sdelay $0x1  }
.Ltmp1:
0x8a: {  	v1 =	vadd.f32 v3, v1;
	(pc) =	sbr.rel @p0 .LBB2_4-.Ltmp1, $4  }
0x8b: {  	_ = 	snop  }
0x8c: {  	v2 =	vadd.f32 v4, v1  }
0x8d: {  	s28 =	sshra.s32 s1, $0x2  }
0x8e: {  	s1 =	sadd.s32 $0x40, s1;
	v1 =	vld [tilespmem:s28+$0x2D00];
	[tilespmem:s0+$0x2A80] =	vst v2;
	s0 =	smov.u32 s28  }
0x8f: {  	v2 =	vld [tilespmem:s0+$0x2A80];
	_ =	sdelay $0x1  }
0x90: {  	v3 =	vld [tilespmem:s0+$0x2F80];
	_ =	sdelay $0x1  }
0x91: {  	v4 =	vld [tilespmem:s0+$0x3200]  }
0x92: {  	v1 =	vadd.f32 v1, v2  }
0x93: {  	v2 =	vld [tilespmem:s0+$0x3480]  }
0x94: {  	v1 =	vadd.f32 v3, v1  }
0x95: {  	v3 =	vld [tilespmem:s0+$0x3700]  }
0x96: {  	v1 =	vadd.f32 v4, v1  }
0x97: {  	v60 =	vld [tilespmem:s0+$0x3980]  }
0x98: {  	v1 =	vadd.f32 v2, v1  }
0x99: {  	v2 =	vld [tilespmem:s0+$0x3C00]  }
0x9a: {  	v1 =	vadd.f32 v3, v1  }
0x9b: {  	v3 =	vld [tilespmem:s0+$0x3E80]  }
0x9c: {  	v1 =	vadd.f32 v60, v1  }
0x9d: {  	v61 =	vld [tilespmem:s0+$0x4100]  }
0x9e: {  	v1 =	vadd.f32 v2, v1  }
0x9f: {  	v2 =	vld [tilespmem:s0+$0x4380]  }
0xa0: {  	v1 =	vadd.f32 v3, v1  }
0xa1: {  	v3 =	vld [tilespmem:s0+$0x4600]  }
0xa2: {  	v1 =	vadd.f32 v61, v1  }
0xa3: {  	v62 =	vld [tilespmem:s0+$0x4880]  }
0xa4: {  	v1 =	vadd.f32 v2, v1  }
0xa5: {  	v2 =	vld [tilespmem:s0+$0x4B00]  }
0xa6: {  	v1 =	vadd.f32 v3, v1  }
0xa7: {  	v3 =	vld [tilespmem:s0+$0x4D80]  }
0xa8: {  	v1 =	vadd.f32 v62, v1  }
0xa9: {  	v63 =	vld [tilespmem:s0+$0x5000]  }
0xaa: {  	v1 =	vadd.f32 v2, v1;
	_ =	sdelay $0x1  }
0xab: {  	v1 =	vadd.f32 v3, v1;
	_ =	sdelay $0x1  }
0xac: {  	s31 =	sadd.s32 $0x1, s31;
	v1 =	vadd.f32 v63, v1  }
0xad: {  	p0 =	sne.s32 s31, s23  }
.Ltmp2:
0xae: {  	[tilespmem:s0+$0x2A80] =	vst v1;
	(pc) =	sbr.rel @p0 .LBB2_1-.Ltmp2, $4  }
0xaf: {  	[hbm4b:s22+s2] =	stream.linear.scatter [tilespmem:s24], [sflag:$0x2], $0x280, $0x38;
	[tilespmem:$0x7800] =	vst v63  }
0xb0: {  	_ =	swait.ge [sflag:s26], $0x280  }
0xb1: {  	[sflag:s26] =	ssyncset.done $0x0  }
0xb2: {  	[sflag:s26] =	ssyncadd.s32 $0xFFFFFD80  }
0xb3: {  	_ =	sfence.sel $0x180000  }
0xb4: {  	[bflag:$0x0] =	sbarrier.arrive $0xFFFF  }
0xb5: {  	_ =	strace $0x90000047  }
0xb6: {  	s0 =	stileid.u32;
	[bflag:$0x2] =	sbarrier.arrive $0xFFFF  }
0xb7: {  	p0 =	sne.s32 s0, $0x0;
	s0 =	rddreg [dreg:$0x3]  }
0xb8: {  	s0 =	sadd.s32 @!p0 $0x100000, s0  }
0xb9: {  	[sflag:s0] =	ssyncadd.tile.s32 @!p0 $0x1;
	_ =	shalt  }
.Lfunc_end2:
_tile_overlayer_lowered:
.L_overlay_start_2:
0xba: {  	(tag) =	ssettag $0x2  }
0xbb: {  	s0 =	rddreg [dreg:$0x0];
	s2 =	stileid.u32  }
0xbc: {  	s1 =	rddreg [dreg:$0x1];
	p0 =	sne.s32 s2, $0x0  }
0xbd: {  	s3 =	rddreg [dreg:$0x2];
	[bflag:$0x3] =	sbarrier.arrive $0xFFFF;
	s2 =	simm.s32 @!p0 $0x1C02  }
0xbe: {  	[timem:s3], [sflag:s2] =	dma.local @!p0 [hbm:s0], s1  }
0xbf: {  	s0 =	simm.s32 @!p0 $0x2  }
0xc0: {  	_ =	swait.ge @!p0 [sflag:s0], s1  }
0xc1: {  	s1 =	ssub.s32 @!p0 $0x0, s1;
	[sflag:s0] =	ssyncset.done @!p0 $0x0  }
0xc2: {  	[sflag:s0] =	ssyncadd.s32 @!p0 s1  }
0xc3: {  	[bflag:$0x3] =	sbarrier.arrive $0xFFFF  }
0xc4: {  	_ =	shalt  }

</sc_bundles>
